<compile_context>
chip_gen: v7x
topology: tpu7x:2x2x1
jax: 0.10.2.dev20260603
libtpu: 0.0.44.dev20260713+nightly
codegen_flags: <defaults>
</compile_context>

<pallas_src>
import functools

import jax
import jax.numpy as jnp
from jax import lax
from jax.experimental import pallas as pl
from jax.experimental.pallas import tpu as pltpu
from jax.experimental.pallas import tpu_sc as plsc

_LANES = 16

_I32_SIGN_INT = -2147483648
_I32_MAG_INT = 0x7FFFFFFF


@functools.lru_cache(maxsize=None)
def _make_sc_lookup(vocab_n: int, batch_n: int):
    info = plsc.get_sparse_core_info()
    num_cores, num_subcores = info.num_cores, info.num_subcores
    num_workers = num_cores * num_subcores
    chunk = batch_n // num_workers
    assert chunk % (8 * _LANES) == 0 and chunk * num_workers == batch_n
    assert vocab_n % _LANES == 0
    samp_n = vocab_n // _LANES
    steps1 = max(1, (samp_n - 1).bit_length())
    nblk = chunk // 128
    mesh = plsc.VectorSubcoreMesh(core_axis_name="c", subcore_axis_name="s")

    @functools.partial(
        pl.kernel,
        out_type=jax.ShapeDtypeStruct((batch_n,), jnp.int32),
        mesh=mesh,
        scratch_types=[
            pltpu.VMEM((samp_n,), jnp.int32),
            pltpu.VMEM((chunk,), jnp.int32),
            pltpu.VMEM((nblk, 128), jnp.int32),
            pltpu.VMEM((chunk, _LANES), jnp.int32),
            pltpu.VMEM((chunk,), jnp.int32),
            pltpu.SemaphoreType.DMA,
            pltpu.SemaphoreType.DMA,
        ],
        compiler_params=pltpu.CompilerParams(needs_layout_passes=False,
                                             use_tc_tiling_on_sc=False),
    )
    def lookup(samp_hbm, vocab2d_hbm, ids_hbm, out_hbm,
               samp_v, ids_v, rows_v, win_v, res_v, sem, sem2):
        wid = lax.axis_index("s") * num_cores + lax.axis_index("c")
        base = wid * chunk
        c_samp = pltpu.async_copy(samp_hbm, samp_v, sem2)
        c_ids = pltpu.async_copy(ids_hbm.at[pl.ds(base, chunk)], ids_v, sem2)
        c_samp.wait()
        c_ids.wait()

        @pl.loop(0, nblk)
        def _phase1(i):
            off0 = pl.multiple_of(i * 128, 128)
            ids = [ids_v[pl.ds(off0 + k * _LANES, _LANES)] for k in range(8)]
            lo = [jnp.full((_LANES,), -1, jnp.int32) for _ in range(8)]
            for s in range(steps1):
                step = 1 << (steps1 - 1 - s)
                t = [jnp.minimum(l + step, samp_n - 1) for l in lo]
                v = [plsc.load_gather(samp_v, [tk]) for tk in t]
                lo = [jnp.where(vk <= idk, tk, l)
                      for vk, idk, tk, l in zip(v, ids, t, lo)]
            for k, l in enumerate(lo):
                rows_v[i, pl.ds(k * _LANES, _LANES)] = jnp.maximum(l, 0)
            pltpu.async_copy(vocab2d_hbm.at[rows_v.at[i]],
                             win_v.at[pl.ds(i * 128, 128)], sem)

        for i in range(nblk):
            pltpu.make_async_copy(vocab2d_hbm.at[rows_v.at[i]],
                                  win_v.at[pl.ds(i * 128, 128)], sem).wait()

        @pl.loop(0, nblk)
        def _phase3(b):
            offs = [pl.multiple_of(b * 128 + j * _LANES, _LANES)
                    for j in range(8)]
            ids = [ids_v[pl.ds(off, _LANES)] for off in offs]
            r = [rows_v[b, pl.ds(j * _LANES, _LANES)] for j in range(8)]
            idrow = [lax.iota(jnp.int32, _LANES) + off for off in offs]
            lo = [jnp.full((_LANES,), -1, jnp.int32) for _ in range(8)]
            for step in (16, 8, 4, 2, 1):
                t = [jnp.minimum(l + step, _LANES - 1) for l in lo]
                v = [plsc.load_gather(win_v, [idrow[j], t[j]])
                     for j in range(8)]
                lo = [jnp.where(vj < idj, tj, l)
                      for vj, idj, tj, l in zip(v, ids, t, lo)]
            cnt = [l + 1 for l in lo]
            v_in = [plsc.load_gather(
                win_v, [idrow[j], jnp.minimum(cnt[j], _LANES - 1)])
                for j in range(8)]
            v_nxt = [plsc.load_gather(
                samp_v, [jnp.minimum(rj + 1, samp_n - 1)]) for rj in r]
            for j in range(8):
                pos = jnp.minimum(r[j] * _LANES + cnt[j], vocab_n - 1)
                spill = (cnt[j] == _LANES) & (r[j] < samp_n - 1)
                vv = jnp.where(spill, v_nxt[j], v_in[j])
                res_v[pl.ds(offs[j], _LANES)] = jnp.where(
                    vv == ids[j], pos + 1, 0)

        pltpu.sync_copy(res_v, out_hbm.at[pl.ds(base, chunk)])

    return lookup


def _key_from_bits(b):
    return jnp.where(b < 0, b ^ jnp.int32(_I32_MAG_INT), b)


def _tc_stats_body(nbins, k1, k3, price_ref, bnd_ref, mv_ref,
                   clip_ref, disc_ref, norm_ref):
    p = price_ref[...]
    key = _key_from_bits(lax.bitcast_convert_type(p, jnp.int32))
    mn_key = jnp.min(key)

    a1 = jnp.int32(0)
    a3 = jnp.int32(0)
    for bit in range(31, -1, -1):
        mval = 1 << bit
        if mval >= 2**31:
            mval -= 2**32
        m = jnp.int32(mval)
        t1 = a1 | m
        t3 = a3 | m
        ts1 = t1 ^ jnp.int32(_I32_SIGN_INT)
        ts3 = t3 ^ jnp.int32(_I32_SIGN_INT)
        c = jnp.sum((key < ts1).astype(jnp.int32)
                    + ((key < ts3).astype(jnp.int32) << 16))
        c1 = c & jnp.int32(0xFFFF)
        c3 = c >> 16
        a1 = jnp.where(c1 <= k1, t1, a1)
        a3 = jnp.where(c3 <= k3, t3, a3)

    def key_to_f32(s):
        return lax.bitcast_convert_type(_key_from_bits(s), jnp.float32)

    q1 = key_to_f32(a1 ^ jnp.int32(_I32_SIGN_INT))
    q3 = key_to_f32(a3 ^ jnp.int32(_I32_SIGN_INT))
    mn = key_to_f32(mn_key)
    iqr = q3 - q1
    lower = jnp.maximum(q1 - 3.0 * iqr, mn)
    upper = q3 + 3.0 * iqr
    cp = jnp.clip(p, lower, upper)
    clip_ref[...] = cp
    norm_ref[...] = (cp - mv_ref[0]) / jnp.sqrt(mv_ref[1])

    acc = jnp.zeros(p.shape, jnp.int32)
    for j in range(nbins - 1):
        acc += (bnd_ref[j] <= cp).astype(jnp.int32)
    disc_ref[...] = acc


@functools.lru_cache(maxsize=None)
def _make_tc_stats(rows: int, cols: int, nbins: int):
    n = rows * cols
    k1 = (25 * (n - 1)) // 100
    k3 = (75 * (n - 1)) // 100
    return pl.pallas_call(
        functools.partial(_tc_stats_body, nbins, k1, k3),
        out_shape=(
            jax.ShapeDtypeStruct((rows, cols), jnp.float32),
            jax.ShapeDtypeStruct((rows, cols), jnp.int32),
            jax.ShapeDtypeStruct((rows, cols), jnp.float32),
        ),
        in_specs=[
            pl.BlockSpec(memory_space=pltpu.VMEM),
            pl.BlockSpec(memory_space=pltpu.SMEM),
            pl.BlockSpec(memory_space=pltpu.SMEM),
        ],
    )


def kernel(item_id, price, vocab, norm_mean, norm_var, bin_boundaries):
    batch_n = price.shape[0]
    vocab_n = vocab.shape[0]
    nbins = bin_boundaries.shape[0] + 1

    vocab2d = vocab.reshape(vocab_n // _LANES, _LANES)
    samp = vocab[::_LANES]
    int_item_id = _make_sc_lookup(vocab_n, batch_n)(samp, vocab2d, item_id)

    rows = batch_n // 128
    p2 = price.reshape(rows, 128)
    mv = jnp.stack([jnp.asarray(norm_mean, jnp.float32),
                    jnp.asarray(norm_var, jnp.float32)])
    clip2, disc2, norm2 = _make_tc_stats(rows, 128, nbins)(
        p2, bin_boundaries, mv)

    return (int_item_id,
            disc2.reshape(batch_n),
            norm2.reshape(batch_n),
            clip2.reshape(batch_n))

# --- scband reference (transcript-rebuilt; emitter-appended) ---
"""Pipeline reference for scband-preprocessing-86870008528962 (READ-ONLY COPY).

The authoritative reference and input builder live on the scoring server;
editing this copy changes nothing except your own understanding.
"""

import jax, jax.numpy as jnp
import numpy as np

B = 16384
VOCAB_SPACE = 1000000
VOCAB_SIZE = 100000
NUM_BINS = 100

def setup_inputs(seed: int = 0) -> dict:
    key = jax.random.key(seed)
    k1, k2 = jax.random.split(key)
    item_id = jax.random.randint(k1, (B,), 0, VOCAB_SPACE, dtype=jnp.int32)
    price = jax.random.normal(k2, (B,), dtype=jnp.float32) * 10.0 + 50.0
    # adapted IntegerLookup vocabulary (sorted unique ids); OOV index = 0, known ids map to pos+1
    vocab = jnp.arange(0, VOCAB_SPACE, VOCAB_SPACE // VOCAB_SIZE, dtype=jnp.int32)
    # adapted Normalization moments over clipped feature
    norm_mean = jnp.array(50.0, dtype=jnp.float32)
    norm_var = jnp.array(100.0, dtype=jnp.float32)
    # adapted Discretization bin boundaries (num_bins=100 -> 99 boundaries)
    bin_boundaries = jnp.linspace(20.0, 80.0, NUM_BINS - 1, dtype=jnp.float32)
    return {"item_id": item_id, "price": price, "vocab": vocab,
            "norm_mean": norm_mean, "norm_var": norm_var,
            "bin_boundaries": bin_boundaries}

def _percentile_lower(sorted_x, q):
    n = sorted_x.shape[0]
    idx = (int(q) * (n - 1)) // 100  # 'lower' interpolation
    return sorted_x[idx]

def reference(item_id, price, vocab, norm_mean, norm_var, bin_boundaries):
    # ---- clip_cont_features: IQR-based outlier clipping ----
    s = jnp.sort(price)
    q1 = _percentile_lower(s, 25)
    q3 = _percentile_lower(s, 75)
    iqr = q3 - q1
    lower = jnp.maximum(q1 - 3.0 * iqr, s[0])
    upper = q3 + 3.0 * iqr
    clip_price = jnp.clip(price, lower, upper)
    # ---- int-item_id: IntegerLookup (vocab sorted; OOV -> 0, known -> pos+1) ----
    pos = jnp.searchsorted(vocab, item_id)
    pos_c = jnp.clip(pos, 0, vocab.shape[0] - 1)
    match = vocab[pos_c] == item_id
    int_item_id = jnp.where(match, pos_c + 1, 0).astype(jnp.int32)
    # ---- disc-price: Discretization into NUM_BINS buckets ----
    disc_price = jnp.searchsorted(bin_boundaries, clip_price, side='right').astype(jnp.int32)
    # ---- norm-price: Normalization (x - mean) / sqrt(var) ----
    norm_price = (clip_price - norm_mean) / jnp.sqrt(norm_var)
    return (int_item_id, disc_price, norm_price, clip_price)

if __name__ == "__main__":
    import jax
    _d = setup_inputs()
    print(jax.jit(kernel)(*tuple(_d.values())))

</pallas_src>

<mosaic_0001>
#map = affine_map<(d0, d1) -> (0)>
#map1 = affine_map<(d0, d1) -> (0, 0)>
module attributes {stable_mosaic.version = 14 : i64} {
  func.func @lookup(%arg0: i32, %arg1: i32, %arg2: memref<6250xi32, #tpu.memory_space<hbm>>, %arg3: memref<6250x16xi32, #tpu.memory_space<hbm>>, %arg4: memref<16384xi32, #tpu.memory_space<hbm>>, %arg5: memref<16384xi32, #tpu.memory_space<hbm>>, %arg6: memref<6250xi32, #tpu.memory_space<vmem>>, %arg7: memref<512xi32, #tpu.memory_space<vmem>>, %arg8: memref<4x128xi32, #tpu.memory_space<vmem>>, %arg9: memref<512x16xi32, #tpu.memory_space<vmem>>, %arg10: memref<512xi32, #tpu.memory_space<vmem>>, %arg11: memref<!tpu.dma_semaphore, #tpu.memory_space<semaphore_mem>>, %arg12: memref<!tpu.dma_semaphore, #tpu.memory_space<semaphore_mem>>) attributes {dimension_semantics = [#tpu.dimension_semantics<core_parallel>, #tpu.dimension_semantics<subcore_parallel>], iteration_bounds = array<i64: 2, 16>, scalar_prefetch = 0 : i64, scratch_operands = 7 : i64, tpu.core_type = #tpu.core_type<sc_vector_subcore>, window_params = [{transform_indices = #map}, {transform_indices = #map1}, {transform_indices = #map}, {transform_indices = #map}]} {
    %mul3A = arith.constant 2 : i32
    %mul3A_0 = arith.muli %arg1, %mul3A : i32
    %add3A = arith.addi %mul3A_0, %arg0 : i32
    %mul3A_1 = arith.constant 512 : i32
    %mul3A_2 = arith.muli %add3A, %mul3A_1 : i32
    tpu.enqueue_dma source(%arg2 : memref<6250xi32, #tpu.memory_space<hbm>>) target(%arg6 : memref<6250xi32, #tpu.memory_space<vmem>>) target_semaphore(%arg12 : memref<!tpu.dma_semaphore, #tpu.memory_space<semaphore_mem>>)
    %dma_start3A = tpu.memref_slice %arg4[%mul3A_2] : memref<16384xi32, #tpu.memory_space<hbm>> -> memref<512xi32, #tpu.memory_space<hbm>>
    %dma_start3A_3 = tpu.memref_slice %arg4[%mul3A_2] : memref<16384xi32, #tpu.memory_space<hbm>> -> memref<512xi32, #tpu.memory_space<hbm>>
    tpu.enqueue_dma source(%dma_start3A_3 : memref<512xi32, #tpu.memory_space<hbm>>) target(%arg7 : memref<512xi32, #tpu.memory_space<vmem>>) target_semaphore(%arg12 : memref<!tpu.dma_semaphore, #tpu.memory_space<semaphore_mem>>)
    tpu.wait_dma2 semaphore(%arg12 : memref<!tpu.dma_semaphore, #tpu.memory_space<semaphore_mem>>) src(%arg2 : memref<6250xi32, #tpu.memory_space<hbm>>) dst(%arg6 : memref<6250xi32, #tpu.memory_space<vmem>>)
    %dma_wait3A = tpu.memref_slice %arg4[%mul3A_2] : memref<16384xi32, #tpu.memory_space<hbm>> -> memref<512xi32, #tpu.memory_space<hbm>>
    %dma_wait3A_4 = tpu.memref_slice %arg4[%mul3A_2] : memref<16384xi32, #tpu.memory_space<hbm>> -> memref<512xi32, #tpu.memory_space<hbm>>
    tpu.wait_dma2 semaphore(%arg12 : memref<!tpu.dma_semaphore, #tpu.memory_space<semaphore_mem>>) src(%dma_wait3A_4 : memref<512xi32, #tpu.memory_space<hbm>>) dst(%arg7 : memref<512xi32, #tpu.memory_space<vmem>>)
    %scan3A = arith.constant 0 : i32
    %scan3A_5 = arith.constant 4 : i32
    %scan3A_6 = arith.addi %scan3A, %scan3A_5 : i32
    %scan3A_7 = arith.constant 1 : i32
    scf.for %scan3A_54 = %scan3A to %scan3A_6 step %scan3A_7  : i32 {
      %mul3A_55 = arith.constant 1 : i32
      %mul3A_56 = arith.muli %scan3A_54, %mul3A_55 : i32
      %add3A_57 = arith.constant 0 : i32
      %add3A_58 = arith.addi %add3A_57, %mul3A_56 : i32
      %mul3A_59 = arith.constant 128 : i32
      %mul3A_60 = arith.muli %add3A_58, %mul3A_59 : i32
      %multiple_of3A = tpu.assume_multiple %mul3A_60, 128 : i32
      %add3A_61 = arith.constant 0 : i32
      %add3A_62 = arith.addi %multiple_of3A, %add3A_61 : i32
      %get3A = arith.index_cast %add3A_62 : i32 to index
      %get3A_63 = tpu.vector_load %arg7[%get3A] {strides = array<i32>} : memref<512xi32, #tpu.memory_space<vmem>>, vector<16xi32>,
      %add3A_64 = arith.constant 16 : i32
      %add3A_65 = arith.addi %multiple_of3A, %add3A_64 : i32
      %get3A_66 = arith.index_cast %add3A_65 : i32 to index
      %get3A_67 = tpu.vector_load %arg7[%get3A_66] {strides = array<i32>} : memref<512xi32, #tpu.memory_space<vmem>>, vector<16xi32>,
      %add3A_68 = arith.constant 32 : i32
      %add3A_69 = arith.addi %multiple_of3A, %add3A_68 : i32
      %get3A_70 = arith.index_cast %add3A_69 : i32 to index
      %get3A_71 = tpu.vector_load %arg7[%get3A_70] {strides = array<i32>} : memref<512xi32, #tpu.memory_space<vmem>>, vector<16xi32>,
      %add3A_72 = arith.constant 48 : i32
      %add3A_73 = arith.addi %multiple_of3A, %add3A_72 : i32
      %get3A_74 = arith.index_cast %add3A_73 : i32 to index
      %get3A_75 = tpu.vector_load %arg7[%get3A_74] {strides = array<i32>} : memref<512xi32, #tpu.memory_space<vmem>>, vector<16xi32>,
      %add3A_76 = arith.constant 64 : i32
      %add3A_77 = arith.addi %multiple_of3A, %add3A_76 : i32
      %get3A_78 = arith.index_cast %add3A_77 : i32 to index
      %get3A_79 = tpu.vector_load %arg7[%get3A_78] {strides = array<i32>} : memref<512xi32, #tpu.memory_space<vmem>>, vector<16xi32>,
      %add3A_80 = arith.constant 80 : i32
      %add3A_81 = arith.addi %multiple_of3A, %add3A_80 : i32
      %get3A_82 = arith.index_cast %add3A_81 : i32 to index
      %get3A_83 = tpu.vector_load %arg7[%get3A_82] {strides = array<i32>} : memref<512xi32, #tpu.memory_space<vmem>>, vector<16xi32>,
      %add3A_84 = arith.constant 96 : i32
      %add3A_85 = arith.addi %multiple_of3A, %add3A_84 : i32
      %get3A_86 = arith.index_cast %add3A_85 : i32 to index
      %get3A_87 = tpu.vector_load %arg7[%get3A_86] {strides = array<i32>} : memref<512xi32, #tpu.memory_space<vmem>>, vector<16xi32>,
      %add3A_88 = arith.constant 112 : i32
      %add3A_89 = arith.addi %multiple_of3A, %add3A_88 : i32
      %get3A_90 = arith.index_cast %add3A_89 : i32 to index
      %get3A_91 = tpu.vector_load %arg7[%get3A_90] {strides = array<i32>} : memref<512xi32, #tpu.memory_space<vmem>>, vector<16xi32>,
      %broadcast_in_dim3A = arith.constant -1 : i32
      %broadcast_in_dim3A_92 = vector.broadcast %broadcast_in_dim3A : i32 to vector<16xi32>
      %broadcast_in_dim3A_93 = arith.constant -1 : i32
      %broadcast_in_dim3A_94 = vector.broadcast %broadcast_in_dim3A_93 : i32 to vector<16xi32>
      %broadcast_in_dim3A_95 = arith.constant -1 : i32
      %broadcast_in_dim3A_96 = vector.broadcast %broadcast_in_dim3A_95 : i32 to vector<16xi32>
      %broadcast_in_dim3A_97 = arith.constant -1 : i32
      %broadcast_in_dim3A_98 = vector.broadcast %broadcast_in_dim3A_97 : i32 to vector<16xi32>
      %broadcast_in_dim3A_99 = arith.constant -1 : i32
      %broadcast_in_dim3A_100 = vector.broadcast %broadcast_in_dim3A_99 : i32 to vector<16xi32>
      %broadcast_in_dim3A_101 = arith.constant -1 : i32
      %broadcast_in_dim3A_102 = vector.broadcast %broadcast_in_dim3A_101 : i32 to vector<16xi32>
      %broadcast_in_dim3A_103 = arith.constant -1 : i32
      %broadcast_in_dim3A_104 = vector.broadcast %broadcast_in_dim3A_103 : i32 to vector<16xi32>
      %broadcast_in_dim3A_105 = arith.constant -1 : i32
      %broadcast_in_dim3A_106 = vector.broadcast %broadcast_in_dim3A_105 : i32 to vector<16xi32>
      %add3A_107 = arith.constant 4096 : i32
      %add3A_108 = vector.broadcast %add3A_107 : i32 to vector<16xi32>
      %add3A_109 = arith.addi %broadcast_in_dim3A_92, %add3A_108 : vector<16xi32>
      %min3A = arith.constant 6249 : i32
      %min3A_110 = vector.broadcast %min3A : i32 to vector<16xi32>
      %min3A_111 = arith.minsi %add3A_109, %min3A_110 : vector<16xi32>
      %add3A_112 = arith.constant 4096 : i32
      %add3A_113 = vector.broadcast %add3A_112 : i32 to vector<16xi32>
      %add3A_114 = arith.addi %broadcast_in_dim3A_94, %add3A_113 : vector<16xi32>
      %min3A_115 = arith.constant 6249 : i32
      %min3A_116 = vector.broadcast %min3A_115 : i32 to vector<16xi32>
      %min3A_117 = arith.minsi %add3A_114, %min3A_116 : vector<16xi32>
      %add3A_118 = arith.constant 4096 : i32
      %add3A_119 = vector.broadcast %add3A_118 : i32 to vector<16xi32>
      %add3A_120 = arith.addi %broadcast_in_dim3A_96, %add3A_119 : vector<16xi32>
      %min3A_121 = arith.constant 6249 : i32
      %min3A_122 = vector.broadcast %min3A_121 : i32 to vector<16xi32>
      %min3A_123 = arith.minsi %add3A_120, %min3A_122 : vector<16xi32>
      %add3A_124 = arith.constant 4096 : i32
      %add3A_125 = vector.broadcast %add3A_124 : i32 to vector<16xi32>
      %add3A_126 = arith.addi %broadcast_in_dim3A_98, %add3A_125 : vector<16xi32>
      %min3A_127 = arith.constant 6249 : i32
      %min3A_128 = vector.broadcast %min3A_127 : i32 to vector<16xi32>
      %min3A_129 = arith.minsi %add3A_126, %min3A_128 : vector<16xi32>
      %add3A_130 = arith.constant 4096 : i32
      %add3A_131 = vector.broadcast %add3A_130 : i32 to vector<16xi32>
      %add3A_132 = arith.addi %broadcast_in_dim3A_100, %add3A_131 : vector<16xi32>
      %min3A_133 = arith.constant 6249 : i32
      %min3A_134 = vector.broadcast %min3A_133 : i32 to vector<16xi32>
      %min3A_135 = arith.minsi %add3A_132, %min3A_134 : vector<16xi32>
      %add3A_136 = arith.constant 4096 : i32
      %add3A_137 = vector.broadcast %add3A_136 : i32 to vector<16xi32>
      %add3A_138 = arith.addi %broadcast_in_dim3A_102, %add3A_137 : vector<16xi32>
      %min3A_139 = arith.constant 6249 : i32
      %min3A_140 = vector.broadcast %min3A_139 : i32 to vector<16xi32>
      %min3A_141 = arith.minsi %add3A_138, %min3A_140 : vector<16xi32>
      %add3A_142 = arith.constant 4096 : i32
      %add3A_143 = vector.broadcast %add3A_142 : i32 to vector<16xi32>
      %add3A_144 = arith.addi %broadcast_in_dim3A_104, %add3A_143 : vector<16xi32>
      %min3A_145 = arith.constant 6249 : i32
      %min3A_146 = vector.broadcast %min3A_145 : i32 to vector<16xi32>
      %min3A_147 = arith.minsi %add3A_144, %min3A_146 : vector<16xi32>
      %add3A_148 = arith.constant 4096 : i32
      %add3A_149 = vector.broadcast %add3A_148 : i32 to vector<16xi32>
      %add3A_150 = arith.addi %broadcast_in_dim3A_106, %add3A_149 : vector<16xi32>
      %min3A_151 = arith.constant 6249 : i32
      %min3A_152 = vector.broadcast %min3A_151 : i32 to vector<16xi32>
      %min3A_153 = arith.minsi %add3A_150, %min3A_152 : vector<16xi32>
      %gather3A = tpu.vector_load_idx %arg6[%min3A_111] : memref<6250xi32, #tpu.memory_space<vmem>>[vector<16xi32>], vector<16xi32>,
      %gather3A_154 = tpu.vector_load_idx %arg6[%min3A_117] : memref<6250xi32, #tpu.memory_space<vmem>>[vector<16xi32>], vector<16xi32>,
      %gather3A_155 = tpu.vector_load_idx %arg6[%min3A_123] : memref<6250xi32, #tpu.memory_space<vmem>>[vector<16xi32>], vector<16xi32>,
      %gather3A_156 = tpu.vector_load_idx %arg6[%min3A_129] : memref<6250xi32, #tpu.memory_space<vmem>>[vector<16xi32>], vector<16xi32>,
      %gather3A_157 = tpu.vector_load_idx %arg6[%min3A_135] : memref<6250xi32, #tpu.memory_space<vmem>>[vector<16xi32>], vector<16xi32>,
      %gather3A_158 = tpu.vector_load_idx %arg6[%min3A_141] : memref<6250xi32, #tpu.memory_space<vmem>>[vector<16xi32>], vector<16xi32>,
      %gather3A_159 = tpu.vector_load_idx %arg6[%min3A_147] : memref<6250xi32, #tpu.memory_space<vmem>>[vector<16xi32>], vector<16xi32>,
      %gather3A_160 = tpu.vector_load_idx %arg6[%min3A_153] : memref<6250xi32, #tpu.memory_space<vmem>>[vector<16xi32>], vector<16xi32>,
      %le3A = arith.cmpi sle, %gather3A, %get3A_63 : vector<16xi32>
      %select_n3A = arith.select %le3A, %min3A_111, %broadcast_in_dim3A_92 : vector<16xi1>, vector<16xi32>
      %le3A_161 = arith.cmpi sle, %gather3A_154, %get3A_67 : vector<16xi32>
      %select_n3A_162 = arith.select %le3A_161, %min3A_117, %broadcast_in_dim3A_94 : vector<16xi1>, vector<16xi32>
      %le3A_163 = arith.cmpi sle, %gather3A_155, %get3A_71 : vector<16xi32>
      %select_n3A_164 = arith.select %le3A_163, %min3A_123, %broadcast_in_dim3A_96 : vector<16xi1>, vector<16xi32>
      %le3A_165 = arith.cmpi sle, %gather3A_156, %get3A_75 : vector<16xi32>
      %select_n3A_166 = arith.select %le3A_165, %min3A_129, %broadcast_in_dim3A_98 : vector<16xi1>, vector<16xi32>
      %le3A_167 = arith.cmpi sle, %gather3A_157, %get3A_79 : vector<16xi32>
      %select_n3A_168 = arith.select %le3A_167, %min3A_135, %broadcast_in_dim3A_100 : vector<16xi1>, vector<16xi32>
      %le3A_169 = arith.cmpi sle, %gather3A_158, %get3A_83 : vector<16xi32>
      %select_n3A_170 = arith.select %le3A_169, %min3A_141, %broadcast_in_dim3A_102 : vector<16xi1>, vector<16xi32>
      %le3A_171 = arith.cmpi sle, %gather3A_159, %get3A_87 : vector<16xi32>
      %select_n3A_172 = arith.select %le3A_171, %min3A_147, %broadcast_in_dim3A_104 : vector<16xi1>, vector<16xi32>
      %le3A_173 = arith.cmpi sle, %gather3A_160, %get3A_91 : vector<16xi32>
      %select_n3A_174 = arith.select %le3A_173, %min3A_153, %broadcast_in_dim3A_106 : vector<16xi1>, vector<16xi32>
      %add3A_175 = arith.constant 2048 : i32
      %add3A_176 = vector.broadcast %add3A_175 : i32 to vector<16xi32>
      %add3A_177 = arith.addi %select_n3A, %add3A_176 : vector<16xi32>
      %min3A_178 = arith.constant 6249 : i32
      %min3A_179 = vector.broadcast %min3A_178 : i32 to vector<16xi32>
      %min3A_180 = arith.minsi %add3A_177, %min3A_179 : vector<16xi32>
      %add3A_181 = arith.constant 2048 : i32
      %add3A_182 = vector.broadcast %add3A_181 : i32 to vector<16xi32>
      %add3A_183 = arith.addi %select_n3A_162, %add3A_182 : vector<16xi32>
      %min3A_184 = arith.constant 6249 : i32
      %min3A_185 = vector.broadcast %min3A_184 : i32 to vector<16xi32>
      %min3A_186 = arith.minsi %add3A_183, %min3A_185 : vector<16xi32>
      %add3A_187 = arith.constant 2048 : i32
      %add3A_188 = vector.broadcast %add3A_187 : i32 to vector<16xi32>
      %add3A_189 = arith.addi %select_n3A_164, %add3A_188 : vector<16xi32>
      %min3A_190 = arith.constant 6249 : i32
      %min3A_191 = vector.broadcast %min3A_190 : i32 to vector<16xi32>
      %min3A_192 = arith.minsi %add3A_189, %min3A_191 : vector<16xi32>
      %add3A_193 = arith.constant 2048 : i32
      %add3A_194 = vector.broadcast %add3A_193 : i32 to vector<16xi32>
      %add3A_195 = arith.addi %select_n3A_166, %add3A_194 : vector<16xi32>
      %min3A_196 = arith.constant 6249 : i32
      %min3A_197 = vector.broadcast %min3A_196 : i32 to vector<16xi32>
      %min3A_198 = arith.minsi %add3A_195, %min3A_197 : vector<16xi32>
      %add3A_199 = arith.constant 2048 : i32
      %add3A_200 = vector.broadcast %add3A_199 : i32 to vector<16xi32>
      %add3A_201 = arith.addi %select_n3A_168, %add3A_200 : vector<16xi32>
      %min3A_202 = arith.constant 6249 : i32
      %min3A_203 = vector.broadcast %min3A_202 : i32 to vector<16xi32>
      %min3A_204 = arith.minsi %add3A_201, %min3A_203 : vector<16xi32>
      %add3A_205 = arith.constant 2048 : i32
      %add3A_206 = vector.broadcast %add3A_205 : i32 to vector<16xi32>
      %add3A_207 = arith.addi %select_n3A_170, %add3A_206 : vector<16xi32>
      %min3A_208 = arith.constant 6249 : i32
      %min3A_209 = vector.broadcast %min3A_208 : i32 to vector<16xi32>
      %min3A_210 = arith.minsi %add3A_207, %min3A_209 : vector<16xi32>
      %add3A_211 = arith.constant 2048 : i32
      %add3A_212 = vector.broadcast %add3A_211 : i32 to vector<16xi32>
      %add3A_213 = arith.addi %select_n3A_172, %add3A_212 : vector<16xi32>
      %min3A_214 = arith.constant 6249 : i32
      %min3A_215 = vector.broadcast %min3A_214 : i32 to vector<16xi32>
      %min3A_216 = arith.minsi %add3A_213, %min3A_215 : vector<16xi32>
      %add3A_217 = arith.constant 2048 : i32
      %add3A_218 = vector.broadcast %add3A_217 : i32 to vector<16xi32>
      %add3A_219 = arith.addi %select_n3A_174, %add3A_218 : vector<16xi32>
      %min3A_220 = arith.constant 6249 : i32
      %min3A_221 = vector.broadcast %min3A_220 : i32 to vector<16xi32>
      %min3A_222 = arith.minsi %add3A_219, %min3A_221 : vector<16xi32>
      %gather3A_223 = tpu.vector_load_idx %arg6[%min3A_180] : memref<6250xi32, #tpu.memory_space<vmem>>[vector<16xi32>], vector<16xi32>,
      %gather3A_224 = tpu.vector_load_idx %arg6[%min3A_186] : memref<6250xi32, #tpu.memory_space<vmem>>[vector<16xi32>], vector<16xi32>,
      %gather3A_225 = tpu.vector_load_idx %arg6[%min3A_192] : memref<6250xi32, #tpu.memory_space<vmem>>[vector<16xi32>], vector<16xi32>,
      %gather3A_226 = tpu.vector_load_idx %arg6[%min3A_198] : memref<6250xi32, #tpu.memory_space<vmem>>[vector<16xi32>], vector<16xi32>,
      %gather3A_227 = tpu.vector_load_idx %arg6[%min3A_204] : memref<6250xi32, #tpu.memory_space<vmem>>[vector<16xi32>], vector<16xi32>,
      %gather3A_228 = tpu.vector_load_idx %arg6[%min3A_210] : memref<6250xi32, #tpu.memory_space<vmem>>[vector<16xi32>], vector<16xi32>,
      %gather3A_229 = tpu.vector_load_idx %arg6[%min3A_216] : memref<6250xi32, #tpu.memory_space<vmem>>[vector<16xi32>], vector<16xi32>,
      %gather3A_230 = tpu.vector_load_idx %arg6[%min3A_222] : memref<6250xi32, #tpu.memory_space<vmem>>[vector<16xi32>], vector<16xi32>,
      %le3A_231 = arith.cmpi sle, %gather3A_223, %get3A_63 : vector<16xi32>
      %select_n3A_232 = arith.select %le3A_231, %min3A_180, %select_n3A : vector<16xi1>, vector<16xi32>
      %le3A_233 = arith.cmpi sle, %gather3A_224, %get3A_67 : vector<16xi32>
      %select_n3A_234 = arith.select %le3A_233, %min3A_186, %select_n3A_162 : vector<16xi1>, vector<16xi32>
      %le3A_235 = arith.cmpi sle, %gather3A_225, %get3A_71 : vector<16xi32>
      %select_n3A_236 = arith.select %le3A_235, %min3A_192, %select_n3A_164 : vector<16xi1>, vector<16xi32>
      %le3A_237 = arith.cmpi sle, %gather3A_226, %get3A_75 : vector<16xi32>
      %select_n3A_238 = arith.select %le3A_237, %min3A_198, %select_n3A_166 : vector<16xi1>, vector<16xi32>
      %le3A_239 = arith.cmpi sle, %gather3A_227, %get3A_79 : vector<16xi32>
      %select_n3A_240 = arith.select %le3A_239, %min3A_204, %select_n3A_168 : vector<16xi1>, vector<16xi32>
      %le3A_241 = arith.cmpi sle, %gather3A_228, %get3A_83 : vector<16xi32>
      %select_n3A_242 = arith.select %le3A_241, %min3A_210, %select_n3A_170 : vector<16xi1>, vector<16xi32>
      %le3A_243 = arith.cmpi sle, %gather3A_229, %get3A_87 : vector<16xi32>
      %select_n3A_244 = arith.select %le3A_243, %min3A_216, %select_n3A_172 : vector<16xi1>, vector<16xi32>
      %le3A_245 = arith.cmpi sle, %gather3A_230, %get3A_91 : vector<16xi32>
      %select_n3A_246 = arith.select %le3A_245, %min3A_222, %select_n3A_174 : vector<16xi1>, vector<16xi32>
      %add3A_247 = arith.constant 1024 : i32
      %add3A_248 = vector.broadcast %add3A_247 : i32 to vector<16xi32>
      %add3A_249 = arith.addi %select_n3A_232, %add3A_248 : vector<16xi32>
      %min3A_250 = arith.constant 6249 : i32
      %min3A_251 = vector.broadcast %min3A_250 : i32 to vector<16xi32>
      %min3A_252 = arith.minsi %add3A_249, %min3A_251 : vector<16xi32>
      %add3A_253 = arith.constant 1024 : i32
      %add3A_254 = vector.broadcast %add3A_253 : i32 to vector<16xi32>
      %add3A_255 = arith.addi %select_n3A_234, %add3A_254 : vector<16xi32>
      %min3A_256 = arith.constant 6249 : i32
      %min3A_257 = vector.broadcast %min3A_256 : i32 to vector<16xi32>
      %min3A_258 = arith.minsi %add3A_255, %min3A_257 : vector<16xi32>
      %add3A_259 = arith.constant 1024 : i32
      %add3A_260 = vector.broadcast %add3A_259 : i32 to vector<16xi32>
      %add3A_261 = arith.addi %select_n3A_236, %add3A_260 : vector<16xi32>
      %min3A_262 = arith.constant 6249 : i32
      %min3A_263 = vector.broadcast %min3A_262 : i32 to vector<16xi32>
      %min3A_264 = arith.minsi %add3A_261, %min3A_263 : vector<16xi32>
      %add3A_265 = arith.constant 1024 : i32
      %add3A_266 = vector.broadcast %add3A_265 : i32 to vector<16xi32>
      %add3A_267 = arith.addi %select_n3A_238, %add3A_266 : vector<16xi32>
      %min3A_268 = arith.constant 6249 : i32
      %min3A_269 = vector.broadcast %min3A_268 : i32 to vector<16xi32>
      %min3A_270 = arith.minsi %add3A_267, %min3A_269 : vector<16xi32>
      %add3A_271 = arith.constant 1024 : i32
      %add3A_272 = vector.broadcast %add3A_271 : i32 to vector<16xi32>
      %add3A_273 = arith.addi %select_n3A_240, %add3A_272 : vector<16xi32>
      %min3A_274 = arith.constant 6249 : i32
      %min3A_275 = vector.broadcast %min3A_274 : i32 to vector<16xi32>
      %min3A_276 = arith.minsi %add3A_273, %min3A_275 : vector<16xi32>
      %add3A_277 = arith.constant 1024 : i32
      %add3A_278 = vector.broadcast %add3A_277 : i32 to vector<16xi32>
      %add3A_279 = arith.addi %select_n3A_242, %add3A_278 : vector<16xi32>
      %min3A_280 = arith.constant 6249 : i32
      %min3A_281 = vector.broadcast %min3A_280 : i32 to vector<16xi32>
      %min3A_282 = arith.minsi %add3A_279, %min3A_281 : vector<16xi32>
      %add3A_283 = arith.constant 1024 : i32
      %add3A_284 = vector.broadcast %add3A_283 : i32 to vector<16xi32>
      %add3A_285 = arith.addi %select_n3A_244, %add3A_284 : vector<16xi32>
      %min3A_286 = arith.constant 6249 : i32
      %min3A_287 = vector.broadcast %min3A_286 : i32 to vector<16xi32>
      %min3A_288 = arith.minsi %add3A_285, %min3A_287 : vector<16xi32>
      %add3A_289 = arith.constant 1024 : i32
      %add3A_290 = vector.broadcast %add3A_289 : i32 to vector<16xi32>
      %add3A_291 = arith.addi %select_n3A_246, %add3A_290 : vector<16xi32>
      %min3A_292 = arith.constant 6249 : i32
      %min3A_293 = vector.broadcast %min3A_292 : i32 to vector<16xi32>
      %min3A_294 = arith.minsi %add3A_291, %min3A_293 : vector<16xi32>
      %gather3A_295 = tpu.vector_load_idx %arg6[%min3A_252] : memref<6250xi32, #tpu.memory_space<vmem>>[vector<16xi32>], vector<16xi32>,
      %gather3A_296 = tpu.vector_load_idx %arg6[%min3A_258] : memref<6250xi32, #tpu.memory_space<vmem>>[vector<16xi32>], vector<16xi32>,
      %gather3A_297 = tpu.vector_load_idx %arg6[%min3A_264] : memref<6250xi32, #tpu.memory_space<vmem>>[vector<16xi32>], vector<16xi32>,
      %gather3A_298 = tpu.vector_load_idx %arg6[%min3A_270] : memref<6250xi32, #tpu.memory_space<vmem>>[vector<16xi32>], vector<16xi32>,
      %gather3A_299 = tpu.vector_load_idx %arg6[%min3A_276] : memref<6250xi32, #tpu.memory_space<vmem>>[vector<16xi32>], vector<16xi32>,
      %gather3A_300 = tpu.vector_load_idx %arg6[%min3A_282] : memref<6250xi32, #tpu.memory_space<vmem>>[vector<16xi32>], vector<16xi32>,
      %gather3A_301 = tpu.vector_load_idx %arg6[%min3A_288] : memref<6250xi32, #tpu.memory_space<vmem>>[vector<16xi32>], vector<16xi32>,
      %gather3A_302 = tpu.vector_load_idx %arg6[%min3A_294] : memref<6250xi32, #tpu.memory_space<vmem>>[vector<16xi32>], vector<16xi32>,
      %le3A_303 = arith.cmpi sle, %gather3A_295, %get3A_63 : vector<16xi32>
      %select_n3A_304 = arith.select %le3A_303, %min3A_252, %select_n3A_232 : vector<16xi1>, vector<16xi32>
      %le3A_305 = arith.cmpi sle, %gather3A_296, %get3A_67 : vector<16xi32>
      %select_n3A_306 = arith.select %le3A_305, %min3A_258, %select_n3A_234 : vector<16xi1>, vector<16xi32>
      %le3A_307 = arith.cmpi sle, %gather3A_297, %get3A_71 : vector<16xi32>
      %select_n3A_308 = arith.select %le3A_307, %min3A_264, %select_n3A_236 : vector<16xi1>, vector<16xi32>
      %le3A_309 = arith.cmpi sle, %gather3A_298, %get3A_75 : vector<16xi32>
      %select_n3A_310 = arith.select %le3A_309, %min3A_270, %select_n3A_238 : vector<16xi1>, vector<16xi32>
      %le3A_311 = arith.cmpi sle, %gather3A_299, %get3A_79 : vector<16xi32>
      %select_n3A_312 = arith.select %le3A_311, %min3A_276, %select_n3A_240 : vector<16xi1>, vector<16xi32>
      %le3A_313 = arith.cmpi sle, %gather3A_300, %get3A_83 : vector<16xi32>
      %select_n3A_314 = arith.select %le3A_313, %min3A_282, %select_n3A_242 : vector<16xi1>, vector<16xi32>
      %le3A_315 = arith.cmpi sle, %gather3A_301, %get3A_87 : vector<16xi32>
      %select_n3A_316 = arith.select %le3A_315, %min3A_288, %select_n3A_244 : vector<16xi1>, vector<16xi32>
      %le3A_317 = arith.cmpi sle, %gather3A_302, %get3A_91 : vector<16xi32>
      %select_n3A_318 = arith.select %le3A_317, %min3A_294, %select_n3A_246 : vector<16xi1>, vector<16xi32>
      %add3A_319 = arith.constant 512 : i32
      %add3A_320 = vector.broadcast %add3A_319 : i32 to vector<16xi32>
      %add3A_321 = arith.addi %select_n3A_304, %add3A_320 : vector<16xi32>
      %min3A_322 = arith.constant 6249 : i32
      %min3A_323 = vector.broadcast %min3A_322 : i32 to vector<16xi32>
      %min3A_324 = arith.minsi %add3A_321, %min3A_323 : vector<16xi32>
      %add3A_325 = arith.constant 512 : i32
      %add3A_326 = vector.broadcast %add3A_325 : i32 to vector<16xi32>
      %add3A_327 = arith.addi %select_n3A_306, %add3A_326 : vector<16xi32>
      %min3A_328 = arith.constant 6249 : i32
      %min3A_329 = vector.broadcast %min3A_328 : i32 to vector<16xi32>
      %min3A_330 = arith.minsi %add3A_327, %min3A_329 : vector<16xi32>
      %add3A_331 = arith.constant 512 : i32
      %add3A_332 = vector.broadcast %add3A_331 : i32 to vector<16xi32>
      %add3A_333 = arith.addi %select_n3A_308, %add3A_332 : vector<16xi32>
      %min3A_334 = arith.constant 6249 : i32
      %min3A_335 = vector.broadcast %min3A_334 : i32 to vector<16xi32>
      %min3A_336 = arith.minsi %add3A_333, %min3A_335 : vector<16xi32>
      %add3A_337 = arith.constant 512 : i32
      %add3A_338 = vector.broadcast %add3A_337 : i32 to vector<16xi32>
      %add3A_339 = arith.addi %select_n3A_310, %add3A_338 : vector<16xi32>
      %min3A_340 = arith.constant 6249 : i32
      %min3A_341 = vector.broadcast %min3A_340 : i32 to vector<16xi32>
      %min3A_342 = arith.minsi %add3A_339, %min3A_341 : vector<16xi32>
      %add3A_343 = arith.constant 512 : i32
      %add3A_344 = vector.broadcast %add3A_343 : i32 to vector<16xi32>
      %add3A_345 = arith.addi %select_n3A_312, %add3A_344 : vector<16xi32>
      %min3A_346 = arith.constant 6249 : i32
      %min3A_347 = vector.broadcast %min3A_346 : i32 to vector<16xi32>
      %min3A_348 = arith.minsi %add3A_345, %min3A_347 : vector<16xi32>
      %add3A_349 = arith.constant 512 : i32
      %add3A_350 = vector.broadcast %add3A_349 : i32 to vector<16xi32>
      %add3A_351 = arith.addi %select_n3A_314, %add3A_350 : vector<16xi32>
      %min3A_352 = arith.constant 6249 : i32
      %min3A_353 = vector.broadcast %min3A_352 : i32 to vector<16xi32>
      %min3A_354 = arith.minsi %add3A_351, %min3A_353 : vector<16xi32>
      %add3A_355 = arith.constant 512 : i32
      %add3A_356 = vector.broadcast %add3A_355 : i32 to vector<16xi32>
      %add3A_357 = arith.addi %select_n3A_316, %add3A_356 : vector<16xi32>
      %min3A_358 = arith.constant 6249 : i32
      %min3A_359 = vector.broadcast %min3A_358 : i32 to vector<16xi32>
      %min3A_360 = arith.minsi %add3A_357, %min3A_359 : vector<16xi32>
      %add3A_361 = arith.constant 512 : i32
      %add3A_362 = vector.broadcast %add3A_361 : i32 to vector<16xi32>
      %add3A_363 = arith.addi %select_n3A_318, %add3A_362 : vector<16xi32>
      %min3A_364 = arith.constant 6249 : i32
      %min3A_365 = vector.broadcast %min3A_364 : i32 to vector<16xi32>
      %min3A_366 = arith.minsi %add3A_363, %min3A_365 : vector<16xi32>
      %gather3A_367 = tpu.vector_load_idx %arg6[%min3A_324] : memref<6250xi32, #tpu.memory_space<vmem>>[vector<16xi32>], vector<16xi32>,
      %gather3A_368 = tpu.vector_load_idx %arg6[%min3A_330] : memref<6250xi32, #tpu.memory_space<vmem>>[vector<16xi32>], vector<16xi32>,
      %gather3A_369 = tpu.vector_load_idx %arg6[%min3A_336] : memref<6250xi32, #tpu.memory_space<vmem>>[vector<16xi32>], vector<16xi32>,
      %gather3A_370 = tpu.vector_load_idx %arg6[%min3A_342] : memref<6250xi32, #tpu.memory_space<vmem>>[vector<16xi32>], vector<16xi32>,
      %gather3A_371 = tpu.vector_load_idx %arg6[%min3A_348] : memref<6250xi32, #tpu.memory_space<vmem>>[vector<16xi32>], vector<16xi32>,
      %gather3A_372 = tpu.vector_load_idx %arg6[%min3A_354] : memref<6250xi32, #tpu.memory_space<vmem>>[vector<16xi32>], vector<16xi32>,
      %gather3A_373 = tpu.vector_load_idx %arg6[%min3A_360] : memref<6250xi32, #tpu.memory_space<vmem>>[vector<16xi32>], vector<16xi32>,
      %gather3A_374 = tpu.vector_load_idx %arg6[%min3A_366] : memref<6250xi32, #tpu.memory_space<vmem>>[vector<16xi32>], vector<16xi32>,
      %le3A_375 = arith.cmpi sle, %gather3A_367, %get3A_63 : vector<16xi32>
      %select_n3A_376 = arith.select %le3A_375, %min3A_324, %select_n3A_304 : vector<16xi1>, vector<16xi32>
      %le3A_377 = arith.cmpi sle, %gather3A_368, %get3A_67 : vector<16xi32>
      %select_n3A_378 = arith.select %le3A_377, %min3A_330, %select_n3A_306 : vector<16xi1>, vector<16xi32>
      %le3A_379 = arith.cmpi sle, %gather3A_369, %get3A_71 : vector<16xi32>
      %select_n3A_380 = arith.select %le3A_379, %min3A_336, %select_n3A_308 : vector<16xi1>, vector<16xi32>
      %le3A_381 = arith.cmpi sle, %gather3A_370, %get3A_75 : vector<16xi32>
      %select_n3A_382 = arith.select %le3A_381, %min3A_342, %select_n3A_310 : vector<16xi1>, vector<16xi32>
      %le3A_383 = arith.cmpi sle, %gather3A_371, %get3A_79 : vector<16xi32>
      %select_n3A_384 = arith.select %le3A_383, %min3A_348, %select_n3A_312 : vector<16xi1>, vector<16xi32>
      %le3A_385 = arith.cmpi sle, %gather3A_372, %get3A_83 : vector<16xi32>
      %select_n3A_386 = arith.select %le3A_385, %min3A_354, %select_n3A_314 : vector<16xi1>, vector<16xi32>
      %le3A_387 = arith.cmpi sle, %gather3A_373, %get3A_87 : vector<16xi32>
      %select_n3A_388 = arith.select %le3A_387, %min3A_360, %select_n3A_316 : vector<16xi1>, vector<16xi32>
      %le3A_389 = arith.cmpi sle, %gather3A_374, %get3A_91 : vector<16xi32>
      %select_n3A_390 = arith.select %le3A_389, %min3A_366, %select_n3A_318 : vector<16xi1>, vector<16xi32>
      %add3A_391 = arith.constant 256 : i32
      %add3A_392 = vector.broadcast %add3A_391 : i32 to vector<16xi32>
      %add3A_393 = arith.addi %select_n3A_376, %add3A_392 : vector<16xi32>
      %min3A_394 = arith.constant 6249 : i32
      %min3A_395 = vector.broadcast %min3A_394 : i32 to vector<16xi32>
      %min3A_396 = arith.minsi %add3A_393, %min3A_395 : vector<16xi32>
      %add3A_397 = arith.constant 256 : i32
      %add3A_398 = vector.broadcast %add3A_397 : i32 to vector<16xi32>
      %add3A_399 = arith.addi %select_n3A_378, %add3A_398 : vector<16xi32>
      %min3A_400 = arith.constant 6249 : i32
      %min3A_401 = vector.broadcast %min3A_400 : i32 to vector<16xi32>
      %min3A_402 = arith.minsi %add3A_399, %min3A_401 : vector<16xi32>
      %add3A_403 = arith.constant 256 : i32
      %add3A_404 = vector.broadcast %add3A_403 : i32 to vector<16xi32>
      %add3A_405 = arith.addi %select_n3A_380, %add3A_404 : vector<16xi32>
      %min3A_406 = arith.constant 6249 : i32
      %min3A_407 = vector.broadcast %min3A_406 : i32 to vector<16xi32>
      %min3A_408 = arith.minsi %add3A_405, %min3A_407 : vector<16xi32>
      %add3A_409 = arith.constant 256 : i32
      %add3A_410 = vector.broadcast %add3A_409 : i32 to vector<16xi32>
      %add3A_411 = arith.addi %select_n3A_382, %add3A_410 : vector<16xi32>
      %min3A_412 = arith.constant 6249 : i32
      %min3A_413 = vector.broadcast %min3A_412 : i32 to vector<16xi32>
      %min3A_414 = arith.minsi %add3A_411, %min3A_413 : vector<16xi32>
      %add3A_415 = arith.constant 256 : i32
      %add3A_416 = vector.broadcast %add3A_415 : i32 to vector<16xi32>
      %add3A_417 = arith.addi %select_n3A_384, %add3A_416 : vector<16xi32>
      %min3A_418 = arith.constant 6249 : i32
      %min3A_419 = vector.broadcast %min3A_418 : i32 to vector<16xi32>
      %min3A_420 = arith.minsi %add3A_417, %min3A_419 : vector<16xi32>
      %add3A_421 = arith.constant 256 : i32
      %add3A_422 = vector.broadcast %add3A_421 : i32 to vector<16xi32>
      %add3A_423 = arith.addi %select_n3A_386, %add3A_422 : vector<16xi32>
      %min3A_424 = arith.constant 6249 : i32
      %min3A_425 = vector.broadcast %min3A_424 : i32 to vector<16xi32>
      %min3A_426 = arith.minsi %add3A_423, %min3A_425 : vector<16xi32>
      %add3A_427 = arith.constant 256 : i32
      %add3A_428 = vector.broadcast %add3A_427 : i32 to vector<16xi32>
      %add3A_429 = arith.addi %select_n3A_388, %add3A_428 : vector<16xi32>
      %min3A_430 = arith.constant 6249 : i32
      %min3A_431 = vector.broadcast %min3A_430 : i32 to vector<16xi32>
      %min3A_432 = arith.minsi %add3A_429, %min3A_431 : vector<16xi32>
      %add3A_433 = arith.constant 256 : i32
      %add3A_434 = vector.broadcast %add3A_433 : i32 to vector<16xi32>
      %add3A_435 = arith.addi %select_n3A_390, %add3A_434 : vector<16xi32>
      %min3A_436 = arith.constant 6249 : i32
      %min3A_437 = vector.broadcast %min3A_436 : i32 to vector<16xi32>
      %min3A_438 = arith.minsi %add3A_435, %min3A_437 : vector<16xi32>
      %gather3A_439 = tpu.vector_load_idx %arg6[%min3A_396] : memref<6250xi32, #tpu.memory_space<vmem>>[vector<16xi32>], vector<16xi32>,
      %gather3A_440 = tpu.vector_load_idx %arg6[%min3A_402] : memref<6250xi32, #tpu.memory_space<vmem>>[vector<16xi32>], vector<16xi32>,
      %gather3A_441 = tpu.vector_load_idx %arg6[%min3A_408] : memref<6250xi32, #tpu.memory_space<vmem>>[vector<16xi32>], vector<16xi32>,
      %gather3A_442 = tpu.vector_load_idx %arg6[%min3A_414] : memref<6250xi32, #tpu.memory_space<vmem>>[vector<16xi32>], vector<16xi32>,
      %gather3A_443 = tpu.vector_load_idx %arg6[%min3A_420] : memref<6250xi32, #tpu.memory_space<vmem>>[vector<16xi32>], vector<16xi32>,
      %gather3A_444 = tpu.vector_load_idx %arg6[%min3A_426] : memref<6250xi32, #tpu.memory_space<vmem>>[vector<16xi32>], vector<16xi32>,
      %gather3A_445 = tpu.vector_load_idx %arg6[%min3A_432] : memref<6250xi32, #tpu.memory_space<vmem>>[vector<16xi32>], vector<16xi32>,
      %gather3A_446 = tpu.vector_load_idx %arg6[%min3A_438] : memref<6250xi32, #tpu.memory_space<vmem>>[vector<16xi32>], vector<16xi32>,
      %le3A_447 = arith.cmpi sle, %gather3A_439, %get3A_63 : vector<16xi32>
      %select_n3A_448 = arith.select %le3A_447, %min3A_396, %select_n3A_376 : vector<16xi1>, vector<16xi32>
      %le3A_449 = arith.cmpi sle, %gather3A_440, %get3A_67 : vector<16xi32>
      %select_n3A_450 = arith.select %le3A_449, %min3A_402, %select_n3A_378 : vector<16xi1>, vector<16xi32>
      %le3A_451 = arith.cmpi sle, %gather3A_441, %get3A_71 : vector<16xi32>
      %select_n3A_452 = arith.select %le3A_451, %min3A_408, %select_n3A_380 : vector<16xi1>, vector<16xi32>
      %le3A_453 = arith.cmpi sle, %gather3A_442, %get3A_75 : vector<16xi32>
      %select_n3A_454 = arith.select %le3A_453, %min3A_414, %select_n3A_382 : vector<16xi1>, vector<16xi32>
      %le3A_455 = arith.cmpi sle, %gather3A_443, %get3A_79 : vector<16xi32>
      %select_n3A_456 = arith.select %le3A_455, %min3A_420, %select_n3A_384 : vector<16xi1>, vector<16xi32>
      %le3A_457 = arith.cmpi sle, %gather3A_444, %get3A_83 : vector<16xi32>
      %select_n3A_458 = arith.select %le3A_457, %min3A_426, %select_n3A_386 : vector<16xi1>, vector<16xi32>
      %le3A_459 = arith.cmpi sle, %gather3A_445, %get3A_87 : vector<16xi32>
      %select_n3A_460 = arith.select %le3A_459, %min3A_432, %select_n3A_388 : vector<16xi1>, vector<16xi32>
      %le3A_461 = arith.cmpi sle, %gather3A_446, %get3A_91 : vector<16xi32>
      %select_n3A_462 = arith.select %le3A_461, %min3A_438, %select_n3A_390 : vector<16xi1>, vector<16xi32>
      %add3A_463 = arith.constant 128 : i32
      %add3A_464 = vector.broadcast %add3A_463 : i32 to vector<16xi32>
      %add3A_465 = arith.addi %select_n3A_448, %add3A_464 : vector<16xi32>
      %min3A_466 = arith.constant 6249 : i32
      %min3A_467 = vector.broadcast %min3A_466 : i32 to vector<16xi32>
      %min3A_468 = arith.minsi %add3A_465, %min3A_467 : vector<16xi32>
      %add3A_469 = arith.constant 128 : i32
      %add3A_470 = vector.broadcast %add3A_469 : i32 to vector<16xi32>
      %add3A_471 = arith.addi %select_n3A_450, %add3A_470 : vector<16xi32>
      %min3A_472 = arith.constant 6249 : i32
      %min3A_473 = vector.broadcast %min3A_472 : i32 to vector<16xi32>
      %min3A_474 = arith.minsi %add3A_471, %min3A_473 : vector<16xi32>
      %add3A_475 = arith.constant 128 : i32
      %add3A_476 = vector.broadcast %add3A_475 : i32 to vector<16xi32>
      %add3A_477 = arith.addi %select_n3A_452, %add3A_476 : vector<16xi32>
      %min3A_478 = arith.constant 6249 : i32
      %min3A_479 = vector.broadcast %min3A_478 : i32 to vector<16xi32>
      %min3A_480 = arith.minsi %add3A_477, %min3A_479 : vector<16xi32>
      %add3A_481 = arith.constant 128 : i32
      %add3A_482 = vector.broadcast %add3A_481 : i32 to vector<16xi32>
      %add3A_483 = arith.addi %select_n3A_454, %add3A_482 : vector<16xi32>
      %min3A_484 = arith.constant 6249 : i32
      %min3A_485 = vector.broadcast %min3A_484 : i32 to vector<16xi32>
      %min3A_486 = arith.minsi %add3A_483, %min3A_485 : vector<16xi32>
      %add3A_487 = arith.constant 128 : i32
      %add3A_488 = vector.broadcast %add3A_487 : i32 to vector<16xi32>
      %add3A_489 = arith.addi %select_n3A_456, %add3A_488 : vector<16xi32>
      %min3A_490 = arith.constant 6249 : i32
      %min3A_491 = vector.broadcast %min3A_490 : i32 to vector<16xi32>
      %min3A_492 = arith.minsi %add3A_489, %min3A_491 : vector<16xi32>
      %add3A_493 = arith.constant 128 : i32
      %add3A_494 = vector.broadcast %add3A_493 : i32 to vector<16xi32>
      %add3A_495 = arith.addi %select_n3A_458, %add3A_494 : vector<16xi32>
      %min3A_496 = arith.constant 6249 : i32
      %min3A_497 = vector.broadcast %min3A_496 : i32 to vector<16xi32>
      %min3A_498 = arith.minsi %add3A_495, %min3A_497 : vector<16xi32>
      %add3A_499 = arith.constant 128 : i32
      %add3A_500 = vector.broadcast %add3A_499 : i32 to vector<16xi32>
      %add3A_501 = arith.addi %select_n3A_460, %add3A_500 : vector<16xi32>
      %min3A_502 = arith.constant 6249 : i32
      %min3A_503 = vector.broadcast %min3A_502 : i32 to vector<16xi32>
      %min3A_504 = arith.minsi %add3A_501, %min3A_503 : vector<16xi32>
      %add3A_505 = arith.constant 128 : i32
      %add3A_506 = vector.broadcast %add3A_505 : i32 to vector<16xi32>
      %add3A_507 = arith.addi %select_n3A_462, %add3A_506 : vector<16xi32>
      %min3A_508 = arith.constant 6249 : i32
      %min3A_509 = vector.broadcast %min3A_508 : i32 to vector<16xi32>
      %min3A_510 = arith.minsi %add3A_507, %min3A_509 : vector<16xi32>
      %gather3A_511 = tpu.vector_load_idx %arg6[%min3A_468] : memref<6250xi32, #tpu.memory_space<vmem>>[vector<16xi32>], vector<16xi32>,
      %gather3A_512 = tpu.vector_load_idx %arg6[%min3A_474] : memref<6250xi32, #tpu.memory_space<vmem>>[vector<16xi32>], vector<16xi32>,
      %gather3A_513 = tpu.vector_load_idx %arg6[%min3A_480] : memref<6250xi32, #tpu.memory_space<vmem>>[vector<16xi32>], vector<16xi32>,
      %gather3A_514 = tpu.vector_load_idx %arg6[%min3A_486] : memref<6250xi32, #tpu.memory_space<vmem>>[vector<16xi32>], vector<16xi32>,
      %gather3A_515 = tpu.vector_load_idx %arg6[%min3A_492] : memref<6250xi32, #tpu.memory_space<vmem>>[vector<16xi32>], vector<16xi32>,
      %gather3A_516 = tpu.vector_load_idx %arg6[%min3A_498] : memref<6250xi32, #tpu.memory_space<vmem>>[vector<16xi32>], vector<16xi32>,
      %gather3A_517 = tpu.vector_load_idx %arg6[%min3A_504] : memref<6250xi32, #tpu.memory_space<vmem>>[vector<16xi32>], vector<16xi32>,
      %gather3A_518 = tpu.vector_load_idx %arg6[%min3A_510] : memref<6250xi32, #tpu.memory_space<vmem>>[vector<16xi32>], vector<16xi32>,
      %le3A_519 = arith.cmpi sle, %gather3A_511, %get3A_63 : vector<16xi32>
      %select_n3A_520 = arith.select %le3A_519, %min3A_468, %select_n3A_448 : vector<16xi1>, vector<16xi32>
      %le3A_521 = arith.cmpi sle, %gather3A_512, %get3A_67 : vector<16xi32>
      %select_n3A_522 = arith.select %le3A_521, %min3A_474, %select_n3A_450 : vector<16xi1>, vector<16xi32>
      %le3A_523 = arith.cmpi sle, %gather3A_513, %get3A_71 : vector<16xi32>
      %select_n3A_524 = arith.select %le3A_523, %min3A_480, %select_n3A_452 : vector<16xi1>, vector<16xi32>
      %le3A_525 = arith.cmpi sle, %gather3A_514, %get3A_75 : vector<16xi32>
      %select_n3A_526 = arith.select %le3A_525, %min3A_486, %select_n3A_454 : vector<16xi1>, vector<16xi32>
      %le3A_527 = arith.cmpi sle, %gather3A_515, %get3A_79 : vector<16xi32>
      %select_n3A_528 = arith.select %le3A_527, %min3A_492, %select_n3A_456 : vector<16xi1>, vector<16xi32>
      %le3A_529 = arith.cmpi sle, %gather3A_516, %get3A_83 : vector<16xi32>
      %select_n3A_530 = arith.select %le3A_529, %min3A_498, %select_n3A_458 : vector<16xi1>, vector<16xi32>
      %le3A_531 = arith.cmpi sle, %gather3A_517, %get3A_87 : vector<16xi32>
      %select_n3A_532 = arith.select %le3A_531, %min3A_504, %select_n3A_460 : vector<16xi1>, vector<16xi32>
      %le3A_533 = arith.cmpi sle, %gather3A_518, %get3A_91 : vector<16xi32>
      %select_n3A_534 = arith.select %le3A_533, %min3A_510, %select_n3A_462 : vector<16xi1>, vector<16xi32>
      %add3A_535 = arith.constant 64 : i32
      %add3A_536 = vector.broadcast %add3A_535 : i32 to vector<16xi32>
      %add3A_537 = arith.addi %select_n3A_520, %add3A_536 : vector<16xi32>
      %min3A_538 = arith.constant 6249 : i32
      %min3A_539 = vector.broadcast %min3A_538 : i32 to vector<16xi32>
      %min3A_540 = arith.minsi %add3A_537, %min3A_539 : vector<16xi32>
      %add3A_541 = arith.constant 64 : i32
      %add3A_542 = vector.broadcast %add3A_541 : i32 to vector<16xi32>
      %add3A_543 = arith.addi %select_n3A_522, %add3A_542 : vector<16xi32>
      %min3A_544 = arith.constant 6249 : i32
      %min3A_545 = vector.broadcast %min3A_544 : i32 to vector<16xi32>
      %min3A_546 = arith.minsi %add3A_543, %min3A_545 : vector<16xi32>
      %add3A_547 = arith.constant 64 : i32
      %add3A_548 = vector.broadcast %add3A_547 : i32 to vector<16xi32>
      %add3A_549 = arith.addi %select_n3A_524, %add3A_548 : vector<16xi32>
      %min3A_550 = arith.constant 6249 : i32
      %min3A_551 = vector.broadcast %min3A_550 : i32 to vector<16xi32>
      %min3A_552 = arith.minsi %add3A_549, %min3A_551 : vector<16xi32>
      %add3A_553 = arith.constant 64 : i32
      %add3A_554 = vector.broadcast %add3A_553 : i32 to vector<16xi32>
      %add3A_555 = arith.addi %select_n3A_526, %add3A_554 : vector<16xi32>
      %min3A_556 = arith.constant 6249 : i32
      %min3A_557 = vector.broadcast %min3A_556 : i32 to vector<16xi32>
      %min3A_558 = arith.minsi %add3A_555, %min3A_557 : vector<16xi32>
      %add3A_559 = arith.constant 64 : i32
      %add3A_560 = vector.broadcast %add3A_559 : i32 to vector<16xi32>
      %add3A_561 = arith.addi %select_n3A_528, %add3A_560 : vector<16xi32>
      %min3A_562 = arith.constant 6249 : i32
      %min3A_563 = vector.broadcast %min3A_562 : i32 to vector<16xi32>
      %min3A_564 = arith.minsi %add3A_561, %min3A_563 : vector<16xi32>
      %add3A_565 = arith.constant 64 : i32
      %add3A_566 = vector.broadcast %add3A_565 : i32 to vector<16xi32>
      %add3A_567 = arith.addi %select_n3A_530, %add3A_566 : vector<16xi32>
      %min3A_568 = arith.constant 6249 : i32
      %min3A_569 = vector.broadcast %min3A_568 : i32 to vector<16xi32>
      %min3A_570 = arith.minsi %add3A_567, %min3A_569 : vector<16xi32>
      %add3A_571 = arith.constant 64 : i32
      %add3A_572 = vector.broadcast %add3A_571 : i32 to vector<16xi32>
      %add3A_573 = arith.addi %select_n3A_532, %add3A_572 : vector<16xi32>
      %min3A_574 = arith.constant 6249 : i32
      %min3A_575 = vector.broadcast %min3A_574 : i32 to vector<16xi32>
      %min3A_576 = arith.minsi %add3A_573, %min3A_575 : vector<16xi32>
      %add3A_577 = arith.constant 64 : i32
      %add3A_578 = vector.broadcast %add3A_577 : i32 to vector<16xi32>
      %add3A_579 = arith.addi %select_n3A_534, %add3A_578 : vector<16xi32>
      %min3A_580 = arith.constant 6249 : i32
      %min3A_581 = vector.broadcast %min3A_580 : i32 to vector<16xi32>
      %min3A_582 = arith.minsi %add3A_579, %min3A_581 : vector<16xi32>
      %gather3A_583 = tpu.vector_load_idx %arg6[%min3A_540] : memref<6250xi32, #tpu.memory_space<vmem>>[vector<16xi32>], vector<16xi32>,
      %gather3A_584 = tpu.vector_load_idx %arg6[%min3A_546] : memref<6250xi32, #tpu.memory_space<vmem>>[vector<16xi32>], vector<16xi32>,
      %gather3A_585 = tpu.vector_load_idx %arg6[%min3A_552] : memref<6250xi32, #tpu.memory_space<vmem>>[vector<16xi32>], vector<16xi32>,
      %gather3A_586 = tpu.vector_load_idx %arg6[%min3A_558] : memref<6250xi32, #tpu.memory_space<vmem>>[vector<16xi32>], vector<16xi32>,
      %gather3A_587 = tpu.vector_load_idx %arg6[%min3A_564] : memref<6250xi32, #tpu.memory_space<vmem>>[vector<16xi32>], vector<16xi32>,
      %gather3A_588 = tpu.vector_load_idx %arg6[%min3A_570] : memref<6250xi32, #tpu.memory_space<vmem>>[vector<16xi32>], vector<16xi32>,
      %gather3A_589 = tpu.vector_load_idx %arg6[%min3A_576] : memref<6250xi32, #tpu.memory_space<vmem>>[vector<16xi32>], vector<16xi32>,
      %gather3A_590 = tpu.vector_load_idx %arg6[%min3A_582] : memref<6250xi32, #tpu.memory_space<vmem>>[vector<16xi32>], vector<16xi32>,
      %le3A_591 = arith.cmpi sle, %gather3A_583, %get3A_63 : vector<16xi32>
      %select_n3A_592 = arith.select %le3A_591, %min3A_540, %select_n3A_520 : vector<16xi1>, vector<16xi32>
      %le3A_593 = arith.cmpi sle, %gather3A_584, %get3A_67 : vector<16xi32>
      %select_n3A_594 = arith.select %le3A_593, %min3A_546, %select_n3A_522 : vector<16xi1>, vector<16xi32>
      %le3A_595 = arith.cmpi sle, %gather3A_585, %get3A_71 : vector<16xi32>
      %select_n3A_596 = arith.select %le3A_595, %min3A_552, %select_n3A_524 : vector<16xi1>, vector<16xi32>
      %le3A_597 = arith.cmpi sle, %gather3A_586, %get3A_75 : vector<16xi32>
      %select_n3A_598 = arith.select %le3A_597, %min3A_558, %select_n3A_526 : vector<16xi1>, vector<16xi32>
      %le3A_599 = arith.cmpi sle, %gather3A_587, %get3A_79 : vector<16xi32>
      %select_n3A_600 = arith.select %le3A_599, %min3A_564, %select_n3A_528 : vector<16xi1>, vector<16xi32>
      %le3A_601 = arith.cmpi sle, %gather3A_588, %get3A_83 : vector<16xi32>
      %select_n3A_602 = arith.select %le3A_601, %min3A_570, %select_n3A_530 : vector<16xi1>, vector<16xi32>
      %le3A_603 = arith.cmpi sle, %gather3A_589, %get3A_87 : vector<16xi32>
      %select_n3A_604 = arith.select %le3A_603, %min3A_576, %select_n3A_532 : vector<16xi1>, vector<16xi32>
      %le3A_605 = arith.cmpi sle, %gather3A_590, %get3A_91 : vector<16xi32>
      %select_n3A_606 = arith.select %le3A_605, %min3A_582, %select_n3A_534 : vector<16xi1>, vector<16xi32>
      %add3A_607 = arith.constant 32 : i32
      %add3A_608 = vector.broadcast %add3A_607 : i32 to vector<16xi32>
      %add3A_609 = arith.addi %select_n3A_592, %add3A_608 : vector<16xi32>
      %min3A_610 = arith.constant 6249 : i32
      %min3A_611 = vector.broadcast %min3A_610 : i32 to vector<16xi32>
      %min3A_612 = arith.minsi %add3A_609, %min3A_611 : vector<16xi32>
      %add3A_613 = arith.constant 32 : i32
      %add3A_614 = vector.broadcast %add3A_613 : i32 to vector<16xi32>
      %add3A_615 = arith.addi %select_n3A_594, %add3A_614 : vector<16xi32>
      %min3A_616 = arith.constant 6249 : i32
      %min3A_617 = vector.broadcast %min3A_616 : i32 to vector<16xi32>
      %min3A_618 = arith.minsi %add3A_615, %min3A_617 : vector<16xi32>
      %add3A_619 = arith.constant 32 : i32
      %add3A_620 = vector.broadcast %add3A_619 : i32 to vector<16xi32>
      %add3A_621 = arith.addi %select_n3A_596, %add3A_620 : vector<16xi32>
      %min3A_622 = arith.constant 6249 : i32
      %min3A_623 = vector.broadcast %min3A_622 : i32 to vector<16xi32>
      %min3A_624 = arith.minsi %add3A_621, %min3A_623 : vector<16xi32>
      %add3A_625 = arith.constant 32 : i32
      %add3A_626 = vector.broadcast %add3A_625 : i32 to vector<16xi32>
      %add3A_627 = arith.addi %select_n3A_598, %add3A_626 : vector<16xi32>
      %min3A_628 = arith.constant 6249 : i32
      %min3A_629 = vector.broadcast %min3A_628 : i32 to vector<16xi32>
      %min3A_630 = arith.minsi %add3A_627, %min3A_629 : vector<16xi32>
      %add3A_631 = arith.constant 32 : i32
      %add3A_632 = vector.broadcast %add3A_631 : i32 to vector<16xi32>
      %add3A_633 = arith.addi %select_n3A_600, %add3A_632 : vector<16xi32>
      %min3A_634 = arith.constant 6249 : i32
      %min3A_635 = vector.broadcast %min3A_634 : i32 to vector<16xi32>
      %min3A_636 = arith.minsi %add3A_633, %min3A_635 : vector<16xi32>
      %add3A_637 = arith.constant 32 : i32
      %add3A_638 = vector.broadcast %add3A_637 : i32 to vector<16xi32>
      %add3A_639 = arith.addi %select_n3A_602, %add3A_638 : vector<16xi32>
      %min3A_640 = arith.constant 6249 : i32
      %min3A_641 = vector.broadcast %min3A_640 : i32 to vector<16xi32>
      %min3A_642 = arith.minsi %add3A_639, %min3A_641 : vector<16xi32>
      %add3A_643 = arith.constant 32 : i32
      %add3A_644 = vector.broadcast %add3A_643 : i32 to vector<16xi32>
      %add3A_645 = arith.addi %select_n3A_604, %add3A_644 : vector<16xi32>
      %min3A_646 = arith.constant 6249 : i32
      %min3A_647 = vector.broadcast %min3A_646 : i32 to vector<16xi32>
      %min3A_648 = arith.minsi %add3A_645, %min3A_647 : vector<16xi32>
      %add3A_649 = arith.constant 32 : i32
      %add3A_650 = vector.broadcast %add3A_649 : i32 to vector<16xi32>
      %add3A_651 = arith.addi %select_n3A_606, %add3A_650 : vector<16xi32>
      %min3A_652 = arith.constant 6249 : i32
      %min3A_653 = vector.broadcast %min3A_652 : i32 to vector<16xi32>
      %min3A_654 = arith.minsi %add3A_651, %min3A_653 : vector<16xi32>
      %gather3A_655 = tpu.vector_load_idx %arg6[%min3A_612] : memref<6250xi32, #tpu.memory_space<vmem>>[vector<16xi32>], vector<16xi32>,
      %gather3A_656 = tpu.vector_load_idx %arg6[%min3A_618] : memref<6250xi32, #tpu.memory_space<vmem>>[vector<16xi32>], vector<16xi32>,
      %gather3A_657 = tpu.vector_load_idx %arg6[%min3A_624] : memref<6250xi32, #tpu.memory_space<vmem>>[vector<16xi32>], vector<16xi32>,
      %gather3A_658 = tpu.vector_load_idx %arg6[%min3A_630] : memref<6250xi32, #tpu.memory_space<vmem>>[vector<16xi32>], vector<16xi32>,
      %gather3A_659 = tpu.vector_load_idx %arg6[%min3A_636] : memref<6250xi32, #tpu.memory_space<vmem>>[vector<16xi32>], vector<16xi32>,
      %gather3A_660 = tpu.vector_load_idx %arg6[%min3A_642] : memref<6250xi32, #tpu.memory_space<vmem>>[vector<16xi32>], vector<16xi32>,
      %gather3A_661 = tpu.vector_load_idx %arg6[%min3A_648] : memref<6250xi32, #tpu.memory_space<vmem>>[vector<16xi32>], vector<16xi32>,
      %gather3A_662 = tpu.vector_load_idx %arg6[%min3A_654] : memref<6250xi32, #tpu.memory_space<vmem>>[vector<16xi32>], vector<16xi32>,
      %le3A_663 = arith.cmpi sle, %gather3A_655, %get3A_63 : vector<16xi32>
      %select_n3A_664 = arith.select %le3A_663, %min3A_612, %select_n3A_592 : vector<16xi1>, vector<16xi32>
      %le3A_665 = arith.cmpi sle, %gather3A_656, %get3A_67 : vector<16xi32>
      %select_n3A_666 = arith.select %le3A_665, %min3A_618, %select_n3A_594 : vector<16xi1>, vector<16xi32>
      %le3A_667 = arith.cmpi sle, %gather3A_657, %get3A_71 : vector<16xi32>
      %select_n3A_668 = arith.select %le3A_667, %min3A_624, %select_n3A_596 : vector<16xi1>, vector<16xi32>
      %le3A_669 = arith.cmpi sle, %gather3A_658, %get3A_75 : vector<16xi32>
      %select_n3A_670 = arith.select %le3A_669, %min3A_630, %select_n3A_598 : vector<16xi1>, vector<16xi32>
      %le3A_671 = arith.cmpi sle, %gather3A_659, %get3A_79 : vector<16xi32>
      %select_n3A_672 = arith.select %le3A_671, %min3A_636, %select_n3A_600 : vector<16xi1>, vector<16xi32>
      %le3A_673 = arith.cmpi sle, %gather3A_660, %get3A_83 : vector<16xi32>
      %select_n3A_674 = arith.select %le3A_673, %min3A_642, %select_n3A_602 : vector<16xi1>, vector<16xi32>
      %le3A_675 = arith.cmpi sle, %gather3A_661, %get3A_87 : vector<16xi32>
      %select_n3A_676 = arith.select %le3A_675, %min3A_648, %select_n3A_604 : vector<16xi1>, vector<16xi32>
      %le3A_677 = arith.cmpi sle, %gather3A_662, %get3A_91 : vector<16xi32>
      %select_n3A_678 = arith.select %le3A_677, %min3A_654, %select_n3A_606 : vector<16xi1>, vector<16xi32>
      %add3A_679 = arith.constant 16 : i32
      %add3A_680 = vector.broadcast %add3A_679 : i32 to vector<16xi32>
      %add3A_681 = arith.addi %select_n3A_664, %add3A_680 : vector<16xi32>
      %min3A_682 = arith.constant 6249 : i32
      %min3A_683 = vector.broadcast %min3A_682 : i32 to vector<16xi32>
      %min3A_684 = arith.minsi %add3A_681, %min3A_683 : vector<16xi32>
      %add3A_685 = arith.constant 16 : i32
      %add3A_686 = vector.broadcast %add3A_685 : i32 to vector<16xi32>
      %add3A_687 = arith.addi %select_n3A_666, %add3A_686 : vector<16xi32>
      %min3A_688 = arith.constant 6249 : i32
      %min3A_689 = vector.broadcast %min3A_688 : i32 to vector<16xi32>
      %min3A_690 = arith.minsi %add3A_687, %min3A_689 : vector<16xi32>
      %add3A_691 = arith.constant 16 : i32
      %add3A_692 = vector.broadcast %add3A_691 : i32 to vector<16xi32>
      %add3A_693 = arith.addi %select_n3A_668, %add3A_692 : vector<16xi32>
      %min3A_694 = arith.constant 6249 : i32
      %min3A_695 = vector.broadcast %min3A_694 : i32 to vector<16xi32>
      %min3A_696 = arith.minsi %add3A_693, %min3A_695 : vector<16xi32>
      %add3A_697 = arith.constant 16 : i32
      %add3A_698 = vector.broadcast %add3A_697 : i32 to vector<16xi32>
      %add3A_699 = arith.addi %select_n3A_670, %add3A_698 : vector<16xi32>
      %min3A_700 = arith.constant 6249 : i32
      %min3A_701 = vector.broadcast %min3A_700 : i32 to vector<16xi32>
      %min3A_702 = arith.minsi %add3A_699, %min3A_701 : vector<16xi32>
      %add3A_703 = arith.constant 16 : i32
      %add3A_704 = vector.broadcast %add3A_703 : i32 to vector<16xi32>
      %add3A_705 = arith.addi %select_n3A_672, %add3A_704 : vector<16xi32>
      %min3A_706 = arith.constant 6249 : i32
      %min3A_707 = vector.broadcast %min3A_706 : i32 to vector<16xi32>
      %min3A_708 = arith.minsi %add3A_705, %min3A_707 : vector<16xi32>
      %add3A_709 = arith.constant 16 : i32
      %add3A_710 = vector.broadcast %add3A_709 : i32 to vector<16xi32>
      %add3A_711 = arith.addi %select_n3A_674, %add3A_710 : vector<16xi32>
      %min3A_712 = arith.constant 6249 : i32
      %min3A_713 = vector.broadcast %min3A_712 : i32 to vector<16xi32>
      %min3A_714 = arith.minsi %add3A_711, %min3A_713 : vector<16xi32>
      %add3A_715 = arith.constant 16 : i32
      %add3A_716 = vector.broadcast %add3A_715 : i32 to vector<16xi32>
      %add3A_717 = arith.addi %select_n3A_676, %add3A_716 : vector<16xi32>
      %min3A_718 = arith.constant 6249 : i32
      %min3A_719 = vector.broadcast %min3A_718 : i32 to vector<16xi32>
      %min3A_720 = arith.minsi %add3A_717, %min3A_719 : vector<16xi32>
      %add3A_721 = arith.constant 16 : i32
      %add3A_722 = vector.broadcast %add3A_721 : i32 to vector<16xi32>
      %add3A_723 = arith.addi %select_n3A_678, %add3A_722 : vector<16xi32>
      %min3A_724 = arith.constant 6249 : i32
      %min3A_725 = vector.broadcast %min3A_724 : i32 to vector<16xi32>
      %min3A_726 = arith.minsi %add3A_723, %min3A_725 : vector<16xi32>
      %gather3A_727 = tpu.vector_load_idx %arg6[%min3A_684] : memref<6250xi32, #tpu.memory_space<vmem>>[vector<16xi32>], vector<16xi32>,
      %gather3A_728 = tpu.vector_load_idx %arg6[%min3A_690] : memref<6250xi32, #tpu.memory_space<vmem>>[vector<16xi32>], vector<16xi32>,
      %gather3A_729 = tpu.vector_load_idx %arg6[%min3A_696] : memref<6250xi32, #tpu.memory_space<vmem>>[vector<16xi32>], vector<16xi32>,
      %gather3A_730 = tpu.vector_load_idx %arg6[%min3A_702] : memref<6250xi32, #tpu.memory_space<vmem>>[vector<16xi32>], vector<16xi32>,
      %gather3A_731 = tpu.vector_load_idx %arg6[%min3A_708] : memref<6250xi32, #tpu.memory_space<vmem>>[vector<16xi32>], vector<16xi32>,
      %gather3A_732 = tpu.vector_load_idx %arg6[%min3A_714] : memref<6250xi32, #tpu.memory_space<vmem>>[vector<16xi32>], vector<16xi32>,
      %gather3A_733 = tpu.vector_load_idx %arg6[%min3A_720] : memref<6250xi32, #tpu.memory_space<vmem>>[vector<16xi32>], vector<16xi32>,
      %gather3A_734 = tpu.vector_load_idx %arg6[%min3A_726] : memref<6250xi32, #tpu.memory_space<vmem>>[vector<16xi32>], vector<16xi32>,
      %le3A_735 = arith.cmpi sle, %gather3A_727, %get3A_63 : vector<16xi32>
      %select_n3A_736 = arith.select %le3A_735, %min3A_684, %select_n3A_664 : vector<16xi1>, vector<16xi32>
      %le3A_737 = arith.cmpi sle, %gather3A_728, %get3A_67 : vector<16xi32>
      %select_n3A_738 = arith.select %le3A_737, %min3A_690, %select_n3A_666 : vector<16xi1>, vector<16xi32>
      %le3A_739 = arith.cmpi sle, %gather3A_729, %get3A_71 : vector<16xi32>
      %select_n3A_740 = arith.select %le3A_739, %min3A_696, %select_n3A_668 : vector<16xi1>, vector<16xi32>
      %le3A_741 = arith.cmpi sle, %gather3A_730, %get3A_75 : vector<16xi32>
      %select_n3A_742 = arith.select %le3A_741, %min3A_702, %select_n3A_670 : vector<16xi1>, vector<16xi32>
      %le3A_743 = arith.cmpi sle, %gather3A_731, %get3A_79 : vector<16xi32>
      %select_n3A_744 = arith.select %le3A_743, %min3A_708, %select_n3A_672 : vector<16xi1>, vector<16xi32>
      %le3A_745 = arith.cmpi sle, %gather3A_732, %get3A_83 : vector<16xi32>
      %select_n3A_746 = arith.select %le3A_745, %min3A_714, %select_n3A_674 : vector<16xi1>, vector<16xi32>
      %le3A_747 = arith.cmpi sle, %gather3A_733, %get3A_87 : vector<16xi32>
      %select_n3A_748 = arith.select %le3A_747, %min3A_720, %select_n3A_676 : vector<16xi1>, vector<16xi32>
      %le3A_749 = arith.cmpi sle, %gather3A_734, %get3A_91 : vector<16xi32>
      %select_n3A_750 = arith.select %le3A_749, %min3A_726, %select_n3A_678 : vector<16xi1>, vector<16xi32>
      %add3A_751 = arith.constant 8 : i32
      %add3A_752 = vector.broadcast %add3A_751 : i32 to vector<16xi32>
      %add3A_753 = arith.addi %select_n3A_736, %add3A_752 : vector<16xi32>
      %min3A_754 = arith.constant 6249 : i32
      %min3A_755 = vector.broadcast %min3A_754 : i32 to vector<16xi32>
      %min3A_756 = arith.minsi %add3A_753, %min3A_755 : vector<16xi32>
      %add3A_757 = arith.constant 8 : i32
      %add3A_758 = vector.broadcast %add3A_757 : i32 to vector<16xi32>
      %add3A_759 = arith.addi %select_n3A_738, %add3A_758 : vector<16xi32>
      %min3A_760 = arith.constant 6249 : i32
      %min3A_761 = vector.broadcast %min3A_760 : i32 to vector<16xi32>
      %min3A_762 = arith.minsi %add3A_759, %min3A_761 : vector<16xi32>
      %add3A_763 = arith.constant 8 : i32
      %add3A_764 = vector.broadcast %add3A_763 : i32 to vector<16xi32>
      %add3A_765 = arith.addi %select_n3A_740, %add3A_764 : vector<16xi32>
      %min3A_766 = arith.constant 6249 : i32
      %min3A_767 = vector.broadcast %min3A_766 : i32 to vector<16xi32>
      %min3A_768 = arith.minsi %add3A_765, %min3A_767 : vector<16xi32>
      %add3A_769 = arith.constant 8 : i32
      %add3A_770 = vector.broadcast %add3A_769 : i32 to vector<16xi32>
      %add3A_771 = arith.addi %select_n3A_742, %add3A_770 : vector<16xi32>
      %min3A_772 = arith.constant 6249 : i32
      %min3A_773 = vector.broadcast %min3A_772 : i32 to vector<16xi32>
      %min3A_774 = arith.minsi %add3A_771, %min3A_773 : vector<16xi32>
      %add3A_775 = arith.constant 8 : i32
      %add3A_776 = vector.broadcast %add3A_775 : i32 to vector<16xi32>
      %add3A_777 = arith.addi %select_n3A_744, %add3A_776 : vector<16xi32>
      %min3A_778 = arith.constant 6249 : i32
      %min3A_779 = vector.broadcast %min3A_778 : i32 to vector<16xi32>
      %min3A_780 = arith.minsi %add3A_777, %min3A_779 : vector<16xi32>
      %add3A_781 = arith.constant 8 : i32
      %add3A_782 = vector.broadcast %add3A_781 : i32 to vector<16xi32>
      %add3A_783 = arith.addi %select_n3A_746, %add3A_782 : vector<16xi32>
      %min3A_784 = arith.constant 6249 : i32
      %min3A_785 = vector.broadcast %min3A_784 : i32 to vector<16xi32>
      %min3A_786 = arith.minsi %add3A_783, %min3A_785 : vector<16xi32>
      %add3A_787 = arith.constant 8 : i32
      %add3A_788 = vector.broadcast %add3A_787 : i32 to vector<16xi32>
      %add3A_789 = arith.addi %select_n3A_748, %add3A_788 : vector<16xi32>
      %min3A_790 = arith.constant 6249 : i32
      %min3A_791 = vector.broadcast %min3A_790 : i32 to vector<16xi32>
      %min3A_792 = arith.minsi %add3A_789, %min3A_791 : vector<16xi32>
      %add3A_793 = arith.constant 8 : i32
      %add3A_794 = vector.broadcast %add3A_793 : i32 to vector<16xi32>
      %add3A_795 = arith.addi %select_n3A_750, %add3A_794 : vector<16xi32>
      %min3A_796 = arith.constant 6249 : i32
      %min3A_797 = vector.broadcast %min3A_796 : i32 to vector<16xi32>
      %min3A_798 = arith.minsi %add3A_795, %min3A_797 : vector<16xi32>
      %gather3A_799 = tpu.vector_load_idx %arg6[%min3A_756] : memref<6250xi32, #tpu.memory_space<vmem>>[vector<16xi32>], vector<16xi32>,
      %gather3A_800 = tpu.vector_load_idx %arg6[%min3A_762] : memref<6250xi32, #tpu.memory_space<vmem>>[vector<16xi32>], vector<16xi32>,
      %gather3A_801 = tpu.vector_load_idx %arg6[%min3A_768] : memref<6250xi32, #tpu.memory_space<vmem>>[vector<16xi32>], vector<16xi32>,
      %gather3A_802 = tpu.vector_load_idx %arg6[%min3A_774] : memref<6250xi32, #tpu.memory_space<vmem>>[vector<16xi32>], vector<16xi32>,
      %gather3A_803 = tpu.vector_load_idx %arg6[%min3A_780] : memref<6250xi32, #tpu.memory_space<vmem>>[vector<16xi32>], vector<16xi32>,
      %gather3A_804 = tpu.vector_load_idx %arg6[%min3A_786] : memref<6250xi32, #tpu.memory_space<vmem>>[vector<16xi32>], vector<16xi32>,
      %gather3A_805 = tpu.vector_load_idx %arg6[%min3A_792] : memref<6250xi32, #tpu.memory_space<vmem>>[vector<16xi32>], vector<16xi32>,
      %gather3A_806 = tpu.vector_load_idx %arg6[%min3A_798] : memref<6250xi32, #tpu.memory_space<vmem>>[vector<16xi32>], vector<16xi32>,
      %le3A_807 = arith.cmpi sle, %gather3A_799, %get3A_63 : vector<16xi32>
      %select_n3A_808 = arith.select %le3A_807, %min3A_756, %select_n3A_736 : vector<16xi1>, vector<16xi32>
      %le3A_809 = arith.cmpi sle, %gather3A_800, %get3A_67 : vector<16xi32>
      %select_n3A_810 = arith.select %le3A_809, %min3A_762, %select_n3A_738 : vector<16xi1>, vector<16xi32>
      %le3A_811 = arith.cmpi sle, %gather3A_801, %get3A_71 : vector<16xi32>
      %select_n3A_812 = arith.select %le3A_811, %min3A_768, %select_n3A_740 : vector<16xi1>, vector<16xi32>
      %le3A_813 = arith.cmpi sle, %gather3A_802, %get3A_75 : vector<16xi32>
      %select_n3A_814 = arith.select %le3A_813, %min3A_774, %select_n3A_742 : vector<16xi1>, vector<16xi32>
      %le3A_815 = arith.cmpi sle, %gather3A_803, %get3A_79 : vector<16xi32>
      %select_n3A_816 = arith.select %le3A_815, %min3A_780, %select_n3A_744 : vector<16xi1>, vector<16xi32>
      %le3A_817 = arith.cmpi sle, %gather3A_804, %get3A_83 : vector<16xi32>
      %select_n3A_818 = arith.select %le3A_817, %min3A_786, %select_n3A_746 : vector<16xi1>, vector<16xi32>
      %le3A_819 = arith.cmpi sle, %gather3A_805, %get3A_87 : vector<16xi32>
      %select_n3A_820 = arith.select %le3A_819, %min3A_792, %select_n3A_748 : vector<16xi1>, vector<16xi32>
      %le3A_821 = arith.cmpi sle, %gather3A_806, %get3A_91 : vector<16xi32>
      %select_n3A_822 = arith.select %le3A_821, %min3A_798, %select_n3A_750 : vector<16xi1>, vector<16xi32>
      %add3A_823 = arith.constant 4 : i32
      %add3A_824 = vector.broadcast %add3A_823 : i32 to vector<16xi32>
      %add3A_825 = arith.addi %select_n3A_808, %add3A_824 : vector<16xi32>
      %min3A_826 = arith.constant 6249 : i32
      %min3A_827 = vector.broadcast %min3A_826 : i32 to vector<16xi32>
      %min3A_828 = arith.minsi %add3A_825, %min3A_827 : vector<16xi32>
      %add3A_829 = arith.constant 4 : i32
      %add3A_830 = vector.broadcast %add3A_829 : i32 to vector<16xi32>
      %add3A_831 = arith.addi %select_n3A_810, %add3A_830 : vector<16xi32>
      %min3A_832 = arith.constant 6249 : i32
      %min3A_833 = vector.broadcast %min3A_832 : i32 to vector<16xi32>
      %min3A_834 = arith.minsi %add3A_831, %min3A_833 : vector<16xi32>
      %add3A_835 = arith.constant 4 : i32
      %add3A_836 = vector.broadcast %add3A_835 : i32 to vector<16xi32>
      %add3A_837 = arith.addi %select_n3A_812, %add3A_836 : vector<16xi32>
      %min3A_838 = arith.constant 6249 : i32
      %min3A_839 = vector.broadcast %min3A_838 : i32 to vector<16xi32>
      %min3A_840 = arith.minsi %add3A_837, %min3A_839 : vector<16xi32>
      %add3A_841 = arith.constant 4 : i32
      %add3A_842 = vector.broadcast %add3A_841 : i32 to vector<16xi32>
      %add3A_843 = arith.addi %select_n3A_814, %add3A_842 : vector<16xi32>
      %min3A_844 = arith.constant 6249 : i32
      %min3A_845 = vector.broadcast %min3A_844 : i32 to vector<16xi32>
      %min3A_846 = arith.minsi %add3A_843, %min3A_845 : vector<16xi32>
      %add3A_847 = arith.constant 4 : i32
      %add3A_848 = vector.broadcast %add3A_847 : i32 to vector<16xi32>
      %add3A_849 = arith.addi %select_n3A_816, %add3A_848 : vector<16xi32>
      %min3A_850 = arith.constant 6249 : i32
      %min3A_851 = vector.broadcast %min3A_850 : i32 to vector<16xi32>
      %min3A_852 = arith.minsi %add3A_849, %min3A_851 : vector<16xi32>
      %add3A_853 = arith.constant 4 : i32
      %add3A_854 = vector.broadcast %add3A_853 : i32 to vector<16xi32>
      %add3A_855 = arith.addi %select_n3A_818, %add3A_854 : vector<16xi32>
      %min3A_856 = arith.constant 6249 : i32
      %min3A_857 = vector.broadcast %min3A_856 : i32 to vector<16xi32>
      %min3A_858 = arith.minsi %add3A_855, %min3A_857 : vector<16xi32>
      %add3A_859 = arith.constant 4 : i32
      %add3A_860 = vector.broadcast %add3A_859 : i32 to vector<16xi32>
      %add3A_861 = arith.addi %select_n3A_820, %add3A_860 : vector<16xi32>
      %min3A_862 = arith.constant 6249 : i32
      %min3A_863 = vector.broadcast %min3A_862 : i32 to vector<16xi32>
      %min3A_864 = arith.minsi %add3A_861, %min3A_863 : vector<16xi32>
      %add3A_865 = arith.constant 4 : i32
      %add3A_866 = vector.broadcast %add3A_865 : i32 to vector<16xi32>
      %add3A_867 = arith.addi %select_n3A_822, %add3A_866 : vector<16xi32>
      %min3A_868 = arith.constant 6249 : i32
      %min3A_869 = vector.broadcast %min3A_868 : i32 to vector<16xi32>
      %min3A_870 = arith.minsi %add3A_867, %min3A_869 : vector<16xi32>
      %gather3A_871 = tpu.vector_load_idx %arg6[%min3A_828] : memref<6250xi32, #tpu.memory_space<vmem>>[vector<16xi32>], vector<16xi32>,
      %gather3A_872 = tpu.vector_load_idx %arg6[%min3A_834] : memref<6250xi32, #tpu.memory_space<vmem>>[vector<16xi32>], vector<16xi32>,
      %gather3A_873 = tpu.vector_load_idx %arg6[%min3A_840] : memref<6250xi32, #tpu.memory_space<vmem>>[vector<16xi32>], vector<16xi32>,
      %gather3A_874 = tpu.vector_load_idx %arg6[%min3A_846] : memref<6250xi32, #tpu.memory_space<vmem>>[vector<16xi32>], vector<16xi32>,
      %gather3A_875 = tpu.vector_load_idx %arg6[%min3A_852] : memref<6250xi32, #tpu.memory_space<vmem>>[vector<16xi32>], vector<16xi32>,
      %gather3A_876 = tpu.vector_load_idx %arg6[%min3A_858] : memref<6250xi32, #tpu.memory_space<vmem>>[vector<16xi32>], vector<16xi32>,
      %gather3A_877 = tpu.vector_load_idx %arg6[%min3A_864] : memref<6250xi32, #tpu.memory_space<vmem>>[vector<16xi32>], vector<16xi32>,
      %gather3A_878 = tpu.vector_load_idx %arg6[%min3A_870] : memref<6250xi32, #tpu.memory_space<vmem>>[vector<16xi32>], vector<16xi32>,
      %le3A_879 = arith.cmpi sle, %gather3A_871, %get3A_63 : vector<16xi32>
      %select_n3A_880 = arith.select %le3A_879, %min3A_828, %select_n3A_808 : vector<16xi1>, vector<16xi32>
      %le3A_881 = arith.cmpi sle, %gather3A_872, %get3A_67 : vector<16xi32>
      %select_n3A_882 = arith.select %le3A_881, %min3A_834, %select_n3A_810 : vector<16xi1>, vector<16xi32>
      %le3A_883 = arith.cmpi sle, %gather3A_873, %get3A_71 : vector<16xi32>
      %select_n3A_884 = arith.select %le3A_883, %min3A_840, %select_n3A_812 : vector<16xi1>, vector<16xi32>
      %le3A_885 = arith.cmpi sle, %gather3A_874, %get3A_75 : vector<16xi32>
      %select_n3A_886 = arith.select %le3A_885, %min3A_846, %select_n3A_814 : vector<16xi1>, vector<16xi32>
      %le3A_887 = arith.cmpi sle, %gather3A_875, %get3A_79 : vector<16xi32>
      %select_n3A_888 = arith.select %le3A_887, %min3A_852, %select_n3A_816 : vector<16xi1>, vector<16xi32>
      %le3A_889 = arith.cmpi sle, %gather3A_876, %get3A_83 : vector<16xi32>
      %select_n3A_890 = arith.select %le3A_889, %min3A_858, %select_n3A_818 : vector<16xi1>, vector<16xi32>
      %le3A_891 = arith.cmpi sle, %gather3A_877, %get3A_87 : vector<16xi32>
      %select_n3A_892 = arith.select %le3A_891, %min3A_864, %select_n3A_820 : vector<16xi1>, vector<16xi32>
      %le3A_893 = arith.cmpi sle, %gather3A_878, %get3A_91 : vector<16xi32>
      %select_n3A_894 = arith.select %le3A_893, %min3A_870, %select_n3A_822 : vector<16xi1>, vector<16xi32>
      %add3A_895 = arith.constant 2 : i32
      %add3A_896 = vector.broadcast %add3A_895 : i32 to vector<16xi32>
      %add3A_897 = arith.addi %select_n3A_880, %add3A_896 : vector<16xi32>
      %min3A_898 = arith.constant 6249 : i32
      %min3A_899 = vector.broadcast %min3A_898 : i32 to vector<16xi32>
      %min3A_900 = arith.minsi %add3A_897, %min3A_899 : vector<16xi32>
      %add3A_901 = arith.constant 2 : i32
      %add3A_902 = vector.broadcast %add3A_901 : i32 to vector<16xi32>
      %add3A_903 = arith.addi %select_n3A_882, %add3A_902 : vector<16xi32>
      %min3A_904 = arith.constant 6249 : i32
      %min3A_905 = vector.broadcast %min3A_904 : i32 to vector<16xi32>
      %min3A_906 = arith.minsi %add3A_903, %min3A_905 : vector<16xi32>
      %add3A_907 = arith.constant 2 : i32
      %add3A_908 = vector.broadcast %add3A_907 : i32 to vector<16xi32>
      %add3A_909 = arith.addi %select_n3A_884, %add3A_908 : vector<16xi32>
      %min3A_910 = arith.constant 6249 : i32
      %min3A_911 = vector.broadcast %min3A_910 : i32 to vector<16xi32>
      %min3A_912 = arith.minsi %add3A_909, %min3A_911 : vector<16xi32>
      %add3A_913 = arith.constant 2 : i32
      %add3A_914 = vector.broadcast %add3A_913 : i32 to vector<16xi32>
      %add3A_915 = arith.addi %select_n3A_886, %add3A_914 : vector<16xi32>
      %min3A_916 = arith.constant 6249 : i32
      %min3A_917 = vector.broadcast %min3A_916 : i32 to vector<16xi32>
      %min3A_918 = arith.minsi %add3A_915, %min3A_917 : vector<16xi32>
      %add3A_919 = arith.constant 2 : i32
      %add3A_920 = vector.broadcast %add3A_919 : i32 to vector<16xi32>
      %add3A_921 = arith.addi %select_n3A_888, %add3A_920 : vector<16xi32>
      %min3A_922 = arith.constant 6249 : i32
      %min3A_923 = vector.broadcast %min3A_922 : i32 to vector<16xi32>
      %min3A_924 = arith.minsi %add3A_921, %min3A_923 : vector<16xi32>
      %add3A_925 = arith.constant 2 : i32
      %add3A_926 = vector.broadcast %add3A_925 : i32 to vector<16xi32>
      %add3A_927 = arith.addi %select_n3A_890, %add3A_926 : vector<16xi32>
      %min3A_928 = arith.constant 6249 : i32
      %min3A_929 = vector.broadcast %min3A_928 : i32 to vector<16xi32>
      %min3A_930 = arith.minsi %add3A_927, %min3A_929 : vector<16xi32>
      %add3A_931 = arith.constant 2 : i32
      %add3A_932 = vector.broadcast %add3A_931 : i32 to vector<16xi32>
      %add3A_933 = arith.addi %select_n3A_892, %add3A_932 : vector<16xi32>
      %min3A_934 = arith.constant 6249 : i32
      %min3A_935 = vector.broadcast %min3A_934 : i32 to vector<16xi32>
      %min3A_936 = arith.minsi %add3A_933, %min3A_935 : vector<16xi32>
      %add3A_937 = arith.constant 2 : i32
      %add3A_938 = vector.broadcast %add3A_937 : i32 to vector<16xi32>
      %add3A_939 = arith.addi %select_n3A_894, %add3A_938 : vector<16xi32>
      %min3A_940 = arith.constant 6249 : i32
      %min3A_941 = vector.broadcast %min3A_940 : i32 to vector<16xi32>
      %min3A_942 = arith.minsi %add3A_939, %min3A_941 : vector<16xi32>
      %gather3A_943 = tpu.vector_load_idx %arg6[%min3A_900] : memref<6250xi32, #tpu.memory_space<vmem>>[vector<16xi32>], vector<16xi32>,
      %gather3A_944 = tpu.vector_load_idx %arg6[%min3A_906] : memref<6250xi32, #tpu.memory_space<vmem>>[vector<16xi32>], vector<16xi32>,
      %gather3A_945 = tpu.vector_load_idx %arg6[%min3A_912] : memref<6250xi32, #tpu.memory_space<vmem>>[vector<16xi32>], vector<16xi32>,
      %gather3A_946 = tpu.vector_load_idx %arg6[%min3A_918] : memref<6250xi32, #tpu.memory_space<vmem>>[vector<16xi32>], vector<16xi32>,
      %gather3A_947 = tpu.vector_load_idx %arg6[%min3A_924] : memref<6250xi32, #tpu.memory_space<vmem>>[vector<16xi32>], vector<16xi32>,
      %gather3A_948 = tpu.vector_load_idx %arg6[%min3A_930] : memref<6250xi32, #tpu.memory_space<vmem>>[vector<16xi32>], vector<16xi32>,
      %gather3A_949 = tpu.vector_load_idx %arg6[%min3A_936] : memref<6250xi32, #tpu.memory_space<vmem>>[vector<16xi32>], vector<16xi32>,
      %gather3A_950 = tpu.vector_load_idx %arg6[%min3A_942] : memref<6250xi32, #tpu.memory_space<vmem>>[vector<16xi32>], vector<16xi32>,
      %le3A_951 = arith.cmpi sle, %gather3A_943, %get3A_63 : vector<16xi32>
      %select_n3A_952 = arith.select %le3A_951, %min3A_900, %select_n3A_880 : vector<16xi1>, vector<16xi32>
      %le3A_953 = arith.cmpi sle, %gather3A_944, %get3A_67 : vector<16xi32>
      %select_n3A_954 = arith.select %le3A_953, %min3A_906, %select_n3A_882 : vector<16xi1>, vector<16xi32>
      %le3A_955 = arith.cmpi sle, %gather3A_945, %get3A_71 : vector<16xi32>
      %select_n3A_956 = arith.select %le3A_955, %min3A_912, %select_n3A_884 : vector<16xi1>, vector<16xi32>
      %le3A_957 = arith.cmpi sle, %gather3A_946, %get3A_75 : vector<16xi32>
      %select_n3A_958 = arith.select %le3A_957, %min3A_918, %select_n3A_886 : vector<16xi1>, vector<16xi32>
      %le3A_959 = arith.cmpi sle, %gather3A_947, %get3A_79 : vector<16xi32>
      %select_n3A_960 = arith.select %le3A_959, %min3A_924, %select_n3A_888 : vector<16xi1>, vector<16xi32>
      %le3A_961 = arith.cmpi sle, %gather3A_948, %get3A_83 : vector<16xi32>
      %select_n3A_962 = arith.select %le3A_961, %min3A_930, %select_n3A_890 : vector<16xi1>, vector<16xi32>
      %le3A_963 = arith.cmpi sle, %gather3A_949, %get3A_87 : vector<16xi32>
      %select_n3A_964 = arith.select %le3A_963, %min3A_936, %select_n3A_892 : vector<16xi1>, vector<16xi32>
      %le3A_965 = arith.cmpi sle, %gather3A_950, %get3A_91 : vector<16xi32>
      %select_n3A_966 = arith.select %le3A_965, %min3A_942, %select_n3A_894 : vector<16xi1>, vector<16xi32>
      %add3A_967 = arith.constant 1 : i32
      %add3A_968 = vector.broadcast %add3A_967 : i32 to vector<16xi32>
      %add3A_969 = arith.addi %select_n3A_952, %add3A_968 : vector<16xi32>
      %min3A_970 = arith.constant 6249 : i32
      %min3A_971 = vector.broadcast %min3A_970 : i32 to vector<16xi32>
      %min3A_972 = arith.minsi %add3A_969, %min3A_971 : vector<16xi32>
      %add3A_973 = arith.constant 1 : i32
      %add3A_974 = vector.broadcast %add3A_973 : i32 to vector<16xi32>
      %add3A_975 = arith.addi %select_n3A_954, %add3A_974 : vector<16xi32>
      %min3A_976 = arith.constant 6249 : i32
      %min3A_977 = vector.broadcast %min3A_976 : i32 to vector<16xi32>
      %min3A_978 = arith.minsi %add3A_975, %min3A_977 : vector<16xi32>
      %add3A_979 = arith.constant 1 : i32
      %add3A_980 = vector.broadcast %add3A_979 : i32 to vector<16xi32>
      %add3A_981 = arith.addi %select_n3A_956, %add3A_980 : vector<16xi32>
      %min3A_982 = arith.constant 6249 : i32
      %min3A_983 = vector.broadcast %min3A_982 : i32 to vector<16xi32>
      %min3A_984 = arith.minsi %add3A_981, %min3A_983 : vector<16xi32>
      %add3A_985 = arith.constant 1 : i32
      %add3A_986 = vector.broadcast %add3A_985 : i32 to vector<16xi32>
      %add3A_987 = arith.addi %select_n3A_958, %add3A_986 : vector<16xi32>
      %min3A_988 = arith.constant 6249 : i32
      %min3A_989 = vector.broadcast %min3A_988 : i32 to vector<16xi32>
      %min3A_990 = arith.minsi %add3A_987, %min3A_989 : vector<16xi32>
      %add3A_991 = arith.constant 1 : i32
      %add3A_992 = vector.broadcast %add3A_991 : i32 to vector<16xi32>
      %add3A_993 = arith.addi %select_n3A_960, %add3A_992 : vector<16xi32>
      %min3A_994 = arith.constant 6249 : i32
      %min3A_995 = vector.broadcast %min3A_994 : i32 to vector<16xi32>
      %min3A_996 = arith.minsi %add3A_993, %min3A_995 : vector<16xi32>
      %add3A_997 = arith.constant 1 : i32
      %add3A_998 = vector.broadcast %add3A_997 : i32 to vector<16xi32>
      %add3A_999 = arith.addi %select_n3A_962, %add3A_998 : vector<16xi32>
      %min3A_1000 = arith.constant 6249 : i32
      %min3A_1001 = vector.broadcast %min3A_1000 : i32 to vector<16xi32>
      %min3A_1002 = arith.minsi %add3A_999, %min3A_1001 : vector<16xi32>
      %add3A_1003 = arith.constant 1 : i32
      %add3A_1004 = vector.broadcast %add3A_1003 : i32 to vector<16xi32>
      %add3A_1005 = arith.addi %select_n3A_964, %add3A_1004 : vector<16xi32>
      %min3A_1006 = arith.constant 6249 : i32
      %min3A_1007 = vector.broadcast %min3A_1006 : i32 to vector<16xi32>
      %min3A_1008 = arith.minsi %add3A_1005, %min3A_1007 : vector<16xi32>
      %add3A_1009 = arith.constant 1 : i32
      %add3A_1010 = vector.broadcast %add3A_1009 : i32 to vector<16xi32>
      %add3A_1011 = arith.addi %select_n3A_966, %add3A_1010 : vector<16xi32>
      %min3A_1012 = arith.constant 6249 : i32
      %min3A_1013 = vector.broadcast %min3A_1012 : i32 to vector<16xi32>
      %min3A_1014 = arith.minsi %add3A_1011, %min3A_1013 : vector<16xi32>
      %gather3A_1015 = tpu.vector_load_idx %arg6[%min3A_972] : memref<6250xi32, #tpu.memory_space<vmem>>[vector<16xi32>], vector<16xi32>,
      %gather3A_1016 = tpu.vector_load_idx %arg6[%min3A_978] : memref<6250xi32, #tpu.memory_space<vmem>>[vector<16xi32>], vector<16xi32>,
      %gather3A_1017 = tpu.vector_load_idx %arg6[%min3A_984] : memref<6250xi32, #tpu.memory_space<vmem>>[vector<16xi32>], vector<16xi32>,
      %gather3A_1018 = tpu.vector_load_idx %arg6[%min3A_990] : memref<6250xi32, #tpu.memory_space<vmem>>[vector<16xi32>], vector<16xi32>,
      %gather3A_1019 = tpu.vector_load_idx %arg6[%min3A_996] : memref<6250xi32, #tpu.memory_space<vmem>>[vector<16xi32>], vector<16xi32>,
      %gather3A_1020 = tpu.vector_load_idx %arg6[%min3A_1002] : memref<6250xi32, #tpu.memory_space<vmem>>[vector<16xi32>], vector<16xi32>,
      %gather3A_1021 = tpu.vector_load_idx %arg6[%min3A_1008] : memref<6250xi32, #tpu.memory_space<vmem>>[vector<16xi32>], vector<16xi32>,
      %gather3A_1022 = tpu.vector_load_idx %arg6[%min3A_1014] : memref<6250xi32, #tpu.memory_space<vmem>>[vector<16xi32>], vector<16xi32>,
      %le3A_1023 = arith.cmpi sle, %gather3A_1015, %get3A_63 : vector<16xi32>
      %select_n3A_1024 = arith.select %le3A_1023, %min3A_972, %select_n3A_952 : vector<16xi1>, vector<16xi32>
      %le3A_1025 = arith.cmpi sle, %gather3A_1016, %get3A_67 : vector<16xi32>
      %select_n3A_1026 = arith.select %le3A_1025, %min3A_978, %select_n3A_954 : vector<16xi1>, vector<16xi32>
      %le3A_1027 = arith.cmpi sle, %gather3A_1017, %get3A_71 : vector<16xi32>
      %select_n3A_1028 = arith.select %le3A_1027, %min3A_984, %select_n3A_956 : vector<16xi1>, vector<16xi32>
      %le3A_1029 = arith.cmpi sle, %gather3A_1018, %get3A_75 : vector<16xi32>
      %select_n3A_1030 = arith.select %le3A_1029, %min3A_990, %select_n3A_958 : vector<16xi1>, vector<16xi32>
      %le3A_1031 = arith.cmpi sle, %gather3A_1019, %get3A_79 : vector<16xi32>
      %select_n3A_1032 = arith.select %le3A_1031, %min3A_996, %select_n3A_960 : vector<16xi1>, vector<16xi32>
      %le3A_1033 = arith.cmpi sle, %gather3A_1020, %get3A_83 : vector<16xi32>
      %select_n3A_1034 = arith.select %le3A_1033, %min3A_1002, %select_n3A_962 : vector<16xi1>, vector<16xi32>
      %le3A_1035 = arith.cmpi sle, %gather3A_1021, %get3A_87 : vector<16xi32>
      %select_n3A_1036 = arith.select %le3A_1035, %min3A_1008, %select_n3A_964 : vector<16xi1>, vector<16xi32>
      %le3A_1037 = arith.cmpi sle, %gather3A_1022, %get3A_91 : vector<16xi32>
      %select_n3A_1038 = arith.select %le3A_1037, %min3A_1014, %select_n3A_966 : vector<16xi1>, vector<16xi32>
      %max3A = arith.constant 0 : i32
      %max3A_1039 = vector.broadcast %max3A : i32 to vector<16xi32>
      %max3A_1040 = arith.maxsi %select_n3A_1024, %max3A_1039 : vector<16xi32>
      %swap3A = arith.index_cast %add3A_58 : i32 to index
      %swap3A_1041 = arith.constant 0 : index
      %swap3A_1042 = tpu.vector_load %arg8[%swap3A, %swap3A_1041] {strides = array<i32>} : memref<4x128xi32, #tpu.memory_space<vmem>>, vector<16xi32>,
      tpu.vector_store %arg8[%swap3A, %swap3A_1041], %max3A_1040 {strides = array<i32>} : memref<4x128xi32, #tpu.memory_space<vmem>>, vector<16xi32>,
      %max3A_1043 = arith.constant 0 : i32
      %max3A_1044 = vector.broadcast %max3A_1043 : i32 to vector<16xi32>
      %max3A_1045 = arith.maxsi %select_n3A_1026, %max3A_1044 : vector<16xi32>
      %swap3A_1046 = arith.index_cast %add3A_58 : i32 to index
      %swap3A_1047 = arith.constant 16 : index
      %swap3A_1048 = tpu.vector_load %arg8[%swap3A_1046, %swap3A_1047] {strides = array<i32>} : memref<4x128xi32, #tpu.memory_space<vmem>>, vector<16xi32>,
      tpu.vector_store %arg8[%swap3A_1046, %swap3A_1047], %max3A_1045 {strides = array<i32>} : memref<4x128xi32, #tpu.memory_space<vmem>>, vector<16xi32>,
      %max3A_1049 = arith.constant 0 : i32
      %max3A_1050 = vector.broadcast %max3A_1049 : i32 to vector<16xi32>
      %max3A_1051 = arith.maxsi %select_n3A_1028, %max3A_1050 : vector<16xi32>
      %swap3A_1052 = arith.index_cast %add3A_58 : i32 to index
      %swap3A_1053 = arith.constant 32 : index
      %swap3A_1054 = tpu.vector_load %arg8[%swap3A_1052, %swap3A_1053] {strides = array<i32>} : memref<4x128xi32, #tpu.memory_space<vmem>>, vector<16xi32>,
      tpu.vector_store %arg8[%swap3A_1052, %swap3A_1053], %max3A_1051 {strides = array<i32>} : memref<4x128xi32, #tpu.memory_space<vmem>>, vector<16xi32>,
      %max3A_1055 = arith.constant 0 : i32
      %max3A_1056 = vector.broadcast %max3A_1055 : i32 to vector<16xi32>
      %max3A_1057 = arith.maxsi %select_n3A_1030, %max3A_1056 : vector<16xi32>
      %swap3A_1058 = arith.index_cast %add3A_58 : i32 to index
      %swap3A_1059 = arith.constant 48 : index
      %swap3A_1060 = tpu.vector_load %arg8[%swap3A_1058, %swap3A_1059] {strides = array<i32>} : memref<4x128xi32, #tpu.memory_space<vmem>>, vector<16xi32>,
      tpu.vector_store %arg8[%swap3A_1058, %swap3A_1059], %max3A_1057 {strides = array<i32>} : memref<4x128xi32, #tpu.memory_space<vmem>>, vector<16xi32>,
      %max3A_1061 = arith.constant 0 : i32
      %max3A_1062 = vector.broadcast %max3A_1061 : i32 to vector<16xi32>
      %max3A_1063 = arith.maxsi %select_n3A_1032, %max3A_1062 : vector<16xi32>
      %swap3A_1064 = arith.index_cast %add3A_58 : i32 to index
      %swap3A_1065 = arith.constant 64 : index
      %swap3A_1066 = tpu.vector_load %arg8[%swap3A_1064, %swap3A_1065] {strides = array<i32>} : memref<4x128xi32, #tpu.memory_space<vmem>>, vector<16xi32>,
      tpu.vector_store %arg8[%swap3A_1064, %swap3A_1065], %max3A_1063 {strides = array<i32>} : memref<4x128xi32, #tpu.memory_space<vmem>>, vector<16xi32>,
      %max3A_1067 = arith.constant 0 : i32
      %max3A_1068 = vector.broadcast %max3A_1067 : i32 to vector<16xi32>
      %max3A_1069 = arith.maxsi %select_n3A_1034, %max3A_1068 : vector<16xi32>
      %swap3A_1070 = arith.index_cast %add3A_58 : i32 to index
      %swap3A_1071 = arith.constant 80 : index
      %swap3A_1072 = tpu.vector_load %arg8[%swap3A_1070, %swap3A_1071] {strides = array<i32>} : memref<4x128xi32, #tpu.memory_space<vmem>>, vector<16xi32>,
      tpu.vector_store %arg8[%swap3A_1070, %swap3A_1071], %max3A_1069 {strides = array<i32>} : memref<4x128xi32, #tpu.memory_space<vmem>>, vector<16xi32>,
      %max3A_1073 = arith.constant 0 : i32
      %max3A_1074 = vector.broadcast %max3A_1073 : i32 to vector<16xi32>
      %max3A_1075 = arith.maxsi %select_n3A_1036, %max3A_1074 : vector<16xi32>
      %swap3A_1076 = arith.index_cast %add3A_58 : i32 to index
      %swap3A_1077 = arith.constant 96 : index
      %swap3A_1078 = tpu.vector_load %arg8[%swap3A_1076, %swap3A_1077] {strides = array<i32>} : memref<4x128xi32, #tpu.memory_space<vmem>>, vector<16xi32>,
      tpu.vector_store %arg8[%swap3A_1076, %swap3A_1077], %max3A_1075 {strides = array<i32>} : memref<4x128xi32, #tpu.memory_space<vmem>>, vector<16xi32>,
      %max3A_1079 = arith.constant 0 : i32
      %max3A_1080 = vector.broadcast %max3A_1079 : i32 to vector<16xi32>
      %max3A_1081 = arith.maxsi %select_n3A_1038, %max3A_1080 : vector<16xi32>
      %swap3A_1082 = arith.index_cast %add3A_58 : i32 to index
      %swap3A_1083 = arith.constant 112 : index
      %swap3A_1084 = tpu.vector_load %arg8[%swap3A_1082, %swap3A_1083] {strides = array<i32>} : memref<4x128xi32, #tpu.memory_space<vmem>>, vector<16xi32>,
      tpu.vector_store %arg8[%swap3A_1082, %swap3A_1083], %max3A_1081 {strides = array<i32>} : memref<4x128xi32, #tpu.memory_space<vmem>>, vector<16xi32>,
      %mul3A_1085 = arith.constant 128 : i32
      %mul3A_1086 = arith.muli %add3A_58, %mul3A_1085 : i32
      %dma_start3A_1087 = arith.constant 0 : i32
      %dma_start3A_1088 = tpu.memref_slice %arg9[%mul3A_1086, %dma_start3A_1087] : memref<512x16xi32, #tpu.memory_space<vmem>> -> memref<128x16xi32, #tpu.memory_space<vmem>>
      %dma_start3A_1089 = arith.constant 0 : i32
      %dma_start3A_1090 = tpu.memref_slice %arg8[%add3A_58, %dma_start3A_1089] : memref<4x128xi32, #tpu.memory_space<vmem>> -> memref<1x128xi32, #tpu.memory_space<vmem>>
      %dma_start3A_1091 = tpu.memref_squeeze %dma_start3A_1090 : memref<1x128xi32, #tpu.memory_space<vmem>> -> memref<128xi32, #tpu.memory_space<vmem>>
      %dma_start3A_1092 = arith.constant 0 : i32
      %dma_start3A_1093 = arith.constant 0 : i32
      %dma_start3A_1094 = tpu.memref_slice %arg3[%dma_start3A_1092, %dma_start3A_1093] : memref<6250x16xi32, #tpu.memory_space<hbm>> -> memref<6250x16xi32, #tpu.memory_space<hbm>>
      tpu.enqueue_indirect_dma source(%dma_start3A_1094 : memref<6250x16xi32, #tpu.memory_space<hbm>>) target(%dma_start3A_1088 : memref<128x16xi32, #tpu.memory_space<vmem>>) offsets(%dma_start3A_1091 : memref<128xi32, #tpu.memory_space<vmem>>) semaphore(%arg11 : memref<!tpu.dma_semaphore, #tpu.memory_space<semaphore_mem>>)
    }
    %scan3A_8 = arith.constant 4 : i32
    %dma_wait3A_9 = arith.constant 0 : i32
    %dma_wait3A_10 = arith.constant 0 : i32
    %dma_wait3A_11 = arith.constant 0 : i32
    %dma_wait3A_12 = tpu.memref_slice %arg9[%dma_wait3A_10, %dma_wait3A_11] : memref<512x16xi32, #tpu.memory_space<vmem>> -> memref<128x16xi32, #tpu.memory_space<vmem>>
    %dma_wait3A_13 = arith.constant 0 : i32
    %dma_wait3A_14 = tpu.memref_slice %arg8[%dma_wait3A_9, %dma_wait3A_13] : memref<4x128xi32, #tpu.memory_space<vmem>> -> memref<1x128xi32, #tpu.memory_space<vmem>>
    %dma_wait3A_15 = tpu.memref_squeeze %dma_wait3A_14 : memref<1x128xi32, #tpu.memory_space<vmem>> -> memref<128xi32, #tpu.memory_space<vmem>>
    %dma_wait3A_16 = arith.constant 0 : i32
    %dma_wait3A_17 = arith.constant 0 : i32
    %dma_wait3A_18 = tpu.memref_slice %arg3[%dma_wait3A_16, %dma_wait3A_17] : memref<6250x16xi32, #tpu.memory_space<hbm>> -> memref<6250x16xi32, #tpu.memory_space<hbm>>
    tpu.wait_indirect_dma semaphore(%arg11 : memref<!tpu.dma_semaphore, #tpu.memory_space<semaphore_mem>>) src(%dma_wait3A_18 : memref<6250x16xi32, #tpu.memory_space<hbm>>) dst(%dma_wait3A_12 : memref<128x16xi32, #tpu.memory_space<vmem>>)
    %dma_wait3A_19 = arith.constant 1 : i32
    %dma_wait3A_20 = arith.constant 128 : i32
    %dma_wait3A_21 = arith.constant 0 : i32
    %dma_wait3A_22 = tpu.memref_slice %arg9[%dma_wait3A_20, %dma_wait3A_21] : memref<512x16xi32, #tpu.memory_space<vmem>> -> memref<128x16xi32, #tpu.memory_space<vmem>>
    %dma_wait3A_23 = arith.constant 0 : i32
    %dma_wait3A_24 = tpu.memref_slice %arg8[%dma_wait3A_19, %dma_wait3A_23] : memref<4x128xi32, #tpu.memory_space<vmem>> -> memref<1x128xi32, #tpu.memory_space<vmem>>
    %dma_wait3A_25 = tpu.memref_squeeze %dma_wait3A_24 : memref<1x128xi32, #tpu.memory_space<vmem>> -> memref<128xi32, #tpu.memory_space<vmem>>
    %dma_wait3A_26 = arith.constant 0 : i32
    %dma_wait3A_27 = arith.constant 0 : i32
    %dma_wait3A_28 = tpu.memref_slice %arg3[%dma_wait3A_26, %dma_wait3A_27] : memref<6250x16xi32, #tpu.memory_space<hbm>> -> memref<6250x16xi32, #tpu.memory_space<hbm>>
    tpu.wait_indirect_dma semaphore(%arg11 : memref<!tpu.dma_semaphore, #tpu.memory_space<semaphore_mem>>) src(%dma_wait3A_28 : memref<6250x16xi32, #tpu.memory_space<hbm>>) dst(%dma_wait3A_22 : memref<128x16xi32, #tpu.memory_space<vmem>>)
    %dma_wait3A_29 = arith.constant 2 : i32
    %dma_wait3A_30 = arith.constant 256 : i32
    %dma_wait3A_31 = arith.constant 0 : i32
    %dma_wait3A_32 = tpu.memref_slice %arg9[%dma_wait3A_30, %dma_wait3A_31] : memref<512x16xi32, #tpu.memory_space<vmem>> -> memref<128x16xi32, #tpu.memory_space<vmem>>
    %dma_wait3A_33 = arith.constant 0 : i32
    %dma_wait3A_34 = tpu.memref_slice %arg8[%dma_wait3A_29, %dma_wait3A_33] : memref<4x128xi32, #tpu.memory_space<vmem>> -> memref<1x128xi32, #tpu.memory_space<vmem>>
    %dma_wait3A_35 = tpu.memref_squeeze %dma_wait3A_34 : memref<1x128xi32, #tpu.memory_space<vmem>> -> memref<128xi32, #tpu.memory_space<vmem>>
    %dma_wait3A_36 = arith.constant 0 : i32
    %dma_wait3A_37 = arith.constant 0 : i32
    %dma_wait3A_38 = tpu.memref_slice %arg3[%dma_wait3A_36, %dma_wait3A_37] : memref<6250x16xi32, #tpu.memory_space<hbm>> -> memref<6250x16xi32, #tpu.memory_space<hbm>>
    tpu.wait_indirect_dma semaphore(%arg11 : memref<!tpu.dma_semaphore, #tpu.memory_space<semaphore_mem>>) src(%dma_wait3A_38 : memref<6250x16xi32, #tpu.memory_space<hbm>>) dst(%dma_wait3A_32 : memref<128x16xi32, #tpu.memory_space<vmem>>)
    %dma_wait3A_39 = arith.constant 3 : i32
    %dma_wait3A_40 = arith.constant 384 : i32
    %dma_wait3A_41 = arith.constant 0 : i32
    %dma_wait3A_42 = tpu.memref_slice %arg9[%dma_wait3A_40, %dma_wait3A_41] : memref<512x16xi32, #tpu.memory_space<vmem>> -> memref<128x16xi32, #tpu.memory_space<vmem>>
    %dma_wait3A_43 = arith.constant 0 : i32
    %dma_wait3A_44 = tpu.memref_slice %arg8[%dma_wait3A_39, %dma_wait3A_43] : memref<4x128xi32, #tpu.memory_space<vmem>> -> memref<1x128xi32, #tpu.memory_space<vmem>>
    %dma_wait3A_45 = tpu.memref_squeeze %dma_wait3A_44 : memref<1x128xi32, #tpu.memory_space<vmem>> -> memref<128xi32, #tpu.memory_space<vmem>>
    %dma_wait3A_46 = arith.constant 0 : i32
    %dma_wait3A_47 = arith.constant 0 : i32
    %dma_wait3A_48 = tpu.memref_slice %arg3[%dma_wait3A_46, %dma_wait3A_47] : memref<6250x16xi32, #tpu.memory_space<hbm>> -> memref<6250x16xi32, #tpu.memory_space<hbm>>
    tpu.wait_indirect_dma semaphore(%arg11 : memref<!tpu.dma_semaphore, #tpu.memory_space<semaphore_mem>>) src(%dma_wait3A_48 : memref<6250x16xi32, #tpu.memory_space<hbm>>) dst(%dma_wait3A_42 : memref<128x16xi32, #tpu.memory_space<vmem>>)
    %scan3A_49 = arith.constant 0 : i32
    %scan3A_50 = arith.constant 4 : i32
    %scan3A_51 = arith.addi %scan3A_49, %scan3A_50 : i32
    %scan3A_52 = arith.constant 1 : i32
    scf.for %scan3A_54 = %scan3A_49 to %scan3A_51 step %scan3A_52  : i32 {
      %mul3A_55 = arith.constant 1 : i32
      %mul3A_56 = arith.muli %scan3A_54, %mul3A_55 : i32
      %add3A_57 = arith.constant 0 : i32
      %add3A_58 = arith.addi %add3A_57, %mul3A_56 : i32
      %mul3A_59 = arith.constant 128 : i32
      %mul3A_60 = arith.muli %add3A_58, %mul3A_59 : i32
      %add3A_61 = arith.constant 0 : i32
      %add3A_62 = arith.addi %mul3A_60, %add3A_61 : i32
      %multiple_of3A = tpu.assume_multiple %add3A_62, 16 : i32
      %mul3A_63 = arith.constant 128 : i32
      %mul3A_64 = arith.muli %add3A_58, %mul3A_63 : i32
      %add3A_65 = arith.constant 16 : i32
      %add3A_66 = arith.addi %mul3A_64, %add3A_65 : i32
      %multiple_of3A_67 = tpu.assume_multiple %add3A_66, 16 : i32
      %mul3A_68 = arith.constant 128 : i32
      %mul3A_69 = arith.muli %add3A_58, %mul3A_68 : i32
      %add3A_70 = arith.constant 32 : i32
      %add3A_71 = arith.addi %mul3A_69, %add3A_70 : i32
      %multiple_of3A_72 = tpu.assume_multiple %add3A_71, 16 : i32
      %mul3A_73 = arith.constant 128 : i32
      %mul3A_74 = arith.muli %add3A_58, %mul3A_73 : i32
      %add3A_75 = arith.constant 48 : i32
      %add3A_76 = arith.addi %mul3A_74, %add3A_75 : i32
      %multiple_of3A_77 = tpu.assume_multiple %add3A_76, 16 : i32
      %mul3A_78 = arith.constant 128 : i32
      %mul3A_79 = arith.muli %add3A_58, %mul3A_78 : i32
      %add3A_80 = arith.constant 64 : i32
      %add3A_81 = arith.addi %mul3A_79, %add3A_80 : i32
      %multiple_of3A_82 = tpu.assume_multiple %add3A_81, 16 : i32
      %mul3A_83 = arith.constant 128 : i32
      %mul3A_84 = arith.muli %add3A_58, %mul3A_83 : i32
      %add3A_85 = arith.constant 80 : i32
      %add3A_86 = arith.addi %mul3A_84, %add3A_85 : i32
      %multiple_of3A_87 = tpu.assume_multiple %add3A_86, 16 : i32
      %mul3A_88 = arith.constant 128 : i32
      %mul3A_89 = arith.muli %add3A_58, %mul3A_88 : i32
      %add3A_90 = arith.constant 96 : i32
      %add3A_91 = arith.addi %mul3A_89, %add3A_90 : i32
      %multiple_of3A_92 = tpu.assume_multiple %add3A_91, 16 : i32
      %mul3A_93 = arith.constant 128 : i32
      %mul3A_94 = arith.muli %add3A_58, %mul3A_93 : i32
      %add3A_95 = arith.constant 112 : i32
      %add3A_96 = arith.addi %mul3A_94, %add3A_95 : i32
      %multiple_of3A_97 = tpu.assume_multiple %add3A_96, 16 : i32
      %get3A = arith.index_cast %multiple_of3A : i32 to index
      %get3A_98 = tpu.vector_load %arg7[%get3A] {strides = array<i32>} : memref<512xi32, #tpu.memory_space<vmem>>, vector<16xi32>,
      %get3A_99 = arith.index_cast %multiple_of3A_67 : i32 to index
      %get3A_100 = tpu.vector_load %arg7[%get3A_99] {strides = array<i32>} : memref<512xi32, #tpu.memory_space<vmem>>, vector<16xi32>,
      %get3A_101 = arith.index_cast %multiple_of3A_72 : i32 to index
      %get3A_102 = tpu.vector_load %arg7[%get3A_101] {strides = array<i32>} : memref<512xi32, #tpu.memory_space<vmem>>, vector<16xi32>,
      %get3A_103 = arith.index_cast %multiple_of3A_77 : i32 to index
      %get3A_104 = tpu.vector_load %arg7[%get3A_103] {strides = array<i32>} : memref<512xi32, #tpu.memory_space<vmem>>, vector<16xi32>,
      %get3A_105 = arith.index_cast %multiple_of3A_82 : i32 to index
      %get3A_106 = tpu.vector_load %arg7[%get3A_105] {strides = array<i32>} : memref<512xi32, #tpu.memory_space<vmem>>, vector<16xi32>,
      %get3A_107 = arith.index_cast %multiple_of3A_87 : i32 to index
      %get3A_108 = tpu.vector_load %arg7[%get3A_107] {strides = array<i32>} : memref<512xi32, #tpu.memory_space<vmem>>, vector<16xi32>,
      %get3A_109 = arith.index_cast %multiple_of3A_92 : i32 to index
      %get3A_110 = tpu.vector_load %arg7[%get3A_109] {strides = array<i32>} : memref<512xi32, #tpu.memory_space<vmem>>, vector<16xi32>,
      %get3A_111 = arith.index_cast %multiple_of3A_97 : i32 to index
      %get3A_112 = tpu.vector_load %arg7[%get3A_111] {strides = array<i32>} : memref<512xi32, #tpu.memory_space<vmem>>, vector<16xi32>,
      %get3A_113 = arith.index_cast %add3A_58 : i32 to index
      %get3A_114 = arith.constant 0 : index
      %get3A_115 = tpu.vector_load %arg8[%get3A_113, %get3A_114] {strides = array<i32>} : memref<4x128xi32, #tpu.memory_space<vmem>>, vector<16xi32>,
      %get3A_116 = arith.index_cast %add3A_58 : i32 to index
      %get3A_117 = arith.constant 16 : index
      %get3A_118 = tpu.vector_load %arg8[%get3A_116, %get3A_117] {strides = array<i32>} : memref<4x128xi32, #tpu.memory_space<vmem>>, vector<16xi32>,
      %get3A_119 = arith.index_cast %add3A_58 : i32 to index
      %get3A_120 = arith.constant 32 : index
      %get3A_121 = tpu.vector_load %arg8[%get3A_119, %get3A_120] {strides = array<i32>} : memref<4x128xi32, #tpu.memory_space<vmem>>, vector<16xi32>,
      %get3A_122 = arith.index_cast %add3A_58 : i32 to index
      %get3A_123 = arith.constant 48 : index
      %get3A_124 = tpu.vector_load %arg8[%get3A_122, %get3A_123] {strides = array<i32>} : memref<4x128xi32, #tpu.memory_space<vmem>>, vector<16xi32>,
      %get3A_125 = arith.index_cast %add3A_58 : i32 to index
      %get3A_126 = arith.constant 64 : index
      %get3A_127 = tpu.vector_load %arg8[%get3A_125, %get3A_126] {strides = array<i32>} : memref<4x128xi32, #tpu.memory_space<vmem>>, vector<16xi32>,
      %get3A_128 = arith.index_cast %add3A_58 : i32 to index
      %get3A_129 = arith.constant 80 : index
      %get3A_130 = tpu.vector_load %arg8[%get3A_128, %get3A_129] {strides = array<i32>} : memref<4x128xi32, #tpu.memory_space<vmem>>, vector<16xi32>,
      %get3A_131 = arith.index_cast %add3A_58 : i32 to index
      %get3A_132 = arith.constant 96 : index
      %get3A_133 = tpu.vector_load %arg8[%get3A_131, %get3A_132] {strides = array<i32>} : memref<4x128xi32, #tpu.memory_space<vmem>>, vector<16xi32>,
      %get3A_134 = arith.index_cast %add3A_58 : i32 to index
      %get3A_135 = arith.constant 112 : index
      %get3A_136 = tpu.vector_load %arg8[%get3A_134, %get3A_135] {strides = array<i32>} : memref<4x128xi32, #tpu.memory_space<vmem>>, vector<16xi32>,
      %iota3A = tpu.iota {dimensions = array<i32: 0>} : vector<16xi32>
      %add3A_137 = vector.broadcast %multiple_of3A : i32 to vector<16xi32>
      %add3A_138 = arith.addi %iota3A, %add3A_137 : vector<16xi32>
      %iota3A_139 = tpu.iota {dimensions = array<i32: 0>} : vector<16xi32>
      %add3A_140 = vector.broadcast %multiple_of3A_67 : i32 to vector<16xi32>
      %add3A_141 = arith.addi %iota3A_139, %add3A_140 : vector<16xi32>
      %iota3A_142 = tpu.iota {dimensions = array<i32: 0>} : vector<16xi32>
      %add3A_143 = vector.broadcast %multiple_of3A_72 : i32 to vector<16xi32>
      %add3A_144 = arith.addi %iota3A_142, %add3A_143 : vector<16xi32>
      %iota3A_145 = tpu.iota {dimensions = array<i32: 0>} : vector<16xi32>
      %add3A_146 = vector.broadcast %multiple_of3A_77 : i32 to vector<16xi32>
      %add3A_147 = arith.addi %iota3A_145, %add3A_146 : vector<16xi32>
      %iota3A_148 = tpu.iota {dimensions = array<i32: 0>} : vector<16xi32>
      %add3A_149 = vector.broadcast %multiple_of3A_82 : i32 to vector<16xi32>
      %add3A_150 = arith.addi %iota3A_148, %add3A_149 : vector<16xi32>
      %iota3A_151 = tpu.iota {dimensions = array<i32: 0>} : vector<16xi32>
      %add3A_152 = vector.broadcast %multiple_of3A_87 : i32 to vector<16xi32>
      %add3A_153 = arith.addi %iota3A_151, %add3A_152 : vector<16xi32>
      %iota3A_154 = tpu.iota {dimensions = array<i32: 0>} : vector<16xi32>
      %add3A_155 = vector.broadcast %multiple_of3A_92 : i32 to vector<16xi32>
      %add3A_156 = arith.addi %iota3A_154, %add3A_155 : vector<16xi32>
      %iota3A_157 = tpu.iota {dimensions = array<i32: 0>} : vector<16xi32>
      %add3A_158 = vector.broadcast %multiple_of3A_97 : i32 to vector<16xi32>
      %add3A_159 = arith.addi %iota3A_157, %add3A_158 : vector<16xi32>
      %broadcast_in_dim3A = arith.constant -1 : i32
      %broadcast_in_dim3A_160 = vector.broadcast %broadcast_in_dim3A : i32 to vector<16xi32>
      %broadcast_in_dim3A_161 = arith.constant -1 : i32
      %broadcast_in_dim3A_162 = vector.broadcast %broadcast_in_dim3A_161 : i32 to vector<16xi32>
      %broadcast_in_dim3A_163 = arith.constant -1 : i32
      %broadcast_in_dim3A_164 = vector.broadcast %broadcast_in_dim3A_163 : i32 to vector<16xi32>
      %broadcast_in_dim3A_165 = arith.constant -1 : i32
      %broadcast_in_dim3A_166 = vector.broadcast %broadcast_in_dim3A_165 : i32 to vector<16xi32>
      %broadcast_in_dim3A_167 = arith.constant -1 : i32
      %broadcast_in_dim3A_168 = vector.broadcast %broadcast_in_dim3A_167 : i32 to vector<16xi32>
      %broadcast_in_dim3A_169 = arith.constant -1 : i32
      %broadcast_in_dim3A_170 = vector.broadcast %broadcast_in_dim3A_169 : i32 to vector<16xi32>
      %broadcast_in_dim3A_171 = arith.constant -1 : i32
      %broadcast_in_dim3A_172 = vector.broadcast %broadcast_in_dim3A_171 : i32 to vector<16xi32>
      %broadcast_in_dim3A_173 = arith.constant -1 : i32
      %broadcast_in_dim3A_174 = vector.broadcast %broadcast_in_dim3A_173 : i32 to vector<16xi32>
      %add3A_175 = arith.constant 16 : i32
      %add3A_176 = vector.broadcast %add3A_175 : i32 to vector<16xi32>
      %add3A_177 = arith.addi %broadcast_in_dim3A_160, %add3A_176 : vector<16xi32>
      %min3A = arith.constant 15 : i32
      %min3A_178 = vector.broadcast %min3A : i32 to vector<16xi32>
      %min3A_179 = arith.minsi %add3A_177, %min3A_178 : vector<16xi32>
      %add3A_180 = arith.constant 16 : i32
      %add3A_181 = vector.broadcast %add3A_180 : i32 to vector<16xi32>
      %add3A_182 = arith.addi %broadcast_in_dim3A_162, %add3A_181 : vector<16xi32>
      %min3A_183 = arith.constant 15 : i32
      %min3A_184 = vector.broadcast %min3A_183 : i32 to vector<16xi32>
      %min3A_185 = arith.minsi %add3A_182, %min3A_184 : vector<16xi32>
      %add3A_186 = arith.constant 16 : i32
      %add3A_187 = vector.broadcast %add3A_186 : i32 to vector<16xi32>
      %add3A_188 = arith.addi %broadcast_in_dim3A_164, %add3A_187 : vector<16xi32>
      %min3A_189 = arith.constant 15 : i32
      %min3A_190 = vector.broadcast %min3A_189 : i32 to vector<16xi32>
      %min3A_191 = arith.minsi %add3A_188, %min3A_190 : vector<16xi32>
      %add3A_192 = arith.constant 16 : i32
      %add3A_193 = vector.broadcast %add3A_192 : i32 to vector<16xi32>
      %add3A_194 = arith.addi %broadcast_in_dim3A_166, %add3A_193 : vector<16xi32>
      %min3A_195 = arith.constant 15 : i32
      %min3A_196 = vector.broadcast %min3A_195 : i32 to vector<16xi32>
      %min3A_197 = arith.minsi %add3A_194, %min3A_196 : vector<16xi32>
      %add3A_198 = arith.constant 16 : i32
      %add3A_199 = vector.broadcast %add3A_198 : i32 to vector<16xi32>
      %add3A_200 = arith.addi %broadcast_in_dim3A_168, %add3A_199 : vector<16xi32>
      %min3A_201 = arith.constant 15 : i32
      %min3A_202 = vector.broadcast %min3A_201 : i32 to vector<16xi32>
      %min3A_203 = arith.minsi %add3A_200, %min3A_202 : vector<16xi32>
      %add3A_204 = arith.constant 16 : i32
      %add3A_205 = vector.broadcast %add3A_204 : i32 to vector<16xi32>
      %add3A_206 = arith.addi %broadcast_in_dim3A_170, %add3A_205 : vector<16xi32>
      %min3A_207 = arith.constant 15 : i32
      %min3A_208 = vector.broadcast %min3A_207 : i32 to vector<16xi32>
      %min3A_209 = arith.minsi %add3A_206, %min3A_208 : vector<16xi32>
      %add3A_210 = arith.constant 16 : i32
      %add3A_211 = vector.broadcast %add3A_210 : i32 to vector<16xi32>
      %add3A_212 = arith.addi %broadcast_in_dim3A_172, %add3A_211 : vector<16xi32>
      %min3A_213 = arith.constant 15 : i32
      %min3A_214 = vector.broadcast %min3A_213 : i32 to vector<16xi32>
      %min3A_215 = arith.minsi %add3A_212, %min3A_214 : vector<16xi32>
      %add3A_216 = arith.constant 16 : i32
      %add3A_217 = vector.broadcast %add3A_216 : i32 to vector<16xi32>
      %add3A_218 = arith.addi %broadcast_in_dim3A_174, %add3A_217 : vector<16xi32>
      %min3A_219 = arith.constant 15 : i32
      %min3A_220 = vector.broadcast %min3A_219 : i32 to vector<16xi32>
      %min3A_221 = arith.minsi %add3A_218, %min3A_220 : vector<16xi32>
      %gather3A = tpu.vector_load_idx %arg9[%add3A_138, %min3A_179] : memref<512x16xi32, #tpu.memory_space<vmem>>[vector<16xi32>, vector<16xi32>], vector<16xi32>,
      %gather3A_222 = tpu.vector_load_idx %arg9[%add3A_141, %min3A_185] : memref<512x16xi32, #tpu.memory_space<vmem>>[vector<16xi32>, vector<16xi32>], vector<16xi32>,
      %gather3A_223 = tpu.vector_load_idx %arg9[%add3A_144, %min3A_191] : memref<512x16xi32, #tpu.memory_space<vmem>>[vector<16xi32>, vector<16xi32>], vector<16xi32>,
      %gather3A_224 = tpu.vector_load_idx %arg9[%add3A_147, %min3A_197] : memref<512x16xi32, #tpu.memory_space<vmem>>[vector<16xi32>, vector<16xi32>], vector<16xi32>,
      %gather3A_225 = tpu.vector_load_idx %arg9[%add3A_150, %min3A_203] : memref<512x16xi32, #tpu.memory_space<vmem>>[vector<16xi32>, vector<16xi32>], vector<16xi32>,
      %gather3A_226 = tpu.vector_load_idx %arg9[%add3A_153, %min3A_209] : memref<512x16xi32, #tpu.memory_space<vmem>>[vector<16xi32>, vector<16xi32>], vector<16xi32>,
      %gather3A_227 = tpu.vector_load_idx %arg9[%add3A_156, %min3A_215] : memref<512x16xi32, #tpu.memory_space<vmem>>[vector<16xi32>, vector<16xi32>], vector<16xi32>,
      %gather3A_228 = tpu.vector_load_idx %arg9[%add3A_159, %min3A_221] : memref<512x16xi32, #tpu.memory_space<vmem>>[vector<16xi32>, vector<16xi32>], vector<16xi32>,
      %lt3A = arith.cmpi slt, %gather3A, %get3A_98 : vector<16xi32>
      %select_n3A = arith.select %lt3A, %min3A_179, %broadcast_in_dim3A_160 : vector<16xi1>, vector<16xi32>
      %lt3A_229 = arith.cmpi slt, %gather3A_222, %get3A_100 : vector<16xi32>
      %select_n3A_230 = arith.select %lt3A_229, %min3A_185, %broadcast_in_dim3A_162 : vector<16xi1>, vector<16xi32>
      %lt3A_231 = arith.cmpi slt, %gather3A_223, %get3A_102 : vector<16xi32>
      %select_n3A_232 = arith.select %lt3A_231, %min3A_191, %broadcast_in_dim3A_164 : vector<16xi1>, vector<16xi32>
      %lt3A_233 = arith.cmpi slt, %gather3A_224, %get3A_104 : vector<16xi32>
      %select_n3A_234 = arith.select %lt3A_233, %min3A_197, %broadcast_in_dim3A_166 : vector<16xi1>, vector<16xi32>
      %lt3A_235 = arith.cmpi slt, %gather3A_225, %get3A_106 : vector<16xi32>
      %select_n3A_236 = arith.select %lt3A_235, %min3A_203, %broadcast_in_dim3A_168 : vector<16xi1>, vector<16xi32>
      %lt3A_237 = arith.cmpi slt, %gather3A_226, %get3A_108 : vector<16xi32>
      %select_n3A_238 = arith.select %lt3A_237, %min3A_209, %broadcast_in_dim3A_170 : vector<16xi1>, vector<16xi32>
      %lt3A_239 = arith.cmpi slt, %gather3A_227, %get3A_110 : vector<16xi32>
      %select_n3A_240 = arith.select %lt3A_239, %min3A_215, %broadcast_in_dim3A_172 : vector<16xi1>, vector<16xi32>
      %lt3A_241 = arith.cmpi slt, %gather3A_228, %get3A_112 : vector<16xi32>
      %select_n3A_242 = arith.select %lt3A_241, %min3A_221, %broadcast_in_dim3A_174 : vector<16xi1>, vector<16xi32>
      %add3A_243 = arith.constant 8 : i32
      %add3A_244 = vector.broadcast %add3A_243 : i32 to vector<16xi32>
      %add3A_245 = arith.addi %select_n3A, %add3A_244 : vector<16xi32>
      %min3A_246 = arith.constant 15 : i32
      %min3A_247 = vector.broadcast %min3A_246 : i32 to vector<16xi32>
      %min3A_248 = arith.minsi %add3A_245, %min3A_247 : vector<16xi32>
      %add3A_249 = arith.constant 8 : i32
      %add3A_250 = vector.broadcast %add3A_249 : i32 to vector<16xi32>
      %add3A_251 = arith.addi %select_n3A_230, %add3A_250 : vector<16xi32>
      %min3A_252 = arith.constant 15 : i32
      %min3A_253 = vector.broadcast %min3A_252 : i32 to vector<16xi32>
      %min3A_254 = arith.minsi %add3A_251, %min3A_253 : vector<16xi32>
      %add3A_255 = arith.constant 8 : i32
      %add3A_256 = vector.broadcast %add3A_255 : i32 to vector<16xi32>
      %add3A_257 = arith.addi %select_n3A_232, %add3A_256 : vector<16xi32>
      %min3A_258 = arith.constant 15 : i32
      %min3A_259 = vector.broadcast %min3A_258 : i32 to vector<16xi32>
      %min3A_260 = arith.minsi %add3A_257, %min3A_259 : vector<16xi32>
      %add3A_261 = arith.constant 8 : i32
      %add3A_262 = vector.broadcast %add3A_261 : i32 to vector<16xi32>
      %add3A_263 = arith.addi %select_n3A_234, %add3A_262 : vector<16xi32>
      %min3A_264 = arith.constant 15 : i32
      %min3A_265 = vector.broadcast %min3A_264 : i32 to vector<16xi32>
      %min3A_266 = arith.minsi %add3A_263, %min3A_265 : vector<16xi32>
      %add3A_267 = arith.constant 8 : i32
      %add3A_268 = vector.broadcast %add3A_267 : i32 to vector<16xi32>
      %add3A_269 = arith.addi %select_n3A_236, %add3A_268 : vector<16xi32>
      %min3A_270 = arith.constant 15 : i32
      %min3A_271 = vector.broadcast %min3A_270 : i32 to vector<16xi32>
      %min3A_272 = arith.minsi %add3A_269, %min3A_271 : vector<16xi32>
      %add3A_273 = arith.constant 8 : i32
      %add3A_274 = vector.broadcast %add3A_273 : i32 to vector<16xi32>
      %add3A_275 = arith.addi %select_n3A_238, %add3A_274 : vector<16xi32>
      %min3A_276 = arith.constant 15 : i32
      %min3A_277 = vector.broadcast %min3A_276 : i32 to vector<16xi32>
      %min3A_278 = arith.minsi %add3A_275, %min3A_277 : vector<16xi32>
      %add3A_279 = arith.constant 8 : i32
      %add3A_280 = vector.broadcast %add3A_279 : i32 to vector<16xi32>
      %add3A_281 = arith.addi %select_n3A_240, %add3A_280 : vector<16xi32>
      %min3A_282 = arith.constant 15 : i32
      %min3A_283 = vector.broadcast %min3A_282 : i32 to vector<16xi32>
      %min3A_284 = arith.minsi %add3A_281, %min3A_283 : vector<16xi32>
      %add3A_285 = arith.constant 8 : i32
      %add3A_286 = vector.broadcast %add3A_285 : i32 to vector<16xi32>
      %add3A_287 = arith.addi %select_n3A_242, %add3A_286 : vector<16xi32>
      %min3A_288 = arith.constant 15 : i32
      %min3A_289 = vector.broadcast %min3A_288 : i32 to vector<16xi32>
      %min3A_290 = arith.minsi %add3A_287, %min3A_289 : vector<16xi32>
      %gather3A_291 = tpu.vector_load_idx %arg9[%add3A_138, %min3A_248] : memref<512x16xi32, #tpu.memory_space<vmem>>[vector<16xi32>, vector<16xi32>], vector<16xi32>,
      %gather3A_292 = tpu.vector_load_idx %arg9[%add3A_141, %min3A_254] : memref<512x16xi32, #tpu.memory_space<vmem>>[vector<16xi32>, vector<16xi32>], vector<16xi32>,
      %gather3A_293 = tpu.vector_load_idx %arg9[%add3A_144, %min3A_260] : memref<512x16xi32, #tpu.memory_space<vmem>>[vector<16xi32>, vector<16xi32>], vector<16xi32>,
      %gather3A_294 = tpu.vector_load_idx %arg9[%add3A_147, %min3A_266] : memref<512x16xi32, #tpu.memory_space<vmem>>[vector<16xi32>, vector<16xi32>], vector<16xi32>,
      %gather3A_295 = tpu.vector_load_idx %arg9[%add3A_150, %min3A_272] : memref<512x16xi32, #tpu.memory_space<vmem>>[vector<16xi32>, vector<16xi32>], vector<16xi32>,
      %gather3A_296 = tpu.vector_load_idx %arg9[%add3A_153, %min3A_278] : memref<512x16xi32, #tpu.memory_space<vmem>>[vector<16xi32>, vector<16xi32>], vector<16xi32>,
      %gather3A_297 = tpu.vector_load_idx %arg9[%add3A_156, %min3A_284] : memref<512x16xi32, #tpu.memory_space<vmem>>[vector<16xi32>, vector<16xi32>], vector<16xi32>,
      %gather3A_298 = tpu.vector_load_idx %arg9[%add3A_159, %min3A_290] : memref<512x16xi32, #tpu.memory_space<vmem>>[vector<16xi32>, vector<16xi32>], vector<16xi32>,
      %lt3A_299 = arith.cmpi slt, %gather3A_291, %get3A_98 : vector<16xi32>
      %select_n3A_300 = arith.select %lt3A_299, %min3A_248, %select_n3A : vector<16xi1>, vector<16xi32>
      %lt3A_301 = arith.cmpi slt, %gather3A_292, %get3A_100 : vector<16xi32>
      %select_n3A_302 = arith.select %lt3A_301, %min3A_254, %select_n3A_230 : vector<16xi1>, vector<16xi32>
      %lt3A_303 = arith.cmpi slt, %gather3A_293, %get3A_102 : vector<16xi32>
      %select_n3A_304 = arith.select %lt3A_303, %min3A_260, %select_n3A_232 : vector<16xi1>, vector<16xi32>
      %lt3A_305 = arith.cmpi slt, %gather3A_294, %get3A_104 : vector<16xi32>
      %select_n3A_306 = arith.select %lt3A_305, %min3A_266, %select_n3A_234 : vector<16xi1>, vector<16xi32>
      %lt3A_307 = arith.cmpi slt, %gather3A_295, %get3A_106 : vector<16xi32>
      %select_n3A_308 = arith.select %lt3A_307, %min3A_272, %select_n3A_236 : vector<16xi1>, vector<16xi32>
      %lt3A_309 = arith.cmpi slt, %gather3A_296, %get3A_108 : vector<16xi32>
      %select_n3A_310 = arith.select %lt3A_309, %min3A_278, %select_n3A_238 : vector<16xi1>, vector<16xi32>
      %lt3A_311 = arith.cmpi slt, %gather3A_297, %get3A_110 : vector<16xi32>
      %select_n3A_312 = arith.select %lt3A_311, %min3A_284, %select_n3A_240 : vector<16xi1>, vector<16xi32>
      %lt3A_313 = arith.cmpi slt, %gather3A_298, %get3A_112 : vector<16xi32>
      %select_n3A_314 = arith.select %lt3A_313, %min3A_290, %select_n3A_242 : vector<16xi1>, vector<16xi32>
      %add3A_315 = arith.constant 4 : i32
      %add3A_316 = vector.broadcast %add3A_315 : i32 to vector<16xi32>
      %add3A_317 = arith.addi %select_n3A_300, %add3A_316 : vector<16xi32>
      %min3A_318 = arith.constant 15 : i32
      %min3A_319 = vector.broadcast %min3A_318 : i32 to vector<16xi32>
      %min3A_320 = arith.minsi %add3A_317, %min3A_319 : vector<16xi32>
      %add3A_321 = arith.constant 4 : i32
      %add3A_322 = vector.broadcast %add3A_321 : i32 to vector<16xi32>
      %add3A_323 = arith.addi %select_n3A_302, %add3A_322 : vector<16xi32>
      %min3A_324 = arith.constant 15 : i32
      %min3A_325 = vector.broadcast %min3A_324 : i32 to vector<16xi32>
      %min3A_326 = arith.minsi %add3A_323, %min3A_325 : vector<16xi32>
      %add3A_327 = arith.constant 4 : i32
      %add3A_328 = vector.broadcast %add3A_327 : i32 to vector<16xi32>
      %add3A_329 = arith.addi %select_n3A_304, %add3A_328 : vector<16xi32>
      %min3A_330 = arith.constant 15 : i32
      %min3A_331 = vector.broadcast %min3A_330 : i32 to vector<16xi32>
      %min3A_332 = arith.minsi %add3A_329, %min3A_331 : vector<16xi32>
      %add3A_333 = arith.constant 4 : i32
      %add3A_334 = vector.broadcast %add3A_333 : i32 to vector<16xi32>
      %add3A_335 = arith.addi %select_n3A_306, %add3A_334 : vector<16xi32>
      %min3A_336 = arith.constant 15 : i32
      %min3A_337 = vector.broadcast %min3A_336 : i32 to vector<16xi32>
      %min3A_338 = arith.minsi %add3A_335, %min3A_337 : vector<16xi32>
      %add3A_339 = arith.constant 4 : i32
      %add3A_340 = vector.broadcast %add3A_339 : i32 to vector<16xi32>
      %add3A_341 = arith.addi %select_n3A_308, %add3A_340 : vector<16xi32>
      %min3A_342 = arith.constant 15 : i32
      %min3A_343 = vector.broadcast %min3A_342 : i32 to vector<16xi32>
      %min3A_344 = arith.minsi %add3A_341, %min3A_343 : vector<16xi32>
      %add3A_345 = arith.constant 4 : i32
      %add3A_346 = vector.broadcast %add3A_345 : i32 to vector<16xi32>
      %add3A_347 = arith.addi %select_n3A_310, %add3A_346 : vector<16xi32>
      %min3A_348 = arith.constant 15 : i32
      %min3A_349 = vector.broadcast %min3A_348 : i32 to vector<16xi32>
      %min3A_350 = arith.minsi %add3A_347, %min3A_349 : vector<16xi32>
      %add3A_351 = arith.constant 4 : i32
      %add3A_352 = vector.broadcast %add3A_351 : i32 to vector<16xi32>
      %add3A_353 = arith.addi %select_n3A_312, %add3A_352 : vector<16xi32>
      %min3A_354 = arith.constant 15 : i32
      %min3A_355 = vector.broadcast %min3A_354 : i32 to vector<16xi32>
      %min3A_356 = arith.minsi %add3A_353, %min3A_355 : vector<16xi32>
      %add3A_357 = arith.constant 4 : i32
      %add3A_358 = vector.broadcast %add3A_357 : i32 to vector<16xi32>
      %add3A_359 = arith.addi %select_n3A_314, %add3A_358 : vector<16xi32>
      %min3A_360 = arith.constant 15 : i32
      %min3A_361 = vector.broadcast %min3A_360 : i32 to vector<16xi32>
      %min3A_362 = arith.minsi %add3A_359, %min3A_361 : vector<16xi32>
      %gather3A_363 = tpu.vector_load_idx %arg9[%add3A_138, %min3A_320] : memref<512x16xi32, #tpu.memory_space<vmem>>[vector<16xi32>, vector<16xi32>], vector<16xi32>,
      %gather3A_364 = tpu.vector_load_idx %arg9[%add3A_141, %min3A_326] : memref<512x16xi32, #tpu.memory_space<vmem>>[vector<16xi32>, vector<16xi32>], vector<16xi32>,
      %gather3A_365 = tpu.vector_load_idx %arg9[%add3A_144, %min3A_332] : memref<512x16xi32, #tpu.memory_space<vmem>>[vector<16xi32>, vector<16xi32>], vector<16xi32>,
      %gather3A_366 = tpu.vector_load_idx %arg9[%add3A_147, %min3A_338] : memref<512x16xi32, #tpu.memory_space<vmem>>[vector<16xi32>, vector<16xi32>], vector<16xi32>,
      %gather3A_367 = tpu.vector_load_idx %arg9[%add3A_150, %min3A_344] : memref<512x16xi32, #tpu.memory_space<vmem>>[vector<16xi32>, vector<16xi32>], vector<16xi32>,
      %gather3A_368 = tpu.vector_load_idx %arg9[%add3A_153, %min3A_350] : memref<512x16xi32, #tpu.memory_space<vmem>>[vector<16xi32>, vector<16xi32>], vector<16xi32>,
      %gather3A_369 = tpu.vector_load_idx %arg9[%add3A_156, %min3A_356] : memref<512x16xi32, #tpu.memory_space<vmem>>[vector<16xi32>, vector<16xi32>], vector<16xi32>,
      %gather3A_370 = tpu.vector_load_idx %arg9[%add3A_159, %min3A_362] : memref<512x16xi32, #tpu.memory_space<vmem>>[vector<16xi32>, vector<16xi32>], vector<16xi32>,
      %lt3A_371 = arith.cmpi slt, %gather3A_363, %get3A_98 : vector<16xi32>
      %select_n3A_372 = arith.select %lt3A_371, %min3A_320, %select_n3A_300 : vector<16xi1>, vector<16xi32>
      %lt3A_373 = arith.cmpi slt, %gather3A_364, %get3A_100 : vector<16xi32>
      %select_n3A_374 = arith.select %lt3A_373, %min3A_326, %select_n3A_302 : vector<16xi1>, vector<16xi32>
      %lt3A_375 = arith.cmpi slt, %gather3A_365, %get3A_102 : vector<16xi32>
      %select_n3A_376 = arith.select %lt3A_375, %min3A_332, %select_n3A_304 : vector<16xi1>, vector<16xi32>
      %lt3A_377 = arith.cmpi slt, %gather3A_366, %get3A_104 : vector<16xi32>
      %select_n3A_378 = arith.select %lt3A_377, %min3A_338, %select_n3A_306 : vector<16xi1>, vector<16xi32>
      %lt3A_379 = arith.cmpi slt, %gather3A_367, %get3A_106 : vector<16xi32>
      %select_n3A_380 = arith.select %lt3A_379, %min3A_344, %select_n3A_308 : vector<16xi1>, vector<16xi32>
      %lt3A_381 = arith.cmpi slt, %gather3A_368, %get3A_108 : vector<16xi32>
      %select_n3A_382 = arith.select %lt3A_381, %min3A_350, %select_n3A_310 : vector<16xi1>, vector<16xi32>
      %lt3A_383 = arith.cmpi slt, %gather3A_369, %get3A_110 : vector<16xi32>
      %select_n3A_384 = arith.select %lt3A_383, %min3A_356, %select_n3A_312 : vector<16xi1>, vector<16xi32>
      %lt3A_385 = arith.cmpi slt, %gather3A_370, %get3A_112 : vector<16xi32>
      %select_n3A_386 = arith.select %lt3A_385, %min3A_362, %select_n3A_314 : vector<16xi1>, vector<16xi32>
      %add3A_387 = arith.constant 2 : i32
      %add3A_388 = vector.broadcast %add3A_387 : i32 to vector<16xi32>
      %add3A_389 = arith.addi %select_n3A_372, %add3A_388 : vector<16xi32>
      %min3A_390 = arith.constant 15 : i32
      %min3A_391 = vector.broadcast %min3A_390 : i32 to vector<16xi32>
      %min3A_392 = arith.minsi %add3A_389, %min3A_391 : vector<16xi32>
      %add3A_393 = arith.constant 2 : i32
      %add3A_394 = vector.broadcast %add3A_393 : i32 to vector<16xi32>
      %add3A_395 = arith.addi %select_n3A_374, %add3A_394 : vector<16xi32>
      %min3A_396 = arith.constant 15 : i32
      %min3A_397 = vector.broadcast %min3A_396 : i32 to vector<16xi32>
      %min3A_398 = arith.minsi %add3A_395, %min3A_397 : vector<16xi32>
      %add3A_399 = arith.constant 2 : i32
      %add3A_400 = vector.broadcast %add3A_399 : i32 to vector<16xi32>
      %add3A_401 = arith.addi %select_n3A_376, %add3A_400 : vector<16xi32>
      %min3A_402 = arith.constant 15 : i32
      %min3A_403 = vector.broadcast %min3A_402 : i32 to vector<16xi32>
      %min3A_404 = arith.minsi %add3A_401, %min3A_403 : vector<16xi32>
      %add3A_405 = arith.constant 2 : i32
      %add3A_406 = vector.broadcast %add3A_405 : i32 to vector<16xi32>
      %add3A_407 = arith.addi %select_n3A_378, %add3A_406 : vector<16xi32>
      %min3A_408 = arith.constant 15 : i32
      %min3A_409 = vector.broadcast %min3A_408 : i32 to vector<16xi32>
      %min3A_410 = arith.minsi %add3A_407, %min3A_409 : vector<16xi32>
      %add3A_411 = arith.constant 2 : i32
      %add3A_412 = vector.broadcast %add3A_411 : i32 to vector<16xi32>
      %add3A_413 = arith.addi %select_n3A_380, %add3A_412 : vector<16xi32>
      %min3A_414 = arith.constant 15 : i32
      %min3A_415 = vector.broadcast %min3A_414 : i32 to vector<16xi32>
      %min3A_416 = arith.minsi %add3A_413, %min3A_415 : vector<16xi32>
      %add3A_417 = arith.constant 2 : i32
      %add3A_418 = vector.broadcast %add3A_417 : i32 to vector<16xi32>
      %add3A_419 = arith.addi %select_n3A_382, %add3A_418 : vector<16xi32>
      %min3A_420 = arith.constant 15 : i32
      %min3A_421 = vector.broadcast %min3A_420 : i32 to vector<16xi32>
      %min3A_422 = arith.minsi %add3A_419, %min3A_421 : vector<16xi32>
      %add3A_423 = arith.constant 2 : i32
      %add3A_424 = vector.broadcast %add3A_423 : i32 to vector<16xi32>
      %add3A_425 = arith.addi %select_n3A_384, %add3A_424 : vector<16xi32>
      %min3A_426 = arith.constant 15 : i32
      %min3A_427 = vector.broadcast %min3A_426 : i32 to vector<16xi32>
      %min3A_428 = arith.minsi %add3A_425, %min3A_427 : vector<16xi32>
      %add3A_429 = arith.constant 2 : i32
      %add3A_430 = vector.broadcast %add3A_429 : i32 to vector<16xi32>
      %add3A_431 = arith.addi %select_n3A_386, %add3A_430 : vector<16xi32>
      %min3A_432 = arith.constant 15 : i32
      %min3A_433 = vector.broadcast %min3A_432 : i32 to vector<16xi32>
      %min3A_434 = arith.minsi %add3A_431, %min3A_433 : vector<16xi32>
      %gather3A_435 = tpu.vector_load_idx %arg9[%add3A_138, %min3A_392] : memref<512x16xi32, #tpu.memory_space<vmem>>[vector<16xi32>, vector<16xi32>], vector<16xi32>,
      %gather3A_436 = tpu.vector_load_idx %arg9[%add3A_141, %min3A_398] : memref<512x16xi32, #tpu.memory_space<vmem>>[vector<16xi32>, vector<16xi32>], vector<16xi32>,
      %gather3A_437 = tpu.vector_load_idx %arg9[%add3A_144, %min3A_404] : memref<512x16xi32, #tpu.memory_space<vmem>>[vector<16xi32>, vector<16xi32>], vector<16xi32>,
      %gather3A_438 = tpu.vector_load_idx %arg9[%add3A_147, %min3A_410] : memref<512x16xi32, #tpu.memory_space<vmem>>[vector<16xi32>, vector<16xi32>], vector<16xi32>,
      %gather3A_439 = tpu.vector_load_idx %arg9[%add3A_150, %min3A_416] : memref<512x16xi32, #tpu.memory_space<vmem>>[vector<16xi32>, vector<16xi32>], vector<16xi32>,
      %gather3A_440 = tpu.vector_load_idx %arg9[%add3A_153, %min3A_422] : memref<512x16xi32, #tpu.memory_space<vmem>>[vector<16xi32>, vector<16xi32>], vector<16xi32>,
      %gather3A_441 = tpu.vector_load_idx %arg9[%add3A_156, %min3A_428] : memref<512x16xi32, #tpu.memory_space<vmem>>[vector<16xi32>, vector<16xi32>], vector<16xi32>,
      %gather3A_442 = tpu.vector_load_idx %arg9[%add3A_159, %min3A_434] : memref<512x16xi32, #tpu.memory_space<vmem>>[vector<16xi32>, vector<16xi32>], vector<16xi32>,
      %lt3A_443 = arith.cmpi slt, %gather3A_435, %get3A_98 : vector<16xi32>
      %select_n3A_444 = arith.select %lt3A_443, %min3A_392, %select_n3A_372 : vector<16xi1>, vector<16xi32>
      %lt3A_445 = arith.cmpi slt, %gather3A_436, %get3A_100 : vector<16xi32>
      %select_n3A_446 = arith.select %lt3A_445, %min3A_398, %select_n3A_374 : vector<16xi1>, vector<16xi32>
      %lt3A_447 = arith.cmpi slt, %gather3A_437, %get3A_102 : vector<16xi32>
      %select_n3A_448 = arith.select %lt3A_447, %min3A_404, %select_n3A_376 : vector<16xi1>, vector<16xi32>
      %lt3A_449 = arith.cmpi slt, %gather3A_438, %get3A_104 : vector<16xi32>
      %select_n3A_450 = arith.select %lt3A_449, %min3A_410, %select_n3A_378 : vector<16xi1>, vector<16xi32>
      %lt3A_451 = arith.cmpi slt, %gather3A_439, %get3A_106 : vector<16xi32>
      %select_n3A_452 = arith.select %lt3A_451, %min3A_416, %select_n3A_380 : vector<16xi1>, vector<16xi32>
      %lt3A_453 = arith.cmpi slt, %gather3A_440, %get3A_108 : vector<16xi32>
      %select_n3A_454 = arith.select %lt3A_453, %min3A_422, %select_n3A_382 : vector<16xi1>, vector<16xi32>
      %lt3A_455 = arith.cmpi slt, %gather3A_441, %get3A_110 : vector<16xi32>
      %select_n3A_456 = arith.select %lt3A_455, %min3A_428, %select_n3A_384 : vector<16xi1>, vector<16xi32>
      %lt3A_457 = arith.cmpi slt, %gather3A_442, %get3A_112 : vector<16xi32>
      %select_n3A_458 = arith.select %lt3A_457, %min3A_434, %select_n3A_386 : vector<16xi1>, vector<16xi32>
      %add3A_459 = arith.constant 1 : i32
      %add3A_460 = vector.broadcast %add3A_459 : i32 to vector<16xi32>
      %add3A_461 = arith.addi %select_n3A_444, %add3A_460 : vector<16xi32>
      %min3A_462 = arith.constant 15 : i32
      %min3A_463 = vector.broadcast %min3A_462 : i32 to vector<16xi32>
      %min3A_464 = arith.minsi %add3A_461, %min3A_463 : vector<16xi32>
      %add3A_465 = arith.constant 1 : i32
      %add3A_466 = vector.broadcast %add3A_465 : i32 to vector<16xi32>
      %add3A_467 = arith.addi %select_n3A_446, %add3A_466 : vector<16xi32>
      %min3A_468 = arith.constant 15 : i32
      %min3A_469 = vector.broadcast %min3A_468 : i32 to vector<16xi32>
      %min3A_470 = arith.minsi %add3A_467, %min3A_469 : vector<16xi32>
      %add3A_471 = arith.constant 1 : i32
      %add3A_472 = vector.broadcast %add3A_471 : i32 to vector<16xi32>
      %add3A_473 = arith.addi %select_n3A_448, %add3A_472 : vector<16xi32>
      %min3A_474 = arith.constant 15 : i32
      %min3A_475 = vector.broadcast %min3A_474 : i32 to vector<16xi32>
      %min3A_476 = arith.minsi %add3A_473, %min3A_475 : vector<16xi32>
      %add3A_477 = arith.constant 1 : i32
      %add3A_478 = vector.broadcast %add3A_477 : i32 to vector<16xi32>
      %add3A_479 = arith.addi %select_n3A_450, %add3A_478 : vector<16xi32>
      %min3A_480 = arith.constant 15 : i32
      %min3A_481 = vector.broadcast %min3A_480 : i32 to vector<16xi32>
      %min3A_482 = arith.minsi %add3A_479, %min3A_481 : vector<16xi32>
      %add3A_483 = arith.constant 1 : i32
      %add3A_484 = vector.broadcast %add3A_483 : i32 to vector<16xi32>
      %add3A_485 = arith.addi %select_n3A_452, %add3A_484 : vector<16xi32>
      %min3A_486 = arith.constant 15 : i32
      %min3A_487 = vector.broadcast %min3A_486 : i32 to vector<16xi32>
      %min3A_488 = arith.minsi %add3A_485, %min3A_487 : vector<16xi32>
      %add3A_489 = arith.constant 1 : i32
      %add3A_490 = vector.broadcast %add3A_489 : i32 to vector<16xi32>
      %add3A_491 = arith.addi %select_n3A_454, %add3A_490 : vector<16xi32>
      %min3A_492 = arith.constant 15 : i32
      %min3A_493 = vector.broadcast %min3A_492 : i32 to vector<16xi32>
      %min3A_494 = arith.minsi %add3A_491, %min3A_493 : vector<16xi32>
      %add3A_495 = arith.constant 1 : i32
      %add3A_496 = vector.broadcast %add3A_495 : i32 to vector<16xi32>
      %add3A_497 = arith.addi %select_n3A_456, %add3A_496 : vector<16xi32>
      %min3A_498 = arith.constant 15 : i32
      %min3A_499 = vector.broadcast %min3A_498 : i32 to vector<16xi32>
      %min3A_500 = arith.minsi %add3A_497, %min3A_499 : vector<16xi32>
      %add3A_501 = arith.constant 1 : i32
      %add3A_502 = vector.broadcast %add3A_501 : i32 to vector<16xi32>
      %add3A_503 = arith.addi %select_n3A_458, %add3A_502 : vector<16xi32>
      %min3A_504 = arith.constant 15 : i32
      %min3A_505 = vector.broadcast %min3A_504 : i32 to vector<16xi32>
      %min3A_506 = arith.minsi %add3A_503, %min3A_505 : vector<16xi32>
      %gather3A_507 = tpu.vector_load_idx %arg9[%add3A_138, %min3A_464] : memref<512x16xi32, #tpu.memory_space<vmem>>[vector<16xi32>, vector<16xi32>], vector<16xi32>,
      %gather3A_508 = tpu.vector_load_idx %arg9[%add3A_141, %min3A_470] : memref<512x16xi32, #tpu.memory_space<vmem>>[vector<16xi32>, vector<16xi32>], vector<16xi32>,
      %gather3A_509 = tpu.vector_load_idx %arg9[%add3A_144, %min3A_476] : memref<512x16xi32, #tpu.memory_space<vmem>>[vector<16xi32>, vector<16xi32>], vector<16xi32>,
      %gather3A_510 = tpu.vector_load_idx %arg9[%add3A_147, %min3A_482] : memref<512x16xi32, #tpu.memory_space<vmem>>[vector<16xi32>, vector<16xi32>], vector<16xi32>,
      %gather3A_511 = tpu.vector_load_idx %arg9[%add3A_150, %min3A_488] : memref<512x16xi32, #tpu.memory_space<vmem>>[vector<16xi32>, vector<16xi32>], vector<16xi32>,
      %gather3A_512 = tpu.vector_load_idx %arg9[%add3A_153, %min3A_494] : memref<512x16xi32, #tpu.memory_space<vmem>>[vector<16xi32>, vector<16xi32>], vector<16xi32>,
      %gather3A_513 = tpu.vector_load_idx %arg9[%add3A_156, %min3A_500] : memref<512x16xi32, #tpu.memory_space<vmem>>[vector<16xi32>, vector<16xi32>], vector<16xi32>,
      %gather3A_514 = tpu.vector_load_idx %arg9[%add3A_159, %min3A_506] : memref<512x16xi32, #tpu.memory_space<vmem>>[vector<16xi32>, vector<16xi32>], vector<16xi32>,
      %lt3A_515 = arith.cmpi slt, %gather3A_507, %get3A_98 : vector<16xi32>
      %select_n3A_516 = arith.select %lt3A_515, %min3A_464, %select_n3A_444 : vector<16xi1>, vector<16xi32>
      %lt3A_517 = arith.cmpi slt, %gather3A_508, %get3A_100 : vector<16xi32>
      %select_n3A_518 = arith.select %lt3A_517, %min3A_470, %select_n3A_446 : vector<16xi1>, vector<16xi32>
      %lt3A_519 = arith.cmpi slt, %gather3A_509, %get3A_102 : vector<16xi32>
      %select_n3A_520 = arith.select %lt3A_519, %min3A_476, %select_n3A_448 : vector<16xi1>, vector<16xi32>
      %lt3A_521 = arith.cmpi slt, %gather3A_510, %get3A_104 : vector<16xi32>
      %select_n3A_522 = arith.select %lt3A_521, %min3A_482, %select_n3A_450 : vector<16xi1>, vector<16xi32>
      %lt3A_523 = arith.cmpi slt, %gather3A_511, %get3A_106 : vector<16xi32>
      %select_n3A_524 = arith.select %lt3A_523, %min3A_488, %select_n3A_452 : vector<16xi1>, vector<16xi32>
      %lt3A_525 = arith.cmpi slt, %gather3A_512, %get3A_108 : vector<16xi32>
      %select_n3A_526 = arith.select %lt3A_525, %min3A_494, %select_n3A_454 : vector<16xi1>, vector<16xi32>
      %lt3A_527 = arith.cmpi slt, %gather3A_513, %get3A_110 : vector<16xi32>
      %select_n3A_528 = arith.select %lt3A_527, %min3A_500, %select_n3A_456 : vector<16xi1>, vector<16xi32>
      %lt3A_529 = arith.cmpi slt, %gather3A_514, %get3A_112 : vector<16xi32>
      %select_n3A_530 = arith.select %lt3A_529, %min3A_506, %select_n3A_458 : vector<16xi1>, vector<16xi32>
      %add3A_531 = arith.constant 1 : i32
      %add3A_532 = vector.broadcast %add3A_531 : i32 to vector<16xi32>
      %add3A_533 = arith.addi %select_n3A_516, %add3A_532 : vector<16xi32>
      %add3A_534 = arith.constant 1 : i32
      %add3A_535 = vector.broadcast %add3A_534 : i32 to vector<16xi32>
      %add3A_536 = arith.addi %select_n3A_518, %add3A_535 : vector<16xi32>
      %add3A_537 = arith.constant 1 : i32
      %add3A_538 = vector.broadcast %add3A_537 : i32 to vector<16xi32>
      %add3A_539 = arith.addi %select_n3A_520, %add3A_538 : vector<16xi32>
      %add3A_540 = arith.constant 1 : i32
      %add3A_541 = vector.broadcast %add3A_540 : i32 to vector<16xi32>
      %add3A_542 = arith.addi %select_n3A_522, %add3A_541 : vector<16xi32>
      %add3A_543 = arith.constant 1 : i32
      %add3A_544 = vector.broadcast %add3A_543 : i32 to vector<16xi32>
      %add3A_545 = arith.addi %select_n3A_524, %add3A_544 : vector<16xi32>
      %add3A_546 = arith.constant 1 : i32
      %add3A_547 = vector.broadcast %add3A_546 : i32 to vector<16xi32>
      %add3A_548 = arith.addi %select_n3A_526, %add3A_547 : vector<16xi32>
      %add3A_549 = arith.constant 1 : i32
      %add3A_550 = vector.broadcast %add3A_549 : i32 to vector<16xi32>
      %add3A_551 = arith.addi %select_n3A_528, %add3A_550 : vector<16xi32>
      %add3A_552 = arith.constant 1 : i32
      %add3A_553 = vector.broadcast %add3A_552 : i32 to vector<16xi32>
      %add3A_554 = arith.addi %select_n3A_530, %add3A_553 : vector<16xi32>
      %min3A_555 = arith.constant 15 : i32
      %min3A_556 = vector.broadcast %min3A_555 : i32 to vector<16xi32>
      %min3A_557 = arith.minsi %add3A_533, %min3A_556 : vector<16xi32>
      %gather3A_558 = tpu.vector_load_idx %arg9[%add3A_138, %min3A_557] : memref<512x16xi32, #tpu.memory_space<vmem>>[vector<16xi32>, vector<16xi32>], vector<16xi32>,
      %min3A_559 = arith.constant 15 : i32
      %min3A_560 = vector.broadcast %min3A_559 : i32 to vector<16xi32>
      %min3A_561 = arith.minsi %add3A_536, %min3A_560 : vector<16xi32>
      %gather3A_562 = tpu.vector_load_idx %arg9[%add3A_141, %min3A_561] : memref<512x16xi32, #tpu.memory_space<vmem>>[vector<16xi32>, vector<16xi32>], vector<16xi32>,
      %min3A_563 = arith.constant 15 : i32
      %min3A_564 = vector.broadcast %min3A_563 : i32 to vector<16xi32>
      %min3A_565 = arith.minsi %add3A_539, %min3A_564 : vector<16xi32>
      %gather3A_566 = tpu.vector_load_idx %arg9[%add3A_144, %min3A_565] : memref<512x16xi32, #tpu.memory_space<vmem>>[vector<16xi32>, vector<16xi32>], vector<16xi32>,
      %min3A_567 = arith.constant 15 : i32
      %min3A_568 = vector.broadcast %min3A_567 : i32 to vector<16xi32>
      %min3A_569 = arith.minsi %add3A_542, %min3A_568 : vector<16xi32>
      %gather3A_570 = tpu.vector_load_idx %arg9[%add3A_147, %min3A_569] : memref<512x16xi32, #tpu.memory_space<vmem>>[vector<16xi32>, vector<16xi32>], vector<16xi32>,
      %min3A_571 = arith.constant 15 : i32
      %min3A_572 = vector.broadcast %min3A_571 : i32 to vector<16xi32>
      %min3A_573 = arith.minsi %add3A_545, %min3A_572 : vector<16xi32>
      %gather3A_574 = tpu.vector_load_idx %arg9[%add3A_150, %min3A_573] : memref<512x16xi32, #tpu.memory_space<vmem>>[vector<16xi32>, vector<16xi32>], vector<16xi32>,
      %min3A_575 = arith.constant 15 : i32
      %min3A_576 = vector.broadcast %min3A_575 : i32 to vector<16xi32>
      %min3A_577 = arith.minsi %add3A_548, %min3A_576 : vector<16xi32>
      %gather3A_578 = tpu.vector_load_idx %arg9[%add3A_153, %min3A_577] : memref<512x16xi32, #tpu.memory_space<vmem>>[vector<16xi32>, vector<16xi32>], vector<16xi32>,
      %min3A_579 = arith.constant 15 : i32
      %min3A_580 = vector.broadcast %min3A_579 : i32 to vector<16xi32>
      %min3A_581 = arith.minsi %add3A_551, %min3A_580 : vector<16xi32>
      %gather3A_582 = tpu.vector_load_idx %arg9[%add3A_156, %min3A_581] : memref<512x16xi32, #tpu.memory_space<vmem>>[vector<16xi32>, vector<16xi32>], vector<16xi32>,
      %min3A_583 = arith.constant 15 : i32
      %min3A_584 = vector.broadcast %min3A_583 : i32 to vector<16xi32>
      %min3A_585 = arith.minsi %add3A_554, %min3A_584 : vector<16xi32>
      %gather3A_586 = tpu.vector_load_idx %arg9[%add3A_159, %min3A_585] : memref<512x16xi32, #tpu.memory_space<vmem>>[vector<16xi32>, vector<16xi32>], vector<16xi32>,
      %add3A_587 = arith.constant 1 : i32
      %add3A_588 = vector.broadcast %add3A_587 : i32 to vector<16xi32>
      %add3A_589 = arith.addi %get3A_115, %add3A_588 : vector<16xi32>
      %min3A_590 = arith.constant 6249 : i32
      %min3A_591 = vector.broadcast %min3A_590 : i32 to vector<16xi32>
      %min3A_592 = arith.minsi %add3A_589, %min3A_591 : vector<16xi32>
      %gather3A_593 = tpu.vector_load_idx %arg6[%min3A_592] : memref<6250xi32, #tpu.memory_space<vmem>>[vector<16xi32>], vector<16xi32>,
      %add3A_594 = arith.constant 1 : i32
      %add3A_595 = vector.broadcast %add3A_594 : i32 to vector<16xi32>
      %add3A_596 = arith.addi %get3A_118, %add3A_595 : vector<16xi32>
      %min3A_597 = arith.constant 6249 : i32
      %min3A_598 = vector.broadcast %min3A_597 : i32 to vector<16xi32>
      %min3A_599 = arith.minsi %add3A_596, %min3A_598 : vector<16xi32>
      %gather3A_600 = tpu.vector_load_idx %arg6[%min3A_599] : memref<6250xi32, #tpu.memory_space<vmem>>[vector<16xi32>], vector<16xi32>,
      %add3A_601 = arith.constant 1 : i32
      %add3A_602 = vector.broadcast %add3A_601 : i32 to vector<16xi32>
      %add3A_603 = arith.addi %get3A_121, %add3A_602 : vector<16xi32>
      %min3A_604 = arith.constant 6249 : i32
      %min3A_605 = vector.broadcast %min3A_604 : i32 to vector<16xi32>
      %min3A_606 = arith.minsi %add3A_603, %min3A_605 : vector<16xi32>
      %gather3A_607 = tpu.vector_load_idx %arg6[%min3A_606] : memref<6250xi32, #tpu.memory_space<vmem>>[vector<16xi32>], vector<16xi32>,
      %add3A_608 = arith.constant 1 : i32
      %add3A_609 = vector.broadcast %add3A_608 : i32 to vector<16xi32>
      %add3A_610 = arith.addi %get3A_124, %add3A_609 : vector<16xi32>
      %min3A_611 = arith.constant 6249 : i32
      %min3A_612 = vector.broadcast %min3A_611 : i32 to vector<16xi32>
      %min3A_613 = arith.minsi %add3A_610, %min3A_612 : vector<16xi32>
      %gather3A_614 = tpu.vector_load_idx %arg6[%min3A_613] : memref<6250xi32, #tpu.memory_space<vmem>>[vector<16xi32>], vector<16xi32>,
      %add3A_615 = arith.constant 1 : i32
      %add3A_616 = vector.broadcast %add3A_615 : i32 to vector<16xi32>
      %add3A_617 = arith.addi %get3A_127, %add3A_616 : vector<16xi32>
      %min3A_618 = arith.constant 6249 : i32
      %min3A_619 = vector.broadcast %min3A_618 : i32 to vector<16xi32>
      %min3A_620 = arith.minsi %add3A_617, %min3A_619 : vector<16xi32>
      %gather3A_621 = tpu.vector_load_idx %arg6[%min3A_620] : memref<6250xi32, #tpu.memory_space<vmem>>[vector<16xi32>], vector<16xi32>,
      %add3A_622 = arith.constant 1 : i32
      %add3A_623 = vector.broadcast %add3A_622 : i32 to vector<16xi32>
      %add3A_624 = arith.addi %get3A_130, %add3A_623 : vector<16xi32>
      %min3A_625 = arith.constant 6249 : i32
      %min3A_626 = vector.broadcast %min3A_625 : i32 to vector<16xi32>
      %min3A_627 = arith.minsi %add3A_624, %min3A_626 : vector<16xi32>
      %gather3A_628 = tpu.vector_load_idx %arg6[%min3A_627] : memref<6250xi32, #tpu.memory_space<vmem>>[vector<16xi32>], vector<16xi32>,
      %add3A_629 = arith.constant 1 : i32
      %add3A_630 = vector.broadcast %add3A_629 : i32 to vector<16xi32>
      %add3A_631 = arith.addi %get3A_133, %add3A_630 : vector<16xi32>
      %min3A_632 = arith.constant 6249 : i32
      %min3A_633 = vector.broadcast %min3A_632 : i32 to vector<16xi32>
      %min3A_634 = arith.minsi %add3A_631, %min3A_633 : vector<16xi32>
      %gather3A_635 = tpu.vector_load_idx %arg6[%min3A_634] : memref<6250xi32, #tpu.memory_space<vmem>>[vector<16xi32>], vector<16xi32>,
      %add3A_636 = arith.constant 1 : i32
      %add3A_637 = vector.broadcast %add3A_636 : i32 to vector<16xi32>
      %add3A_638 = arith.addi %get3A_136, %add3A_637 : vector<16xi32>
      %min3A_639 = arith.constant 6249 : i32
      %min3A_640 = vector.broadcast %min3A_639 : i32 to vector<16xi32>
      %min3A_641 = arith.minsi %add3A_638, %min3A_640 : vector<16xi32>
      %gather3A_642 = tpu.vector_load_idx %arg6[%min3A_641] : memref<6250xi32, #tpu.memory_space<vmem>>[vector<16xi32>], vector<16xi32>,
      %mul3A_643 = arith.constant 16 : i32
      %mul3A_644 = vector.broadcast %mul3A_643 : i32 to vector<16xi32>
      %mul3A_645 = arith.muli %get3A_115, %mul3A_644 : vector<16xi32>
      %add3A_646 = arith.addi %mul3A_645, %add3A_533 : vector<16xi32>
      %min3A_647 = arith.constant 99999 : i32
      %min3A_648 = vector.broadcast %min3A_647 : i32 to vector<16xi32>
      %min3A_649 = arith.minsi %add3A_646, %min3A_648 : vector<16xi32>
      %eq3A = arith.constant 16 : i32
      %eq3A_650 = vector.broadcast %eq3A : i32 to vector<16xi32>
      %eq3A_651 = arith.cmpi eq, %add3A_533, %eq3A_650 : vector<16xi32>
      %lt3A_652 = arith.constant 6249 : i32
      %lt3A_653 = vector.broadcast %lt3A_652 : i32 to vector<16xi32>
      %lt3A_654 = arith.cmpi slt, %get3A_115, %lt3A_653 : vector<16xi32>
      %and3A = arith.andi %eq3A_651, %lt3A_654 : vector<16xi1>
      %select_n3A_655 = arith.select %and3A, %gather3A_593, %gather3A_558 : vector<16xi1>, vector<16xi32>
      %eq3A_656 = arith.cmpi eq, %select_n3A_655, %get3A_98 : vector<16xi32>
      %add3A_657 = arith.constant 1 : i32
      %add3A_658 = vector.broadcast %add3A_657 : i32 to vector<16xi32>
      %add3A_659 = arith.addi %min3A_649, %add3A_658 : vector<16xi32>
      %jit3A = arith.constant 0 : i32
      %broadcast_in_dim3A_660 = vector.broadcast %jit3A : i32 to vector<16xi32>
      %select_n3A_661 = arith.select %eq3A_656, %add3A_659, %broadcast_in_dim3A_660 : vector<16xi1>, vector<16xi32>
      %swap3A = arith.index_cast %multiple_of3A : i32 to index
      %swap3A_662 = tpu.vector_load %arg10[%swap3A] {strides = array<i32>} : memref<512xi32, #tpu.memory_space<vmem>>, vector<16xi32>,
      tpu.vector_store %arg10[%swap3A], %select_n3A_661 {strides = array<i32>} : memref<512xi32, #tpu.memory_space<vmem>>, vector<16xi32>,
      %mul3A_663 = arith.constant 16 : i32
      %mul3A_664 = vector.broadcast %mul3A_663 : i32 to vector<16xi32>
      %mul3A_665 = arith.muli %get3A_118, %mul3A_664 : vector<16xi32>
      %add3A_666 = arith.addi %mul3A_665, %add3A_536 : vector<16xi32>
      %min3A_667 = arith.constant 99999 : i32
      %min3A_668 = vector.broadcast %min3A_667 : i32 to vector<16xi32>
      %min3A_669 = arith.minsi %add3A_666, %min3A_668 : vector<16xi32>
      %eq3A_670 = arith.constant 16 : i32
      %eq3A_671 = vector.broadcast %eq3A_670 : i32 to vector<16xi32>
      %eq3A_672 = arith.cmpi eq, %add3A_536, %eq3A_671 : vector<16xi32>
      %lt3A_673 = arith.constant 6249 : i32
      %lt3A_674 = vector.broadcast %lt3A_673 : i32 to vector<16xi32>
      %lt3A_675 = arith.cmpi slt, %get3A_118, %lt3A_674 : vector<16xi32>
      %and3A_676 = arith.andi %eq3A_672, %lt3A_675 : vector<16xi1>
      %select_n3A_677 = arith.select %and3A_676, %gather3A_600, %gather3A_562 : vector<16xi1>, vector<16xi32>
      %eq3A_678 = arith.cmpi eq, %select_n3A_677, %get3A_100 : vector<16xi32>
      %add3A_679 = arith.constant 1 : i32
      %add3A_680 = vector.broadcast %add3A_679 : i32 to vector<16xi32>
      %add3A_681 = arith.addi %min3A_669, %add3A_680 : vector<16xi32>
      %jit3A_682 = arith.constant 0 : i32
      %broadcast_in_dim3A_683 = vector.broadcast %jit3A_682 : i32 to vector<16xi32>
      %select_n3A_684 = arith.select %eq3A_678, %add3A_681, %broadcast_in_dim3A_683 : vector<16xi1>, vector<16xi32>
      %swap3A_685 = arith.index_cast %multiple_of3A_67 : i32 to index
      %swap3A_686 = tpu.vector_load %arg10[%swap3A_685] {strides = array<i32>} : memref<512xi32, #tpu.memory_space<vmem>>, vector<16xi32>,
      tpu.vector_store %arg10[%swap3A_685], %select_n3A_684 {strides = array<i32>} : memref<512xi32, #tpu.memory_space<vmem>>, vector<16xi32>,
      %mul3A_687 = arith.constant 16 : i32
      %mul3A_688 = vector.broadcast %mul3A_687 : i32 to vector<16xi32>
      %mul3A_689 = arith.muli %get3A_121, %mul3A_688 : vector<16xi32>
      %add3A_690 = arith.addi %mul3A_689, %add3A_539 : vector<16xi32>
      %min3A_691 = arith.constant 99999 : i32
      %min3A_692 = vector.broadcast %min3A_691 : i32 to vector<16xi32>
      %min3A_693 = arith.minsi %add3A_690, %min3A_692 : vector<16xi32>
      %eq3A_694 = arith.constant 16 : i32
      %eq3A_695 = vector.broadcast %eq3A_694 : i32 to vector<16xi32>
      %eq3A_696 = arith.cmpi eq, %add3A_539, %eq3A_695 : vector<16xi32>
      %lt3A_697 = arith.constant 6249 : i32
      %lt3A_698 = vector.broadcast %lt3A_697 : i32 to vector<16xi32>
      %lt3A_699 = arith.cmpi slt, %get3A_121, %lt3A_698 : vector<16xi32>
      %and3A_700 = arith.andi %eq3A_696, %lt3A_699 : vector<16xi1>
      %select_n3A_701 = arith.select %and3A_700, %gather3A_607, %gather3A_566 : vector<16xi1>, vector<16xi32>
      %eq3A_702 = arith.cmpi eq, %select_n3A_701, %get3A_102 : vector<16xi32>
      %add3A_703 = arith.constant 1 : i32
      %add3A_704 = vector.broadcast %add3A_703 : i32 to vector<16xi32>
      %add3A_705 = arith.addi %min3A_693, %add3A_704 : vector<16xi32>
      %jit3A_706 = arith.constant 0 : i32
      %broadcast_in_dim3A_707 = vector.broadcast %jit3A_706 : i32 to vector<16xi32>
      %select_n3A_708 = arith.select %eq3A_702, %add3A_705, %broadcast_in_dim3A_707 : vector<16xi1>, vector<16xi32>
      %swap3A_709 = arith.index_cast %multiple_of3A_72 : i32 to index
      %swap3A_710 = tpu.vector_load %arg10[%swap3A_709] {strides = array<i32>} : memref<512xi32, #tpu.memory_space<vmem>>, vector<16xi32>,
      tpu.vector_store %arg10[%swap3A_709], %select_n3A_708 {strides = array<i32>} : memref<512xi32, #tpu.memory_space<vmem>>, vector<16xi32>,
      %mul3A_711 = arith.constant 16 : i32
      %mul3A_712 = vector.broadcast %mul3A_711 : i32 to vector<16xi32>
      %mul3A_713 = arith.muli %get3A_124, %mul3A_712 : vector<16xi32>
      %add3A_714 = arith.addi %mul3A_713, %add3A_542 : vector<16xi32>
      %min3A_715 = arith.constant 99999 : i32
      %min3A_716 = vector.broadcast %min3A_715 : i32 to vector<16xi32>
      %min3A_717 = arith.minsi %add3A_714, %min3A_716 : vector<16xi32>
      %eq3A_718 = arith.constant 16 : i32
      %eq3A_719 = vector.broadcast %eq3A_718 : i32 to vector<16xi32>
      %eq3A_720 = arith.cmpi eq, %add3A_542, %eq3A_719 : vector<16xi32>
      %lt3A_721 = arith.constant 6249 : i32
      %lt3A_722 = vector.broadcast %lt3A_721 : i32 to vector<16xi32>
      %lt3A_723 = arith.cmpi slt, %get3A_124, %lt3A_722 : vector<16xi32>
      %and3A_724 = arith.andi %eq3A_720, %lt3A_723 : vector<16xi1>
      %select_n3A_725 = arith.select %and3A_724, %gather3A_614, %gather3A_570 : vector<16xi1>, vector<16xi32>
      %eq3A_726 = arith.cmpi eq, %select_n3A_725, %get3A_104 : vector<16xi32>
      %add3A_727 = arith.constant 1 : i32
      %add3A_728 = vector.broadcast %add3A_727 : i32 to vector<16xi32>
      %add3A_729 = arith.addi %min3A_717, %add3A_728 : vector<16xi32>
      %jit3A_730 = arith.constant 0 : i32
      %broadcast_in_dim3A_731 = vector.broadcast %jit3A_730 : i32 to vector<16xi32>
      %select_n3A_732 = arith.select %eq3A_726, %add3A_729, %broadcast_in_dim3A_731 : vector<16xi1>, vector<16xi32>
      %swap3A_733 = arith.index_cast %multiple_of3A_77 : i32 to index
      %swap3A_734 = tpu.vector_load %arg10[%swap3A_733] {strides = array<i32>} : memref<512xi32, #tpu.memory_space<vmem>>, vector<16xi32>,
      tpu.vector_store %arg10[%swap3A_733], %select_n3A_732 {strides = array<i32>} : memref<512xi32, #tpu.memory_space<vmem>>, vector<16xi32>,
      %mul3A_735 = arith.constant 16 : i32
      %mul3A_736 = vector.broadcast %mul3A_735 : i32 to vector<16xi32>
      %mul3A_737 = arith.muli %get3A_127, %mul3A_736 : vector<16xi32>
      %add3A_738 = arith.addi %mul3A_737, %add3A_545 : vector<16xi32>
      %min3A_739 = arith.constant 99999 : i32
      %min3A_740 = vector.broadcast %min3A_739 : i32 to vector<16xi32>
      %min3A_741 = arith.minsi %add3A_738, %min3A_740 : vector<16xi32>
      %eq3A_742 = arith.constant 16 : i32
      %eq3A_743 = vector.broadcast %eq3A_742 : i32 to vector<16xi32>
      %eq3A_744 = arith.cmpi eq, %add3A_545, %eq3A_743 : vector<16xi32>
      %lt3A_745 = arith.constant 6249 : i32
      %lt3A_746 = vector.broadcast %lt3A_745 : i32 to vector<16xi32>
      %lt3A_747 = arith.cmpi slt, %get3A_127, %lt3A_746 : vector<16xi32>
      %and3A_748 = arith.andi %eq3A_744, %lt3A_747 : vector<16xi1>
      %select_n3A_749 = arith.select %and3A_748, %gather3A_621, %gather3A_574 : vector<16xi1>, vector<16xi32>
      %eq3A_750 = arith.cmpi eq, %select_n3A_749, %get3A_106 : vector<16xi32>
      %add3A_751 = arith.constant 1 : i32
      %add3A_752 = vector.broadcast %add3A_751 : i32 to vector<16xi32>
      %add3A_753 = arith.addi %min3A_741, %add3A_752 : vector<16xi32>
      %jit3A_754 = arith.constant 0 : i32
      %broadcast_in_dim3A_755 = vector.broadcast %jit3A_754 : i32 to vector<16xi32>
      %select_n3A_756 = arith.select %eq3A_750, %add3A_753, %broadcast_in_dim3A_755 : vector<16xi1>, vector<16xi32>
      %swap3A_757 = arith.index_cast %multiple_of3A_82 : i32 to index
      %swap3A_758 = tpu.vector_load %arg10[%swap3A_757] {strides = array<i32>} : memref<512xi32, #tpu.memory_space<vmem>>, vector<16xi32>,
      tpu.vector_store %arg10[%swap3A_757], %select_n3A_756 {strides = array<i32>} : memref<512xi32, #tpu.memory_space<vmem>>, vector<16xi32>,
      %mul3A_759 = arith.constant 16 : i32
      %mul3A_760 = vector.broadcast %mul3A_759 : i32 to vector<16xi32>
      %mul3A_761 = arith.muli %get3A_130, %mul3A_760 : vector<16xi32>
      %add3A_762 = arith.addi %mul3A_761, %add3A_548 : vector<16xi32>
      %min3A_763 = arith.constant 99999 : i32
      %min3A_764 = vector.broadcast %min3A_763 : i32 to vector<16xi32>
      %min3A_765 = arith.minsi %add3A_762, %min3A_764 : vector<16xi32>
      %eq3A_766 = arith.constant 16 : i32
      %eq3A_767 = vector.broadcast %eq3A_766 : i32 to vector<16xi32>
      %eq3A_768 = arith.cmpi eq, %add3A_548, %eq3A_767 : vector<16xi32>
      %lt3A_769 = arith.constant 6249 : i32
      %lt3A_770 = vector.broadcast %lt3A_769 : i32 to vector<16xi32>
      %lt3A_771 = arith.cmpi slt, %get3A_130, %lt3A_770 : vector<16xi32>
      %and3A_772 = arith.andi %eq3A_768, %lt3A_771 : vector<16xi1>
      %select_n3A_773 = arith.select %and3A_772, %gather3A_628, %gather3A_578 : vector<16xi1>, vector<16xi32>
      %eq3A_774 = arith.cmpi eq, %select_n3A_773, %get3A_108 : vector<16xi32>
      %add3A_775 = arith.constant 1 : i32
      %add3A_776 = vector.broadcast %add3A_775 : i32 to vector<16xi32>
      %add3A_777 = arith.addi %min3A_765, %add3A_776 : vector<16xi32>
      %jit3A_778 = arith.constant 0 : i32
      %broadcast_in_dim3A_779 = vector.broadcast %jit3A_778 : i32 to vector<16xi32>
      %select_n3A_780 = arith.select %eq3A_774, %add3A_777, %broadcast_in_dim3A_779 : vector<16xi1>, vector<16xi32>
      %swap3A_781 = arith.index_cast %multiple_of3A_87 : i32 to index
      %swap3A_782 = tpu.vector_load %arg10[%swap3A_781] {strides = array<i32>} : memref<512xi32, #tpu.memory_space<vmem>>, vector<16xi32>,
      tpu.vector_store %arg10[%swap3A_781], %select_n3A_780 {strides = array<i32>} : memref<512xi32, #tpu.memory_space<vmem>>, vector<16xi32>,
      %mul3A_783 = arith.constant 16 : i32
      %mul3A_784 = vector.broadcast %mul3A_783 : i32 to vector<16xi32>
      %mul3A_785 = arith.muli %get3A_133, %mul3A_784 : vector<16xi32>
      %add3A_786 = arith.addi %mul3A_785, %add3A_551 : vector<16xi32>
      %min3A_787 = arith.constant 99999 : i32
      %min3A_788 = vector.broadcast %min3A_787 : i32 to vector<16xi32>
      %min3A_789 = arith.minsi %add3A_786, %min3A_788 : vector<16xi32>
      %eq3A_790 = arith.constant 16 : i32
      %eq3A_791 = vector.broadcast %eq3A_790 : i32 to vector<16xi32>
      %eq3A_792 = arith.cmpi eq, %add3A_551, %eq3A_791 : vector<16xi32>
      %lt3A_793 = arith.constant 6249 : i32
      %lt3A_794 = vector.broadcast %lt3A_793 : i32 to vector<16xi32>
      %lt3A_795 = arith.cmpi slt, %get3A_133, %lt3A_794 : vector<16xi32>
      %and3A_796 = arith.andi %eq3A_792, %lt3A_795 : vector<16xi1>
      %select_n3A_797 = arith.select %and3A_796, %gather3A_635, %gather3A_582 : vector<16xi1>, vector<16xi32>
      %eq3A_798 = arith.cmpi eq, %select_n3A_797, %get3A_110 : vector<16xi32>
      %add3A_799 = arith.constant 1 : i32
      %add3A_800 = vector.broadcast %add3A_799 : i32 to vector<16xi32>
      %add3A_801 = arith.addi %min3A_789, %add3A_800 : vector<16xi32>
      %jit3A_802 = arith.constant 0 : i32
      %broadcast_in_dim3A_803 = vector.broadcast %jit3A_802 : i32 to vector<16xi32>
      %select_n3A_804 = arith.select %eq3A_798, %add3A_801, %broadcast_in_dim3A_803 : vector<16xi1>, vector<16xi32>
      %swap3A_805 = arith.index_cast %multiple_of3A_92 : i32 to index
      %swap3A_806 = tpu.vector_load %arg10[%swap3A_805] {strides = array<i32>} : memref<512xi32, #tpu.memory_space<vmem>>, vector<16xi32>,
      tpu.vector_store %arg10[%swap3A_805], %select_n3A_804 {strides = array<i32>} : memref<512xi32, #tpu.memory_space<vmem>>, vector<16xi32>,
      %mul3A_807 = arith.constant 16 : i32
      %mul3A_808 = vector.broadcast %mul3A_807 : i32 to vector<16xi32>
      %mul3A_809 = arith.muli %get3A_136, %mul3A_808 : vector<16xi32>
      %add3A_810 = arith.addi %mul3A_809, %add3A_554 : vector<16xi32>
      %min3A_811 = arith.constant 99999 : i32
      %min3A_812 = vector.broadcast %min3A_811 : i32 to vector<16xi32>
      %min3A_813 = arith.minsi %add3A_810, %min3A_812 : vector<16xi32>
      %eq3A_814 = arith.constant 16 : i32
      %eq3A_815 = vector.broadcast %eq3A_814 : i32 to vector<16xi32>
      %eq3A_816 = arith.cmpi eq, %add3A_554, %eq3A_815 : vector<16xi32>
      %lt3A_817 = arith.constant 6249 : i32
      %lt3A_818 = vector.broadcast %lt3A_817 : i32 to vector<16xi32>
      %lt3A_819 = arith.cmpi slt, %get3A_136, %lt3A_818 : vector<16xi32>
      %and3A_820 = arith.andi %eq3A_816, %lt3A_819 : vector<16xi1>
      %select_n3A_821 = arith.select %and3A_820, %gather3A_642, %gather3A_586 : vector<16xi1>, vector<16xi32>
      %eq3A_822 = arith.cmpi eq, %select_n3A_821, %get3A_112 : vector<16xi32>
      %add3A_823 = arith.constant 1 : i32
      %add3A_824 = vector.broadcast %add3A_823 : i32 to vector<16xi32>
      %add3A_825 = arith.addi %min3A_813, %add3A_824 : vector<16xi32>
      %jit3A_826 = arith.constant 0 : i32
      %broadcast_in_dim3A_827 = vector.broadcast %jit3A_826 : i32 to vector<16xi32>
      %select_n3A_828 = arith.select %eq3A_822, %add3A_825, %broadcast_in_dim3A_827 : vector<16xi1>, vector<16xi32>
      %swap3A_829 = arith.index_cast %multiple_of3A_97 : i32 to index
      %swap3A_830 = tpu.vector_load %arg10[%swap3A_829] {strides = array<i32>} : memref<512xi32, #tpu.memory_space<vmem>>, vector<16xi32>,
      tpu.vector_store %arg10[%swap3A_829], %select_n3A_828 {strides = array<i32>} : memref<512xi32, #tpu.memory_space<vmem>>, vector<16xi32>,
    }
    %scan3A_53 = arith.constant 4 : i32
    "tpu.region"() ({
      %run_scoped3A = tpu.sem_alloc : memref<!tpu.dma_semaphore, #tpu.memory_space<semaphore_mem>>
      %dma_start3A_54 = tpu.memref_slice %arg5[%mul3A_2] : memref<16384xi32, #tpu.memory_space<hbm>> -> memref<512xi32, #tpu.memory_space<hbm>>
      %dma_start3A_55 = tpu.memref_slice %arg5[%mul3A_2] : memref<16384xi32, #tpu.memory_space<hbm>> -> memref<512xi32, #tpu.memory_space<hbm>>
      tpu.enqueue_dma source(%arg10 : memref<512xi32, #tpu.memory_space<vmem>>) target(%dma_start3A_55 : memref<512xi32, #tpu.memory_space<hbm>>) target_semaphore(%run_scoped3A : memref<!tpu.dma_semaphore, #tpu.memory_space<semaphore_mem>>)
      %dma_wait3A_56 = tpu.memref_slice %arg5[%mul3A_2] : memref<16384xi32, #tpu.memory_space<hbm>> -> memref<512xi32, #tpu.memory_space<hbm>>
      %dma_wait3A_57 = tpu.memref_slice %arg5[%mul3A_2] : memref<16384xi32, #tpu.memory_space<hbm>> -> memref<512xi32, #tpu.memory_space<hbm>>
      tpu.wait_dma2 semaphore(%run_scoped3A : memref<!tpu.dma_semaphore, #tpu.memory_space<semaphore_mem>>) src(%arg10 : memref<512xi32, #tpu.memory_space<vmem>>) dst(%dma_wait3A_57 : memref<512xi32, #tpu.memory_space<hbm>>)
      tpu.yield
    }) : () -> ()
    return
  }
}

module attributes {stable_mosaic.version = 14 : i64} {
  func.func @_tc_stats_body(%arg0: memref<128x128xf32, #tpu.memory_space<vmem>>, %arg1: memref<99xf32, #tpu.memory_space<smem>>, %arg2: memref<2xf32, #tpu.memory_space<smem>>, %arg3: memref<128x128xf32, #tpu.memory_space<vmem>>, %arg4: memref<128x128xi32, #tpu.memory_space<vmem>>, %arg5: memref<128x128xf32, #tpu.memory_space<vmem>>) attributes {dimension_semantics = [], scalar_prefetch = 0 : i64, scratch_operands = 0 : i64, tpu.core_type = #tpu.core_type<tc>} {
    %get3A = arith.constant 0 : index
    %get3A_0 = arith.constant 0 : index
    %get3A_1 = vector.load %arg0[%get3A, %get3A_0] : memref<128x128xf32, #tpu.memory_space<vmem>>, vector<128x128xf32>
    %bitcast_convert_type3A = tpu.bitcast %get3A_1 : vector<128x128xf32> -> vector<128x128xi32>
    %lt3A = arith.constant 0 : i32
    %lt3A_2 = vector.broadcast %lt3A : i32 to vector<128x128xi32>
    %lt3A_3 = arith.cmpi slt, %bitcast_convert_type3A, %lt3A_2 : vector<128x128xi32>
    %xor3A = arith.constant 2147483647 : i32
    %xor3A_4 = vector.broadcast %xor3A : i32 to vector<128x128xi32>
    %xor3A_5 = arith.xori %bitcast_convert_type3A, %xor3A_4 : vector<128x128xi32>
    %select_n3A = arith.select %lt3A_3, %xor3A_5, %bitcast_convert_type3A : vector<128x128xi1>, vector<128x128xi32>
    %reduce_min3A = vector.shape_cast %select_n3A : vector<128x128xi32> to vector<1x128x128xi32>
    %reduce_min3A_6 = arith.constant dense<2147483647> : vector<1xi32>
    %reduce_min3A_7 = vector.multi_reduction <minsi>, %reduce_min3A, %reduce_min3A_6 [1, 2] : vector<1x128x128xi32> to vector<1xi32>
    %reduce_min3A_8 = vector.shape_cast %reduce_min3A_7 : vector<1xi32> to vector<1x1x1xi32>
    %reduce_min3A_9 = vector.extract %reduce_min3A_8[0, 0, 0] : i32 from vector<1x1x1xi32>
    %or3A = arith.constant 0 : i32
    %or3A_10 = arith.constant -2147483648 : i32
    %or3A_11 = arith.ori %or3A, %or3A_10 : i32
    %or3A_12 = arith.constant 0 : i32
    %or3A_13 = arith.constant -2147483648 : i32
    %or3A_14 = arith.ori %or3A_12, %or3A_13 : i32
    %xor3A_15 = arith.constant -2147483648 : i32
    %xor3A_16 = arith.xori %or3A_11, %xor3A_15 : i32
    %xor3A_17 = arith.constant -2147483648 : i32
    %xor3A_18 = arith.xori %or3A_14, %xor3A_17 : i32
    %lt3A_19 = vector.broadcast %xor3A_16 : i32 to vector<128x128xi32>
    %lt3A_20 = arith.cmpi slt, %select_n3A, %lt3A_19 : vector<128x128xi32>
    %convert_element_type3A = arith.extui %lt3A_20 : vector<128x128xi1> to vector<128x128xi32>
    %lt3A_21 = vector.broadcast %xor3A_18 : i32 to vector<128x128xi32>
    %lt3A_22 = arith.cmpi slt, %select_n3A, %lt3A_21 : vector<128x128xi32>
    %convert_element_type3A_23 = arith.extui %lt3A_22 : vector<128x128xi1> to vector<128x128xi32>
    %shift_left3A = arith.constant 16 : i32
    %shift_left3A_24 = vector.broadcast %shift_left3A : i32 to vector<128x128xi32>
    %shift_left3A_25 = arith.shli %convert_element_type3A_23, %shift_left3A_24 : vector<128x128xi32>
    %add3A = arith.addi %convert_element_type3A, %shift_left3A_25 : vector<128x128xi32>
    %reduce_sum3A = vector.shape_cast %add3A : vector<128x128xi32> to vector<1x128x128xi32>
    %reduce_sum3A_26 = arith.constant dense<0> : vector<1xi32>
    %reduce_sum3A_27 = vector.multi_reduction <add>, %reduce_sum3A, %reduce_sum3A_26 [1, 2] : vector<1x128x128xi32> to vector<1xi32>
    %reduce_sum3A_28 = vector.shape_cast %reduce_sum3A_27 : vector<1xi32> to vector<1x1x1xi32>
    %reduce_sum3A_29 = vector.extract %reduce_sum3A_28[0, 0, 0] : i32 from vector<1x1x1xi32>
    %and3A = arith.constant 65535 : i32
    %and3A_30 = arith.andi %reduce_sum3A_29, %and3A : i32
    %shift_right_arithmetic3A = arith.constant 16 : i32
    %shift_right_arithmetic3A_31 = arith.shrsi %reduce_sum3A_29, %shift_right_arithmetic3A : i32
    %le3A = arith.constant 4095 : i32
    %le3A_32 = arith.cmpi sle, %and3A_30, %le3A : i32
    %jit3A = arith.constant 0 : i32
    %select_n3A_33 = arith.select %le3A_32, %or3A_11, %jit3A : i32
    %le3A_34 = arith.constant 12287 : i32
    %le3A_35 = arith.cmpi sle, %shift_right_arithmetic3A_31, %le3A_34 : i32
    %jit3A_36 = arith.constant 0 : i32
    %select_n3A_37 = arith.select %le3A_35, %or3A_14, %jit3A_36 : i32
    %or3A_38 = arith.constant 1073741824 : i32
    %or3A_39 = arith.ori %select_n3A_33, %or3A_38 : i32
    %or3A_40 = arith.constant 1073741824 : i32
    %or3A_41 = arith.ori %select_n3A_37, %or3A_40 : i32
    %xor3A_42 = arith.constant -2147483648 : i32
    %xor3A_43 = arith.xori %or3A_39, %xor3A_42 : i32
    %xor3A_44 = arith.constant -2147483648 : i32
    %xor3A_45 = arith.xori %or3A_41, %xor3A_44 : i32
    %lt3A_46 = vector.broadcast %xor3A_43 : i32 to vector<128x128xi32>
    %lt3A_47 = arith.cmpi slt, %select_n3A, %lt3A_46 : vector<128x128xi32>
    %convert_element_type3A_48 = arith.extui %lt3A_47 : vector<128x128xi1> to vector<128x128xi32>
    %lt3A_49 = vector.broadcast %xor3A_45 : i32 to vector<128x128xi32>
    %lt3A_50 = arith.cmpi slt, %select_n3A, %lt3A_49 : vector<128x128xi32>
    %convert_element_type3A_51 = arith.extui %lt3A_50 : vector<128x128xi1> to vector<128x128xi32>
    %shift_left3A_52 = arith.constant 16 : i32
    %shift_left3A_53 = vector.broadcast %shift_left3A_52 : i32 to vector<128x128xi32>
    %shift_left3A_54 = arith.shli %convert_element_type3A_51, %shift_left3A_53 : vector<128x128xi32>
    %add3A_55 = arith.addi %convert_element_type3A_48, %shift_left3A_54 : vector<128x128xi32>
    %reduce_sum3A_56 = vector.shape_cast %add3A_55 : vector<128x128xi32> to vector<1x128x128xi32>
    %reduce_sum3A_57 = arith.constant dense<0> : vector<1xi32>
    %reduce_sum3A_58 = vector.multi_reduction <add>, %reduce_sum3A_56, %reduce_sum3A_57 [1, 2] : vector<1x128x128xi32> to vector<1xi32>
    %reduce_sum3A_59 = vector.shape_cast %reduce_sum3A_58 : vector<1xi32> to vector<1x1x1xi32>
    %reduce_sum3A_60 = vector.extract %reduce_sum3A_59[0, 0, 0] : i32 from vector<1x1x1xi32>
    %and3A_61 = arith.constant 65535 : i32
    %and3A_62 = arith.andi %reduce_sum3A_60, %and3A_61 : i32
    %shift_right_arithmetic3A_63 = arith.constant 16 : i32
    %shift_right_arithmetic3A_64 = arith.shrsi %reduce_sum3A_60, %shift_right_arithmetic3A_63 : i32
    %le3A_65 = arith.constant 4095 : i32
    %le3A_66 = arith.cmpi sle, %and3A_62, %le3A_65 : i32
    %select_n3A_67 = arith.select %le3A_66, %or3A_39, %select_n3A_33 : i32
    %le3A_68 = arith.constant 12287 : i32
    %le3A_69 = arith.cmpi sle, %shift_right_arithmetic3A_64, %le3A_68 : i32
    %select_n3A_70 = arith.select %le3A_69, %or3A_41, %select_n3A_37 : i32
    %or3A_71 = arith.constant 536870912 : i32
    %or3A_72 = arith.ori %select_n3A_67, %or3A_71 : i32
    %or3A_73 = arith.constant 536870912 : i32
    %or3A_74 = arith.ori %select_n3A_70, %or3A_73 : i32
    %xor3A_75 = arith.constant -2147483648 : i32
    %xor3A_76 = arith.xori %or3A_72, %xor3A_75 : i32
    %xor3A_77 = arith.constant -2147483648 : i32
    %xor3A_78 = arith.xori %or3A_74, %xor3A_77 : i32
    %lt3A_79 = vector.broadcast %xor3A_76 : i32 to vector<128x128xi32>
    %lt3A_80 = arith.cmpi slt, %select_n3A, %lt3A_79 : vector<128x128xi32>
    %convert_element_type3A_81 = arith.extui %lt3A_80 : vector<128x128xi1> to vector<128x128xi32>
    %lt3A_82 = vector.broadcast %xor3A_78 : i32 to vector<128x128xi32>
    %lt3A_83 = arith.cmpi slt, %select_n3A, %lt3A_82 : vector<128x128xi32>
    %convert_element_type3A_84 = arith.extui %lt3A_83 : vector<128x128xi1> to vector<128x128xi32>
    %shift_left3A_85 = arith.constant 16 : i32
    %shift_left3A_86 = vector.broadcast %shift_left3A_85 : i32 to vector<128x128xi32>
    %shift_left3A_87 = arith.shli %convert_element_type3A_84, %shift_left3A_86 : vector<128x128xi32>
    %add3A_88 = arith.addi %convert_element_type3A_81, %shift_left3A_87 : vector<128x128xi32>
    %reduce_sum3A_89 = vector.shape_cast %add3A_88 : vector<128x128xi32> to vector<1x128x128xi32>
    %reduce_sum3A_90 = arith.constant dense<0> : vector<1xi32>
    %reduce_sum3A_91 = vector.multi_reduction <add>, %reduce_sum3A_89, %reduce_sum3A_90 [1, 2] : vector<1x128x128xi32> to vector<1xi32>
    %reduce_sum3A_92 = vector.shape_cast %reduce_sum3A_91 : vector<1xi32> to vector<1x1x1xi32>
    %reduce_sum3A_93 = vector.extract %reduce_sum3A_92[0, 0, 0] : i32 from vector<1x1x1xi32>
    %and3A_94 = arith.constant 65535 : i32
    %and3A_95 = arith.andi %reduce_sum3A_93, %and3A_94 : i32
    %shift_right_arithmetic3A_96 = arith.constant 16 : i32
    %shift_right_arithmetic3A_97 = arith.shrsi %reduce_sum3A_93, %shift_right_arithmetic3A_96 : i32
    %le3A_98 = arith.constant 4095 : i32
    %le3A_99 = arith.cmpi sle, %and3A_95, %le3A_98 : i32
    %select_n3A_100 = arith.select %le3A_99, %or3A_72, %select_n3A_67 : i32
    %le3A_101 = arith.constant 12287 : i32
    %le3A_102 = arith.cmpi sle, %shift_right_arithmetic3A_97, %le3A_101 : i32
    %select_n3A_103 = arith.select %le3A_102, %or3A_74, %select_n3A_70 : i32
    %or3A_104 = arith.constant 268435456 : i32
    %or3A_105 = arith.ori %select_n3A_100, %or3A_104 : i32
    %or3A_106 = arith.constant 268435456 : i32
    %or3A_107 = arith.ori %select_n3A_103, %or3A_106 : i32
    %xor3A_108 = arith.constant -2147483648 : i32
    %xor3A_109 = arith.xori %or3A_105, %xor3A_108 : i32
    %xor3A_110 = arith.constant -2147483648 : i32
    %xor3A_111 = arith.xori %or3A_107, %xor3A_110 : i32
    %lt3A_112 = vector.broadcast %xor3A_109 : i32 to vector<128x128xi32>
    %lt3A_113 = arith.cmpi slt, %select_n3A, %lt3A_112 : vector<128x128xi32>
    %convert_element_type3A_114 = arith.extui %lt3A_113 : vector<128x128xi1> to vector<128x128xi32>
    %lt3A_115 = vector.broadcast %xor3A_111 : i32 to vector<128x128xi32>
    %lt3A_116 = arith.cmpi slt, %select_n3A, %lt3A_115 : vector<128x128xi32>
    %convert_element_type3A_117 = arith.extui %lt3A_116 : vector<128x128xi1> to vector<128x128xi32>
    %shift_left3A_118 = arith.constant 16 : i32
    %shift_left3A_119 = vector.broadcast %shift_left3A_118 : i32 to vector<128x128xi32>
    %shift_left3A_120 = arith.shli %convert_element_type3A_117, %shift_left3A_119 : vector<128x128xi32>
    %add3A_121 = arith.addi %convert_element_type3A_114, %shift_left3A_120 : vector<128x128xi32>
    %reduce_sum3A_122 = vector.shape_cast %add3A_121 : vector<128x128xi32> to vector<1x128x128xi32>
    %reduce_sum3A_123 = arith.constant dense<0> : vector<1xi32>
    %reduce_sum3A_124 = vector.multi_reduction <add>, %reduce_sum3A_122, %reduce_sum3A_123 [1, 2] : vector<1x128x128xi32> to vector<1xi32>
    %reduce_sum3A_125 = vector.shape_cast %reduce_sum3A_124 : vector<1xi32> to vector<1x1x1xi32>
    %reduce_sum3A_126 = vector.extract %reduce_sum3A_125[0, 0, 0] : i32 from vector<1x1x1xi32>
    %and3A_127 = arith.constant 65535 : i32
    %and3A_128 = arith.andi %reduce_sum3A_126, %and3A_127 : i32
    %shift_right_arithmetic3A_129 = arith.constant 16 : i32
    %shift_right_arithmetic3A_130 = arith.shrsi %reduce_sum3A_126, %shift_right_arithmetic3A_129 : i32
    %le3A_131 = arith.constant 4095 : i32
    %le3A_132 = arith.cmpi sle, %and3A_128, %le3A_131 : i32
    %select_n3A_133 = arith.select %le3A_132, %or3A_105, %select_n3A_100 : i32
    %le3A_134 = arith.constant 12287 : i32
    %le3A_135 = arith.cmpi sle, %shift_right_arithmetic3A_130, %le3A_134 : i32
    %select_n3A_136 = arith.select %le3A_135, %or3A_107, %select_n3A_103 : i32
    %or3A_137 = arith.constant 134217728 : i32
    %or3A_138 = arith.ori %select_n3A_133, %or3A_137 : i32
    %or3A_139 = arith.constant 134217728 : i32
    %or3A_140 = arith.ori %select_n3A_136, %or3A_139 : i32
    %xor3A_141 = arith.constant -2147483648 : i32
    %xor3A_142 = arith.xori %or3A_138, %xor3A_141 : i32
    %xor3A_143 = arith.constant -2147483648 : i32
    %xor3A_144 = arith.xori %or3A_140, %xor3A_143 : i32
    %lt3A_145 = vector.broadcast %xor3A_142 : i32 to vector<128x128xi32>
    %lt3A_146 = arith.cmpi slt, %select_n3A, %lt3A_145 : vector<128x128xi32>
    %convert_element_type3A_147 = arith.extui %lt3A_146 : vector<128x128xi1> to vector<128x128xi32>
    %lt3A_148 = vector.broadcast %xor3A_144 : i32 to vector<128x128xi32>
    %lt3A_149 = arith.cmpi slt, %select_n3A, %lt3A_148 : vector<128x128xi32>
    %convert_element_type3A_150 = arith.extui %lt3A_149 : vector<128x128xi1> to vector<128x128xi32>
    %shift_left3A_151 = arith.constant 16 : i32
    %shift_left3A_152 = vector.broadcast %shift_left3A_151 : i32 to vector<128x128xi32>
    %shift_left3A_153 = arith.shli %convert_element_type3A_150, %shift_left3A_152 : vector<128x128xi32>
    %add3A_154 = arith.addi %convert_element_type3A_147, %shift_left3A_153 : vector<128x128xi32>
    %reduce_sum3A_155 = vector.shape_cast %add3A_154 : vector<128x128xi32> to vector<1x128x128xi32>
    %reduce_sum3A_156 = arith.constant dense<0> : vector<1xi32>
    %reduce_sum3A_157 = vector.multi_reduction <add>, %reduce_sum3A_155, %reduce_sum3A_156 [1, 2] : vector<1x128x128xi32> to vector<1xi32>
    %reduce_sum3A_158 = vector.shape_cast %reduce_sum3A_157 : vector<1xi32> to vector<1x1x1xi32>
    %reduce_sum3A_159 = vector.extract %reduce_sum3A_158[0, 0, 0] : i32 from vector<1x1x1xi32>
    %and3A_160 = arith.constant 65535 : i32
    %and3A_161 = arith.andi %reduce_sum3A_159, %and3A_160 : i32
    %shift_right_arithmetic3A_162 = arith.constant 16 : i32
    %shift_right_arithmetic3A_163 = arith.shrsi %reduce_sum3A_159, %shift_right_arithmetic3A_162 : i32
    %le3A_164 = arith.constant 4095 : i32
    %le3A_165 = arith.cmpi sle, %and3A_161, %le3A_164 : i32
    %select_n3A_166 = arith.select %le3A_165, %or3A_138, %select_n3A_133 : i32
    %le3A_167 = arith.constant 12287 : i32
    %le3A_168 = arith.cmpi sle, %shift_right_arithmetic3A_163, %le3A_167 : i32
    %select_n3A_169 = arith.select %le3A_168, %or3A_140, %select_n3A_136 : i32
    %or3A_170 = arith.constant 67108864 : i32
    %or3A_171 = arith.ori %select_n3A_166, %or3A_170 : i32
    %or3A_172 = arith.constant 67108864 : i32
    %or3A_173 = arith.ori %select_n3A_169, %or3A_172 : i32
    %xor3A_174 = arith.constant -2147483648 : i32
    %xor3A_175 = arith.xori %or3A_171, %xor3A_174 : i32
    %xor3A_176 = arith.constant -2147483648 : i32
    %xor3A_177 = arith.xori %or3A_173, %xor3A_176 : i32
    %lt3A_178 = vector.broadcast %xor3A_175 : i32 to vector<128x128xi32>
    %lt3A_179 = arith.cmpi slt, %select_n3A, %lt3A_178 : vector<128x128xi32>
    %convert_element_type3A_180 = arith.extui %lt3A_179 : vector<128x128xi1> to vector<128x128xi32>
    %lt3A_181 = vector.broadcast %xor3A_177 : i32 to vector<128x128xi32>
    %lt3A_182 = arith.cmpi slt, %select_n3A, %lt3A_181 : vector<128x128xi32>
    %convert_element_type3A_183 = arith.extui %lt3A_182 : vector<128x128xi1> to vector<128x128xi32>
    %shift_left3A_184 = arith.constant 16 : i32
    %shift_left3A_185 = vector.broadcast %shift_left3A_184 : i32 to vector<128x128xi32>
    %shift_left3A_186 = arith.shli %convert_element_type3A_183, %shift_left3A_185 : vector<128x128xi32>
    %add3A_187 = arith.addi %convert_element_type3A_180, %shift_left3A_186 : vector<128x128xi32>
    %reduce_sum3A_188 = vector.shape_cast %add3A_187 : vector<128x128xi32> to vector<1x128x128xi32>
    %reduce_sum3A_189 = arith.constant dense<0> : vector<1xi32>
    %reduce_sum3A_190 = vector.multi_reduction <add>, %reduce_sum3A_188, %reduce_sum3A_189 [1, 2] : vector<1x128x128xi32> to vector<1xi32>
    %reduce_sum3A_191 = vector.shape_cast %reduce_sum3A_190 : vector<1xi32> to vector<1x1x1xi32>
    %reduce_sum3A_192 = vector.extract %reduce_sum3A_191[0, 0, 0] : i32 from vector<1x1x1xi32>
    %and3A_193 = arith.constant 65535 : i32
    %and3A_194 = arith.andi %reduce_sum3A_192, %and3A_193 : i32
    %shift_right_arithmetic3A_195 = arith.constant 16 : i32
    %shift_right_arithmetic3A_196 = arith.shrsi %reduce_sum3A_192, %shift_right_arithmetic3A_195 : i32
    %le3A_197 = arith.constant 4095 : i32
    %le3A_198 = arith.cmpi sle, %and3A_194, %le3A_197 : i32
    %select_n3A_199 = arith.select %le3A_198, %or3A_171, %select_n3A_166 : i32
    %le3A_200 = arith.constant 12287 : i32
    %le3A_201 = arith.cmpi sle, %shift_right_arithmetic3A_196, %le3A_200 : i32
    %select_n3A_202 = arith.select %le3A_201, %or3A_173, %select_n3A_169 : i32
    %or3A_203 = arith.constant 33554432 : i32
    %or3A_204 = arith.ori %select_n3A_199, %or3A_203 : i32
    %or3A_205 = arith.constant 33554432 : i32
    %or3A_206 = arith.ori %select_n3A_202, %or3A_205 : i32
    %xor3A_207 = arith.constant -2147483648 : i32
    %xor3A_208 = arith.xori %or3A_204, %xor3A_207 : i32
    %xor3A_209 = arith.constant -2147483648 : i32
    %xor3A_210 = arith.xori %or3A_206, %xor3A_209 : i32
    %lt3A_211 = vector.broadcast %xor3A_208 : i32 to vector<128x128xi32>
    %lt3A_212 = arith.cmpi slt, %select_n3A, %lt3A_211 : vector<128x128xi32>
    %convert_element_type3A_213 = arith.extui %lt3A_212 : vector<128x128xi1> to vector<128x128xi32>
    %lt3A_214 = vector.broadcast %xor3A_210 : i32 to vector<128x128xi32>
    %lt3A_215 = arith.cmpi slt, %select_n3A, %lt3A_214 : vector<128x128xi32>
    %convert_element_type3A_216 = arith.extui %lt3A_215 : vector<128x128xi1> to vector<128x128xi32>
    %shift_left3A_217 = arith.constant 16 : i32
    %shift_left3A_218 = vector.broadcast %shift_left3A_217 : i32 to vector<128x128xi32>
    %shift_left3A_219 = arith.shli %convert_element_type3A_216, %shift_left3A_218 : vector<128x128xi32>
    %add3A_220 = arith.addi %convert_element_type3A_213, %shift_left3A_219 : vector<128x128xi32>
    %reduce_sum3A_221 = vector.shape_cast %add3A_220 : vector<128x128xi32> to vector<1x128x128xi32>
    %reduce_sum3A_222 = arith.constant dense<0> : vector<1xi32>
    %reduce_sum3A_223 = vector.multi_reduction <add>, %reduce_sum3A_221, %reduce_sum3A_222 [1, 2] : vector<1x128x128xi32> to vector<1xi32>
    %reduce_sum3A_224 = vector.shape_cast %reduce_sum3A_223 : vector<1xi32> to vector<1x1x1xi32>
    %reduce_sum3A_225 = vector.extract %reduce_sum3A_224[0, 0, 0] : i32 from vector<1x1x1xi32>
    %and3A_226 = arith.constant 65535 : i32
    %and3A_227 = arith.andi %reduce_sum3A_225, %and3A_226 : i32
    %shift_right_arithmetic3A_228 = arith.constant 16 : i32
    %shift_right_arithmetic3A_229 = arith.shrsi %reduce_sum3A_225, %shift_right_arithmetic3A_228 : i32
    %le3A_230 = arith.constant 4095 : i32
    %le3A_231 = arith.cmpi sle, %and3A_227, %le3A_230 : i32
    %select_n3A_232 = arith.select %le3A_231, %or3A_204, %select_n3A_199 : i32
    %le3A_233 = arith.constant 12287 : i32
    %le3A_234 = arith.cmpi sle, %shift_right_arithmetic3A_229, %le3A_233 : i32
    %select_n3A_235 = arith.select %le3A_234, %or3A_206, %select_n3A_202 : i32
    %or3A_236 = arith.constant 16777216 : i32
    %or3A_237 = arith.ori %select_n3A_232, %or3A_236 : i32
    %or3A_238 = arith.constant 16777216 : i32
    %or3A_239 = arith.ori %select_n3A_235, %or3A_238 : i32
    %xor3A_240 = arith.constant -2147483648 : i32
    %xor3A_241 = arith.xori %or3A_237, %xor3A_240 : i32
    %xor3A_242 = arith.constant -2147483648 : i32
    %xor3A_243 = arith.xori %or3A_239, %xor3A_242 : i32
    %lt3A_244 = vector.broadcast %xor3A_241 : i32 to vector<128x128xi32>
    %lt3A_245 = arith.cmpi slt, %select_n3A, %lt3A_244 : vector<128x128xi32>
    %convert_element_type3A_246 = arith.extui %lt3A_245 : vector<128x128xi1> to vector<128x128xi32>
    %lt3A_247 = vector.broadcast %xor3A_243 : i32 to vector<128x128xi32>
    %lt3A_248 = arith.cmpi slt, %select_n3A, %lt3A_247 : vector<128x128xi32>
    %convert_element_type3A_249 = arith.extui %lt3A_248 : vector<128x128xi1> to vector<128x128xi32>
    %shift_left3A_250 = arith.constant 16 : i32
    %shift_left3A_251 = vector.broadcast %shift_left3A_250 : i32 to vector<128x128xi32>
    %shift_left3A_252 = arith.shli %convert_element_type3A_249, %shift_left3A_251 : vector<128x128xi32>
    %add3A_253 = arith.addi %convert_element_type3A_246, %shift_left3A_252 : vector<128x128xi32>
    %reduce_sum3A_254 = vector.shape_cast %add3A_253 : vector<128x128xi32> to vector<1x128x128xi32>
    %reduce_sum3A_255 = arith.constant dense<0> : vector<1xi32>
    %reduce_sum3A_256 = vector.multi_reduction <add>, %reduce_sum3A_254, %reduce_sum3A_255 [1, 2] : vector<1x128x128xi32> to vector<1xi32>
    %reduce_sum3A_257 = vector.shape_cast %reduce_sum3A_256 : vector<1xi32> to vector<1x1x1xi32>
    %reduce_sum3A_258 = vector.extract %reduce_sum3A_257[0, 0, 0] : i32 from vector<1x1x1xi32>
    %and3A_259 = arith.constant 65535 : i32
    %and3A_260 = arith.andi %reduce_sum3A_258, %and3A_259 : i32
    %shift_right_arithmetic3A_261 = arith.constant 16 : i32
    %shift_right_arithmetic3A_262 = arith.shrsi %reduce_sum3A_258, %shift_right_arithmetic3A_261 : i32
    %le3A_263 = arith.constant 4095 : i32
    %le3A_264 = arith.cmpi sle, %and3A_260, %le3A_263 : i32
    %select_n3A_265 = arith.select %le3A_264, %or3A_237, %select_n3A_232 : i32
    %le3A_266 = arith.constant 12287 : i32
    %le3A_267 = arith.cmpi sle, %shift_right_arithmetic3A_262, %le3A_266 : i32
    %select_n3A_268 = arith.select %le3A_267, %or3A_239, %select_n3A_235 : i32
    %or3A_269 = arith.constant 8388608 : i32
    %or3A_270 = arith.ori %select_n3A_265, %or3A_269 : i32
    %or3A_271 = arith.constant 8388608 : i32
    %or3A_272 = arith.ori %select_n3A_268, %or3A_271 : i32
    %xor3A_273 = arith.constant -2147483648 : i32
    %xor3A_274 = arith.xori %or3A_270, %xor3A_273 : i32
    %xor3A_275 = arith.constant -2147483648 : i32
    %xor3A_276 = arith.xori %or3A_272, %xor3A_275 : i32
    %lt3A_277 = vector.broadcast %xor3A_274 : i32 to vector<128x128xi32>
    %lt3A_278 = arith.cmpi slt, %select_n3A, %lt3A_277 : vector<128x128xi32>
    %convert_element_type3A_279 = arith.extui %lt3A_278 : vector<128x128xi1> to vector<128x128xi32>
    %lt3A_280 = vector.broadcast %xor3A_276 : i32 to vector<128x128xi32>
    %lt3A_281 = arith.cmpi slt, %select_n3A, %lt3A_280 : vector<128x128xi32>
    %convert_element_type3A_282 = arith.extui %lt3A_281 : vector<128x128xi1> to vector<128x128xi32>
    %shift_left3A_283 = arith.constant 16 : i32
    %shift_left3A_284 = vector.broadcast %shift_left3A_283 : i32 to vector<128x128xi32>
    %shift_left3A_285 = arith.shli %convert_element_type3A_282, %shift_left3A_284 : vector<128x128xi32>
    %add3A_286 = arith.addi %convert_element_type3A_279, %shift_left3A_285 : vector<128x128xi32>
    %reduce_sum3A_287 = vector.shape_cast %add3A_286 : vector<128x128xi32> to vector<1x128x128xi32>
    %reduce_sum3A_288 = arith.constant dense<0> : vector<1xi32>
    %reduce_sum3A_289 = vector.multi_reduction <add>, %reduce_sum3A_287, %reduce_sum3A_288 [1, 2] : vector<1x128x128xi32> to vector<1xi32>
    %reduce_sum3A_290 = vector.shape_cast %reduce_sum3A_289 : vector<1xi32> to vector<1x1x1xi32>
    %reduce_sum3A_291 = vector.extract %reduce_sum3A_290[0, 0, 0] : i32 from vector<1x1x1xi32>
    %and3A_292 = arith.constant 65535 : i32
    %and3A_293 = arith.andi %reduce_sum3A_291, %and3A_292 : i32
    %shift_right_arithmetic3A_294 = arith.constant 16 : i32
    %shift_right_arithmetic3A_295 = arith.shrsi %reduce_sum3A_291, %shift_right_arithmetic3A_294 : i32
    %le3A_296 = arith.constant 4095 : i32
    %le3A_297 = arith.cmpi sle, %and3A_293, %le3A_296 : i32
    %select_n3A_298 = arith.select %le3A_297, %or3A_270, %select_n3A_265 : i32
    %le3A_299 = arith.constant 12287 : i32
    %le3A_300 = arith.cmpi sle, %shift_right_arithmetic3A_295, %le3A_299 : i32
    %select_n3A_301 = arith.select %le3A_300, %or3A_272, %select_n3A_268 : i32
    %or3A_302 = arith.constant 4194304 : i32
    %or3A_303 = arith.ori %select_n3A_298, %or3A_302 : i32
    %or3A_304 = arith.constant 4194304 : i32
    %or3A_305 = arith.ori %select_n3A_301, %or3A_304 : i32
    %xor3A_306 = arith.constant -2147483648 : i32
    %xor3A_307 = arith.xori %or3A_303, %xor3A_306 : i32
    %xor3A_308 = arith.constant -2147483648 : i32
    %xor3A_309 = arith.xori %or3A_305, %xor3A_308 : i32
    %lt3A_310 = vector.broadcast %xor3A_307 : i32 to vector<128x128xi32>
    %lt3A_311 = arith.cmpi slt, %select_n3A, %lt3A_310 : vector<128x128xi32>
    %convert_element_type3A_312 = arith.extui %lt3A_311 : vector<128x128xi1> to vector<128x128xi32>
    %lt3A_313 = vector.broadcast %xor3A_309 : i32 to vector<128x128xi32>
    %lt3A_314 = arith.cmpi slt, %select_n3A, %lt3A_313 : vector<128x128xi32>
    %convert_element_type3A_315 = arith.extui %lt3A_314 : vector<128x128xi1> to vector<128x128xi32>
    %shift_left3A_316 = arith.constant 16 : i32
    %shift_left3A_317 = vector.broadcast %shift_left3A_316 : i32 to vector<128x128xi32>
    %shift_left3A_318 = arith.shli %convert_element_type3A_315, %shift_left3A_317 : vector<128x128xi32>
    %add3A_319 = arith.addi %convert_element_type3A_312, %shift_left3A_318 : vector<128x128xi32>
    %reduce_sum3A_320 = vector.shape_cast %add3A_319 : vector<128x128xi32> to vector<1x128x128xi32>
    %reduce_sum3A_321 = arith.constant dense<0> : vector<1xi32>
    %reduce_sum3A_322 = vector.multi_reduction <add>, %reduce_sum3A_320, %reduce_sum3A_321 [1, 2] : vector<1x128x128xi32> to vector<1xi32>
    %reduce_sum3A_323 = vector.shape_cast %reduce_sum3A_322 : vector<1xi32> to vector<1x1x1xi32>
    %reduce_sum3A_324 = vector.extract %reduce_sum3A_323[0, 0, 0] : i32 from vector<1x1x1xi32>
    %and3A_325 = arith.constant 65535 : i32
    %and3A_326 = arith.andi %reduce_sum3A_324, %and3A_325 : i32
    %shift_right_arithmetic3A_327 = arith.constant 16 : i32
    %shift_right_arithmetic3A_328 = arith.shrsi %reduce_sum3A_324, %shift_right_arithmetic3A_327 : i32
    %le3A_329 = arith.constant 4095 : i32
    %le3A_330 = arith.cmpi sle, %and3A_326, %le3A_329 : i32
    %select_n3A_331 = arith.select %le3A_330, %or3A_303, %select_n3A_298 : i32
    %le3A_332 = arith.constant 12287 : i32
    %le3A_333 = arith.cmpi sle, %shift_right_arithmetic3A_328, %le3A_332 : i32
    %select_n3A_334 = arith.select %le3A_333, %or3A_305, %select_n3A_301 : i32
    %or3A_335 = arith.constant 2097152 : i32
    %or3A_336 = arith.ori %select_n3A_331, %or3A_335 : i32
    %or3A_337 = arith.constant 2097152 : i32
    %or3A_338 = arith.ori %select_n3A_334, %or3A_337 : i32
    %xor3A_339 = arith.constant -2147483648 : i32
    %xor3A_340 = arith.xori %or3A_336, %xor3A_339 : i32
    %xor3A_341 = arith.constant -2147483648 : i32
    %xor3A_342 = arith.xori %or3A_338, %xor3A_341 : i32
    %lt3A_343 = vector.broadcast %xor3A_340 : i32 to vector<128x128xi32>
    %lt3A_344 = arith.cmpi slt, %select_n3A, %lt3A_343 : vector<128x128xi32>
    %convert_element_type3A_345 = arith.extui %lt3A_344 : vector<128x128xi1> to vector<128x128xi32>
    %lt3A_346 = vector.broadcast %xor3A_342 : i32 to vector<128x128xi32>
    %lt3A_347 = arith.cmpi slt, %select_n3A, %lt3A_346 : vector<128x128xi32>
    %convert_element_type3A_348 = arith.extui %lt3A_347 : vector<128x128xi1> to vector<128x128xi32>
    %shift_left3A_349 = arith.constant 16 : i32
    %shift_left3A_350 = vector.broadcast %shift_left3A_349 : i32 to vector<128x128xi32>
    %shift_left3A_351 = arith.shli %convert_element_type3A_348, %shift_left3A_350 : vector<128x128xi32>
    %add3A_352 = arith.addi %convert_element_type3A_345, %shift_left3A_351 : vector<128x128xi32>
    %reduce_sum3A_353 = vector.shape_cast %add3A_352 : vector<128x128xi32> to vector<1x128x128xi32>
    %reduce_sum3A_354 = arith.constant dense<0> : vector<1xi32>
    %reduce_sum3A_355 = vector.multi_reduction <add>, %reduce_sum3A_353, %reduce_sum3A_354 [1, 2] : vector<1x128x128xi32> to vector<1xi32>
    %reduce_sum3A_356 = vector.shape_cast %reduce_sum3A_355 : vector<1xi32> to vector<1x1x1xi32>
    %reduce_sum3A_357 = vector.extract %reduce_sum3A_356[0, 0, 0] : i32 from vector<1x1x1xi32>
    %and3A_358 = arith.constant 65535 : i32
    %and3A_359 = arith.andi %reduce_sum3A_357, %and3A_358 : i32
    %shift_right_arithmetic3A_360 = arith.constant 16 : i32
    %shift_right_arithmetic3A_361 = arith.shrsi %reduce_sum3A_357, %shift_right_arithmetic3A_360 : i32
    %le3A_362 = arith.constant 4095 : i32
    %le3A_363 = arith.cmpi sle, %and3A_359, %le3A_362 : i32
    %select_n3A_364 = arith.select %le3A_363, %or3A_336, %select_n3A_331 : i32
    %le3A_365 = arith.constant 12287 : i32
    %le3A_366 = arith.cmpi sle, %shift_right_arithmetic3A_361, %le3A_365 : i32
    %select_n3A_367 = arith.select %le3A_366, %or3A_338, %select_n3A_334 : i32
    %or3A_368 = arith.constant 1048576 : i32
    %or3A_369 = arith.ori %select_n3A_364, %or3A_368 : i32
    %or3A_370 = arith.constant 1048576 : i32
    %or3A_371 = arith.ori %select_n3A_367, %or3A_370 : i32
    %xor3A_372 = arith.constant -2147483648 : i32
    %xor3A_373 = arith.xori %or3A_369, %xor3A_372 : i32
    %xor3A_374 = arith.constant -2147483648 : i32
    %xor3A_375 = arith.xori %or3A_371, %xor3A_374 : i32
    %lt3A_376 = vector.broadcast %xor3A_373 : i32 to vector<128x128xi32>
    %lt3A_377 = arith.cmpi slt, %select_n3A, %lt3A_376 : vector<128x128xi32>
    %convert_element_type3A_378 = arith.extui %lt3A_377 : vector<128x128xi1> to vector<128x128xi32>
    %lt3A_379 = vector.broadcast %xor3A_375 : i32 to vector<128x128xi32>
    %lt3A_380 = arith.cmpi slt, %select_n3A, %lt3A_379 : vector<128x128xi32>
    %convert_element_type3A_381 = arith.extui %lt3A_380 : vector<128x128xi1> to vector<128x128xi32>
    %shift_left3A_382 = arith.constant 16 : i32
    %shift_left3A_383 = vector.broadcast %shift_left3A_382 : i32 to vector<128x128xi32>
    %shift_left3A_384 = arith.shli %convert_element_type3A_381, %shift_left3A_383 : vector<128x128xi32>
    %add3A_385 = arith.addi %convert_element_type3A_378, %shift_left3A_384 : vector<128x128xi32>
    %reduce_sum3A_386 = vector.shape_cast %add3A_385 : vector<128x128xi32> to vector<1x128x128xi32>
    %reduce_sum3A_387 = arith.constant dense<0> : vector<1xi32>
    %reduce_sum3A_388 = vector.multi_reduction <add>, %reduce_sum3A_386, %reduce_sum3A_387 [1, 2] : vector<1x128x128xi32> to vector<1xi32>
    %reduce_sum3A_389 = vector.shape_cast %reduce_sum3A_388 : vector<1xi32> to vector<1x1x1xi32>
    %reduce_sum3A_390 = vector.extract %reduce_sum3A_389[0, 0, 0] : i32 from vector<1x1x1xi32>
    %and3A_391 = arith.constant 65535 : i32
    %and3A_392 = arith.andi %reduce_sum3A_390, %and3A_391 : i32
    %shift_right_arithmetic3A_393 = arith.constant 16 : i32
    %shift_right_arithmetic3A_394 = arith.shrsi %reduce_sum3A_390, %shift_right_arithmetic3A_393 : i32
    %le3A_395 = arith.constant 4095 : i32
    %le3A_396 = arith.cmpi sle, %and3A_392, %le3A_395 : i32
    %select_n3A_397 = arith.select %le3A_396, %or3A_369, %select_n3A_364 : i32
    %le3A_398 = arith.constant 12287 : i32
    %le3A_399 = arith.cmpi sle, %shift_right_arithmetic3A_394, %le3A_398 : i32
    %select_n3A_400 = arith.select %le3A_399, %or3A_371, %select_n3A_367 : i32
    %or3A_401 = arith.constant 524288 : i32
    %or3A_402 = arith.ori %select_n3A_397, %or3A_401 : i32
    %or3A_403 = arith.constant 524288 : i32
    %or3A_404 = arith.ori %select_n3A_400, %or3A_403 : i32
    %xor3A_405 = arith.constant -2147483648 : i32
    %xor3A_406 = arith.xori %or3A_402, %xor3A_405 : i32
    %xor3A_407 = arith.constant -2147483648 : i32
    %xor3A_408 = arith.xori %or3A_404, %xor3A_407 : i32
    %lt3A_409 = vector.broadcast %xor3A_406 : i32 to vector<128x128xi32>
    %lt3A_410 = arith.cmpi slt, %select_n3A, %lt3A_409 : vector<128x128xi32>
    %convert_element_type3A_411 = arith.extui %lt3A_410 : vector<128x128xi1> to vector<128x128xi32>
    %lt3A_412 = vector.broadcast %xor3A_408 : i32 to vector<128x128xi32>
    %lt3A_413 = arith.cmpi slt, %select_n3A, %lt3A_412 : vector<128x128xi32>
    %convert_element_type3A_414 = arith.extui %lt3A_413 : vector<128x128xi1> to vector<128x128xi32>
    %shift_left3A_415 = arith.constant 16 : i32
    %shift_left3A_416 = vector.broadcast %shift_left3A_415 : i32 to vector<128x128xi32>
    %shift_left3A_417 = arith.shli %convert_element_type3A_414, %shift_left3A_416 : vector<128x128xi32>
    %add3A_418 = arith.addi %convert_element_type3A_411, %shift_left3A_417 : vector<128x128xi32>
    %reduce_sum3A_419 = vector.shape_cast %add3A_418 : vector<128x128xi32> to vector<1x128x128xi32>
    %reduce_sum3A_420 = arith.constant dense<0> : vector<1xi32>
    %reduce_sum3A_421 = vector.multi_reduction <add>, %reduce_sum3A_419, %reduce_sum3A_420 [1, 2] : vector<1x128x128xi32> to vector<1xi32>
    %reduce_sum3A_422 = vector.shape_cast %reduce_sum3A_421 : vector<1xi32> to vector<1x1x1xi32>
    %reduce_sum3A_423 = vector.extract %reduce_sum3A_422[0, 0, 0] : i32 from vector<1x1x1xi32>
    %and3A_424 = arith.constant 65535 : i32
    %and3A_425 = arith.andi %reduce_sum3A_423, %and3A_424 : i32
    %shift_right_arithmetic3A_426 = arith.constant 16 : i32
    %shift_right_arithmetic3A_427 = arith.shrsi %reduce_sum3A_423, %shift_right_arithmetic3A_426 : i32
    %le3A_428 = arith.constant 4095 : i32
    %le3A_429 = arith.cmpi sle, %and3A_425, %le3A_428 : i32
    %select_n3A_430 = arith.select %le3A_429, %or3A_402, %select_n3A_397 : i32
    %le3A_431 = arith.constant 12287 : i32
    %le3A_432 = arith.cmpi sle, %shift_right_arithmetic3A_427, %le3A_431 : i32
    %select_n3A_433 = arith.select %le3A_432, %or3A_404, %select_n3A_400 : i32
    %or3A_434 = arith.constant 262144 : i32
    %or3A_435 = arith.ori %select_n3A_430, %or3A_434 : i32
    %or3A_436 = arith.constant 262144 : i32
    %or3A_437 = arith.ori %select_n3A_433, %or3A_436 : i32
    %xor3A_438 = arith.constant -2147483648 : i32
    %xor3A_439 = arith.xori %or3A_435, %xor3A_438 : i32
    %xor3A_440 = arith.constant -2147483648 : i32
    %xor3A_441 = arith.xori %or3A_437, %xor3A_440 : i32
    %lt3A_442 = vector.broadcast %xor3A_439 : i32 to vector<128x128xi32>
    %lt3A_443 = arith.cmpi slt, %select_n3A, %lt3A_442 : vector<128x128xi32>
    %convert_element_type3A_444 = arith.extui %lt3A_443 : vector<128x128xi1> to vector<128x128xi32>
    %lt3A_445 = vector.broadcast %xor3A_441 : i32 to vector<128x128xi32>
    %lt3A_446 = arith.cmpi slt, %select_n3A, %lt3A_445 : vector<128x128xi32>
    %convert_element_type3A_447 = arith.extui %lt3A_446 : vector<128x128xi1> to vector<128x128xi32>
    %shift_left3A_448 = arith.constant 16 : i32
    %shift_left3A_449 = vector.broadcast %shift_left3A_448 : i32 to vector<128x128xi32>
    %shift_left3A_450 = arith.shli %convert_element_type3A_447, %shift_left3A_449 : vector<128x128xi32>
    %add3A_451 = arith.addi %convert_element_type3A_444, %shift_left3A_450 : vector<128x128xi32>
    %reduce_sum3A_452 = vector.shape_cast %add3A_451 : vector<128x128xi32> to vector<1x128x128xi32>
    %reduce_sum3A_453 = arith.constant dense<0> : vector<1xi32>
    %reduce_sum3A_454 = vector.multi_reduction <add>, %reduce_sum3A_452, %reduce_sum3A_453 [1, 2] : vector<1x128x128xi32> to vector<1xi32>
    %reduce_sum3A_455 = vector.shape_cast %reduce_sum3A_454 : vector<1xi32> to vector<1x1x1xi32>
    %reduce_sum3A_456 = vector.extract %reduce_sum3A_455[0, 0, 0] : i32 from vector<1x1x1xi32>
    %and3A_457 = arith.constant 65535 : i32
    %and3A_458 = arith.andi %reduce_sum3A_456, %and3A_457 : i32
    %shift_right_arithmetic3A_459 = arith.constant 16 : i32
    %shift_right_arithmetic3A_460 = arith.shrsi %reduce_sum3A_456, %shift_right_arithmetic3A_459 : i32
    %le3A_461 = arith.constant 4095 : i32
    %le3A_462 = arith.cmpi sle, %and3A_458, %le3A_461 : i32
    %select_n3A_463 = arith.select %le3A_462, %or3A_435, %select_n3A_430 : i32
    %le3A_464 = arith.constant 12287 : i32
    %le3A_465 = arith.cmpi sle, %shift_right_arithmetic3A_460, %le3A_464 : i32
    %select_n3A_466 = arith.select %le3A_465, %or3A_437, %select_n3A_433 : i32
    %or3A_467 = arith.constant 131072 : i32
    %or3A_468 = arith.ori %select_n3A_463, %or3A_467 : i32
    %or3A_469 = arith.constant 131072 : i32
    %or3A_470 = arith.ori %select_n3A_466, %or3A_469 : i32
    %xor3A_471 = arith.constant -2147483648 : i32
    %xor3A_472 = arith.xori %or3A_468, %xor3A_471 : i32
    %xor3A_473 = arith.constant -2147483648 : i32
    %xor3A_474 = arith.xori %or3A_470, %xor3A_473 : i32
    %lt3A_475 = vector.broadcast %xor3A_472 : i32 to vector<128x128xi32>
    %lt3A_476 = arith.cmpi slt, %select_n3A, %lt3A_475 : vector<128x128xi32>
    %convert_element_type3A_477 = arith.extui %lt3A_476 : vector<128x128xi1> to vector<128x128xi32>
    %lt3A_478 = vector.broadcast %xor3A_474 : i32 to vector<128x128xi32>
    %lt3A_479 = arith.cmpi slt, %select_n3A, %lt3A_478 : vector<128x128xi32>
    %convert_element_type3A_480 = arith.extui %lt3A_479 : vector<128x128xi1> to vector<128x128xi32>
    %shift_left3A_481 = arith.constant 16 : i32
    %shift_left3A_482 = vector.broadcast %shift_left3A_481 : i32 to vector<128x128xi32>
    %shift_left3A_483 = arith.shli %convert_element_type3A_480, %shift_left3A_482 : vector<128x128xi32>
    %add3A_484 = arith.addi %convert_element_type3A_477, %shift_left3A_483 : vector<128x128xi32>
    %reduce_sum3A_485 = vector.shape_cast %add3A_484 : vector<128x128xi32> to vector<1x128x128xi32>
    %reduce_sum3A_486 = arith.constant dense<0> : vector<1xi32>
    %reduce_sum3A_487 = vector.multi_reduction <add>, %reduce_sum3A_485, %reduce_sum3A_486 [1, 2] : vector<1x128x128xi32> to vector<1xi32>
    %reduce_sum3A_488 = vector.shape_cast %reduce_sum3A_487 : vector<1xi32> to vector<1x1x1xi32>
    %reduce_sum3A_489 = vector.extract %reduce_sum3A_488[0, 0, 0] : i32 from vector<1x1x1xi32>
    %and3A_490 = arith.constant 65535 : i32
    %and3A_491 = arith.andi %reduce_sum3A_489, %and3A_490 : i32
    %shift_right_arithmetic3A_492 = arith.constant 16 : i32
    %shift_right_arithmetic3A_493 = arith.shrsi %reduce_sum3A_489, %shift_right_arithmetic3A_492 : i32
    %le3A_494 = arith.constant 4095 : i32
    %le3A_495 = arith.cmpi sle, %and3A_491, %le3A_494 : i32
    %select_n3A_496 = arith.select %le3A_495, %or3A_468, %select_n3A_463 : i32
    %le3A_497 = arith.constant 12287 : i32
    %le3A_498 = arith.cmpi sle, %shift_right_arithmetic3A_493, %le3A_497 : i32
    %select_n3A_499 = arith.select %le3A_498, %or3A_470, %select_n3A_466 : i32
    %or3A_500 = arith.constant 65536 : i32
    %or3A_501 = arith.ori %select_n3A_496, %or3A_500 : i32
    %or3A_502 = arith.constant 65536 : i32
    %or3A_503 = arith.ori %select_n3A_499, %or3A_502 : i32
    %xor3A_504 = arith.constant -2147483648 : i32
    %xor3A_505 = arith.xori %or3A_501, %xor3A_504 : i32
    %xor3A_506 = arith.constant -2147483648 : i32
    %xor3A_507 = arith.xori %or3A_503, %xor3A_506 : i32
    %lt3A_508 = vector.broadcast %xor3A_505 : i32 to vector<128x128xi32>
    %lt3A_509 = arith.cmpi slt, %select_n3A, %lt3A_508 : vector<128x128xi32>
    %convert_element_type3A_510 = arith.extui %lt3A_509 : vector<128x128xi1> to vector<128x128xi32>
    %lt3A_511 = vector.broadcast %xor3A_507 : i32 to vector<128x128xi32>
    %lt3A_512 = arith.cmpi slt, %select_n3A, %lt3A_511 : vector<128x128xi32>
    %convert_element_type3A_513 = arith.extui %lt3A_512 : vector<128x128xi1> to vector<128x128xi32>
    %shift_left3A_514 = arith.constant 16 : i32
    %shift_left3A_515 = vector.broadcast %shift_left3A_514 : i32 to vector<128x128xi32>
    %shift_left3A_516 = arith.shli %convert_element_type3A_513, %shift_left3A_515 : vector<128x128xi32>
    %add3A_517 = arith.addi %convert_element_type3A_510, %shift_left3A_516 : vector<128x128xi32>
    %reduce_sum3A_518 = vector.shape_cast %add3A_517 : vector<128x128xi32> to vector<1x128x128xi32>
    %reduce_sum3A_519 = arith.constant dense<0> : vector<1xi32>
    %reduce_sum3A_520 = vector.multi_reduction <add>, %reduce_sum3A_518, %reduce_sum3A_519 [1, 2] : vector<1x128x128xi32> to vector<1xi32>
    %reduce_sum3A_521 = vector.shape_cast %reduce_sum3A_520 : vector<1xi32> to vector<1x1x1xi32>
    %reduce_sum3A_522 = vector.extract %reduce_sum3A_521[0, 0, 0] : i32 from vector<1x1x1xi32>
    %and3A_523 = arith.constant 65535 : i32
    %and3A_524 = arith.andi %reduce_sum3A_522, %and3A_523 : i32
    %shift_right_arithmetic3A_525 = arith.constant 16 : i32
    %shift_right_arithmetic3A_526 = arith.shrsi %reduce_sum3A_522, %shift_right_arithmetic3A_525 : i32
    %le3A_527 = arith.constant 4095 : i32
    %le3A_528 = arith.cmpi sle, %and3A_524, %le3A_527 : i32
    %select_n3A_529 = arith.select %le3A_528, %or3A_501, %select_n3A_496 : i32
    %le3A_530 = arith.constant 12287 : i32
    %le3A_531 = arith.cmpi sle, %shift_right_arithmetic3A_526, %le3A_530 : i32
    %select_n3A_532 = arith.select %le3A_531, %or3A_503, %select_n3A_499 : i32
    %or3A_533 = arith.constant 32768 : i32
    %or3A_534 = arith.ori %select_n3A_529, %or3A_533 : i32
    %or3A_535 = arith.constant 32768 : i32
    %or3A_536 = arith.ori %select_n3A_532, %or3A_535 : i32
    %xor3A_537 = arith.constant -2147483648 : i32
    %xor3A_538 = arith.xori %or3A_534, %xor3A_537 : i32
    %xor3A_539 = arith.constant -2147483648 : i32
    %xor3A_540 = arith.xori %or3A_536, %xor3A_539 : i32
    %lt3A_541 = vector.broadcast %xor3A_538 : i32 to vector<128x128xi32>
    %lt3A_542 = arith.cmpi slt, %select_n3A, %lt3A_541 : vector<128x128xi32>
    %convert_element_type3A_543 = arith.extui %lt3A_542 : vector<128x128xi1> to vector<128x128xi32>
    %lt3A_544 = vector.broadcast %xor3A_540 : i32 to vector<128x128xi32>
    %lt3A_545 = arith.cmpi slt, %select_n3A, %lt3A_544 : vector<128x128xi32>
    %convert_element_type3A_546 = arith.extui %lt3A_545 : vector<128x128xi1> to vector<128x128xi32>
    %shift_left3A_547 = arith.constant 16 : i32
    %shift_left3A_548 = vector.broadcast %shift_left3A_547 : i32 to vector<128x128xi32>
    %shift_left3A_549 = arith.shli %convert_element_type3A_546, %shift_left3A_548 : vector<128x128xi32>
    %add3A_550 = arith.addi %convert_element_type3A_543, %shift_left3A_549 : vector<128x128xi32>
    %reduce_sum3A_551 = vector.shape_cast %add3A_550 : vector<128x128xi32> to vector<1x128x128xi32>
    %reduce_sum3A_552 = arith.constant dense<0> : vector<1xi32>
    %reduce_sum3A_553 = vector.multi_reduction <add>, %reduce_sum3A_551, %reduce_sum3A_552 [1, 2] : vector<1x128x128xi32> to vector<1xi32>
    %reduce_sum3A_554 = vector.shape_cast %reduce_sum3A_553 : vector<1xi32> to vector<1x1x1xi32>
    %reduce_sum3A_555 = vector.extract %reduce_sum3A_554[0, 0, 0] : i32 from vector<1x1x1xi32>
    %and3A_556 = arith.constant 65535 : i32
    %and3A_557 = arith.andi %reduce_sum3A_555, %and3A_556 : i32
    %shift_right_arithmetic3A_558 = arith.constant 16 : i32
    %shift_right_arithmetic3A_559 = arith.shrsi %reduce_sum3A_555, %shift_right_arithmetic3A_558 : i32
    %le3A_560 = arith.constant 4095 : i32
    %le3A_561 = arith.cmpi sle, %and3A_557, %le3A_560 : i32
    %select_n3A_562 = arith.select %le3A_561, %or3A_534, %select_n3A_529 : i32
    %le3A_563 = arith.constant 12287 : i32
    %le3A_564 = arith.cmpi sle, %shift_right_arithmetic3A_559, %le3A_563 : i32
    %select_n3A_565 = arith.select %le3A_564, %or3A_536, %select_n3A_532 : i32
    %or3A_566 = arith.constant 16384 : i32
    %or3A_567 = arith.ori %select_n3A_562, %or3A_566 : i32
    %or3A_568 = arith.constant 16384 : i32
    %or3A_569 = arith.ori %select_n3A_565, %or3A_568 : i32
    %xor3A_570 = arith.constant -2147483648 : i32
    %xor3A_571 = arith.xori %or3A_567, %xor3A_570 : i32
    %xor3A_572 = arith.constant -2147483648 : i32
    %xor3A_573 = arith.xori %or3A_569, %xor3A_572 : i32
    %lt3A_574 = vector.broadcast %xor3A_571 : i32 to vector<128x128xi32>
    %lt3A_575 = arith.cmpi slt, %select_n3A, %lt3A_574 : vector<128x128xi32>
    %convert_element_type3A_576 = arith.extui %lt3A_575 : vector<128x128xi1> to vector<128x128xi32>
    %lt3A_577 = vector.broadcast %xor3A_573 : i32 to vector<128x128xi32>
    %lt3A_578 = arith.cmpi slt, %select_n3A, %lt3A_577 : vector<128x128xi32>
    %convert_element_type3A_579 = arith.extui %lt3A_578 : vector<128x128xi1> to vector<128x128xi32>
    %shift_left3A_580 = arith.constant 16 : i32
    %shift_left3A_581 = vector.broadcast %shift_left3A_580 : i32 to vector<128x128xi32>
    %shift_left3A_582 = arith.shli %convert_element_type3A_579, %shift_left3A_581 : vector<128x128xi32>
    %add3A_583 = arith.addi %convert_element_type3A_576, %shift_left3A_582 : vector<128x128xi32>
    %reduce_sum3A_584 = vector.shape_cast %add3A_583 : vector<128x128xi32> to vector<1x128x128xi32>
    %reduce_sum3A_585 = arith.constant dense<0> : vector<1xi32>
    %reduce_sum3A_586 = vector.multi_reduction <add>, %reduce_sum3A_584, %reduce_sum3A_585 [1, 2] : vector<1x128x128xi32> to vector<1xi32>
    %reduce_sum3A_587 = vector.shape_cast %reduce_sum3A_586 : vector<1xi32> to vector<1x1x1xi32>
    %reduce_sum3A_588 = vector.extract %reduce_sum3A_587[0, 0, 0] : i32 from vector<1x1x1xi32>
    %and3A_589 = arith.constant 65535 : i32
    %and3A_590 = arith.andi %reduce_sum3A_588, %and3A_589 : i32
    %shift_right_arithmetic3A_591 = arith.constant 16 : i32
    %shift_right_arithmetic3A_592 = arith.shrsi %reduce_sum3A_588, %shift_right_arithmetic3A_591 : i32
    %le3A_593 = arith.constant 4095 : i32
    %le3A_594 = arith.cmpi sle, %and3A_590, %le3A_593 : i32
    %select_n3A_595 = arith.select %le3A_594, %or3A_567, %select_n3A_562 : i32
    %le3A_596 = arith.constant 12287 : i32
    %le3A_597 = arith.cmpi sle, %shift_right_arithmetic3A_592, %le3A_596 : i32
    %select_n3A_598 = arith.select %le3A_597, %or3A_569, %select_n3A_565 : i32
    %or3A_599 = arith.constant 8192 : i32
    %or3A_600 = arith.ori %select_n3A_595, %or3A_599 : i32
    %or3A_601 = arith.constant 8192 : i32
    %or3A_602 = arith.ori %select_n3A_598, %or3A_601 : i32
    %xor3A_603 = arith.constant -2147483648 : i32
    %xor3A_604 = arith.xori %or3A_600, %xor3A_603 : i32
    %xor3A_605 = arith.constant -2147483648 : i32
    %xor3A_606 = arith.xori %or3A_602, %xor3A_605 : i32
    %lt3A_607 = vector.broadcast %xor3A_604 : i32 to vector<128x128xi32>
    %lt3A_608 = arith.cmpi slt, %select_n3A, %lt3A_607 : vector<128x128xi32>
    %convert_element_type3A_609 = arith.extui %lt3A_608 : vector<128x128xi1> to vector<128x128xi32>
    %lt3A_610 = vector.broadcast %xor3A_606 : i32 to vector<128x128xi32>
    %lt3A_611 = arith.cmpi slt, %select_n3A, %lt3A_610 : vector<128x128xi32>
    %convert_element_type3A_612 = arith.extui %lt3A_611 : vector<128x128xi1> to vector<128x128xi32>
    %shift_left3A_613 = arith.constant 16 : i32
    %shift_left3A_614 = vector.broadcast %shift_left3A_613 : i32 to vector<128x128xi32>
    %shift_left3A_615 = arith.shli %convert_element_type3A_612, %shift_left3A_614 : vector<128x128xi32>
    %add3A_616 = arith.addi %convert_element_type3A_609, %shift_left3A_615 : vector<128x128xi32>
    %reduce_sum3A_617 = vector.shape_cast %add3A_616 : vector<128x128xi32> to vector<1x128x128xi32>
    %reduce_sum3A_618 = arith.constant dense<0> : vector<1xi32>
    %reduce_sum3A_619 = vector.multi_reduction <add>, %reduce_sum3A_617, %reduce_sum3A_618 [1, 2] : vector<1x128x128xi32> to vector<1xi32>
    %reduce_sum3A_620 = vector.shape_cast %reduce_sum3A_619 : vector<1xi32> to vector<1x1x1xi32>
    %reduce_sum3A_621 = vector.extract %reduce_sum3A_620[0, 0, 0] : i32 from vector<1x1x1xi32>
    %and3A_622 = arith.constant 65535 : i32
    %and3A_623 = arith.andi %reduce_sum3A_621, %and3A_622 : i32
    %shift_right_arithmetic3A_624 = arith.constant 16 : i32
    %shift_right_arithmetic3A_625 = arith.shrsi %reduce_sum3A_621, %shift_right_arithmetic3A_624 : i32
    %le3A_626 = arith.constant 4095 : i32
    %le3A_627 = arith.cmpi sle, %and3A_623, %le3A_626 : i32
    %select_n3A_628 = arith.select %le3A_627, %or3A_600, %select_n3A_595 : i32
    %le3A_629 = arith.constant 12287 : i32
    %le3A_630 = arith.cmpi sle, %shift_right_arithmetic3A_625, %le3A_629 : i32
    %select_n3A_631 = arith.select %le3A_630, %or3A_602, %select_n3A_598 : i32
    %or3A_632 = arith.constant 4096 : i32
    %or3A_633 = arith.ori %select_n3A_628, %or3A_632 : i32
    %or3A_634 = arith.constant 4096 : i32
    %or3A_635 = arith.ori %select_n3A_631, %or3A_634 : i32
    %xor3A_636 = arith.constant -2147483648 : i32
    %xor3A_637 = arith.xori %or3A_633, %xor3A_636 : i32
    %xor3A_638 = arith.constant -2147483648 : i32
    %xor3A_639 = arith.xori %or3A_635, %xor3A_638 : i32
    %lt3A_640 = vector.broadcast %xor3A_637 : i32 to vector<128x128xi32>
    %lt3A_641 = arith.cmpi slt, %select_n3A, %lt3A_640 : vector<128x128xi32>
    %convert_element_type3A_642 = arith.extui %lt3A_641 : vector<128x128xi1> to vector<128x128xi32>
    %lt3A_643 = vector.broadcast %xor3A_639 : i32 to vector<128x128xi32>
    %lt3A_644 = arith.cmpi slt, %select_n3A, %lt3A_643 : vector<128x128xi32>
    %convert_element_type3A_645 = arith.extui %lt3A_644 : vector<128x128xi1> to vector<128x128xi32>
    %shift_left3A_646 = arith.constant 16 : i32
    %shift_left3A_647 = vector.broadcast %shift_left3A_646 : i32 to vector<128x128xi32>
    %shift_left3A_648 = arith.shli %convert_element_type3A_645, %shift_left3A_647 : vector<128x128xi32>
    %add3A_649 = arith.addi %convert_element_type3A_642, %shift_left3A_648 : vector<128x128xi32>
    %reduce_sum3A_650 = vector.shape_cast %add3A_649 : vector<128x128xi32> to vector<1x128x128xi32>
    %reduce_sum3A_651 = arith.constant dense<0> : vector<1xi32>
    %reduce_sum3A_652 = vector.multi_reduction <add>, %reduce_sum3A_650, %reduce_sum3A_651 [1, 2] : vector<1x128x128xi32> to vector<1xi32>
    %reduce_sum3A_653 = vector.shape_cast %reduce_sum3A_652 : vector<1xi32> to vector<1x1x1xi32>
    %reduce_sum3A_654 = vector.extract %reduce_sum3A_653[0, 0, 0] : i32 from vector<1x1x1xi32>
    %and3A_655 = arith.constant 65535 : i32
    %and3A_656 = arith.andi %reduce_sum3A_654, %and3A_655 : i32
    %shift_right_arithmetic3A_657 = arith.constant 16 : i32
    %shift_right_arithmetic3A_658 = arith.shrsi %reduce_sum3A_654, %shift_right_arithmetic3A_657 : i32
    %le3A_659 = arith.constant 4095 : i32
    %le3A_660 = arith.cmpi sle, %and3A_656, %le3A_659 : i32
    %select_n3A_661 = arith.select %le3A_660, %or3A_633, %select_n3A_628 : i32
    %le3A_662 = arith.constant 12287 : i32
    %le3A_663 = arith.cmpi sle, %shift_right_arithmetic3A_658, %le3A_662 : i32
    %select_n3A_664 = arith.select %le3A_663, %or3A_635, %select_n3A_631 : i32
    %or3A_665 = arith.constant 2048 : i32
    %or3A_666 = arith.ori %select_n3A_661, %or3A_665 : i32
    %or3A_667 = arith.constant 2048 : i32
    %or3A_668 = arith.ori %select_n3A_664, %or3A_667 : i32
    %xor3A_669 = arith.constant -2147483648 : i32
    %xor3A_670 = arith.xori %or3A_666, %xor3A_669 : i32
    %xor3A_671 = arith.constant -2147483648 : i32
    %xor3A_672 = arith.xori %or3A_668, %xor3A_671 : i32
    %lt3A_673 = vector.broadcast %xor3A_670 : i32 to vector<128x128xi32>
    %lt3A_674 = arith.cmpi slt, %select_n3A, %lt3A_673 : vector<128x128xi32>
    %convert_element_type3A_675 = arith.extui %lt3A_674 : vector<128x128xi1> to vector<128x128xi32>
    %lt3A_676 = vector.broadcast %xor3A_672 : i32 to vector<128x128xi32>
    %lt3A_677 = arith.cmpi slt, %select_n3A, %lt3A_676 : vector<128x128xi32>
    %convert_element_type3A_678 = arith.extui %lt3A_677 : vector<128x128xi1> to vector<128x128xi32>
    %shift_left3A_679 = arith.constant 16 : i32
    %shift_left3A_680 = vector.broadcast %shift_left3A_679 : i32 to vector<128x128xi32>
    %shift_left3A_681 = arith.shli %convert_element_type3A_678, %shift_left3A_680 : vector<128x128xi32>
    %add3A_682 = arith.addi %convert_element_type3A_675, %shift_left3A_681 : vector<128x128xi32>
    %reduce_sum3A_683 = vector.shape_cast %add3A_682 : vector<128x128xi32> to vector<1x128x128xi32>
    %reduce_sum3A_684 = arith.constant dense<0> : vector<1xi32>
    %reduce_sum3A_685 = vector.multi_reduction <add>, %reduce_sum3A_683, %reduce_sum3A_684 [1, 2] : vector<1x128x128xi32> to vector<1xi32>
    %reduce_sum3A_686 = vector.shape_cast %reduce_sum3A_685 : vector<1xi32> to vector<1x1x1xi32>
    %reduce_sum3A_687 = vector.extract %reduce_sum3A_686[0, 0, 0] : i32 from vector<1x1x1xi32>
    %and3A_688 = arith.constant 65535 : i32
    %and3A_689 = arith.andi %reduce_sum3A_687, %and3A_688 : i32
    %shift_right_arithmetic3A_690 = arith.constant 16 : i32
    %shift_right_arithmetic3A_691 = arith.shrsi %reduce_sum3A_687, %shift_right_arithmetic3A_690 : i32
    %le3A_692 = arith.constant 4095 : i32
    %le3A_693 = arith.cmpi sle, %and3A_689, %le3A_692 : i32
    %select_n3A_694 = arith.select %le3A_693, %or3A_666, %select_n3A_661 : i32
    %le3A_695 = arith.constant 12287 : i32
    %le3A_696 = arith.cmpi sle, %shift_right_arithmetic3A_691, %le3A_695 : i32
    %select_n3A_697 = arith.select %le3A_696, %or3A_668, %select_n3A_664 : i32
    %or3A_698 = arith.constant 1024 : i32
    %or3A_699 = arith.ori %select_n3A_694, %or3A_698 : i32
    %or3A_700 = arith.constant 1024 : i32
    %or3A_701 = arith.ori %select_n3A_697, %or3A_700 : i32
    %xor3A_702 = arith.constant -2147483648 : i32
    %xor3A_703 = arith.xori %or3A_699, %xor3A_702 : i32
    %xor3A_704 = arith.constant -2147483648 : i32
    %xor3A_705 = arith.xori %or3A_701, %xor3A_704 : i32
    %lt3A_706 = vector.broadcast %xor3A_703 : i32 to vector<128x128xi32>
    %lt3A_707 = arith.cmpi slt, %select_n3A, %lt3A_706 : vector<128x128xi32>
    %convert_element_type3A_708 = arith.extui %lt3A_707 : vector<128x128xi1> to vector<128x128xi32>
    %lt3A_709 = vector.broadcast %xor3A_705 : i32 to vector<128x128xi32>
    %lt3A_710 = arith.cmpi slt, %select_n3A, %lt3A_709 : vector<128x128xi32>
    %convert_element_type3A_711 = arith.extui %lt3A_710 : vector<128x128xi1> to vector<128x128xi32>
    %shift_left3A_712 = arith.constant 16 : i32
    %shift_left3A_713 = vector.broadcast %shift_left3A_712 : i32 to vector<128x128xi32>
    %shift_left3A_714 = arith.shli %convert_element_type3A_711, %shift_left3A_713 : vector<128x128xi32>
    %add3A_715 = arith.addi %convert_element_type3A_708, %shift_left3A_714 : vector<128x128xi32>
    %reduce_sum3A_716 = vector.shape_cast %add3A_715 : vector<128x128xi32> to vector<1x128x128xi32>
    %reduce_sum3A_717 = arith.constant dense<0> : vector<1xi32>
    %reduce_sum3A_718 = vector.multi_reduction <add>, %reduce_sum3A_716, %reduce_sum3A_717 [1, 2] : vector<1x128x128xi32> to vector<1xi32>
    %reduce_sum3A_719 = vector.shape_cast %reduce_sum3A_718 : vector<1xi32> to vector<1x1x1xi32>
    %reduce_sum3A_720 = vector.extract %reduce_sum3A_719[0, 0, 0] : i32 from vector<1x1x1xi32>
    %and3A_721 = arith.constant 65535 : i32
    %and3A_722 = arith.andi %reduce_sum3A_720, %and3A_721 : i32
    %shift_right_arithmetic3A_723 = arith.constant 16 : i32
    %shift_right_arithmetic3A_724 = arith.shrsi %reduce_sum3A_720, %shift_right_arithmetic3A_723 : i32
    %le3A_725 = arith.constant 4095 : i32
    %le3A_726 = arith.cmpi sle, %and3A_722, %le3A_725 : i32
    %select_n3A_727 = arith.select %le3A_726, %or3A_699, %select_n3A_694 : i32
    %le3A_728 = arith.constant 12287 : i32
    %le3A_729 = arith.cmpi sle, %shift_right_arithmetic3A_724, %le3A_728 : i32
    %select_n3A_730 = arith.select %le3A_729, %or3A_701, %select_n3A_697 : i32
    %or3A_731 = arith.constant 512 : i32
    %or3A_732 = arith.ori %select_n3A_727, %or3A_731 : i32
    %or3A_733 = arith.constant 512 : i32
    %or3A_734 = arith.ori %select_n3A_730, %or3A_733 : i32
    %xor3A_735 = arith.constant -2147483648 : i32
    %xor3A_736 = arith.xori %or3A_732, %xor3A_735 : i32
    %xor3A_737 = arith.constant -2147483648 : i32
    %xor3A_738 = arith.xori %or3A_734, %xor3A_737 : i32
    %lt3A_739 = vector.broadcast %xor3A_736 : i32 to vector<128x128xi32>
    %lt3A_740 = arith.cmpi slt, %select_n3A, %lt3A_739 : vector<128x128xi32>
    %convert_element_type3A_741 = arith.extui %lt3A_740 : vector<128x128xi1> to vector<128x128xi32>
    %lt3A_742 = vector.broadcast %xor3A_738 : i32 to vector<128x128xi32>
    %lt3A_743 = arith.cmpi slt, %select_n3A, %lt3A_742 : vector<128x128xi32>
    %convert_element_type3A_744 = arith.extui %lt3A_743 : vector<128x128xi1> to vector<128x128xi32>
    %shift_left3A_745 = arith.constant 16 : i32
    %shift_left3A_746 = vector.broadcast %shift_left3A_745 : i32 to vector<128x128xi32>
    %shift_left3A_747 = arith.shli %convert_element_type3A_744, %shift_left3A_746 : vector<128x128xi32>
    %add3A_748 = arith.addi %convert_element_type3A_741, %shift_left3A_747 : vector<128x128xi32>
    %reduce_sum3A_749 = vector.shape_cast %add3A_748 : vector<128x128xi32> to vector<1x128x128xi32>
    %reduce_sum3A_750 = arith.constant dense<0> : vector<1xi32>
    %reduce_sum3A_751 = vector.multi_reduction <add>, %reduce_sum3A_749, %reduce_sum3A_750 [1, 2] : vector<1x128x128xi32> to vector<1xi32>
    %reduce_sum3A_752 = vector.shape_cast %reduce_sum3A_751 : vector<1xi32> to vector<1x1x1xi32>
    %reduce_sum3A_753 = vector.extract %reduce_sum3A_752[0, 0, 0] : i32 from vector<1x1x1xi32>
    %and3A_754 = arith.constant 65535 : i32
    %and3A_755 = arith.andi %reduce_sum3A_753, %and3A_754 : i32
    %shift_right_arithmetic3A_756 = arith.constant 16 : i32
    %shift_right_arithmetic3A_757 = arith.shrsi %reduce_sum3A_753, %shift_right_arithmetic3A_756 : i32
    %le3A_758 = arith.constant 4095 : i32
    %le3A_759 = arith.cmpi sle, %and3A_755, %le3A_758 : i32
    %select_n3A_760 = arith.select %le3A_759, %or3A_732, %select_n3A_727 : i32
    %le3A_761 = arith.constant 12287 : i32
    %le3A_762 = arith.cmpi sle, %shift_right_arithmetic3A_757, %le3A_761 : i32
    %select_n3A_763 = arith.select %le3A_762, %or3A_734, %select_n3A_730 : i32
    %or3A_764 = arith.constant 256 : i32
    %or3A_765 = arith.ori %select_n3A_760, %or3A_764 : i32
    %or3A_766 = arith.constant 256 : i32
    %or3A_767 = arith.ori %select_n3A_763, %or3A_766 : i32
    %xor3A_768 = arith.constant -2147483648 : i32
    %xor3A_769 = arith.xori %or3A_765, %xor3A_768 : i32
    %xor3A_770 = arith.constant -2147483648 : i32
    %xor3A_771 = arith.xori %or3A_767, %xor3A_770 : i32
    %lt3A_772 = vector.broadcast %xor3A_769 : i32 to vector<128x128xi32>
    %lt3A_773 = arith.cmpi slt, %select_n3A, %lt3A_772 : vector<128x128xi32>
    %convert_element_type3A_774 = arith.extui %lt3A_773 : vector<128x128xi1> to vector<128x128xi32>
    %lt3A_775 = vector.broadcast %xor3A_771 : i32 to vector<128x128xi32>
    %lt3A_776 = arith.cmpi slt, %select_n3A, %lt3A_775 : vector<128x128xi32>
    %convert_element_type3A_777 = arith.extui %lt3A_776 : vector<128x128xi1> to vector<128x128xi32>
    %shift_left3A_778 = arith.constant 16 : i32
    %shift_left3A_779 = vector.broadcast %shift_left3A_778 : i32 to vector<128x128xi32>
    %shift_left3A_780 = arith.shli %convert_element_type3A_777, %shift_left3A_779 : vector<128x128xi32>
    %add3A_781 = arith.addi %convert_element_type3A_774, %shift_left3A_780 : vector<128x128xi32>
    %reduce_sum3A_782 = vector.shape_cast %add3A_781 : vector<128x128xi32> to vector<1x128x128xi32>
    %reduce_sum3A_783 = arith.constant dense<0> : vector<1xi32>
    %reduce_sum3A_784 = vector.multi_reduction <add>, %reduce_sum3A_782, %reduce_sum3A_783 [1, 2] : vector<1x128x128xi32> to vector<1xi32>
    %reduce_sum3A_785 = vector.shape_cast %reduce_sum3A_784 : vector<1xi32> to vector<1x1x1xi32>
    %reduce_sum3A_786 = vector.extract %reduce_sum3A_785[0, 0, 0] : i32 from vector<1x1x1xi32>
    %and3A_787 = arith.constant 65535 : i32
    %and3A_788 = arith.andi %reduce_sum3A_786, %and3A_787 : i32
    %shift_right_arithmetic3A_789 = arith.constant 16 : i32
    %shift_right_arithmetic3A_790 = arith.shrsi %reduce_sum3A_786, %shift_right_arithmetic3A_789 : i32
    %le3A_791 = arith.constant 4095 : i32
    %le3A_792 = arith.cmpi sle, %and3A_788, %le3A_791 : i32
    %select_n3A_793 = arith.select %le3A_792, %or3A_765, %select_n3A_760 : i32
    %le3A_794 = arith.constant 12287 : i32
    %le3A_795 = arith.cmpi sle, %shift_right_arithmetic3A_790, %le3A_794 : i32
    %select_n3A_796 = arith.select %le3A_795, %or3A_767, %select_n3A_763 : i32
    %or3A_797 = arith.constant 128 : i32
    %or3A_798 = arith.ori %select_n3A_793, %or3A_797 : i32
    %or3A_799 = arith.constant 128 : i32
    %or3A_800 = arith.ori %select_n3A_796, %or3A_799 : i32
    %xor3A_801 = arith.constant -2147483648 : i32
    %xor3A_802 = arith.xori %or3A_798, %xor3A_801 : i32
    %xor3A_803 = arith.constant -2147483648 : i32
    %xor3A_804 = arith.xori %or3A_800, %xor3A_803 : i32
    %lt3A_805 = vector.broadcast %xor3A_802 : i32 to vector<128x128xi32>
    %lt3A_806 = arith.cmpi slt, %select_n3A, %lt3A_805 : vector<128x128xi32>
    %convert_element_type3A_807 = arith.extui %lt3A_806 : vector<128x128xi1> to vector<128x128xi32>
    %lt3A_808 = vector.broadcast %xor3A_804 : i32 to vector<128x128xi32>
    %lt3A_809 = arith.cmpi slt, %select_n3A, %lt3A_808 : vector<128x128xi32>
    %convert_element_type3A_810 = arith.extui %lt3A_809 : vector<128x128xi1> to vector<128x128xi32>
    %shift_left3A_811 = arith.constant 16 : i32
    %shift_left3A_812 = vector.broadcast %shift_left3A_811 : i32 to vector<128x128xi32>
    %shift_left3A_813 = arith.shli %convert_element_type3A_810, %shift_left3A_812 : vector<128x128xi32>
    %add3A_814 = arith.addi %convert_element_type3A_807, %shift_left3A_813 : vector<128x128xi32>
    %reduce_sum3A_815 = vector.shape_cast %add3A_814 : vector<128x128xi32> to vector<1x128x128xi32>
    %reduce_sum3A_816 = arith.constant dense<0> : vector<1xi32>
    %reduce_sum3A_817 = vector.multi_reduction <add>, %reduce_sum3A_815, %reduce_sum3A_816 [1, 2] : vector<1x128x128xi32> to vector<1xi32>
    %reduce_sum3A_818 = vector.shape_cast %reduce_sum3A_817 : vector<1xi32> to vector<1x1x1xi32>
    %reduce_sum3A_819 = vector.extract %reduce_sum3A_818[0, 0, 0] : i32 from vector<1x1x1xi32>
    %and3A_820 = arith.constant 65535 : i32
    %and3A_821 = arith.andi %reduce_sum3A_819, %and3A_820 : i32
    %shift_right_arithmetic3A_822 = arith.constant 16 : i32
    %shift_right_arithmetic3A_823 = arith.shrsi %reduce_sum3A_819, %shift_right_arithmetic3A_822 : i32
    %le3A_824 = arith.constant 4095 : i32
    %le3A_825 = arith.cmpi sle, %and3A_821, %le3A_824 : i32
    %select_n3A_826 = arith.select %le3A_825, %or3A_798, %select_n3A_793 : i32
    %le3A_827 = arith.constant 12287 : i32
    %le3A_828 = arith.cmpi sle, %shift_right_arithmetic3A_823, %le3A_827 : i32
    %select_n3A_829 = arith.select %le3A_828, %or3A_800, %select_n3A_796 : i32
    %or3A_830 = arith.constant 64 : i32
    %or3A_831 = arith.ori %select_n3A_826, %or3A_830 : i32
    %or3A_832 = arith.constant 64 : i32
    %or3A_833 = arith.ori %select_n3A_829, %or3A_832 : i32
    %xor3A_834 = arith.constant -2147483648 : i32
    %xor3A_835 = arith.xori %or3A_831, %xor3A_834 : i32
    %xor3A_836 = arith.constant -2147483648 : i32
    %xor3A_837 = arith.xori %or3A_833, %xor3A_836 : i32
    %lt3A_838 = vector.broadcast %xor3A_835 : i32 to vector<128x128xi32>
    %lt3A_839 = arith.cmpi slt, %select_n3A, %lt3A_838 : vector<128x128xi32>
    %convert_element_type3A_840 = arith.extui %lt3A_839 : vector<128x128xi1> to vector<128x128xi32>
    %lt3A_841 = vector.broadcast %xor3A_837 : i32 to vector<128x128xi32>
    %lt3A_842 = arith.cmpi slt, %select_n3A, %lt3A_841 : vector<128x128xi32>
    %convert_element_type3A_843 = arith.extui %lt3A_842 : vector<128x128xi1> to vector<128x128xi32>
    %shift_left3A_844 = arith.constant 16 : i32
    %shift_left3A_845 = vector.broadcast %shift_left3A_844 : i32 to vector<128x128xi32>
    %shift_left3A_846 = arith.shli %convert_element_type3A_843, %shift_left3A_845 : vector<128x128xi32>
    %add3A_847 = arith.addi %convert_element_type3A_840, %shift_left3A_846 : vector<128x128xi32>
    %reduce_sum3A_848 = vector.shape_cast %add3A_847 : vector<128x128xi32> to vector<1x128x128xi32>
    %reduce_sum3A_849 = arith.constant dense<0> : vector<1xi32>
    %reduce_sum3A_850 = vector.multi_reduction <add>, %reduce_sum3A_848, %reduce_sum3A_849 [1, 2] : vector<1x128x128xi32> to vector<1xi32>
    %reduce_sum3A_851 = vector.shape_cast %reduce_sum3A_850 : vector<1xi32> to vector<1x1x1xi32>
    %reduce_sum3A_852 = vector.extract %reduce_sum3A_851[0, 0, 0] : i32 from vector<1x1x1xi32>
    %and3A_853 = arith.constant 65535 : i32
    %and3A_854 = arith.andi %reduce_sum3A_852, %and3A_853 : i32
    %shift_right_arithmetic3A_855 = arith.constant 16 : i32
    %shift_right_arithmetic3A_856 = arith.shrsi %reduce_sum3A_852, %shift_right_arithmetic3A_855 : i32
    %le3A_857 = arith.constant 4095 : i32
    %le3A_858 = arith.cmpi sle, %and3A_854, %le3A_857 : i32
    %select_n3A_859 = arith.select %le3A_858, %or3A_831, %select_n3A_826 : i32
    %le3A_860 = arith.constant 12287 : i32
    %le3A_861 = arith.cmpi sle, %shift_right_arithmetic3A_856, %le3A_860 : i32
    %select_n3A_862 = arith.select %le3A_861, %or3A_833, %select_n3A_829 : i32
    %or3A_863 = arith.constant 32 : i32
    %or3A_864 = arith.ori %select_n3A_859, %or3A_863 : i32
    %or3A_865 = arith.constant 32 : i32
    %or3A_866 = arith.ori %select_n3A_862, %or3A_865 : i32
    %xor3A_867 = arith.constant -2147483648 : i32
    %xor3A_868 = arith.xori %or3A_864, %xor3A_867 : i32
    %xor3A_869 = arith.constant -2147483648 : i32
    %xor3A_870 = arith.xori %or3A_866, %xor3A_869 : i32
    %lt3A_871 = vector.broadcast %xor3A_868 : i32 to vector<128x128xi32>
    %lt3A_872 = arith.cmpi slt, %select_n3A, %lt3A_871 : vector<128x128xi32>
    %convert_element_type3A_873 = arith.extui %lt3A_872 : vector<128x128xi1> to vector<128x128xi32>
    %lt3A_874 = vector.broadcast %xor3A_870 : i32 to vector<128x128xi32>
    %lt3A_875 = arith.cmpi slt, %select_n3A, %lt3A_874 : vector<128x128xi32>
    %convert_element_type3A_876 = arith.extui %lt3A_875 : vector<128x128xi1> to vector<128x128xi32>
    %shift_left3A_877 = arith.constant 16 : i32
    %shift_left3A_878 = vector.broadcast %shift_left3A_877 : i32 to vector<128x128xi32>
    %shift_left3A_879 = arith.shli %convert_element_type3A_876, %shift_left3A_878 : vector<128x128xi32>
    %add3A_880 = arith.addi %convert_element_type3A_873, %shift_left3A_879 : vector<128x128xi32>
    %reduce_sum3A_881 = vector.shape_cast %add3A_880 : vector<128x128xi32> to vector<1x128x128xi32>
    %reduce_sum3A_882 = arith.constant dense<0> : vector<1xi32>
    %reduce_sum3A_883 = vector.multi_reduction <add>, %reduce_sum3A_881, %reduce_sum3A_882 [1, 2] : vector<1x128x128xi32> to vector<1xi32>
    %reduce_sum3A_884 = vector.shape_cast %reduce_sum3A_883 : vector<1xi32> to vector<1x1x1xi32>
    %reduce_sum3A_885 = vector.extract %reduce_sum3A_884[0, 0, 0] : i32 from vector<1x1x1xi32>
    %and3A_886 = arith.constant 65535 : i32
    %and3A_887 = arith.andi %reduce_sum3A_885, %and3A_886 : i32
    %shift_right_arithmetic3A_888 = arith.constant 16 : i32
    %shift_right_arithmetic3A_889 = arith.shrsi %reduce_sum3A_885, %shift_right_arithmetic3A_888 : i32
    %le3A_890 = arith.constant 4095 : i32
    %le3A_891 = arith.cmpi sle, %and3A_887, %le3A_890 : i32
    %select_n3A_892 = arith.select %le3A_891, %or3A_864, %select_n3A_859 : i32
    %le3A_893 = arith.constant 12287 : i32
    %le3A_894 = arith.cmpi sle, %shift_right_arithmetic3A_889, %le3A_893 : i32
    %select_n3A_895 = arith.select %le3A_894, %or3A_866, %select_n3A_862 : i32
    %or3A_896 = arith.constant 16 : i32
    %or3A_897 = arith.ori %select_n3A_892, %or3A_896 : i32
    %or3A_898 = arith.constant 16 : i32
    %or3A_899 = arith.ori %select_n3A_895, %or3A_898 : i32
    %xor3A_900 = arith.constant -2147483648 : i32
    %xor3A_901 = arith.xori %or3A_897, %xor3A_900 : i32
    %xor3A_902 = arith.constant -2147483648 : i32
    %xor3A_903 = arith.xori %or3A_899, %xor3A_902 : i32
    %lt3A_904 = vector.broadcast %xor3A_901 : i32 to vector<128x128xi32>
    %lt3A_905 = arith.cmpi slt, %select_n3A, %lt3A_904 : vector<128x128xi32>
    %convert_element_type3A_906 = arith.extui %lt3A_905 : vector<128x128xi1> to vector<128x128xi32>
    %lt3A_907 = vector.broadcast %xor3A_903 : i32 to vector<128x128xi32>
    %lt3A_908 = arith.cmpi slt, %select_n3A, %lt3A_907 : vector<128x128xi32>
    %convert_element_type3A_909 = arith.extui %lt3A_908 : vector<128x128xi1> to vector<128x128xi32>
    %shift_left3A_910 = arith.constant 16 : i32
    %shift_left3A_911 = vector.broadcast %shift_left3A_910 : i32 to vector<128x128xi32>
    %shift_left3A_912 = arith.shli %convert_element_type3A_909, %shift_left3A_911 : vector<128x128xi32>
    %add3A_913 = arith.addi %convert_element_type3A_906, %shift_left3A_912 : vector<128x128xi32>
    %reduce_sum3A_914 = vector.shape_cast %add3A_913 : vector<128x128xi32> to vector<1x128x128xi32>
    %reduce_sum3A_915 = arith.constant dense<0> : vector<1xi32>
    %reduce_sum3A_916 = vector.multi_reduction <add>, %reduce_sum3A_914, %reduce_sum3A_915 [1, 2] : vector<1x128x128xi32> to vector<1xi32>
    %reduce_sum3A_917 = vector.shape_cast %reduce_sum3A_916 : vector<1xi32> to vector<1x1x1xi32>
    %reduce_sum3A_918 = vector.extract %reduce_sum3A_917[0, 0, 0] : i32 from vector<1x1x1xi32>
    %and3A_919 = arith.constant 65535 : i32
    %and3A_920 = arith.andi %reduce_sum3A_918, %and3A_919 : i32
    %shift_right_arithmetic3A_921 = arith.constant 16 : i32
    %shift_right_arithmetic3A_922 = arith.shrsi %reduce_sum3A_918, %shift_right_arithmetic3A_921 : i32
    %le3A_923 = arith.constant 4095 : i32
    %le3A_924 = arith.cmpi sle, %and3A_920, %le3A_923 : i32
    %select_n3A_925 = arith.select %le3A_924, %or3A_897, %select_n3A_892 : i32
    %le3A_926 = arith.constant 12287 : i32
    %le3A_927 = arith.cmpi sle, %shift_right_arithmetic3A_922, %le3A_926 : i32
    %select_n3A_928 = arith.select %le3A_927, %or3A_899, %select_n3A_895 : i32
    %or3A_929 = arith.constant 8 : i32
    %or3A_930 = arith.ori %select_n3A_925, %or3A_929 : i32
    %or3A_931 = arith.constant 8 : i32
    %or3A_932 = arith.ori %select_n3A_928, %or3A_931 : i32
    %xor3A_933 = arith.constant -2147483648 : i32
    %xor3A_934 = arith.xori %or3A_930, %xor3A_933 : i32
    %xor3A_935 = arith.constant -2147483648 : i32
    %xor3A_936 = arith.xori %or3A_932, %xor3A_935 : i32
    %lt3A_937 = vector.broadcast %xor3A_934 : i32 to vector<128x128xi32>
    %lt3A_938 = arith.cmpi slt, %select_n3A, %lt3A_937 : vector<128x128xi32>
    %convert_element_type3A_939 = arith.extui %lt3A_938 : vector<128x128xi1> to vector<128x128xi32>
    %lt3A_940 = vector.broadcast %xor3A_936 : i32 to vector<128x128xi32>
    %lt3A_941 = arith.cmpi slt, %select_n3A, %lt3A_940 : vector<128x128xi32>
    %convert_element_type3A_942 = arith.extui %lt3A_941 : vector<128x128xi1> to vector<128x128xi32>
    %shift_left3A_943 = arith.constant 16 : i32
    %shift_left3A_944 = vector.broadcast %shift_left3A_943 : i32 to vector<128x128xi32>
    %shift_left3A_945 = arith.shli %convert_element_type3A_942, %shift_left3A_944 : vector<128x128xi32>
    %add3A_946 = arith.addi %convert_element_type3A_939, %shift_left3A_945 : vector<128x128xi32>
    %reduce_sum3A_947 = vector.shape_cast %add3A_946 : vector<128x128xi32> to vector<1x128x128xi32>
    %reduce_sum3A_948 = arith.constant dense<0> : vector<1xi32>
    %reduce_sum3A_949 = vector.multi_reduction <add>, %reduce_sum3A_947, %reduce_sum3A_948 [1, 2] : vector<1x128x128xi32> to vector<1xi32>
    %reduce_sum3A_950 = vector.shape_cast %reduce_sum3A_949 : vector<1xi32> to vector<1x1x1xi32>
    %reduce_sum3A_951 = vector.extract %reduce_sum3A_950[0, 0, 0] : i32 from vector<1x1x1xi32>
    %and3A_952 = arith.constant 65535 : i32
    %and3A_953 = arith.andi %reduce_sum3A_951, %and3A_952 : i32
    %shift_right_arithmetic3A_954 = arith.constant 16 : i32
    %shift_right_arithmetic3A_955 = arith.shrsi %reduce_sum3A_951, %shift_right_arithmetic3A_954 : i32
    %le3A_956 = arith.constant 4095 : i32
    %le3A_957 = arith.cmpi sle, %and3A_953, %le3A_956 : i32
    %select_n3A_958 = arith.select %le3A_957, %or3A_930, %select_n3A_925 : i32
    %le3A_959 = arith.constant 12287 : i32
    %le3A_960 = arith.cmpi sle, %shift_right_arithmetic3A_955, %le3A_959 : i32
    %select_n3A_961 = arith.select %le3A_960, %or3A_932, %select_n3A_928 : i32
    %or3A_962 = arith.constant 4 : i32
    %or3A_963 = arith.ori %select_n3A_958, %or3A_962 : i32
    %or3A_964 = arith.constant 4 : i32
    %or3A_965 = arith.ori %select_n3A_961, %or3A_964 : i32
    %xor3A_966 = arith.constant -2147483648 : i32
    %xor3A_967 = arith.xori %or3A_963, %xor3A_966 : i32
    %xor3A_968 = arith.constant -2147483648 : i32
    %xor3A_969 = arith.xori %or3A_965, %xor3A_968 : i32
    %lt3A_970 = vector.broadcast %xor3A_967 : i32 to vector<128x128xi32>
    %lt3A_971 = arith.cmpi slt, %select_n3A, %lt3A_970 : vector<128x128xi32>
    %convert_element_type3A_972 = arith.extui %lt3A_971 : vector<128x128xi1> to vector<128x128xi32>
    %lt3A_973 = vector.broadcast %xor3A_969 : i32 to vector<128x128xi32>
    %lt3A_974 = arith.cmpi slt, %select_n3A, %lt3A_973 : vector<128x128xi32>
    %convert_element_type3A_975 = arith.extui %lt3A_974 : vector<128x128xi1> to vector<128x128xi32>
    %shift_left3A_976 = arith.constant 16 : i32
    %shift_left3A_977 = vector.broadcast %shift_left3A_976 : i32 to vector<128x128xi32>
    %shift_left3A_978 = arith.shli %convert_element_type3A_975, %shift_left3A_977 : vector<128x128xi32>
    %add3A_979 = arith.addi %convert_element_type3A_972, %shift_left3A_978 : vector<128x128xi32>
    %reduce_sum3A_980 = vector.shape_cast %add3A_979 : vector<128x128xi32> to vector<1x128x128xi32>
    %reduce_sum3A_981 = arith.constant dense<0> : vector<1xi32>
    %reduce_sum3A_982 = vector.multi_reduction <add>, %reduce_sum3A_980, %reduce_sum3A_981 [1, 2] : vector<1x128x128xi32> to vector<1xi32>
    %reduce_sum3A_983 = vector.shape_cast %reduce_sum3A_982 : vector<1xi32> to vector<1x1x1xi32>
    %reduce_sum3A_984 = vector.extract %reduce_sum3A_983[0, 0, 0] : i32 from vector<1x1x1xi32>
    %and3A_985 = arith.constant 65535 : i32
    %and3A_986 = arith.andi %reduce_sum3A_984, %and3A_985 : i32
    %shift_right_arithmetic3A_987 = arith.constant 16 : i32
    %shift_right_arithmetic3A_988 = arith.shrsi %reduce_sum3A_984, %shift_right_arithmetic3A_987 : i32
    %le3A_989 = arith.constant 4095 : i32
    %le3A_990 = arith.cmpi sle, %and3A_986, %le3A_989 : i32
    %select_n3A_991 = arith.select %le3A_990, %or3A_963, %select_n3A_958 : i32
    %le3A_992 = arith.constant 12287 : i32
    %le3A_993 = arith.cmpi sle, %shift_right_arithmetic3A_988, %le3A_992 : i32
    %select_n3A_994 = arith.select %le3A_993, %or3A_965, %select_n3A_961 : i32
    %or3A_995 = arith.constant 2 : i32
    %or3A_996 = arith.ori %select_n3A_991, %or3A_995 : i32
    %or3A_997 = arith.constant 2 : i32
    %or3A_998 = arith.ori %select_n3A_994, %or3A_997 : i32
    %xor3A_999 = arith.constant -2147483648 : i32
    %xor3A_1000 = arith.xori %or3A_996, %xor3A_999 : i32
    %xor3A_1001 = arith.constant -2147483648 : i32
    %xor3A_1002 = arith.xori %or3A_998, %xor3A_1001 : i32
    %lt3A_1003 = vector.broadcast %xor3A_1000 : i32 to vector<128x128xi32>
    %lt3A_1004 = arith.cmpi slt, %select_n3A, %lt3A_1003 : vector<128x128xi32>
    %convert_element_type3A_1005 = arith.extui %lt3A_1004 : vector<128x128xi1> to vector<128x128xi32>
    %lt3A_1006 = vector.broadcast %xor3A_1002 : i32 to vector<128x128xi32>
    %lt3A_1007 = arith.cmpi slt, %select_n3A, %lt3A_1006 : vector<128x128xi32>
    %convert_element_type3A_1008 = arith.extui %lt3A_1007 : vector<128x128xi1> to vector<128x128xi32>
    %shift_left3A_1009 = arith.constant 16 : i32
    %shift_left3A_1010 = vector.broadcast %shift_left3A_1009 : i32 to vector<128x128xi32>
    %shift_left3A_1011 = arith.shli %convert_element_type3A_1008, %shift_left3A_1010 : vector<128x128xi32>
    %add3A_1012 = arith.addi %convert_element_type3A_1005, %shift_left3A_1011 : vector<128x128xi32>
    %reduce_sum3A_1013 = vector.shape_cast %add3A_1012 : vector<128x128xi32> to vector<1x128x128xi32>
    %reduce_sum3A_1014 = arith.constant dense<0> : vector<1xi32>
    %reduce_sum3A_1015 = vector.multi_reduction <add>, %reduce_sum3A_1013, %reduce_sum3A_1014 [1, 2] : vector<1x128x128xi32> to vector<1xi32>
    %reduce_sum3A_1016 = vector.shape_cast %reduce_sum3A_1015 : vector<1xi32> to vector<1x1x1xi32>
    %reduce_sum3A_1017 = vector.extract %reduce_sum3A_1016[0, 0, 0] : i32 from vector<1x1x1xi32>
    %and3A_1018 = arith.constant 65535 : i32
    %and3A_1019 = arith.andi %reduce_sum3A_1017, %and3A_1018 : i32
    %shift_right_arithmetic3A_1020 = arith.constant 16 : i32
    %shift_right_arithmetic3A_1021 = arith.shrsi %reduce_sum3A_1017, %shift_right_arithmetic3A_1020 : i32
    %le3A_1022 = arith.constant 4095 : i32
    %le3A_1023 = arith.cmpi sle, %and3A_1019, %le3A_1022 : i32
    %select_n3A_1024 = arith.select %le3A_1023, %or3A_996, %select_n3A_991 : i32
    %le3A_1025 = arith.constant 12287 : i32
    %le3A_1026 = arith.cmpi sle, %shift_right_arithmetic3A_1021, %le3A_1025 : i32
    %select_n3A_1027 = arith.select %le3A_1026, %or3A_998, %select_n3A_994 : i32
    %or3A_1028 = arith.constant 1 : i32
    %or3A_1029 = arith.ori %select_n3A_1024, %or3A_1028 : i32
    %or3A_1030 = arith.constant 1 : i32
    %or3A_1031 = arith.ori %select_n3A_1027, %or3A_1030 : i32
    %xor3A_1032 = arith.constant -2147483648 : i32
    %xor3A_1033 = arith.xori %or3A_1029, %xor3A_1032 : i32
    %xor3A_1034 = arith.constant -2147483648 : i32
    %xor3A_1035 = arith.xori %or3A_1031, %xor3A_1034 : i32
    %lt3A_1036 = vector.broadcast %xor3A_1033 : i32 to vector<128x128xi32>
    %lt3A_1037 = arith.cmpi slt, %select_n3A, %lt3A_1036 : vector<128x128xi32>
    %convert_element_type3A_1038 = arith.extui %lt3A_1037 : vector<128x128xi1> to vector<128x128xi32>
    %lt3A_1039 = vector.broadcast %xor3A_1035 : i32 to vector<128x128xi32>
    %lt3A_1040 = arith.cmpi slt, %select_n3A, %lt3A_1039 : vector<128x128xi32>
    %convert_element_type3A_1041 = arith.extui %lt3A_1040 : vector<128x128xi1> to vector<128x128xi32>
    %shift_left3A_1042 = arith.constant 16 : i32
    %shift_left3A_1043 = vector.broadcast %shift_left3A_1042 : i32 to vector<128x128xi32>
    %shift_left3A_1044 = arith.shli %convert_element_type3A_1041, %shift_left3A_1043 : vector<128x128xi32>
    %add3A_1045 = arith.addi %convert_element_type3A_1038, %shift_left3A_1044 : vector<128x128xi32>
    %reduce_sum3A_1046 = vector.shape_cast %add3A_1045 : vector<128x128xi32> to vector<1x128x128xi32>
    %reduce_sum3A_1047 = arith.constant dense<0> : vector<1xi32>
    %reduce_sum3A_1048 = vector.multi_reduction <add>, %reduce_sum3A_1046, %reduce_sum3A_1047 [1, 2] : vector<1x128x128xi32> to vector<1xi32>
    %reduce_sum3A_1049 = vector.shape_cast %reduce_sum3A_1048 : vector<1xi32> to vector<1x1x1xi32>
    %reduce_sum3A_1050 = vector.extract %reduce_sum3A_1049[0, 0, 0] : i32 from vector<1x1x1xi32>
    %and3A_1051 = arith.constant 65535 : i32
    %and3A_1052 = arith.andi %reduce_sum3A_1050, %and3A_1051 : i32
    %shift_right_arithmetic3A_1053 = arith.constant 16 : i32
    %shift_right_arithmetic3A_1054 = arith.shrsi %reduce_sum3A_1050, %shift_right_arithmetic3A_1053 : i32
    %le3A_1055 = arith.constant 4095 : i32
    %le3A_1056 = arith.cmpi sle, %and3A_1052, %le3A_1055 : i32
    %select_n3A_1057 = arith.select %le3A_1056, %or3A_1029, %select_n3A_1024 : i32
    %le3A_1058 = arith.constant 12287 : i32
    %le3A_1059 = arith.cmpi sle, %shift_right_arithmetic3A_1054, %le3A_1058 : i32
    %select_n3A_1060 = arith.select %le3A_1059, %or3A_1031, %select_n3A_1027 : i32
    %xor3A_1061 = arith.constant -2147483648 : i32
    %xor3A_1062 = arith.xori %select_n3A_1057, %xor3A_1061 : i32
    %lt3A_1063 = arith.constant 0 : i32
    %lt3A_1064 = arith.cmpi slt, %xor3A_1062, %lt3A_1063 : i32
    %xor3A_1065 = arith.constant 2147483647 : i32
    %xor3A_1066 = arith.xori %xor3A_1062, %xor3A_1065 : i32
    %select_n3A_1067 = arith.select %lt3A_1064, %xor3A_1066, %xor3A_1062 : i32
    %bitcast_convert_type3A_1068 = arith.bitcast %select_n3A_1067 : i32 to f32
    %xor3A_1069 = arith.constant -2147483648 : i32
    %xor3A_1070 = arith.xori %select_n3A_1060, %xor3A_1069 : i32
    %lt3A_1071 = arith.constant 0 : i32
    %lt3A_1072 = arith.cmpi slt, %xor3A_1070, %lt3A_1071 : i32
    %xor3A_1073 = arith.constant 2147483647 : i32
    %xor3A_1074 = arith.xori %xor3A_1070, %xor3A_1073 : i32
    %select_n3A_1075 = arith.select %lt3A_1072, %xor3A_1074, %xor3A_1070 : i32
    %bitcast_convert_type3A_1076 = arith.bitcast %select_n3A_1075 : i32 to f32
    %lt3A_1077 = arith.constant 0 : i32
    %lt3A_1078 = arith.cmpi slt, %reduce_min3A_9, %lt3A_1077 : i32
    %xor3A_1079 = arith.constant 2147483647 : i32
    %xor3A_1080 = arith.xori %reduce_min3A_9, %xor3A_1079 : i32
    %select_n3A_1081 = arith.select %lt3A_1078, %xor3A_1080, %reduce_min3A_9 : i32
    %bitcast_convert_type3A_1082 = arith.bitcast %select_n3A_1081 : i32 to f32
    %sub3A = arith.subf %bitcast_convert_type3A_1076, %bitcast_convert_type3A_1068 : f32
    %mul3A = arith.constant 3.000000e+00 : f32
    %mul3A_1083 = arith.mulf %mul3A, %sub3A : f32
    %sub3A_1084 = arith.subf %bitcast_convert_type3A_1068, %mul3A_1083 : f32
    %max3A = arith.maximumf %sub3A_1084, %bitcast_convert_type3A_1082 : f32
    %mul3A_1085 = arith.constant 3.000000e+00 : f32
    %mul3A_1086 = arith.mulf %mul3A_1085, %sub3A : f32
    %add3A_1087 = arith.addf %bitcast_convert_type3A_1076, %mul3A_1086 : f32
    %max3A_1088 = vector.broadcast %max3A : f32 to vector<128x128xf32>
    %max3A_1089 = arith.maximumf %max3A_1088, %get3A_1 : vector<128x128xf32>
    %min3A = vector.broadcast %add3A_1087 : f32 to vector<128x128xf32>
    %min3A_1090 = arith.minimumf %min3A, %max3A_1089 : vector<128x128xf32>
    %swap3A = arith.constant 0 : index
    %swap3A_1091 = arith.constant 0 : index
    %swap3A_1092 = vector.load %arg3[%swap3A, %swap3A_1091] : memref<128x128xf32, #tpu.memory_space<vmem>>, vector<128x128xf32>
    tpu.vector_store %arg3[%swap3A, %swap3A_1091], %min3A_1090 {strides = array<i32>} : memref<128x128xf32, #tpu.memory_space<vmem>>, vector<128x128xf32>,
    %get3A_1093 = arith.constant 0 : index
    %get3A_1094 = memref.load %arg2[%get3A_1093] : memref<2xf32, #tpu.memory_space<smem>>
    %sub3A_1095 = vector.broadcast %get3A_1094 : f32 to vector<128x128xf32>
    %sub3A_1096 = arith.subf %min3A_1090, %sub3A_1095 : vector<128x128xf32>
    %get3A_1097 = arith.constant 1 : index
    %get3A_1098 = memref.load %arg2[%get3A_1097] : memref<2xf32, #tpu.memory_space<smem>>
    %sqrt3A = math.sqrt %get3A_1098 : f32
    %div3A = vector.broadcast %sqrt3A : f32 to vector<128x128xf32>
    %div3A_1099 = arith.divf %sub3A_1096, %div3A : vector<128x128xf32>
    %swap3A_1100 = arith.constant 0 : index
    %swap3A_1101 = arith.constant 0 : index
    %swap3A_1102 = vector.load %arg5[%swap3A_1100, %swap3A_1101] : memref<128x128xf32, #tpu.memory_space<vmem>>, vector<128x128xf32>
    tpu.vector_store %arg5[%swap3A_1100, %swap3A_1101], %div3A_1099 {strides = array<i32>} : memref<128x128xf32, #tpu.memory_space<vmem>>, vector<128x128xf32>,
    %broadcast_in_dim3A = arith.constant 0 : i32
    %broadcast_in_dim3A_1103 = vector.broadcast %broadcast_in_dim3A : i32 to vector<128x128xi32>
    %get3A_1104 = arith.constant 0 : index
    %get3A_1105 = memref.load %arg1[%get3A_1104] : memref<99xf32, #tpu.memory_space<smem>>
    %le3A_1106 = vector.broadcast %get3A_1105 : f32 to vector<128x128xf32>
    %le3A_1107 = arith.cmpf ole, %le3A_1106, %min3A_1090 : vector<128x128xf32>
    %convert_element_type3A_1108 = arith.extui %le3A_1107 : vector<128x128xi1> to vector<128x128xi32>
    %add3A_1109 = arith.addi %broadcast_in_dim3A_1103, %convert_element_type3A_1108 : vector<128x128xi32>
    %get3A_1110 = arith.constant 1 : index
    %get3A_1111 = memref.load %arg1[%get3A_1110] : memref<99xf32, #tpu.memory_space<smem>>
    %le3A_1112 = vector.broadcast %get3A_1111 : f32 to vector<128x128xf32>
    %le3A_1113 = arith.cmpf ole, %le3A_1112, %min3A_1090 : vector<128x128xf32>
    %convert_element_type3A_1114 = arith.extui %le3A_1113 : vector<128x128xi1> to vector<128x128xi32>
    %add3A_1115 = arith.addi %add3A_1109, %convert_element_type3A_1114 : vector<128x128xi32>
    %get3A_1116 = arith.constant 2 : index
    %get3A_1117 = memref.load %arg1[%get3A_1116] : memref<99xf32, #tpu.memory_space<smem>>
    %le3A_1118 = vector.broadcast %get3A_1117 : f32 to vector<128x128xf32>
    %le3A_1119 = arith.cmpf ole, %le3A_1118, %min3A_1090 : vector<128x128xf32>
    %convert_element_type3A_1120 = arith.extui %le3A_1119 : vector<128x128xi1> to vector<128x128xi32>
    %add3A_1121 = arith.addi %add3A_1115, %convert_element_type3A_1120 : vector<128x128xi32>
    %get3A_1122 = arith.constant 3 : index
    %get3A_1123 = memref.load %arg1[%get3A_1122] : memref<99xf32, #tpu.memory_space<smem>>
    %le3A_1124 = vector.broadcast %get3A_1123 : f32 to vector<128x128xf32>
    %le3A_1125 = arith.cmpf ole, %le3A_1124, %min3A_1090 : vector<128x128xf32>
    %convert_element_type3A_1126 = arith.extui %le3A_1125 : vector<128x128xi1> to vector<128x128xi32>
    %add3A_1127 = arith.addi %add3A_1121, %convert_element_type3A_1126 : vector<128x128xi32>
    %get3A_1128 = arith.constant 4 : index
    %get3A_1129 = memref.load %arg1[%get3A_1128] : memref<99xf32, #tpu.memory_space<smem>>
    %le3A_1130 = vector.broadcast %get3A_1129 : f32 to vector<128x128xf32>
    %le3A_1131 = arith.cmpf ole, %le3A_1130, %min3A_1090 : vector<128x128xf32>
    %convert_element_type3A_1132 = arith.extui %le3A_1131 : vector<128x128xi1> to vector<128x128xi32>
    %add3A_1133 = arith.addi %add3A_1127, %convert_element_type3A_1132 : vector<128x128xi32>
    %get3A_1134 = arith.constant 5 : index
    %get3A_1135 = memref.load %arg1[%get3A_1134] : memref<99xf32, #tpu.memory_space<smem>>
    %le3A_1136 = vector.broadcast %get3A_1135 : f32 to vector<128x128xf32>
    %le3A_1137 = arith.cmpf ole, %le3A_1136, %min3A_1090 : vector<128x128xf32>
    %convert_element_type3A_1138 = arith.extui %le3A_1137 : vector<128x128xi1> to vector<128x128xi32>
    %add3A_1139 = arith.addi %add3A_1133, %convert_element_type3A_1138 : vector<128x128xi32>
    %get3A_1140 = arith.constant 6 : index
    %get3A_1141 = memref.load %arg1[%get3A_1140] : memref<99xf32, #tpu.memory_space<smem>>
    %le3A_1142 = vector.broadcast %get3A_1141 : f32 to vector<128x128xf32>
    %le3A_1143 = arith.cmpf ole, %le3A_1142, %min3A_1090 : vector<128x128xf32>
    %convert_element_type3A_1144 = arith.extui %le3A_1143 : vector<128x128xi1> to vector<128x128xi32>
    %add3A_1145 = arith.addi %add3A_1139, %convert_element_type3A_1144 : vector<128x128xi32>
    %get3A_1146 = arith.constant 7 : index
    %get3A_1147 = memref.load %arg1[%get3A_1146] : memref<99xf32, #tpu.memory_space<smem>>
    %le3A_1148 = vector.broadcast %get3A_1147 : f32 to vector<128x128xf32>
    %le3A_1149 = arith.cmpf ole, %le3A_1148, %min3A_1090 : vector<128x128xf32>
    %convert_element_type3A_1150 = arith.extui %le3A_1149 : vector<128x128xi1> to vector<128x128xi32>
    %add3A_1151 = arith.addi %add3A_1145, %convert_element_type3A_1150 : vector<128x128xi32>
    %get3A_1152 = arith.constant 8 : index
    %get3A_1153 = memref.load %arg1[%get3A_1152] : memref<99xf32, #tpu.memory_space<smem>>
    %le3A_1154 = vector.broadcast %get3A_1153 : f32 to vector<128x128xf32>
    %le3A_1155 = arith.cmpf ole, %le3A_1154, %min3A_1090 : vector<128x128xf32>
    %convert_element_type3A_1156 = arith.extui %le3A_1155 : vector<128x128xi1> to vector<128x128xi32>
    %add3A_1157 = arith.addi %add3A_1151, %convert_element_type3A_1156 : vector<128x128xi32>
    %get3A_1158 = arith.constant 9 : index
    %get3A_1159 = memref.load %arg1[%get3A_1158] : memref<99xf32, #tpu.memory_space<smem>>
    %le3A_1160 = vector.broadcast %get3A_1159 : f32 to vector<128x128xf32>
    %le3A_1161 = arith.cmpf ole, %le3A_1160, %min3A_1090 : vector<128x128xf32>
    %convert_element_type3A_1162 = arith.extui %le3A_1161 : vector<128x128xi1> to vector<128x128xi32>
    %add3A_1163 = arith.addi %add3A_1157, %convert_element_type3A_1162 : vector<128x128xi32>
    %get3A_1164 = arith.constant 10 : index
    %get3A_1165 = memref.load %arg1[%get3A_1164] : memref<99xf32, #tpu.memory_space<smem>>
    %le3A_1166 = vector.broadcast %get3A_1165 : f32 to vector<128x128xf32>
    %le3A_1167 = arith.cmpf ole, %le3A_1166, %min3A_1090 : vector<128x128xf32>
    %convert_element_type3A_1168 = arith.extui %le3A_1167 : vector<128x128xi1> to vector<128x128xi32>
    %add3A_1169 = arith.addi %add3A_1163, %convert_element_type3A_1168 : vector<128x128xi32>
    %get3A_1170 = arith.constant 11 : index
    %get3A_1171 = memref.load %arg1[%get3A_1170] : memref<99xf32, #tpu.memory_space<smem>>
    %le3A_1172 = vector.broadcast %get3A_1171 : f32 to vector<128x128xf32>
    %le3A_1173 = arith.cmpf ole, %le3A_1172, %min3A_1090 : vector<128x128xf32>
    %convert_element_type3A_1174 = arith.extui %le3A_1173 : vector<128x128xi1> to vector<128x128xi32>
    %add3A_1175 = arith.addi %add3A_1169, %convert_element_type3A_1174 : vector<128x128xi32>
    %get3A_1176 = arith.constant 12 : index
    %get3A_1177 = memref.load %arg1[%get3A_1176] : memref<99xf32, #tpu.memory_space<smem>>
    %le3A_1178 = vector.broadcast %get3A_1177 : f32 to vector<128x128xf32>
    %le3A_1179 = arith.cmpf ole, %le3A_1178, %min3A_1090 : vector<128x128xf32>
    %convert_element_type3A_1180 = arith.extui %le3A_1179 : vector<128x128xi1> to vector<128x128xi32>
    %add3A_1181 = arith.addi %add3A_1175, %convert_element_type3A_1180 : vector<128x128xi32>
    %get3A_1182 = arith.constant 13 : index
    %get3A_1183 = memref.load %arg1[%get3A_1182] : memref<99xf32, #tpu.memory_space<smem>>
    %le3A_1184 = vector.broadcast %get3A_1183 : f32 to vector<128x128xf32>
    %le3A_1185 = arith.cmpf ole, %le3A_1184, %min3A_1090 : vector<128x128xf32>
    %convert_element_type3A_1186 = arith.extui %le3A_1185 : vector<128x128xi1> to vector<128x128xi32>
    %add3A_1187 = arith.addi %add3A_1181, %convert_element_type3A_1186 : vector<128x128xi32>
    %get3A_1188 = arith.constant 14 : index
    %get3A_1189 = memref.load %arg1[%get3A_1188] : memref<99xf32, #tpu.memory_space<smem>>
    %le3A_1190 = vector.broadcast %get3A_1189 : f32 to vector<128x128xf32>
    %le3A_1191 = arith.cmpf ole, %le3A_1190, %min3A_1090 : vector<128x128xf32>
    %convert_element_type3A_1192 = arith.extui %le3A_1191 : vector<128x128xi1> to vector<128x128xi32>
    %add3A_1193 = arith.addi %add3A_1187, %convert_element_type3A_1192 : vector<128x128xi32>
    %get3A_1194 = arith.constant 15 : index
    %get3A_1195 = memref.load %arg1[%get3A_1194] : memref<99xf32, #tpu.memory_space<smem>>
    %le3A_1196 = vector.broadcast %get3A_1195 : f32 to vector<128x128xf32>
    %le3A_1197 = arith.cmpf ole, %le3A_1196, %min3A_1090 : vector<128x128xf32>
    %convert_element_type3A_1198 = arith.extui %le3A_1197 : vector<128x128xi1> to vector<128x128xi32>
    %add3A_1199 = arith.addi %add3A_1193, %convert_element_type3A_1198 : vector<128x128xi32>
    %get3A_1200 = arith.constant 16 : index
    %get3A_1201 = memref.load %arg1[%get3A_1200] : memref<99xf32, #tpu.memory_space<smem>>
    %le3A_1202 = vector.broadcast %get3A_1201 : f32 to vector<128x128xf32>
    %le3A_1203 = arith.cmpf ole, %le3A_1202, %min3A_1090 : vector<128x128xf32>
    %convert_element_type3A_1204 = arith.extui %le3A_1203 : vector<128x128xi1> to vector<128x128xi32>
    %add3A_1205 = arith.addi %add3A_1199, %convert_element_type3A_1204 : vector<128x128xi32>
    %get3A_1206 = arith.constant 17 : index
    %get3A_1207 = memref.load %arg1[%get3A_1206] : memref<99xf32, #tpu.memory_space<smem>>
    %le3A_1208 = vector.broadcast %get3A_1207 : f32 to vector<128x128xf32>
    %le3A_1209 = arith.cmpf ole, %le3A_1208, %min3A_1090 : vector<128x128xf32>
    %convert_element_type3A_1210 = arith.extui %le3A_1209 : vector<128x128xi1> to vector<128x128xi32>
    %add3A_1211 = arith.addi %add3A_1205, %convert_element_type3A_1210 : vector<128x128xi32>
    %get3A_1212 = arith.constant 18 : index
    %get3A_1213 = memref.load %arg1[%get3A_1212] : memref<99xf32, #tpu.memory_space<smem>>
    %le3A_1214 = vector.broadcast %get3A_1213 : f32 to vector<128x128xf32>
    %le3A_1215 = arith.cmpf ole, %le3A_1214, %min3A_1090 : vector<128x128xf32>
    %convert_element_type3A_1216 = arith.extui %le3A_1215 : vector<128x128xi1> to vector<128x128xi32>
    %add3A_1217 = arith.addi %add3A_1211, %convert_element_type3A_1216 : vector<128x128xi32>
    %get3A_1218 = arith.constant 19 : index
    %get3A_1219 = memref.load %arg1[%get3A_1218] : memref<99xf32, #tpu.memory_space<smem>>
    %le3A_1220 = vector.broadcast %get3A_1219 : f32 to vector<128x128xf32>
    %le3A_1221 = arith.cmpf ole, %le3A_1220, %min3A_1090 : vector<128x128xf32>
    %convert_element_type3A_1222 = arith.extui %le3A_1221 : vector<128x128xi1> to vector<128x128xi32>
    %add3A_1223 = arith.addi %add3A_1217, %convert_element_type3A_1222 : vector<128x128xi32>
    %get3A_1224 = arith.constant 20 : index
    %get3A_1225 = memref.load %arg1[%get3A_1224] : memref<99xf32, #tpu.memory_space<smem>>
    %le3A_1226 = vector.broadcast %get3A_1225 : f32 to vector<128x128xf32>
    %le3A_1227 = arith.cmpf ole, %le3A_1226, %min3A_1090 : vector<128x128xf32>
    %convert_element_type3A_1228 = arith.extui %le3A_1227 : vector<128x128xi1> to vector<128x128xi32>
    %add3A_1229 = arith.addi %add3A_1223, %convert_element_type3A_1228 : vector<128x128xi32>
    %get3A_1230 = arith.constant 21 : index
    %get3A_1231 = memref.load %arg1[%get3A_1230] : memref<99xf32, #tpu.memory_space<smem>>
    %le3A_1232 = vector.broadcast %get3A_1231 : f32 to vector<128x128xf32>
    %le3A_1233 = arith.cmpf ole, %le3A_1232, %min3A_1090 : vector<128x128xf32>
    %convert_element_type3A_1234 = arith.extui %le3A_1233 : vector<128x128xi1> to vector<128x128xi32>
    %add3A_1235 = arith.addi %add3A_1229, %convert_element_type3A_1234 : vector<128x128xi32>
    %get3A_1236 = arith.constant 22 : index
    %get3A_1237 = memref.load %arg1[%get3A_1236] : memref<99xf32, #tpu.memory_space<smem>>
    %le3A_1238 = vector.broadcast %get3A_1237 : f32 to vector<128x128xf32>
    %le3A_1239 = arith.cmpf ole, %le3A_1238, %min3A_1090 : vector<128x128xf32>
    %convert_element_type3A_1240 = arith.extui %le3A_1239 : vector<128x128xi1> to vector<128x128xi32>
    %add3A_1241 = arith.addi %add3A_1235, %convert_element_type3A_1240 : vector<128x128xi32>
    %get3A_1242 = arith.constant 23 : index
    %get3A_1243 = memref.load %arg1[%get3A_1242] : memref<99xf32, #tpu.memory_space<smem>>
    %le3A_1244 = vector.broadcast %get3A_1243 : f32 to vector<128x128xf32>
    %le3A_1245 = arith.cmpf ole, %le3A_1244, %min3A_1090 : vector<128x128xf32>
    %convert_element_type3A_1246 = arith.extui %le3A_1245 : vector<128x128xi1> to vector<128x128xi32>
    %add3A_1247 = arith.addi %add3A_1241, %convert_element_type3A_1246 : vector<128x128xi32>
    %get3A_1248 = arith.constant 24 : index
    %get3A_1249 = memref.load %arg1[%get3A_1248] : memref<99xf32, #tpu.memory_space<smem>>
    %le3A_1250 = vector.broadcast %get3A_1249 : f32 to vector<128x128xf32>
    %le3A_1251 = arith.cmpf ole, %le3A_1250, %min3A_1090 : vector<128x128xf32>
    %convert_element_type3A_1252 = arith.extui %le3A_1251 : vector<128x128xi1> to vector<128x128xi32>
    %add3A_1253 = arith.addi %add3A_1247, %convert_element_type3A_1252 : vector<128x128xi32>
    %get3A_1254 = arith.constant 25 : index
    %get3A_1255 = memref.load %arg1[%get3A_1254] : memref<99xf32, #tpu.memory_space<smem>>
    %le3A_1256 = vector.broadcast %get3A_1255 : f32 to vector<128x128xf32>
    %le3A_1257 = arith.cmpf ole, %le3A_1256, %min3A_1090 : vector<128x128xf32>
    %convert_element_type3A_1258 = arith.extui %le3A_1257 : vector<128x128xi1> to vector<128x128xi32>
    %add3A_1259 = arith.addi %add3A_1253, %convert_element_type3A_1258 : vector<128x128xi32>
    %get3A_1260 = arith.constant 26 : index
    %get3A_1261 = memref.load %arg1[%get3A_1260] : memref<99xf32, #tpu.memory_space<smem>>
    %le3A_1262 = vector.broadcast %get3A_1261 : f32 to vector<128x128xf32>
    %le3A_1263 = arith.cmpf ole, %le3A_1262, %min3A_1090 : vector<128x128xf32>
    %convert_element_type3A_1264 = arith.extui %le3A_1263 : vector<128x128xi1> to vector<128x128xi32>
    %add3A_1265 = arith.addi %add3A_1259, %convert_element_type3A_1264 : vector<128x128xi32>
    %get3A_1266 = arith.constant 27 : index
    %get3A_1267 = memref.load %arg1[%get3A_1266] : memref<99xf32, #tpu.memory_space<smem>>
    %le3A_1268 = vector.broadcast %get3A_1267 : f32 to vector<128x128xf32>
    %le3A_1269 = arith.cmpf ole, %le3A_1268, %min3A_1090 : vector<128x128xf32>
    %convert_element_type3A_1270 = arith.extui %le3A_1269 : vector<128x128xi1> to vector<128x128xi32>
    %add3A_1271 = arith.addi %add3A_1265, %convert_element_type3A_1270 : vector<128x128xi32>
    %get3A_1272 = arith.constant 28 : index
    %get3A_1273 = memref.load %arg1[%get3A_1272] : memref<99xf32, #tpu.memory_space<smem>>
    %le3A_1274 = vector.broadcast %get3A_1273 : f32 to vector<128x128xf32>
    %le3A_1275 = arith.cmpf ole, %le3A_1274, %min3A_1090 : vector<128x128xf32>
    %convert_element_type3A_1276 = arith.extui %le3A_1275 : vector<128x128xi1> to vector<128x128xi32>
    %add3A_1277 = arith.addi %add3A_1271, %convert_element_type3A_1276 : vector<128x128xi32>
    %get3A_1278 = arith.constant 29 : index
    %get3A_1279 = memref.load %arg1[%get3A_1278] : memref<99xf32, #tpu.memory_space<smem>>
    %le3A_1280 = vector.broadcast %get3A_1279 : f32 to vector<128x128xf32>
    %le3A_1281 = arith.cmpf ole, %le3A_1280, %min3A_1090 : vector<128x128xf32>
    %convert_element_type3A_1282 = arith.extui %le3A_1281 : vector<128x128xi1> to vector<128x128xi32>
    %add3A_1283 = arith.addi %add3A_1277, %convert_element_type3A_1282 : vector<128x128xi32>
    %get3A_1284 = arith.constant 30 : index
    %get3A_1285 = memref.load %arg1[%get3A_1284] : memref<99xf32, #tpu.memory_space<smem>>
    %le3A_1286 = vector.broadcast %get3A_1285 : f32 to vector<128x128xf32>
    %le3A_1287 = arith.cmpf ole, %le3A_1286, %min3A_1090 : vector<128x128xf32>
    %convert_element_type3A_1288 = arith.extui %le3A_1287 : vector<128x128xi1> to vector<128x128xi32>
    %add3A_1289 = arith.addi %add3A_1283, %convert_element_type3A_1288 : vector<128x128xi32>
    %get3A_1290 = arith.constant 31 : index
    %get3A_1291 = memref.load %arg1[%get3A_1290] : memref<99xf32, #tpu.memory_space<smem>>
    %le3A_1292 = vector.broadcast %get3A_1291 : f32 to vector<128x128xf32>
    %le3A_1293 = arith.cmpf ole, %le3A_1292, %min3A_1090 : vector<128x128xf32>
    %convert_element_type3A_1294 = arith.extui %le3A_1293 : vector<128x128xi1> to vector<128x128xi32>
    %add3A_1295 = arith.addi %add3A_1289, %convert_element_type3A_1294 : vector<128x128xi32>
    %get3A_1296 = arith.constant 32 : index
    %get3A_1297 = memref.load %arg1[%get3A_1296] : memref<99xf32, #tpu.memory_space<smem>>
    %le3A_1298 = vector.broadcast %get3A_1297 : f32 to vector<128x128xf32>
    %le3A_1299 = arith.cmpf ole, %le3A_1298, %min3A_1090 : vector<128x128xf32>
    %convert_element_type3A_1300 = arith.extui %le3A_1299 : vector<128x128xi1> to vector<128x128xi32>
    %add3A_1301 = arith.addi %add3A_1295, %convert_element_type3A_1300 : vector<128x128xi32>
    %get3A_1302 = arith.constant 33 : index
    %get3A_1303 = memref.load %arg1[%get3A_1302] : memref<99xf32, #tpu.memory_space<smem>>
    %le3A_1304 = vector.broadcast %get3A_1303 : f32 to vector<128x128xf32>
    %le3A_1305 = arith.cmpf ole, %le3A_1304, %min3A_1090 : vector<128x128xf32>
    %convert_element_type3A_1306 = arith.extui %le3A_1305 : vector<128x128xi1> to vector<128x128xi32>
    %add3A_1307 = arith.addi %add3A_1301, %convert_element_type3A_1306 : vector<128x128xi32>
    %get3A_1308 = arith.constant 34 : index
    %get3A_1309 = memref.load %arg1[%get3A_1308] : memref<99xf32, #tpu.memory_space<smem>>
    %le3A_1310 = vector.broadcast %get3A_1309 : f32 to vector<128x128xf32>
    %le3A_1311 = arith.cmpf ole, %le3A_1310, %min3A_1090 : vector<128x128xf32>
    %convert_element_type3A_1312 = arith.extui %le3A_1311 : vector<128x128xi1> to vector<128x128xi32>
    %add3A_1313 = arith.addi %add3A_1307, %convert_element_type3A_1312 : vector<128x128xi32>
    %get3A_1314 = arith.constant 35 : index
    %get3A_1315 = memref.load %arg1[%get3A_1314] : memref<99xf32, #tpu.memory_space<smem>>
    %le3A_1316 = vector.broadcast %get3A_1315 : f32 to vector<128x128xf32>
    %le3A_1317 = arith.cmpf ole, %le3A_1316, %min3A_1090 : vector<128x128xf32>
    %convert_element_type3A_1318 = arith.extui %le3A_1317 : vector<128x128xi1> to vector<128x128xi32>
    %add3A_1319 = arith.addi %add3A_1313, %convert_element_type3A_1318 : vector<128x128xi32>
    %get3A_1320 = arith.constant 36 : index
    %get3A_1321 = memref.load %arg1[%get3A_1320] : memref<99xf32, #tpu.memory_space<smem>>
    %le3A_1322 = vector.broadcast %get3A_1321 : f32 to vector<128x128xf32>
    %le3A_1323 = arith.cmpf ole, %le3A_1322, %min3A_1090 : vector<128x128xf32>
    %convert_element_type3A_1324 = arith.extui %le3A_1323 : vector<128x128xi1> to vector<128x128xi32>
    %add3A_1325 = arith.addi %add3A_1319, %convert_element_type3A_1324 : vector<128x128xi32>
    %get3A_1326 = arith.constant 37 : index
    %get3A_1327 = memref.load %arg1[%get3A_1326] : memref<99xf32, #tpu.memory_space<smem>>
    %le3A_1328 = vector.broadcast %get3A_1327 : f32 to vector<128x128xf32>
    %le3A_1329 = arith.cmpf ole, %le3A_1328, %min3A_1090 : vector<128x128xf32>
    %convert_element_type3A_1330 = arith.extui %le3A_1329 : vector<128x128xi1> to vector<128x128xi32>
    %add3A_1331 = arith.addi %add3A_1325, %convert_element_type3A_1330 : vector<128x128xi32>
    %get3A_1332 = arith.constant 38 : index
    %get3A_1333 = memref.load %arg1[%get3A_1332] : memref<99xf32, #tpu.memory_space<smem>>
    %le3A_1334 = vector.broadcast %get3A_1333 : f32 to vector<128x128xf32>
    %le3A_1335 = arith.cmpf ole, %le3A_1334, %min3A_1090 : vector<128x128xf32>
    %convert_element_type3A_1336 = arith.extui %le3A_1335 : vector<128x128xi1> to vector<128x128xi32>
    %add3A_1337 = arith.addi %add3A_1331, %convert_element_type3A_1336 : vector<128x128xi32>
    %get3A_1338 = arith.constant 39 : index
    %get3A_1339 = memref.load %arg1[%get3A_1338] : memref<99xf32, #tpu.memory_space<smem>>
    %le3A_1340 = vector.broadcast %get3A_1339 : f32 to vector<128x128xf32>
    %le3A_1341 = arith.cmpf ole, %le3A_1340, %min3A_1090 : vector<128x128xf32>
    %convert_element_type3A_1342 = arith.extui %le3A_1341 : vector<128x128xi1> to vector<128x128xi32>
    %add3A_1343 = arith.addi %add3A_1337, %convert_element_type3A_1342 : vector<128x128xi32>
    %get3A_1344 = arith.constant 40 : index
    %get3A_1345 = memref.load %arg1[%get3A_1344] : memref<99xf32, #tpu.memory_space<smem>>
    %le3A_1346 = vector.broadcast %get3A_1345 : f32 to vector<128x128xf32>
    %le3A_1347 = arith.cmpf ole, %le3A_1346, %min3A_1090 : vector<128x128xf32>
    %convert_element_type3A_1348 = arith.extui %le3A_1347 : vector<128x128xi1> to vector<128x128xi32>
    %add3A_1349 = arith.addi %add3A_1343, %convert_element_type3A_1348 : vector<128x128xi32>
    %get3A_1350 = arith.constant 41 : index
    %get3A_1351 = memref.load %arg1[%get3A_1350] : memref<99xf32, #tpu.memory_space<smem>>
    %le3A_1352 = vector.broadcast %get3A_1351 : f32 to vector<128x128xf32>
    %le3A_1353 = arith.cmpf ole, %le3A_1352, %min3A_1090 : vector<128x128xf32>
    %convert_element_type3A_1354 = arith.extui %le3A_1353 : vector<128x128xi1> to vector<128x128xi32>
    %add3A_1355 = arith.addi %add3A_1349, %convert_element_type3A_1354 : vector<128x128xi32>
    %get3A_1356 = arith.constant 42 : index
    %get3A_1357 = memref.load %arg1[%get3A_1356] : memref<99xf32, #tpu.memory_space<smem>>
    %le3A_1358 = vector.broadcast %get3A_1357 : f32 to vector<128x128xf32>
    %le3A_1359 = arith.cmpf ole, %le3A_1358, %min3A_1090 : vector<128x128xf32>
    %convert_element_type3A_1360 = arith.extui %le3A_1359 : vector<128x128xi1> to vector<128x128xi32>
    %add3A_1361 = arith.addi %add3A_1355, %convert_element_type3A_1360 : vector<128x128xi32>
    %get3A_1362 = arith.constant 43 : index
    %get3A_1363 = memref.load %arg1[%get3A_1362] : memref<99xf32, #tpu.memory_space<smem>>
    %le3A_1364 = vector.broadcast %get3A_1363 : f32 to vector<128x128xf32>
    %le3A_1365 = arith.cmpf ole, %le3A_1364, %min3A_1090 : vector<128x128xf32>
    %convert_element_type3A_1366 = arith.extui %le3A_1365 : vector<128x128xi1> to vector<128x128xi32>
    %add3A_1367 = arith.addi %add3A_1361, %convert_element_type3A_1366 : vector<128x128xi32>
    %get3A_1368 = arith.constant 44 : index
    %get3A_1369 = memref.load %arg1[%get3A_1368] : memref<99xf32, #tpu.memory_space<smem>>
    %le3A_1370 = vector.broadcast %get3A_1369 : f32 to vector<128x128xf32>
    %le3A_1371 = arith.cmpf ole, %le3A_1370, %min3A_1090 : vector<128x128xf32>
    %convert_element_type3A_1372 = arith.extui %le3A_1371 : vector<128x128xi1> to vector<128x128xi32>
    %add3A_1373 = arith.addi %add3A_1367, %convert_element_type3A_1372 : vector<128x128xi32>
    %get3A_1374 = arith.constant 45 : index
    %get3A_1375 = memref.load %arg1[%get3A_1374] : memref<99xf32, #tpu.memory_space<smem>>
    %le3A_1376 = vector.broadcast %get3A_1375 : f32 to vector<128x128xf32>
    %le3A_1377 = arith.cmpf ole, %le3A_1376, %min3A_1090 : vector<128x128xf32>
    %convert_element_type3A_1378 = arith.extui %le3A_1377 : vector<128x128xi1> to vector<128x128xi32>
    %add3A_1379 = arith.addi %add3A_1373, %convert_element_type3A_1378 : vector<128x128xi32>
    %get3A_1380 = arith.constant 46 : index
    %get3A_1381 = memref.load %arg1[%get3A_1380] : memref<99xf32, #tpu.memory_space<smem>>
    %le3A_1382 = vector.broadcast %get3A_1381 : f32 to vector<128x128xf32>
    %le3A_1383 = arith.cmpf ole, %le3A_1382, %min3A_1090 : vector<128x128xf32>
    %convert_element_type3A_1384 = arith.extui %le3A_1383 : vector<128x128xi1> to vector<128x128xi32>
    %add3A_1385 = arith.addi %add3A_1379, %convert_element_type3A_1384 : vector<128x128xi32>
    %get3A_1386 = arith.constant 47 : index
    %get3A_1387 = memref.load %arg1[%get3A_1386] : memref<99xf32, #tpu.memory_space<smem>>
    %le3A_1388 = vector.broadcast %get3A_1387 : f32 to vector<128x128xf32>
    %le3A_1389 = arith.cmpf ole, %le3A_1388, %min3A_1090 : vector<128x128xf32>
    %convert_element_type3A_1390 = arith.extui %le3A_1389 : vector<128x128xi1> to vector<128x128xi32>
    %add3A_1391 = arith.addi %add3A_1385, %convert_element_type3A_1390 : vector<128x128xi32>
    %get3A_1392 = arith.constant 48 : index
    %get3A_1393 = memref.load %arg1[%get3A_1392] : memref<99xf32, #tpu.memory_space<smem>>
    %le3A_1394 = vector.broadcast %get3A_1393 : f32 to vector<128x128xf32>
    %le3A_1395 = arith.cmpf ole, %le3A_1394, %min3A_1090 : vector<128x128xf32>
    %convert_element_type3A_1396 = arith.extui %le3A_1395 : vector<128x128xi1> to vector<128x128xi32>
    %add3A_1397 = arith.addi %add3A_1391, %convert_element_type3A_1396 : vector<128x128xi32>
    %get3A_1398 = arith.constant 49 : index
    %get3A_1399 = memref.load %arg1[%get3A_1398] : memref<99xf32, #tpu.memory_space<smem>>
    %le3A_1400 = vector.broadcast %get3A_1399 : f32 to vector<128x128xf32>
    %le3A_1401 = arith.cmpf ole, %le3A_1400, %min3A_1090 : vector<128x128xf32>
    %convert_element_type3A_1402 = arith.extui %le3A_1401 : vector<128x128xi1> to vector<128x128xi32>
    %add3A_1403 = arith.addi %add3A_1397, %convert_element_type3A_1402 : vector<128x128xi32>
    %get3A_1404 = arith.constant 50 : index
    %get3A_1405 = memref.load %arg1[%get3A_1404] : memref<99xf32, #tpu.memory_space<smem>>
    %le3A_1406 = vector.broadcast %get3A_1405 : f32 to vector<128x128xf32>
    %le3A_1407 = arith.cmpf ole, %le3A_1406, %min3A_1090 : vector<128x128xf32>
    %convert_element_type3A_1408 = arith.extui %le3A_1407 : vector<128x128xi1> to vector<128x128xi32>
    %add3A_1409 = arith.addi %add3A_1403, %convert_element_type3A_1408 : vector<128x128xi32>
    %get3A_1410 = arith.constant 51 : index
    %get3A_1411 = memref.load %arg1[%get3A_1410] : memref<99xf32, #tpu.memory_space<smem>>
    %le3A_1412 = vector.broadcast %get3A_1411 : f32 to vector<128x128xf32>
    %le3A_1413 = arith.cmpf ole, %le3A_1412, %min3A_1090 : vector<128x128xf32>
    %convert_element_type3A_1414 = arith.extui %le3A_1413 : vector<128x128xi1> to vector<128x128xi32>
    %add3A_1415 = arith.addi %add3A_1409, %convert_element_type3A_1414 : vector<128x128xi32>
    %get3A_1416 = arith.constant 52 : index
    %get3A_1417 = memref.load %arg1[%get3A_1416] : memref<99xf32, #tpu.memory_space<smem>>
    %le3A_1418 = vector.broadcast %get3A_1417 : f32 to vector<128x128xf32>
    %le3A_1419 = arith.cmpf ole, %le3A_1418, %min3A_1090 : vector<128x128xf32>
    %convert_element_type3A_1420 = arith.extui %le3A_1419 : vector<128x128xi1> to vector<128x128xi32>
    %add3A_1421 = arith.addi %add3A_1415, %convert_element_type3A_1420 : vector<128x128xi32>
    %get3A_1422 = arith.constant 53 : index
    %get3A_1423 = memref.load %arg1[%get3A_1422] : memref<99xf32, #tpu.memory_space<smem>>
    %le3A_1424 = vector.broadcast %get3A_1423 : f32 to vector<128x128xf32>
    %le3A_1425 = arith.cmpf ole, %le3A_1424, %min3A_1090 : vector<128x128xf32>
    %convert_element_type3A_1426 = arith.extui %le3A_1425 : vector<128x128xi1> to vector<128x128xi32>
    %add3A_1427 = arith.addi %add3A_1421, %convert_element_type3A_1426 : vector<128x128xi32>
    %get3A_1428 = arith.constant 54 : index
    %get3A_1429 = memref.load %arg1[%get3A_1428] : memref<99xf32, #tpu.memory_space<smem>>
    %le3A_1430 = vector.broadcast %get3A_1429 : f32 to vector<128x128xf32>
    %le3A_1431 = arith.cmpf ole, %le3A_1430, %min3A_1090 : vector<128x128xf32>
    %convert_element_type3A_1432 = arith.extui %le3A_1431 : vector<128x128xi1> to vector<128x128xi32>
    %add3A_1433 = arith.addi %add3A_1427, %convert_element_type3A_1432 : vector<128x128xi32>
    %get3A_1434 = arith.constant 55 : index
    %get3A_1435 = memref.load %arg1[%get3A_1434] : memref<99xf32, #tpu.memory_space<smem>>
    %le3A_1436 = vector.broadcast %get3A_1435 : f32 to vector<128x128xf32>
    %le3A_1437 = arith.cmpf ole, %le3A_1436, %min3A_1090 : vector<128x128xf32>
    %convert_element_type3A_1438 = arith.extui %le3A_1437 : vector<128x128xi1> to vector<128x128xi32>
    %add3A_1439 = arith.addi %add3A_1433, %convert_element_type3A_1438 : vector<128x128xi32>
    %get3A_1440 = arith.constant 56 : index
    %get3A_1441 = memref.load %arg1[%get3A_1440] : memref<99xf32, #tpu.memory_space<smem>>
    %le3A_1442 = vector.broadcast %get3A_1441 : f32 to vector<128x128xf32>
    %le3A_1443 = arith.cmpf ole, %le3A_1442, %min3A_1090 : vector<128x128xf32>
    %convert_element_type3A_1444 = arith.extui %le3A_1443 : vector<128x128xi1> to vector<128x128xi32>
    %add3A_1445 = arith.addi %add3A_1439, %convert_element_type3A_1444 : vector<128x128xi32>
    %get3A_1446 = arith.constant 57 : index
    %get3A_1447 = memref.load %arg1[%get3A_1446] : memref<99xf32, #tpu.memory_space<smem>>
    %le3A_1448 = vector.broadcast %get3A_1447 : f32 to vector<128x128xf32>
    %le3A_1449 = arith.cmpf ole, %le3A_1448, %min3A_1090 : vector<128x128xf32>
    %convert_element_type3A_1450 = arith.extui %le3A_1449 : vector<128x128xi1> to vector<128x128xi32>
    %add3A_1451 = arith.addi %add3A_1445, %convert_element_type3A_1450 : vector<128x128xi32>
    %get3A_1452 = arith.constant 58 : index
    %get3A_1453 = memref.load %arg1[%get3A_1452] : memref<99xf32, #tpu.memory_space<smem>>
    %le3A_1454 = vector.broadcast %get3A_1453 : f32 to vector<128x128xf32>
    %le3A_1455 = arith.cmpf ole, %le3A_1454, %min3A_1090 : vector<128x128xf32>
    %convert_element_type3A_1456 = arith.extui %le3A_1455 : vector<128x128xi1> to vector<128x128xi32>
    %add3A_1457 = arith.addi %add3A_1451, %convert_element_type3A_1456 : vector<128x128xi32>
    %get3A_1458 = arith.constant 59 : index
    %get3A_1459 = memref.load %arg1[%get3A_1458] : memref<99xf32, #tpu.memory_space<smem>>
    %le3A_1460 = vector.broadcast %get3A_1459 : f32 to vector<128x128xf32>
    %le3A_1461 = arith.cmpf ole, %le3A_1460, %min3A_1090 : vector<128x128xf32>
    %convert_element_type3A_1462 = arith.extui %le3A_1461 : vector<128x128xi1> to vector<128x128xi32>
    %add3A_1463 = arith.addi %add3A_1457, %convert_element_type3A_1462 : vector<128x128xi32>
    %get3A_1464 = arith.constant 60 : index
    %get3A_1465 = memref.load %arg1[%get3A_1464] : memref<99xf32, #tpu.memory_space<smem>>
    %le3A_1466 = vector.broadcast %get3A_1465 : f32 to vector<128x128xf32>
    %le3A_1467 = arith.cmpf ole, %le3A_1466, %min3A_1090 : vector<128x128xf32>
    %convert_element_type3A_1468 = arith.extui %le3A_1467 : vector<128x128xi1> to vector<128x128xi32>
    %add3A_1469 = arith.addi %add3A_1463, %convert_element_type3A_1468 : vector<128x128xi32>
    %get3A_1470 = arith.constant 61 : index
    %get3A_1471 = memref.load %arg1[%get3A_1470] : memref<99xf32, #tpu.memory_space<smem>>
    %le3A_1472 = vector.broadcast %get3A_1471 : f32 to vector<128x128xf32>
    %le3A_1473 = arith.cmpf ole, %le3A_1472, %min3A_1090 : vector<128x128xf32>
    %convert_element_type3A_1474 = arith.extui %le3A_1473 : vector<128x128xi1> to vector<128x128xi32>
    %add3A_1475 = arith.addi %add3A_1469, %convert_element_type3A_1474 : vector<128x128xi32>
    %get3A_1476 = arith.constant 62 : index
    %get3A_1477 = memref.load %arg1[%get3A_1476] : memref<99xf32, #tpu.memory_space<smem>>
    %le3A_1478 = vector.broadcast %get3A_1477 : f32 to vector<128x128xf32>
    %le3A_1479 = arith.cmpf ole, %le3A_1478, %min3A_1090 : vector<128x128xf32>
    %convert_element_type3A_1480 = arith.extui %le3A_1479 : vector<128x128xi1> to vector<128x128xi32>
    %add3A_1481 = arith.addi %add3A_1475, %convert_element_type3A_1480 : vector<128x128xi32>
    %get3A_1482 = arith.constant 63 : index
    %get3A_1483 = memref.load %arg1[%get3A_1482] : memref<99xf32, #tpu.memory_space<smem>>
    %le3A_1484 = vector.broadcast %get3A_1483 : f32 to vector<128x128xf32>
    %le3A_1485 = arith.cmpf ole, %le3A_1484, %min3A_1090 : vector<128x128xf32>
    %convert_element_type3A_1486 = arith.extui %le3A_1485 : vector<128x128xi1> to vector<128x128xi32>
    %add3A_1487 = arith.addi %add3A_1481, %convert_element_type3A_1486 : vector<128x128xi32>
    %get3A_1488 = arith.constant 64 : index
    %get3A_1489 = memref.load %arg1[%get3A_1488] : memref<99xf32, #tpu.memory_space<smem>>
    %le3A_1490 = vector.broadcast %get3A_1489 : f32 to vector<128x128xf32>
    %le3A_1491 = arith.cmpf ole, %le3A_1490, %min3A_1090 : vector<128x128xf32>
    %convert_element_type3A_1492 = arith.extui %le3A_1491 : vector<128x128xi1> to vector<128x128xi32>
    %add3A_1493 = arith.addi %add3A_1487, %convert_element_type3A_1492 : vector<128x128xi32>
    %get3A_1494 = arith.constant 65 : index
    %get3A_1495 = memref.load %arg1[%get3A_1494] : memref<99xf32, #tpu.memory_space<smem>>
    %le3A_1496 = vector.broadcast %get3A_1495 : f32 to vector<128x128xf32>
    %le3A_1497 = arith.cmpf ole, %le3A_1496, %min3A_1090 : vector<128x128xf32>
    %convert_element_type3A_1498 = arith.extui %le3A_1497 : vector<128x128xi1> to vector<128x128xi32>
    %add3A_1499 = arith.addi %add3A_1493, %convert_element_type3A_1498 : vector<128x128xi32>
    %get3A_1500 = arith.constant 66 : index
    %get3A_1501 = memref.load %arg1[%get3A_1500] : memref<99xf32, #tpu.memory_space<smem>>
    %le3A_1502 = vector.broadcast %get3A_1501 : f32 to vector<128x128xf32>
    %le3A_1503 = arith.cmpf ole, %le3A_1502, %min3A_1090 : vector<128x128xf32>
    %convert_element_type3A_1504 = arith.extui %le3A_1503 : vector<128x128xi1> to vector<128x128xi32>
    %add3A_1505 = arith.addi %add3A_1499, %convert_element_type3A_1504 : vector<128x128xi32>
    %get3A_1506 = arith.constant 67 : index
    %get3A_1507 = memref.load %arg1[%get3A_1506] : memref<99xf32, #tpu.memory_space<smem>>
    %le3A_1508 = vector.broadcast %get3A_1507 : f32 to vector<128x128xf32>
    %le3A_1509 = arith.cmpf ole, %le3A_1508, %min3A_1090 : vector<128x128xf32>
    %convert_element_type3A_1510 = arith.extui %le3A_1509 : vector<128x128xi1> to vector<128x128xi32>
    %add3A_1511 = arith.addi %add3A_1505, %convert_element_type3A_1510 : vector<128x128xi32>
    %get3A_1512 = arith.constant 68 : index
    %get3A_1513 = memref.load %arg1[%get3A_1512] : memref<99xf32, #tpu.memory_space<smem>>
    %le3A_1514 = vector.broadcast %get3A_1513 : f32 to vector<128x128xf32>
    %le3A_1515 = arith.cmpf ole, %le3A_1514, %min3A_1090 : vector<128x128xf32>
    %convert_element_type3A_1516 = arith.extui %le3A_1515 : vector<128x128xi1> to vector<128x128xi32>
    %add3A_1517 = arith.addi %add3A_1511, %convert_element_type3A_1516 : vector<128x128xi32>
    %get3A_1518 = arith.constant 69 : index
    %get3A_1519 = memref.load %arg1[%get3A_1518] : memref<99xf32, #tpu.memory_space<smem>>
    %le3A_1520 = vector.broadcast %get3A_1519 : f32 to vector<128x128xf32>
    %le3A_1521 = arith.cmpf ole, %le3A_1520, %min3A_1090 : vector<128x128xf32>
    %convert_element_type3A_1522 = arith.extui %le3A_1521 : vector<128x128xi1> to vector<128x128xi32>
    %add3A_1523 = arith.addi %add3A_1517, %convert_element_type3A_1522 : vector<128x128xi32>
    %get3A_1524 = arith.constant 70 : index
    %get3A_1525 = memref.load %arg1[%get3A_1524] : memref<99xf32, #tpu.memory_space<smem>>
    %le3A_1526 = vector.broadcast %get3A_1525 : f32 to vector<128x128xf32>
    %le3A_1527 = arith.cmpf ole, %le3A_1526, %min3A_1090 : vector<128x128xf32>
    %convert_element_type3A_1528 = arith.extui %le3A_1527 : vector<128x128xi1> to vector<128x128xi32>
    %add3A_1529 = arith.addi %add3A_1523, %convert_element_type3A_1528 : vector<128x128xi32>
    %get3A_1530 = arith.constant 71 : index
    %get3A_1531 = memref.load %arg1[%get3A_1530] : memref<99xf32, #tpu.memory_space<smem>>
    %le3A_1532 = vector.broadcast %get3A_1531 : f32 to vector<128x128xf32>
    %le3A_1533 = arith.cmpf ole, %le3A_1532, %min3A_1090 : vector<128x128xf32>
    %convert_element_type3A_1534 = arith.extui %le3A_1533 : vector<128x128xi1> to vector<128x128xi32>
    %add3A_1535 = arith.addi %add3A_1529, %convert_element_type3A_1534 : vector<128x128xi32>
    %get3A_1536 = arith.constant 72 : index
    %get3A_1537 = memref.load %arg1[%get3A_1536] : memref<99xf32, #tpu.memory_space<smem>>
    %le3A_1538 = vector.broadcast %get3A_1537 : f32 to vector<128x128xf32>
    %le3A_1539 = arith.cmpf ole, %le3A_1538, %min3A_1090 : vector<128x128xf32>
    %convert_element_type3A_1540 = arith.extui %le3A_1539 : vector<128x128xi1> to vector<128x128xi32>
    %add3A_1541 = arith.addi %add3A_1535, %convert_element_type3A_1540 : vector<128x128xi32>
    %get3A_1542 = arith.constant 73 : index
    %get3A_1543 = memref.load %arg1[%get3A_1542] : memref<99xf32, #tpu.memory_space<smem>>
    %le3A_1544 = vector.broadcast %get3A_1543 : f32 to vector<128x128xf32>
    %le3A_1545 = arith.cmpf ole, %le3A_1544, %min3A_1090 : vector<128x128xf32>
    %convert_element_type3A_1546 = arith.extui %le3A_1545 : vector<128x128xi1> to vector<128x128xi32>
    %add3A_1547 = arith.addi %add3A_1541, %convert_element_type3A_1546 : vector<128x128xi32>
    %get3A_1548 = arith.constant 74 : index
    %get3A_1549 = memref.load %arg1[%get3A_1548] : memref<99xf32, #tpu.memory_space<smem>>
    %le3A_1550 = vector.broadcast %get3A_1549 : f32 to vector<128x128xf32>
    %le3A_1551 = arith.cmpf ole, %le3A_1550, %min3A_1090 : vector<128x128xf32>
    %convert_element_type3A_1552 = arith.extui %le3A_1551 : vector<128x128xi1> to vector<128x128xi32>
    %add3A_1553 = arith.addi %add3A_1547, %convert_element_type3A_1552 : vector<128x128xi32>
    %get3A_1554 = arith.constant 75 : index
    %get3A_1555 = memref.load %arg1[%get3A_1554] : memref<99xf32, #tpu.memory_space<smem>>
    %le3A_1556 = vector.broadcast %get3A_1555 : f32 to vector<128x128xf32>
    %le3A_1557 = arith.cmpf ole, %le3A_1556, %min3A_1090 : vector<128x128xf32>
    %convert_element_type3A_1558 = arith.extui %le3A_1557 : vector<128x128xi1> to vector<128x128xi32>
    %add3A_1559 = arith.addi %add3A_1553, %convert_element_type3A_1558 : vector<128x128xi32>
    %get3A_1560 = arith.constant 76 : index
    %get3A_1561 = memref.load %arg1[%get3A_1560] : memref<99xf32, #tpu.memory_space<smem>>
    %le3A_1562 = vector.broadcast %get3A_1561 : f32 to vector<128x128xf32>
    %le3A_1563 = arith.cmpf ole, %le3A_1562, %min3A_1090 : vector<128x128xf32>
    %convert_element_type3A_1564 = arith.extui %le3A_1563 : vector<128x128xi1> to vector<128x128xi32>
    %add3A_1565 = arith.addi %add3A_1559, %convert_element_type3A_1564 : vector<128x128xi32>
    %get3A_1566 = arith.constant 77 : index
    %get3A_1567 = memref.load %arg1[%get3A_1566] : memref<99xf32, #tpu.memory_space<smem>>
    %le3A_1568 = vector.broadcast %get3A_1567 : f32 to vector<128x128xf32>
    %le3A_1569 = arith.cmpf ole, %le3A_1568, %min3A_1090 : vector<128x128xf32>
    %convert_element_type3A_1570 = arith.extui %le3A_1569 : vector<128x128xi1> to vector<128x128xi32>
    %add3A_1571 = arith.addi %add3A_1565, %convert_element_type3A_1570 : vector<128x128xi32>
    %get3A_1572 = arith.constant 78 : index
    %get3A_1573 = memref.load %arg1[%get3A_1572] : memref<99xf32, #tpu.memory_space<smem>>
    %le3A_1574 = vector.broadcast %get3A_1573 : f32 to vector<128x128xf32>
    %le3A_1575 = arith.cmpf ole, %le3A_1574, %min3A_1090 : vector<128x128xf32>
    %convert_element_type3A_1576 = arith.extui %le3A_1575 : vector<128x128xi1> to vector<128x128xi32>
    %add3A_1577 = arith.addi %add3A_1571, %convert_element_type3A_1576 : vector<128x128xi32>
    %get3A_1578 = arith.constant 79 : index
    %get3A_1579 = memref.load %arg1[%get3A_1578] : memref<99xf32, #tpu.memory_space<smem>>
    %le3A_1580 = vector.broadcast %get3A_1579 : f32 to vector<128x128xf32>
    %le3A_1581 = arith.cmpf ole, %le3A_1580, %min3A_1090 : vector<128x128xf32>
    %convert_element_type3A_1582 = arith.extui %le3A_1581 : vector<128x128xi1> to vector<128x128xi32>
    %add3A_1583 = arith.addi %add3A_1577, %convert_element_type3A_1582 : vector<128x128xi32>
    %get3A_1584 = arith.constant 80 : index
    %get3A_1585 = memref.load %arg1[%get3A_1584] : memref<99xf32, #tpu.memory_space<smem>>
    %le3A_1586 = vector.broadcast %get3A_1585 : f32 to vector<128x128xf32>
    %le3A_1587 = arith.cmpf ole, %le3A_1586, %min3A_1090 : vector<128x128xf32>
    %convert_element_type3A_1588 = arith.extui %le3A_1587 : vector<128x128xi1> to vector<128x128xi32>
    %add3A_1589 = arith.addi %add3A_1583, %convert_element_type3A_1588 : vector<128x128xi32>
    %get3A_1590 = arith.constant 81 : index
    %get3A_1591 = memref.load %arg1[%get3A_1590] : memref<99xf32, #tpu.memory_space<smem>>
    %le3A_1592 = vector.broadcast %get3A_1591 : f32 to vector<128x128xf32>
    %le3A_1593 = arith.cmpf ole, %le3A_1592, %min3A_1090 : vector<128x128xf32>
    %convert_element_type3A_1594 = arith.extui %le3A_1593 : vector<128x128xi1> to vector<128x128xi32>
    %add3A_1595 = arith.addi %add3A_1589, %convert_element_type3A_1594 : vector<128x128xi32>
    %get3A_1596 = arith.constant 82 : index
    %get3A_1597 = memref.load %arg1[%get3A_1596] : memref<99xf32, #tpu.memory_space<smem>>
    %le3A_1598 = vector.broadcast %get3A_1597 : f32 to vector<128x128xf32>
    %le3A_1599 = arith.cmpf ole, %le3A_1598, %min3A_1090 : vector<128x128xf32>
    %convert_element_type3A_1600 = arith.extui %le3A_1599 : vector<128x128xi1> to vector<128x128xi32>
    %add3A_1601 = arith.addi %add3A_1595, %convert_element_type3A_1600 : vector<128x128xi32>
    %get3A_1602 = arith.constant 83 : index
    %get3A_1603 = memref.load %arg1[%get3A_1602] : memref<99xf32, #tpu.memory_space<smem>>
    %le3A_1604 = vector.broadcast %get3A_1603 : f32 to vector<128x128xf32>
    %le3A_1605 = arith.cmpf ole, %le3A_1604, %min3A_1090 : vector<128x128xf32>
    %convert_element_type3A_1606 = arith.extui %le3A_1605 : vector<128x128xi1> to vector<128x128xi32>
    %add3A_1607 = arith.addi %add3A_1601, %convert_element_type3A_1606 : vector<128x128xi32>
    %get3A_1608 = arith.constant 84 : index
    %get3A_1609 = memref.load %arg1[%get3A_1608] : memref<99xf32, #tpu.memory_space<smem>>
    %le3A_1610 = vector.broadcast %get3A_1609 : f32 to vector<128x128xf32>
    %le3A_1611 = arith.cmpf ole, %le3A_1610, %min3A_1090 : vector<128x128xf32>
    %convert_element_type3A_1612 = arith.extui %le3A_1611 : vector<128x128xi1> to vector<128x128xi32>
    %add3A_1613 = arith.addi %add3A_1607, %convert_element_type3A_1612 : vector<128x128xi32>
    %get3A_1614 = arith.constant 85 : index
    %get3A_1615 = memref.load %arg1[%get3A_1614] : memref<99xf32, #tpu.memory_space<smem>>
    %le3A_1616 = vector.broadcast %get3A_1615 : f32 to vector<128x128xf32>
    %le3A_1617 = arith.cmpf ole, %le3A_1616, %min3A_1090 : vector<128x128xf32>
    %convert_element_type3A_1618 = arith.extui %le3A_1617 : vector<128x128xi1> to vector<128x128xi32>
    %add3A_1619 = arith.addi %add3A_1613, %convert_element_type3A_1618 : vector<128x128xi32>
    %get3A_1620 = arith.constant 86 : index
    %get3A_1621 = memref.load %arg1[%get3A_1620] : memref<99xf32, #tpu.memory_space<smem>>
    %le3A_1622 = vector.broadcast %get3A_1621 : f32 to vector<128x128xf32>
    %le3A_1623 = arith.cmpf ole, %le3A_1622, %min3A_1090 : vector<128x128xf32>
    %convert_element_type3A_1624 = arith.extui %le3A_1623 : vector<128x128xi1> to vector<128x128xi32>
    %add3A_1625 = arith.addi %add3A_1619, %convert_element_type3A_1624 : vector<128x128xi32>
    %get3A_1626 = arith.constant 87 : index
    %get3A_1627 = memref.load %arg1[%get3A_1626] : memref<99xf32, #tpu.memory_space<smem>>
    %le3A_1628 = vector.broadcast %get3A_1627 : f32 to vector<128x128xf32>
    %le3A_1629 = arith.cmpf ole, %le3A_1628, %min3A_1090 : vector<128x128xf32>
    %convert_element_type3A_1630 = arith.extui %le3A_1629 : vector<128x128xi1> to vector<128x128xi32>
    %add3A_1631 = arith.addi %add3A_1625, %convert_element_type3A_1630 : vector<128x128xi32>
    %get3A_1632 = arith.constant 88 : index
    %get3A_1633 = memref.load %arg1[%get3A_1632] : memref<99xf32, #tpu.memory_space<smem>>
    %le3A_1634 = vector.broadcast %get3A_1633 : f32 to vector<128x128xf32>
    %le3A_1635 = arith.cmpf ole, %le3A_1634, %min3A_1090 : vector<128x128xf32>
    %convert_element_type3A_1636 = arith.extui %le3A_1635 : vector<128x128xi1> to vector<128x128xi32>
    %add3A_1637 = arith.addi %add3A_1631, %convert_element_type3A_1636 : vector<128x128xi32>
    %get3A_1638 = arith.constant 89 : index
    %get3A_1639 = memref.load %arg1[%get3A_1638] : memref<99xf32, #tpu.memory_space<smem>>
    %le3A_1640 = vector.broadcast %get3A_1639 : f32 to vector<128x128xf32>
    %le3A_1641 = arith.cmpf ole, %le3A_1640, %min3A_1090 : vector<128x128xf32>
    %convert_element_type3A_1642 = arith.extui %le3A_1641 : vector<128x128xi1> to vector<128x128xi32>
    %add3A_1643 = arith.addi %add3A_1637, %convert_element_type3A_1642 : vector<128x128xi32>
    %get3A_1644 = arith.constant 90 : index
    %get3A_1645 = memref.load %arg1[%get3A_1644] : memref<99xf32, #tpu.memory_space<smem>>
    %le3A_1646 = vector.broadcast %get3A_1645 : f32 to vector<128x128xf32>
    %le3A_1647 = arith.cmpf ole, %le3A_1646, %min3A_1090 : vector<128x128xf32>
    %convert_element_type3A_1648 = arith.extui %le3A_1647 : vector<128x128xi1> to vector<128x128xi32>
    %add3A_1649 = arith.addi %add3A_1643, %convert_element_type3A_1648 : vector<128x128xi32>
    %get3A_1650 = arith.constant 91 : index
    %get3A_1651 = memref.load %arg1[%get3A_1650] : memref<99xf32, #tpu.memory_space<smem>>
    %le3A_1652 = vector.broadcast %get3A_1651 : f32 to vector<128x128xf32>
    %le3A_1653 = arith.cmpf ole, %le3A_1652, %min3A_1090 : vector<128x128xf32>
    %convert_element_type3A_1654 = arith.extui %le3A_1653 : vector<128x128xi1> to vector<128x128xi32>
    %add3A_1655 = arith.addi %add3A_1649, %convert_element_type3A_1654 : vector<128x128xi32>
    %get3A_1656 = arith.constant 92 : index
    %get3A_1657 = memref.load %arg1[%get3A_1656] : memref<99xf32, #tpu.memory_space<smem>>
    %le3A_1658 = vector.broadcast %get3A_1657 : f32 to vector<128x128xf32>
    %le3A_1659 = arith.cmpf ole, %le3A_1658, %min3A_1090 : vector<128x128xf32>
    %convert_element_type3A_1660 = arith.extui %le3A_1659 : vector<128x128xi1> to vector<128x128xi32>
    %add3A_1661 = arith.addi %add3A_1655, %convert_element_type3A_1660 : vector<128x128xi32>
    %get3A_1662 = arith.constant 93 : index
    %get3A_1663 = memref.load %arg1[%get3A_1662] : memref<99xf32, #tpu.memory_space<smem>>
    %le3A_1664 = vector.broadcast %get3A_1663 : f32 to vector<128x128xf32>
    %le3A_1665 = arith.cmpf ole, %le3A_1664, %min3A_1090 : vector<128x128xf32>
    %convert_element_type3A_1666 = arith.extui %le3A_1665 : vector<128x128xi1> to vector<128x128xi32>
    %add3A_1667 = arith.addi %add3A_1661, %convert_element_type3A_1666 : vector<128x128xi32>
    %get3A_1668 = arith.constant 94 : index
    %get3A_1669 = memref.load %arg1[%get3A_1668] : memref<99xf32, #tpu.memory_space<smem>>
    %le3A_1670 = vector.broadcast %get3A_1669 : f32 to vector<128x128xf32>
    %le3A_1671 = arith.cmpf ole, %le3A_1670, %min3A_1090 : vector<128x128xf32>
    %convert_element_type3A_1672 = arith.extui %le3A_1671 : vector<128x128xi1> to vector<128x128xi32>
    %add3A_1673 = arith.addi %add3A_1667, %convert_element_type3A_1672 : vector<128x128xi32>
    %get3A_1674 = arith.constant 95 : index
    %get3A_1675 = memref.load %arg1[%get3A_1674] : memref<99xf32, #tpu.memory_space<smem>>
    %le3A_1676 = vector.broadcast %get3A_1675 : f32 to vector<128x128xf32>
    %le3A_1677 = arith.cmpf ole, %le3A_1676, %min3A_1090 : vector<128x128xf32>
    %convert_element_type3A_1678 = arith.extui %le3A_1677 : vector<128x128xi1> to vector<128x128xi32>
    %add3A_1679 = arith.addi %add3A_1673, %convert_element_type3A_1678 : vector<128x128xi32>
    %get3A_1680 = arith.constant 96 : index
    %get3A_1681 = memref.load %arg1[%get3A_1680] : memref<99xf32, #tpu.memory_space<smem>>
    %le3A_1682 = vector.broadcast %get3A_1681 : f32 to vector<128x128xf32>
    %le3A_1683 = arith.cmpf ole, %le3A_1682, %min3A_1090 : vector<128x128xf32>
    %convert_element_type3A_1684 = arith.extui %le3A_1683 : vector<128x128xi1> to vector<128x128xi32>
    %add3A_1685 = arith.addi %add3A_1679, %convert_element_type3A_1684 : vector<128x128xi32>
    %get3A_1686 = arith.constant 97 : index
    %get3A_1687 = memref.load %arg1[%get3A_1686] : memref<99xf32, #tpu.memory_space<smem>>
    %le3A_1688 = vector.broadcast %get3A_1687 : f32 to vector<128x128xf32>
    %le3A_1689 = arith.cmpf ole, %le3A_1688, %min3A_1090 : vector<128x128xf32>
    %convert_element_type3A_1690 = arith.extui %le3A_1689 : vector<128x128xi1> to vector<128x128xi32>
    %add3A_1691 = arith.addi %add3A_1685, %convert_element_type3A_1690 : vector<128x128xi32>
    %get3A_1692 = arith.constant 98 : index
    %get3A_1693 = memref.load %arg1[%get3A_1692] : memref<99xf32, #tpu.memory_space<smem>>
    %le3A_1694 = vector.broadcast %get3A_1693 : f32 to vector<128x128xf32>
    %le3A_1695 = arith.cmpf ole, %le3A_1694, %min3A_1090 : vector<128x128xf32>
    %convert_element_type3A_1696 = arith.extui %le3A_1695 : vector<128x128xi1> to vector<128x128xi32>
    %add3A_1697 = arith.addi %add3A_1691, %convert_element_type3A_1696 : vector<128x128xi32>
    %swap3A_1698 = arith.constant 0 : index
    %swap3A_1699 = arith.constant 0 : index
    %swap3A_1700 = vector.load %arg4[%swap3A_1698, %swap3A_1699] : memref<128x128xi32, #tpu.memory_space<vmem>>, vector<128x128xi32>
    tpu.vector_store %arg4[%swap3A_1698, %swap3A_1699], %add3A_1697 {strides = array<i32>} : memref<128x128xi32, #tpu.memory_space<vmem>>, vector<128x128xi32>,
    return
  }
}

</mosaic_0001>

<sc_bundles>
// kernel: kernel.4.cloned.1.call-start
scs
__scs_entry_jumppad:
0x0: {  	(pc) =	sbr.rel $0x88, $3  }
0x1: {  	(tag) =	ssettag $0x0;
	lr =	simm.s32 $0x1  }
0x2: {  	[smem:$0x3F9B] =	sst lr;
	_ =	strace $0xD0000000  }
0x3: {  	_ = 	snop  }
0x4: {  	_ = 	snop  }
0x5: {  	_ = 	snop  }
0x6: {  	_ = 	snop  }
0x7: {  	_ = 	snop  }
__scs_overlays_trampoline_lowered:
0x8: {  	[smem:$0x3FAA] =	sst s0  }
0x9: {  	[smem:$0x3FAB] =	sst s1  }
0xa: {  	[smem:$0x3FAC] =	sst s2  }
0xb: {  	[smem:$0x3FAD] =	sst s3  }
0xc: {  	[smem:$0x3FAE] =	sst s4  }
0xd: {  	[smem:$0x3FAF] =	sst s5  }
0xe: {  	[smem:$0x3FB0] =	sst s6  }
0xf: {  	[smem:$0x3FB1] =	sst s7  }
0x10: {  	[smem:$0x3FB2] =	sst s8  }
0x11: {  	[smem:$0x3FB3] =	sst s9;
	s0 =	simm.s32 @!p0 $0x0  }
0x12: {  	s1 =	sld [smem:$0x3F99];
	s0 =	simm.s32 @p0 $0x1  }
0x13: {  	[smem:$0x3FB4] =	sst s0;
	s0 =	simm.s32 @!p1 $0x0  }
0x14: {  	s2 =	sld [smem:$0x3F98];
	s0 =	simm.s32 @p1 $0x1  }
0x15: {  	[smem:$0x3FB5] =	sst s0;
	s0 =	simm.s32 @!p2 $0x0  }
0x16: {  	s3 =	sld [smem:$0x3FDB];
	s0 =	simm.s32 @p2 $0x1  }
0x17: {  	s4 =	simm.s32 $0x1BF5;
	[smem:$0x3FB7] =	sst s0  }
0x18: {  	s0 =	sld [smem:$0x3F9A];
	_ =	swait.ge [sflag:s4], $0x0  }
0x19: {  	s7 =	sld [smem:$0x3F9B]  }
0x1a: {  	s8 =	sadd.s32 $0xFFFFE003, lr  }
0x1b: {  	s9 =	sadd.s32 $0xFFFFFEF7, lr;
	s5 =	simm.s32 $0xFFFFFFFF;
	p2 =	slt.u32 s8, $0xFFFFF086  }
0x1c: {  	p1 =	slt.u32 s9, $0xF7A;
	s5 =	simm.s32 @!p2 $0x0  }
0x1d: {  	s5 =	simm.s32 @p1 $0x1;
	p0 =	seq.s32 s7, s2  }
0x1e: {  	s7 =	smul.u32 @!p0 $0xF7A, s2;
	p2 =	seq.s32 @!p0 s5, $0x0  }
0x1f: {  	s9 =	smul.u32 $0xF7A, s1;
	s8 =	simm.s32 @!p0 $0x1BF5;
	p2 =	por !p2, p0  }
0x20: {  	[sflag:s8] =	ssyncset.s32 @!p0 $0xFFFFF086;
	s6 =	sadd.s32 @!p0 s3, s7;
	s7 =	simm.s32 @!p0 $0x108  }
0x21: {  	s3 =	sadd.s32 s3, s9;
	s6 =	sadd.s32 @!p0 $0x88, s6;
	s7 =	simm.s32 @p2 $0x1082  }
0x22: {  	[simem:s7], [sflag:s8] =	dma.local @!p0 [hbm:s6], $0xF7A  }
0x23: {  	s9 =	sor.u32 $0xD0000000, s2;
	s6 =	simm.s32 $0x108;
	_ =	swait.ge @!p0 [sflag:s8], $0x0  }
0x24: {  	s3 =	sadd.s32 $0x88, s3;
	s6 =	simm.s32 @!p1 $0x1082;
	[sflag:s4] =	ssyncset.s32 $0xFFFFF086  }
0x25: {  	[simem:s6], [sflag:s4] =	dma.local [hbm:s3], $0xF7A  }
0x26: {  	[smem:$0x3F9B] =	sst s1;
	(tag) =	ssettag s2;
	_ =	strace s9  }
0x27: {  	s1 =	sld [smem:$0x3FAB]  }
0x28: {  	s2 =	sld [smem:$0x3FAC]  }
0x29: {  	s4 =	sld [smem:$0x3FAE]  }
0x2a: {  	p0 =	seq.s32 s5, $0x0;
	s5 =	sld [smem:$0x3FAF]  }
0x2b: {  	s6 =	sld [smem:$0x3FB0]  }
0x2c: {  	s7 =	sld [smem:$0x3FB1]  }
0x2d: {  	s3 =	simm.s32 $0x108;
	s8 =	sld [smem:$0x3FB2]  }
0x2e: {  	s3 =	simm.s32 @!p0 $0x1082;
	s9 =	sld [smem:$0x3FB3]  }
0x2f: {  	lr =	sadd.s32 s0, s3;
	s0 =	sld [smem:$0x3FAA]  }
0x30: {  	s3 =	sld [smem:$0x3FAD]  }
0x31: {  	[smem:$0x3FB6] =	sst s10  }
0x32: {  	s10 =	sld [smem:$0x3FB4];
	_ =	sdelay $0x3  }
0x33: {  	p0 =	seq.s32 s10, $0x1;
	s10 =	sld [smem:$0x3FB6];
	_ =	sdelay $0x3  }
0x34: {  	[smem:$0x3FB6] =	sst s10  }
0x35: {  	s10 =	sld [smem:$0x3FB5];
	_ =	sdelay $0x3  }
0x36: {  	p1 =	seq.s32 s10, $0x1;
	s10 =	sld [smem:$0x3FB6];
	_ =	sdelay $0x3  }
0x37: {  	[smem:$0x3FB6] =	sst s10  }
0x38: {  	s10 =	sld [smem:$0x3FB7]  }
0x39: {  	_ = 	snop;
	(pc) =	sbr.ind lr, $3  }
0x3a: {  	_ = 	snop  }
0x3b: {  	_ = 	snop  }
0x3c: {  	p2 =	seq.s32 s10, $0x1;
	s10 =	sld [smem:$0x3FB6]  }
0x3d: {  	_ =	shalt  }
0x3e: {  	_ =	shalt  }
0x3f: {  	_ =	shalt  }
0x40: {  	_ =	shalt  }
0x41: {  	_ =	shalt  }
0x42: {  	_ =	shalt  }
0x43: {  	_ =	shalt  }
0x44: {  	_ =	shalt  }
0x45: {  	_ =	shalt  }
0x46: {  	_ =	shalt  }
0x47: {  	_ =	shalt  }
0x48: {  	_ =	shalt  }
0x49: {  	_ =	shalt  }
0x4a: {  	_ =	shalt  }
0x4b: {  	_ =	shalt  }
0x4c: {  	_ =	shalt  }
0x4d: {  	_ =	shalt  }
0x4e: {  	_ =	shalt  }
0x4f: {  	_ =	shalt  }
0x50: {  	_ =	shalt  }
0x51: {  	_ =	shalt  }
0x52: {  	_ =	shalt  }
0x53: {  	_ =	shalt  }
0x54: {  	_ =	shalt  }
0x55: {  	_ =	shalt  }
0x56: {  	_ =	shalt  }
0x57: {  	_ =	shalt  }
0x58: {  	_ =	shalt  }
0x59: {  	_ =	shalt  }
0x5a: {  	_ =	shalt  }
0x5b: {  	_ =	shalt  }
0x5c: {  	_ =	shalt  }
0x5d: {  	_ =	shalt  }
0x5e: {  	_ =	shalt  }
0x5f: {  	_ =	shalt  }
0x60: {  	_ =	shalt  }
0x61: {  	_ =	shalt  }
0x62: {  	_ =	shalt  }
0x63: {  	_ =	shalt  }
0x64: {  	_ =	shalt  }
0x65: {  	_ =	shalt  }
0x66: {  	_ =	shalt  }
0x67: {  	_ =	shalt  }
0x68: {  	_ =	shalt  }
0x69: {  	_ =	shalt  }
0x6a: {  	_ =	shalt  }
0x6b: {  	_ =	shalt  }
0x6c: {  	_ =	shalt  }
0x6d: {  	_ =	shalt  }
0x6e: {  	_ =	shalt  }
0x6f: {  	_ =	shalt  }
0x70: {  	_ =	shalt  }
0x71: {  	_ =	shalt  }
0x72: {  	_ =	shalt  }
0x73: {  	_ =	shalt  }
0x74: {  	_ =	shalt  }
0x75: {  	_ =	shalt  }
0x76: {  	_ =	shalt  }
0x77: {  	_ =	shalt  }
0x78: {  	_ =	shalt  }
0x79: {  	_ =	shalt  }
0x7a: {  	_ =	shalt  }
0x7b: {  	_ =	shalt  }
0x7c: {  	_ =	shalt  }
0x7d: {  	_ =	shalt  }
0x7e: {  	_ =	shalt  }
0x7f: {  	_ =	shalt  }
0x80: {  	_ =	shalt  }
0x81: {  	_ =	shalt  }
0x82: {  	_ =	shalt  }
0x83: {  	_ =	shalt  }
0x84: {  	_ =	shalt  }
0x85: {  	_ =	shalt  }
0x86: {  	_ =	shalt  }
0x87: {  	_ =	shalt  }
.Lfunc_end0:
.L_simem_size_0:
called_computation_lowered:
.L_overlay_start_0:
0x88: {  	s2 =	sld [smem:$0x3FD9]  }
0x89: {  	s3 =	sld [smem:$0x3FFE];
	_ =	sdelay $0x1  }
0x8a: {  	s1 =	srdreg.scid  }
0x8b: {  	s0 =	sand.u32 $0x1, s1  }
0x8c: {  	s14 =	sshll.u32 s0, $0xA;
	s2 =	sadd.s32 s3, s2  }
0x8d: {  	s2 =	sadd.s32 s2, s14  }
0x8e: {  	[smem:$0x3FC2] =	sst s2  }
0x8f: {  	_ = 	snop  }
0x90: {  	s2 =	sld [smem:$0x3FD0];
	_ =	sdelay $0x1  }
0x91: {  	s15 =	sld [smem:$0x3FC9]  }
0x92: {  	s5 =	simm.s32 $0xA;
	s6 =	simm.s32 $0x10;
	s4 =	sld [smem:$0x3FC7]  }
0x93: {  	[smem:s6], [sflag:s5] =	dma.local [hbm:s2], $0x1  }
0x94: {  	_ =	swait.eq [sflag:s5], $0x1  }
0x95: {  	[sflag:s5] =	ssyncset.done $0x0  }
0x96: {  	[sflag:s5] =	ssyncadd.s32 $0xFFFFFFFF  }
0x97: {  	s16 =	sld [smem:$0x10];
	(tm) =	ssettm $0x1  }
0x98: {  	s17 =	sld [smem:$0x3FFB];
	_ =	sdelay $0x3  }
0x99: {  	_ =	strace s17  }
0x9a: {  	s5 =	sld [smem:$0x3FFC];
	_ =	sdelay $0x3  }
0x9b: {  	_ =	strace s5  }
0x9c: {  	s5 =	sld [smem:$0x3FFD];
	_ =	sdelay $0x3  }
0x9d: {  	_ =	strace s5  }
0x9e: {  	_ =	strace $0x8FFFFFFF  }
0x9f: {  	s18 =	sld [smem:$0x3FDB];
	_ =	sdelay $0x1  }
0xa0: {  	s19 =	simm.s32 $_scs_section_size  }
0xa1: {  	s7 =	simm.s32 $_size__tile_overlayer_lowered;
	s8 =	simm.s32 $_tile_overlayer_lowered  }
0xa2: {  	s22 =	simm.s32 $0x1BFF;
	s21 =	sshll.u32 s8, $0x1;
	s5 =	sadd.s32 s19, s18  }
0xa3: {  	s9 =	simm.s32 $0x0;
	s20 =	sshll.u32 s7, $0x1;
	s7 =	sadd.s32 s21, s5  }
0xa4: {  	[timem:s9], [sflag:s22] =	dma.local [hbm:s7], s20  }
0xa5: {  	_ =	swait.ge [sflag:s22], s20  }
0xa6: {  	s6 =	ssub.s32 $0x0, s20;
	[sflag:s22] =	ssyncset.done $0x0  }
0xa7: {  	[sflag:s22] =	ssyncadd.s32 s6;
	_ =	sdelay $0x1  }
0xa8: {  	s23 =	simm.s32 $0x1B8B  }
0xa9: {  	_ =	swait.ge [sflag:s23], $0x1  }
0xaa: {  	[sflag:s23] =	ssyncset.done $0x0  }
0xab: {  	s25 =	simm.s32 $0x1B8E;
	s24 =	sld [smem:$0x3FFE];
	[sflag:s23] =	ssyncadd.s32 $0xFFFFFFFF  }
0xac: {  	s26 =	simm.s32 $execute0_lowered;
	[smem:$0x3FD2] =	sst s25  }
0xad: {  	s7 =	sshll.u32 s26, $0x1;
	_ =	strace $0x80000046;
	[dreg:$0x1] =	wrdreg $0xFFFFFFFF  }
0xae: {  	s28 =	simm.s32 $_size_execute0_lowered;
	s5 =	sadd.s32 s5, s7;
	[dreg:$0x0] =	wrdreg $0x0  }
0xaf: {  	s7 =	sshll.u32 s28, $0x1;
	[dreg:$0x2] =	wrdreg s5  }
0xb0: {  	[dreg:$0x3] =	wrdreg s7  }
0xb1: {  	[dreg:$0x4] =	wrdreg $0xC0  }
0xb2: {  	_ =	task [dreg:s9], $0x5FFFF  }
0xb3: {  	[dreg:$0x1] =	wrdreg $0xFFFFFFFF  }
0xb4: {  	[dreg:$0x0] =	wrdreg $0x60  }
0xb5: {  	[dreg:$0x2] =	wrdreg s24  }
0xb6: {  	[dreg:$0x3] =	wrdreg s4  }
0xb7: {  	[dreg:$0x4] =	wrdreg s15  }
0xb8: {  	[dreg:$0x5] =	wrdreg s16  }
0xb9: {  	[dreg:$0x6] =	wrdreg $0x9  }
0xba: {  	_ =	task.clear_ibuf [dreg:s9], $0x7FFFF;
	_ =	strace $0x90000046  }
0xbb: {  	s29 =	simm.s32 $0x9;
	_ =	strace $0x80000048  }
0xbc: {  	_ =	swait.ge [sflag:s29], $0x1  }
0xbd: {  	[sflag:s29] =	ssyncadd.s32 $0xFFFFFFFF  }
0xbe: {  	_ =	strace $0x90000048  }
0xbf: {  	_ =	sfence  }
0xc0: {  	s30 =	sld [smem:$0x0];
	_ =	sdelay $0x2  }
0xc1: {  	s31 =	sshll.u32 s1, $0xD;
	s1 =	sshrl.u32 s1, $0x2  }
0xc2: {  	s3 =	sand.u32 $0x4000, s31;
	s1 =	sadd.s32 s1, s30  }
0xc3: {  	s0 =	sor.u32 s3, s0;
	s1 =	sshll.u32 s1, $0x11  }
0xc4: {  	s0 =	sor.u32 s1, s0  }
0xc5: {  	s0 =	sadd.s32 $0x8F2B, s0  }
0xc6: {  	[sflag:s0] =	ssyncadd.remote.s32 $0x1  }
0xc7: {  	_ =	sfence.sel $0xFFFF  }
0xc8: {  	[dreg:$0x0] =	wrdreg $0xFFFFFFFF;
	(pc) =	sbr.abs _section_cstart, $3  }
0xc9: {  	[dreg:$0x1] =	wrdreg $0xFFFFFFFF  }
0xca: {  	_ =	task.clear_ibuf [dreg:s9], $0x2FFFF;
	_ =	strace $0x9FFFFFFF  }
0xcb: {  	(tm) =	ssettm $0x7FFFFFFF  }
tec
execute0_lowered:
.L_overlay_start_1:
0x0: {  	(tag) =	ssettag $0x1  }
0x1: {  	s4 =	rddreg [dreg:$0x0]  }
0x2: {  	s1 =	rddreg [dreg:$0x1]  }
0x3: {  	s5 =	rddreg [dreg:$0x2]  }
0x4: {  	s6 =	rddreg [dreg:$0x3]  }
0x5: {  	s0 =	rddreg [dreg:$0x4]  }
0x6: {  	s3 =	simm.s32 $0x0;
	s7 =	srdreg.scid;
	s2 =	stileid.u32  }
0x7: {  	s11 =	simm.s32 $0x1;
	s12 =	simm.s32 $0x1C70;
	s13 =	simm.s32 $0x3C70  }
0x8: {  	s14 =	simm.s32 $0x3;
	s15 =	simm.s32 $0x0;
	[smem:$0x7FF] =	sst s3  }
0x9: {  	v0 =	vimm.s32 $0xFFF;
	s7 =	sand.u32 $0x1, s7;
	s9 =	sshll.u32 s2, $0x7;
	s4 =	sadd.s32 $0xA00, s4  }
0xa: {  	_ =	strace $0x80000047;
	s8 =	ssub.s32 $0x2, s7;
	s7 =	sshll.u32 s7, $0x6  }
0xb: {  	s10 =	sshrl.u32 s8, $0x1;
	s7 =	sor.u32 s7, s9;
	s9 =	simm.s32 $0x2  }
0xc: {  	v1 =	vlaneseq.u32;
	s8 =	ssub.s32 s8, s10;
	s5 =	sadd.s32 s5, s7;
	s6 =	sadd.s32 s6, s7  }
0xd: {  	v2 =	vimm.s32 $0xFFFFFFFF;
	v1 =	vmul.u32 $0x10, v1;
	s10 =	simm.s32 $0x80;
	s7 =	smax.u32 s8, $0x1;
	s8 =	simm.s32 $0x1870  }
.LBB2_1:
0xe: {  	[tilespmem:s3], [sflag:$0x2] =	stream.linear.gather [hbm4b:s4+s3], $0x1870, $0x38;
	[tilespmem:$0x3E70] =	vst v63  }
0xf: {  	_ = 	snop  }
0x10: {  	[tilespmem:s8], [sflag:$0x2] =	stream.linear.gather [hbm4b:s5+s3], $0x200, $0x38;
	[tilespmem:$0x3E70] =	vst v63  }
0x11: {  	_ =	swait.ge [sflag:s9], $0x1870  }
0x12: {  	[sflag:s9] =	ssyncset.done $0x0  }
0x13: {  	[sflag:s9] =	ssyncadd.s32 $0xFFFFE790  }
0x14: {  	_ =	swait.ge [sflag:s9], $0x200  }
0x15: {  	[sflag:s9] =	ssyncset.done $0x0  }
0x16: {  	s16 =	simm.s32 $0x1C70;
	s17 =	simm.s32 $0x0;
	[sflag:s9] =	ssyncadd.s32 $0xFFFFFE00  }
.LBB2_2:
0x17: {  	s18 =	sshra.s32 s17, $0x2;
	v11 =	vld.idx.msk [tilespmem:v0+s3+$0x0], $0xffff  }
0x18: {  	v9 =	vld [tilespmem:s18+$0x1870]  }
0x19: {  	v10 =	vld [tilespmem:s18+$0x1880]  }
0x1a: {  	v7 =	vld [tilespmem:s18+$0x1890]  }
0x1b: {  	v5 =	vld [tilespmem:s18+$0x18A0]  }
0x1c: {  	v6 =	vld [tilespmem:s18+$0x18B0]  }
0x1d: {  	v3 =	vld [tilespmem:s18+$0x18C0];
	vm0 =	vgt.s32 v11, v9  }
0x1e: {  	vm12 =	vgt.s32 v11, v10;
	v12 =	vsel vm0, $0xFFFFFFFF, v0  }
0x1f: {  	vm13 =	vgt.s32 v11, v7;
	v13 =	vsel vm12, $0xFFFFFFFF, v0;
	v14 =	vadd.s32 $0x800, v12  }
0x20: {  	vm14 =	vgt.s32 v11, v5;
	v15 =	vsel vm13, $0xFFFFFFFF, v0;
	v16 =	vadd.s32 $0x800, v13  }
0x21: {  	vm15 =	vgt.s32 v11, v6;
	v17 =	vsel vm14, $0xFFFFFFFF, v0;
	v18 =	vadd.s32 $0x800, v15  }
0x22: {  	v8 =	vld [tilespmem:s18+$0x18D0];
	vm4 =	vgt.s32 v11, v3;
	v19 =	vsel vm15, $0xFFFFFFFF, v0;
	v20 =	vadd.s32 $0x800, v17  }
0x23: {  	v4 =	vld [tilespmem:s18+$0x18E0];
	v21 =	vsel vm4, $0xFFFFFFFF, v0;
	v22 =	vadd.s32 $0x800, v19  }
0x24: {  	v23 =	vadd.s32 $0x800, v21;
	v24 =	vld.idx.msk [tilespmem:v14+s3+$0x0], $0xffff  }
0x25: {  	v25 =	vld.idx.msk [tilespmem:v16+s3+$0x0], $0xffff  }
0x26: {  	v26 =	vld.idx.msk [tilespmem:v18+s3+$0x0], $0xffff  }
0x27: {  	v27 =	vld.idx.msk [tilespmem:v20+s3+$0x0], $0xffff  }
0x28: {  	v28 =	vld.idx.msk [tilespmem:v22+s3+$0x0], $0xffff  }
0x29: {  	vm5 =	vgt.s32 v11, v8;
	v44 =	vld.idx.msk [tilespmem:v23+s3+$0x0], $0xffff  }
0x2a: {  	vm1 =	vgt.s32 v11, v4;
	v29 =	vsel vm5, $0xFFFFFFFF, v0  }
0x2b: {  	v30 =	vsel vm1, $0xFFFFFFFF, v0;
	v31 =	vadd.s32 $0x800, v29  }
0x2c: {  	v48 =	vadd.s32 $0x800, v30;
	vm6 =	vgt.s32 v24, v9;
	vm7 =	vgt.s32 v25, v10  }
0x2d: {  	vm8 =	vgt.s32 v26, v7;
	vm9 =	vgt.s32 v27, v5;
	vm10 =	vgt.s32 v28, v6  }
0x2e: {  	vm11 =	vgt.s32 v44, v3;
	v12 =	vsel vm6, v12, v14;
	v13 =	vsel vm7, v13, v16  }
0x2f: {  	v45 =	vsel vm8, v15, v18;
	v46 =	vsel vm9, v17, v20;
	v47 =	vsel vm10, v19, v22  }
0x30: {  	v11 =	vsel vm11, v21, v23;
	vm12 =	vlt.s32 v12, $0x1469;
	vm13 =	vlt.s32 v13, $0x1469  }
0x31: {  	vm14 =	vlt.s32 v45, $0x1469;
	vm15 =	vlt.s32 v46, $0x1469;
	vm4 =	vlt.s32 v47, $0x1469  }
0x32: {  	vm5 =	vlt.s32 v11, $0x1469;
	v49 =	vnsel vm12, $0x1469, v12;
	v50 =	vnsel vm13, $0x1469, v13  }
0x33: {  	v53 =	vnsel vm14, $0x1469, v45;
	v55 =	vnsel vm15, $0x1469, v46;
	v56 =	vnsel vm4, $0x1469, v47  }
0x34: {  	v59 =	vnsel vm5, $0x1469, v11;
	v51 =	vadd.s32 $0x400, v49;
	v52 =	vadd.s32 $0x400, v50  }
0x35: {  	v54 =	vadd.s32 $0x400, v53;
	v57 =	vadd.s32 $0x400, v55;
	v58 =	vadd.s32 $0x400, v56  }
0x36: {  	v18 =	vand.u32 $0x7, v49;
	v19 =	vand.u32 $0x7, v50;
	v32 =	vand.u32 $0xFFFFFBF8, v51  }
0x37: {  	v22 =	vand.u32 $0x7, v53;
	v60 =	vand.u32 $0xFFFFFBF8, v52;
	v18 =	vor.u32 v18, v32  }
0x38: {  	v33 =	vld.idx.msk [tilespmem:v31+s3+$0x0], $0xffff;
	v24 =	vand.u32 $0x7, v55;
	v61 =	vand.u32 $0xFFFFFBF8, v54;
	v19 =	vor.u32 v19, v60  }
0x39: {  	v34 =	vld.idx.msk [tilespmem:v48+s3+$0x0], $0xffff;
	v25 =	vand.u32 $0x7, v56;
	v62 =	vand.u32 $0xFFFFFBF8, v57;
	v22 =	vor.u32 v22, v61  }
0x3a: {  	v35 =	vadd.s32 $0x400, v59;
	v63 =	vand.u32 $0xFFFFFBF8, v58;
	v24 =	vor.u32 v24, v62  }
0x3b: {  	v28 =	vand.u32 $0x7, v59;
	v36 =	vand.u32 $0xFFFFFBF8, v35;
	v25 =	vor.u32 v25, v63  }
0x3c: {  	v28 =	vor.u32 v28, v36;
	v18 =	vld.idx.msk [tilespmem:v18+s3+$0x0], $0xffff  }
0x3d: {  	v19 =	vld.idx.msk [tilespmem:v19+s3+$0x0], $0xffff  }
0x3e: {  	vm6 =	vgt.s32 v33, v8;
	vm7 =	vgt.s32 v34, v4;
	v22 =	vld.idx.msk [tilespmem:v22+s3+$0x0], $0xffff  }
0x3f: {  	v29 =	vsel vm6, v29, v31;
	v17 =	vsel vm7, v30, v48;
	v24 =	vld.idx.msk [tilespmem:v24+s3+$0x0], $0xffff  }
0x40: {  	vm8 =	vlt.s32 v29, $0x1469;
	vm9 =	vlt.s32 v17, $0x1469;
	v25 =	vld.idx.msk [tilespmem:v25+s3+$0x0], $0xffff  }
0x41: {  	v37 =	vnsel vm8, $0x1469, v29;
	v39 =	vnsel vm9, $0x1469, v17;
	v28 =	vld.idx.msk [tilespmem:v28+s3+$0x0], $0xffff  }
0x42: {  	v38 =	vadd.s32 $0x400, v37;
	v40 =	vadd.s32 $0x400, v39;
	v30 =	vand.u32 $0x7, v37  }
0x43: {  	v41 =	vand.u32 $0xFFFFFBF8, v38;
	v42 =	vand.u32 $0xFFFFFBF8, v40;
	v32 =	vand.u32 $0x7, v39  }
0x44: {  	v30 =	vor.u32 v30, v41;
	v32 =	vor.u32 v32, v42  }
0x45: {  	vm10 =	vgt.s32 v18, v9;
	vm11 =	vgt.s32 v19, v10;
	vm12 =	vgt.s32 v22, v7  }
0x46: {  	vm13 =	vgt.s32 v24, v5;
	vm14 =	vgt.s32 v25, v6;
	vm4 =	vgt.s32 v28, v3  }
0x47: {  	v12 =	vsel vm10, v12, v51;
	v13 =	vsel vm11, v13, v52;
	v14 =	vsel vm12, v45, v54  }
0x48: {  	v15 =	vsel vm13, v46, v57;
	v16 =	vsel vm14, v47, v58;
	vm15 =	vlt.s32 v12, $0x1669  }
0x49: {  	v11 =	vsel vm4, v11, v35;
	vm5 =	vlt.s32 v13, $0x1669;
	v43 =	vnsel vm15, $0x1669, v12  }
0x4a: {  	vm6 =	vlt.s32 v14, $0x1669;
	v44 =	vnsel vm5, $0x1669, v13;
	v18 =	vadd.s32 $0x200, v43  }
0x4b: {  	vm7 =	vlt.s32 v15, $0x1669;
	v45 =	vnsel vm6, $0x1669, v14;
	v19 =	vadd.s32 $0x200, v44  }
0x4c: {  	vm8 =	vlt.s32 v16, $0x1669;
	v47 =	vnsel vm7, $0x1669, v15;
	v20 =	vadd.s32 $0x200, v45  }
0x4d: {  	v48 =	vld.idx.msk [tilespmem:v32+s3+$0x0], $0xffff;
	vm9 =	vlt.s32 v11, $0x1669;
	v49 =	vnsel vm8, $0x1669, v16;
	v22 =	vadd.s32 $0x200, v47  }
0x4e: {  	v46 =	vld.idx.msk [tilespmem:v30+s3+$0x0], $0xffff;
	v50 =	vnsel vm9, $0x1669, v11;
	v24 =	vadd.s32 $0x200, v49  }
0x4f: {  	v25 =	vadd.s32 $0x200, v50;
	v51 =	vld.idx.msk [tilespmem:v18+s3+$0x0], $0xffff  }
0x50: {  	v52 =	vld.idx.msk [tilespmem:v19+s3+$0x0], $0xffff  }
0x51: {  	v53 =	vld.idx.msk [tilespmem:v20+s3+$0x0], $0xffff  }
0x52: {  	v55 =	vld.idx.msk [tilespmem:v22+s3+$0x0], $0xffff  }
0x53: {  	vm11 =	vgt.s32 v48, v4;
	vm10 =	vgt.s32 v46, v8;
	v56 =	vld.idx.msk [tilespmem:v24+s3+$0x0], $0xffff  }
0x54: {  	v17 =	vsel vm11, v17, v40;
	v54 =	vsel vm10, v29, v38;
	v59 =	vld.idx.msk [tilespmem:v25+s3+$0x0], $0xffff  }
0x55: {  	vm13 =	vlt.s32 v17, $0x1669;
	vm12 =	vlt.s32 v54, $0x1669  }
0x56: {  	v58 =	vnsel vm13, $0x1669, v17;
	v57 =	vnsel vm12, $0x1669, v54  }
0x57: {  	v31 =	vadd.s32 $0x200, v58;
	v30 =	vadd.s32 $0x200, v57  }
0x58: {  	vm14 =	vgt.s32 v51, v9;
	vm15 =	vgt.s32 v52, v10;
	vm4 =	vgt.s32 v53, v7  }
0x59: {  	vm5 =	vgt.s32 v55, v5;
	vm6 =	vgt.s32 v56, v6;
	vm8 =	vgt.s32 v59, v3  }
0x5a: {  	v12 =	vsel vm14, v12, v18;
	v13 =	vsel vm15, v13, v19;
	v14 =	vsel vm4, v14, v20  }
0x5b: {  	v15 =	vsel vm5, v15, v22;
	v16 =	vsel vm6, v16, v24;
	vm7 =	vlt.s32 v12, $0x1769  }
0x5c: {  	v11 =	vsel vm8, v11, v25;
	vm9 =	vlt.s32 v13, $0x1769;
	v18 =	vnsel vm7, $0x1769, v12  }
0x5d: {  	vm10 =	vlt.s32 v14, $0x1769;
	v19 =	vnsel vm9, $0x1769, v13;
	v18 =	vadd.s32 $0x100, v18  }
0x5e: {  	vm11 =	vlt.s32 v15, $0x1769;
	v20 =	vnsel vm10, $0x1769, v14;
	v19 =	vadd.s32 $0x100, v19  }
0x5f: {  	vm12 =	vlt.s32 v16, $0x1769;
	v22 =	vnsel vm11, $0x1769, v15;
	v20 =	vadd.s32 $0x100, v20  }
0x60: {  	v61 =	vld.idx.msk [tilespmem:v31+s3+$0x0], $0xffff;
	vm13 =	vlt.s32 v11, $0x1769;
	v24 =	vnsel vm12, $0x1769, v16;
	v22 =	vadd.s32 $0x100, v22  }
0x61: {  	v60 =	vld.idx.msk [tilespmem:v30+s3+$0x0], $0xffff;
	v25 =	vnsel vm13, $0x1769, v11;
	v24 =	vadd.s32 $0x100, v24  }
0x62: {  	v25 =	vadd.s32 $0x100, v25;
	v62 =	vld.idx.msk [tilespmem:v18+s3+$0x0], $0xffff  }
0x63: {  	v63 =	vld.idx.msk [tilespmem:v19+s3+$0x0], $0xffff  }
0x64: {  	v36 =	vld.idx.msk [tilespmem:v20+s3+$0x0], $0xffff  }
0x65: {  	v37 =	vld.idx.msk [tilespmem:v22+s3+$0x0], $0xffff  }
0x66: {  	vm15 =	vgt.s32 v61, v4;
	vm14 =	vgt.s32 v60, v8;
	v38 =	vld.idx.msk [tilespmem:v24+s3+$0x0], $0xffff  }
0x67: {  	v17 =	vsel vm15, v17, v31;
	v28 =	vsel vm14, v54, v30;
	v39 =	vld.idx.msk [tilespmem:v25+s3+$0x0], $0xffff  }
0x68: {  	vm5 =	vlt.s32 v17, $0x1769;
	vm4 =	vlt.s32 v28, $0x1769  }
0x69: {  	v31 =	vnsel vm5, $0x1769, v17;
	v30 =	vnsel vm4, $0x1769, v28  }
0x6a: {  	v31 =	vadd.s32 $0x100, v31;
	v30 =	vadd.s32 $0x100, v30  }
0x6b: {  	vm6 =	vgt.s32 v62, v9;
	vm7 =	vgt.s32 v63, v10;
	vm8 =	vgt.s32 v36, v7  }
0x6c: {  	vm9 =	vgt.s32 v37, v5;
	vm10 =	vgt.s32 v38, v6;
	vm12 =	vgt.s32 v39, v3  }
0x6d: {  	v12 =	vsel vm6, v12, v18;
	v13 =	vsel vm7, v13, v19;
	v14 =	vsel vm8, v14, v20  }
0x6e: {  	v15 =	vsel vm9, v15, v22;
	v16 =	vsel vm10, v16, v24;
	vm11 =	vlt.s32 v12, $0x17E9  }
0x6f: {  	v11 =	vsel vm12, v11, v25;
	vm13 =	vlt.s32 v13, $0x17E9;
	v18 =	vnsel vm11, $0x17E9, v12  }
0x70: {  	vm14 =	vlt.s32 v14, $0x17E9;
	v19 =	vnsel vm13, $0x17E9, v13;
	v18 =	vadd.s32 $0x80, v18  }
0x71: {  	vm15 =	vlt.s32 v15, $0x17E9;
	v20 =	vnsel vm14, $0x17E9, v14;
	v19 =	vadd.s32 $0x80, v19  }
0x72: {  	vm4 =	vlt.s32 v16, $0x17E9;
	v22 =	vnsel vm15, $0x17E9, v15;
	v20 =	vadd.s32 $0x80, v20  }
0x73: {  	v41 =	vld.idx.msk [tilespmem:v31+s3+$0x0], $0xffff;
	vm5 =	vlt.s32 v11, $0x17E9;
	v24 =	vnsel vm4, $0x17E9, v16;
	v22 =	vadd.s32 $0x80, v22  }
0x74: {  	v40 =	vld.idx.msk [tilespmem:v30+s3+$0x0], $0xffff;
	v25 =	vnsel vm5, $0x17E9, v11;
	v24 =	vadd.s32 $0x80, v24  }
0x75: {  	v25 =	vadd.s32 $0x80, v25;
	v42 =	vld.idx.msk [tilespmem:v18+s3+$0x0], $0xffff  }
0x76: {  	v43 =	vld.idx.msk [tilespmem:v19+s3+$0x0], $0xffff  }
0x77: {  	v44 =	vld.idx.msk [tilespmem:v20+s3+$0x0], $0xffff  }
0x78: {  	v45 =	vld.idx.msk [tilespmem:v22+s3+$0x0], $0xffff  }
0x79: {  	vm7 =	vgt.s32 v41, v4;
	vm6 =	vgt.s32 v40, v8;
	v46 =	vld.idx.msk [tilespmem:v24+s3+$0x0], $0xffff  }
0x7a: {  	v17 =	vsel vm7, v17, v31;
	v28 =	vsel vm6, v28, v30;
	v47 =	vld.idx.msk [tilespmem:v25+s3+$0x0], $0xffff  }
0x7b: {  	vm9 =	vlt.s32 v17, $0x17E9;
	vm8 =	vlt.s32 v28, $0x17E9  }
0x7c: {  	v31 =	vnsel vm9, $0x17E9, v17;
	v30 =	vnsel vm8, $0x17E9, v28  }
0x7d: {  	v31 =	vadd.s32 $0x80, v31;
	v30 =	vadd.s32 $0x80, v30  }
0x7e: {  	vm10 =	vgt.s32 v42, v9;
	vm11 =	vgt.s32 v43, v10;
	vm12 =	vgt.s32 v44, v7  }
0x7f: {  	vm13 =	vgt.s32 v45, v5;
	vm14 =	vgt.s32 v46, v6;
	vm4 =	vgt.s32 v47, v3  }
0x80: {  	v12 =	vsel vm10, v12, v18;
	v13 =	vsel vm11, v13, v19;
	v14 =	vsel vm12, v14, v20  }
0x81: {  	v15 =	vsel vm13, v15, v22;
	v16 =	vsel vm14, v16, v24;
	vm15 =	vlt.s32 v12, $0x1829  }
0x82: {  	v11 =	vsel vm4, v11, v25;
	vm5 =	vlt.s32 v13, $0x1829;
	v18 =	vnsel vm15, $0x1829, v12  }
0x83: {  	vm6 =	vlt.s32 v14, $0x1829;
	v19 =	vnsel vm5, $0x1829, v13;
	v18 =	vadd.s32 $0x40, v18  }
0x84: {  	vm7 =	vlt.s32 v15, $0x1829;
	v20 =	vnsel vm6, $0x1829, v14;
	v19 =	vadd.s32 $0x40, v19  }
0x85: {  	vm8 =	vlt.s32 v16, $0x1829;
	v22 =	vnsel vm7, $0x1829, v15;
	v20 =	vadd.s32 $0x40, v20  }
0x86: {  	v49 =	vld.idx.msk [tilespmem:v31+s3+$0x0], $0xffff;
	vm9 =	vlt.s32 v11, $0x1829;
	v24 =	vnsel vm8, $0x1829, v16;
	v22 =	vadd.s32 $0x40, v22  }
0x87: {  	v48 =	vld.idx.msk [tilespmem:v30+s3+$0x0], $0xffff;
	v25 =	vnsel vm9, $0x1829, v11;
	v24 =	vadd.s32 $0x40, v24  }
0x88: {  	v25 =	vadd.s32 $0x40, v25;
	v50 =	vld.idx.msk [tilespmem:v18+s3+$0x0], $0xffff  }
0x89: {  	v51 =	vld.idx.msk [tilespmem:v19+s3+$0x0], $0xffff  }
0x8a: {  	v52 =	vld.idx.msk [tilespmem:v20+s3+$0x0], $0xffff  }
0x8b: {  	v53 =	vld.idx.msk [tilespmem:v22+s3+$0x0], $0xffff  }
0x8c: {  	vm11 =	vgt.s32 v49, v4;
	vm10 =	vgt.s32 v48, v8;
	v54 =	vld.idx.msk [tilespmem:v24+s3+$0x0], $0xffff  }
0x8d: {  	v17 =	vsel vm11, v17, v31;
	v28 =	vsel vm10, v28, v30;
	v55 =	vld.idx.msk [tilespmem:v25+s3+$0x0], $0xffff  }
0x8e: {  	vm13 =	vlt.s32 v17, $0x1829;
	vm12 =	vlt.s32 v28, $0x1829  }
0x8f: {  	v31 =	vnsel vm13, $0x1829, v17;
	v30 =	vnsel vm12, $0x1829, v28  }
0x90: {  	v31 =	vadd.s32 $0x40, v31;
	v30 =	vadd.s32 $0x40, v30  }
0x91: {  	vm14 =	vgt.s32 v50, v9;
	vm15 =	vgt.s32 v51, v10;
	vm4 =	vgt.s32 v52, v7  }
0x92: {  	vm5 =	vgt.s32 v53, v5;
	vm6 =	vgt.s32 v54, v6;
	vm8 =	vgt.s32 v55, v3  }
0x93: {  	v12 =	vsel vm14, v12, v18;
	v13 =	vsel vm15, v13, v19;
	v14 =	vsel vm4, v14, v20  }
0x94: {  	v15 =	vsel vm5, v15, v22;
	v16 =	vsel vm6, v16, v24;
	vm7 =	vlt.s32 v12, $0x1849  }
0x95: {  	v11 =	vsel vm8, v11, v25;
	vm9 =	vlt.s32 v13, $0x1849;
	v18 =	vnsel vm7, $0x1849, v12  }
0x96: {  	vm10 =	vlt.s32 v14, $0x1849;
	v19 =	vnsel vm9, $0x1849, v13;
	v18 =	vadd.s32 $0x20, v18  }
0x97: {  	vm11 =	vlt.s32 v15, $0x1849;
	v20 =	vnsel vm10, $0x1849, v14;
	v19 =	vadd.s32 $0x20, v19  }
0x98: {  	vm12 =	vlt.s32 v16, $0x1849;
	v22 =	vnsel vm11, $0x1849, v15;
	v20 =	vadd.s32 $0x20, v20  }
0x99: {  	v57 =	vld.idx.msk [tilespmem:v31+s3+$0x0], $0xffff;
	vm13 =	vlt.s32 v11, $0x1849;
	v24 =	vnsel vm12, $0x1849, v16;
	v22 =	vadd.s32 $0x20, v22  }
0x9a: {  	v56 =	vld.idx.msk [tilespmem:v30+s3+$0x0], $0xffff;
	v25 =	vnsel vm13, $0x1849, v11;
	v24 =	vadd.s32 $0x20, v24  }
0x9b: {  	v25 =	vadd.s32 $0x20, v25;
	v58 =	vld.idx.msk [tilespmem:v18+s3+$0x0], $0xffff  }
0x9c: {  	v59 =	vld.idx.msk [tilespmem:v19+s3+$0x0], $0xffff  }
0x9d: {  	v60 =	vld.idx.msk [tilespmem:v20+s3+$0x0], $0xffff  }
0x9e: {  	v61 =	vld.idx.msk [tilespmem:v22+s3+$0x0], $0xffff  }
0x9f: {  	vm15 =	vgt.s32 v57, v4;
	vm14 =	vgt.s32 v56, v8;
	v62 =	vld.idx.msk [tilespmem:v24+s3+$0x0], $0xffff  }
0xa0: {  	v17 =	vsel vm15, v17, v31;
	v28 =	vsel vm14, v28, v30;
	v63 =	vld.idx.msk [tilespmem:v25+s3+$0x0], $0xffff  }
0xa1: {  	vm5 =	vlt.s32 v17, $0x1849;
	vm4 =	vlt.s32 v28, $0x1849  }
0xa2: {  	v31 =	vnsel vm5, $0x1849, v17;
	v30 =	vnsel vm4, $0x1849, v28  }
0xa3: {  	v31 =	vadd.s32 $0x20, v31;
	v30 =	vadd.s32 $0x20, v30  }
0xa4: {  	vm6 =	vgt.s32 v58, v9;
	vm7 =	vgt.s32 v59, v10;
	vm8 =	vgt.s32 v60, v7  }
0xa5: {  	vm9 =	vgt.s32 v61, v5;
	vm10 =	vgt.s32 v62, v6;
	vm12 =	vgt.s32 v63, v3  }
0xa6: {  	v12 =	vsel vm6, v12, v18;
	v13 =	vsel vm7, v13, v19;
	v14 =	vsel vm8, v14, v20  }
0xa7: {  	v15 =	vsel vm9, v15, v22;
	v16 =	vsel vm10, v16, v24;
	vm11 =	vlt.s32 v12, $0x1859  }
0xa8: {  	v11 =	vsel vm12, v11, v25;
	vm13 =	vlt.s32 v13, $0x1859;
	v18 =	vnsel vm11, $0x1859, v12  }
0xa9: {  	vm14 =	vlt.s32 v14, $0x1859;
	v19 =	vnsel vm13, $0x1859, v13;
	v18 =	vadd.s32 $0x10, v18  }
0xaa: {  	vm15 =	vlt.s32 v15, $0x1859;
	v20 =	vnsel vm14, $0x1859, v14;
	v19 =	vadd.s32 $0x10, v19  }
0xab: {  	vm4 =	vlt.s32 v16, $0x1859;
	v22 =	vnsel vm15, $0x1859, v15;
	v20 =	vadd.s32 $0x10, v20  }
0xac: {  	v36 =	vld.idx.msk [tilespmem:v31+s3+$0x0], $0xffff;
	vm5 =	vlt.s32 v11, $0x1859;
	v24 =	vnsel vm4, $0x1859, v16;
	v22 =	vadd.s32 $0x10, v22  }
0xad: {  	v35 =	vld.idx.msk [tilespmem:v30+s3+$0x0], $0xffff;
	v25 =	vnsel vm5, $0x1859, v11;
	v24 =	vadd.s32 $0x10, v24  }
0xae: {  	v25 =	vadd.s32 $0x10, v25;
	v37 =	vld.idx.msk [tilespmem:v18+s3+$0x0], $0xffff  }
0xaf: {  	v38 =	vld.idx.msk [tilespmem:v19+s3+$0x0], $0xffff  }
0xb0: {  	v39 =	vld.idx.msk [tilespmem:v20+s3+$0x0], $0xffff  }
0xb1: {  	v40 =	vld.idx.msk [tilespmem:v22+s3+$0x0], $0xffff  }
0xb2: {  	vm7 =	vgt.s32 v36, v4;
	vm6 =	vgt.s32 v35, v8;
	v41 =	vld.idx.msk [tilespmem:v24+s3+$0x0], $0xffff  }
0xb3: {  	v17 =	vsel vm7, v17, v31;
	v28 =	vsel vm6, v28, v30;
	v42 =	vld.idx.msk [tilespmem:v25+s3+$0x0], $0xffff  }
0xb4: {  	vm9 =	vlt.s32 v17, $0x1859;
	vm8 =	vlt.s32 v28, $0x1859  }
0xb5: {  	v31 =	vnsel vm9, $0x1859, v17;
	v30 =	vnsel vm8, $0x1859, v28  }
0xb6: {  	v31 =	vadd.s32 $0x10, v31;
	v30 =	vadd.s32 $0x10, v30  }
0xb7: {  	vm10 =	vgt.s32 v37, v9;
	vm11 =	vgt.s32 v38, v10;
	vm12 =	vgt.s32 v39, v7  }
0xb8: {  	vm13 =	vgt.s32 v40, v5;
	vm14 =	vgt.s32 v41, v6;
	vm4 =	vgt.s32 v42, v3  }
0xb9: {  	v12 =	vsel vm10, v12, v18;
	v13 =	vsel vm11, v13, v19;
	v14 =	vsel vm12, v14, v20  }
0xba: {  	v15 =	vsel vm13, v15, v22;
	v16 =	vsel vm14, v16, v24;
	vm15 =	vlt.s32 v12, $0x1861  }
0xbb: {  	v11 =	vsel vm4, v11, v25;
	vm5 =	vlt.s32 v13, $0x1861;
	v18 =	vnsel vm15, $0x1861, v12  }
0xbc: {  	vm6 =	vlt.s32 v14, $0x1861;
	v19 =	vnsel vm5, $0x1861, v13;
	v18 =	vadd.s32 $0x8, v18  }
0xbd: {  	vm7 =	vlt.s32 v15, $0x1861;
	v20 =	vnsel vm6, $0x1861, v14;
	v19 =	vadd.s32 $0x8, v19  }
0xbe: {  	vm8 =	vlt.s32 v16, $0x1861;
	v22 =	vnsel vm7, $0x1861, v15;
	v20 =	vadd.s32 $0x8, v20  }
0xbf: {  	v44 =	vld.idx.msk [tilespmem:v31+s3+$0x0], $0xffff;
	vm9 =	vlt.s32 v11, $0x1861;
	v24 =	vnsel vm8, $0x1861, v16;
	v22 =	vadd.s32 $0x8, v22  }
0xc0: {  	v43 =	vld.idx.msk [tilespmem:v30+s3+$0x0], $0xffff;
	v25 =	vnsel vm9, $0x1861, v11;
	v24 =	vadd.s32 $0x8, v24  }
0xc1: {  	v25 =	vadd.s32 $0x8, v25;
	v45 =	vld.idx.msk [tilespmem:v18+s3+$0x0], $0xffff  }
0xc2: {  	v46 =	vld.idx.msk [tilespmem:v19+s3+$0x0], $0xffff  }
0xc3: {  	v47 =	vld.idx.msk [tilespmem:v20+s3+$0x0], $0xffff  }
0xc4: {  	v48 =	vld.idx.msk [tilespmem:v22+s3+$0x0], $0xffff  }
0xc5: {  	vm11 =	vgt.s32 v44, v4;
	vm10 =	vgt.s32 v43, v8;
	v49 =	vld.idx.msk [tilespmem:v24+s3+$0x0], $0xffff  }
0xc6: {  	v17 =	vsel vm11, v17, v31;
	v28 =	vsel vm10, v28, v30;
	v50 =	vld.idx.msk [tilespmem:v25+s3+$0x0], $0xffff  }
0xc7: {  	vm13 =	vlt.s32 v17, $0x1861;
	vm12 =	vlt.s32 v28, $0x1861  }
0xc8: {  	v31 =	vnsel vm13, $0x1861, v17;
	v30 =	vnsel vm12, $0x1861, v28  }
0xc9: {  	v31 =	vadd.s32 $0x8, v31;
	v30 =	vadd.s32 $0x8, v30  }
0xca: {  	vm14 =	vgt.s32 v45, v9;
	vm15 =	vgt.s32 v46, v10;
	vm4 =	vgt.s32 v47, v7  }
0xcb: {  	vm5 =	vgt.s32 v48, v5;
	vm6 =	vgt.s32 v49, v6;
	vm8 =	vgt.s32 v50, v3  }
0xcc: {  	v12 =	vsel vm14, v12, v18;
	v13 =	vsel vm15, v13, v19;
	v14 =	vsel vm4, v14, v20  }
0xcd: {  	v15 =	vsel vm5, v15, v22;
	v16 =	vsel vm6, v16, v24;
	vm7 =	vlt.s32 v12, $0x1865  }
0xce: {  	v11 =	vsel vm8, v11, v25;
	vm9 =	vlt.s32 v13, $0x1865;
	v18 =	vnsel vm7, $0x1865, v12  }
0xcf: {  	vm10 =	vlt.s32 v14, $0x1865;
	v19 =	vnsel vm9, $0x1865, v13;
	v18 =	vadd.s32 $0x4, v18  }
0xd0: {  	vm11 =	vlt.s32 v15, $0x1865;
	v20 =	vnsel vm10, $0x1865, v14;
	v19 =	vadd.s32 $0x4, v19  }
0xd1: {  	vm12 =	vlt.s32 v16, $0x1865;
	v22 =	vnsel vm11, $0x1865, v15;
	v20 =	vadd.s32 $0x4, v20  }
0xd2: {  	v52 =	vld.idx.msk [tilespmem:v31+s3+$0x0], $0xffff;
	vm13 =	vlt.s32 v11, $0x1865;
	v24 =	vnsel vm12, $0x1865, v16;
	v22 =	vadd.s32 $0x4, v22  }
0xd3: {  	v51 =	vld.idx.msk [tilespmem:v30+s3+$0x0], $0xffff;
	v25 =	vnsel vm13, $0x1865, v11;
	v24 =	vadd.s32 $0x4, v24  }
0xd4: {  	v25 =	vadd.s32 $0x4, v25;
	v53 =	vld.idx.msk [tilespmem:v18+s3+$0x0], $0xffff  }
0xd5: {  	v54 =	vld.idx.msk [tilespmem:v19+s3+$0x0], $0xffff  }
0xd6: {  	v55 =	vld.idx.msk [tilespmem:v20+s3+$0x0], $0xffff  }
0xd7: {  	v56 =	vld.idx.msk [tilespmem:v22+s3+$0x0], $0xffff  }
0xd8: {  	vm15 =	vgt.s32 v52, v4;
	vm14 =	vgt.s32 v51, v8;
	v57 =	vld.idx.msk [tilespmem:v24+s3+$0x0], $0xffff  }
0xd9: {  	v17 =	vsel vm15, v17, v31;
	v28 =	vsel vm14, v28, v30;
	v58 =	vld.idx.msk [tilespmem:v25+s3+$0x0], $0xffff  }
0xda: {  	vm5 =	vlt.s32 v17, $0x1865;
	vm4 =	vlt.s32 v28, $0x1865  }
0xdb: {  	v31 =	vnsel vm5, $0x1865, v17;
	v30 =	vnsel vm4, $0x1865, v28  }
0xdc: {  	v31 =	vadd.s32 $0x4, v31;
	v30 =	vadd.s32 $0x4, v30  }
0xdd: {  	vm6 =	vgt.s32 v53, v9;
	vm7 =	vgt.s32 v54, v10;
	vm8 =	vgt.s32 v55, v7  }
0xde: {  	vm9 =	vgt.s32 v56, v5;
	vm10 =	vgt.s32 v57, v6;
	vm12 =	vgt.s32 v58, v3  }
0xdf: {  	v12 =	vsel vm6, v12, v18;
	v13 =	vsel vm7, v13, v19;
	v14 =	vsel vm8, v14, v20  }
0xe0: {  	v15 =	vsel vm9, v15, v22;
	v16 =	vsel vm10, v16, v24;
	vm11 =	vlt.s32 v12, $0x1867  }
0xe1: {  	v11 =	vsel vm12, v11, v25;
	vm13 =	vlt.s32 v13, $0x1867;
	v18 =	vnsel vm11, $0x1867, v12  }
0xe2: {  	vm14 =	vlt.s32 v14, $0x1867;
	v19 =	vnsel vm13, $0x1867, v13;
	v18 =	vadd.s32 $0x2, v18  }
0xe3: {  	vm15 =	vlt.s32 v15, $0x1867;
	v20 =	vnsel vm14, $0x1867, v14;
	v19 =	vadd.s32 $0x2, v19  }
0xe4: {  	vm4 =	vlt.s32 v16, $0x1867;
	v22 =	vnsel vm15, $0x1867, v15;
	v20 =	vadd.s32 $0x2, v20  }
0xe5: {  	v60 =	vld.idx.msk [tilespmem:v31+s3+$0x0], $0xffff;
	vm5 =	vlt.s32 v11, $0x1867;
	v24 =	vnsel vm4, $0x1867, v16;
	v22 =	vadd.s32 $0x2, v22  }
0xe6: {  	v59 =	vld.idx.msk [tilespmem:v30+s3+$0x0], $0xffff;
	v25 =	vnsel vm5, $0x1867, v11;
	v24 =	vadd.s32 $0x2, v24  }
0xe7: {  	v25 =	vadd.s32 $0x2, v25;
	v61 =	vld.idx.msk [tilespmem:v18+s3+$0x0], $0xffff  }
0xe8: {  	v62 =	vld.idx.msk [tilespmem:v19+s3+$0x0], $0xffff  }
0xe9: {  	v63 =	vld.idx.msk [tilespmem:v20+s3+$0x0], $0xffff  }
0xea: {  	v36 =	vld.idx.msk [tilespmem:v22+s3+$0x0], $0xffff  }
0xeb: {  	vm7 =	vgt.s32 v60, v4;
	vm6 =	vgt.s32 v59, v8;
	v37 =	vld.idx.msk [tilespmem:v24+s3+$0x0], $0xffff  }
0xec: {  	v17 =	vsel vm7, v17, v31;
	v28 =	vsel vm6, v28, v30;
	v38 =	vld.idx.msk [tilespmem:v25+s3+$0x0], $0xffff  }
0xed: {  	vm9 =	vlt.s32 v17, $0x1867;
	vm8 =	vlt.s32 v28, $0x1867  }
0xee: {  	v31 =	vnsel vm9, $0x1867, v17;
	v30 =	vnsel vm8, $0x1867, v28  }
0xef: {  	v31 =	vadd.s32 $0x2, v31;
	v30 =	vadd.s32 $0x2, v30  }
0xf0: {  	vm10 =	vgt.s32 v61, v9;
	vm11 =	vgt.s32 v62, v10;
	vm12 =	vgt.s32 v63, v7  }
0xf1: {  	vm13 =	vgt.s32 v36, v5;
	vm14 =	vgt.s32 v37, v6;
	vm4 =	vgt.s32 v38, v3  }
0xf2: {  	v12 =	vsel vm10, v12, v18;
	v13 =	vsel vm11, v13, v19;
	v14 =	vsel vm12, v14, v20  }
0xf3: {  	v15 =	vsel vm13, v15, v22;
	v16 =	vsel vm14, v16, v24;
	vm15 =	vlt.s32 v12, $0x1868  }
0xf4: {  	v11 =	vsel vm4, v11, v25;
	vm5 =	vlt.s32 v13, $0x1868;
	v40 =	vnsel vm15, $0x1868, v12  }
0xf5: {  	vm6 =	vlt.s32 v14, $0x1868;
	v41 =	vnsel vm5, $0x1868, v13;
	v19 =	vadd.s32 $0x1, v40  }
0xf6: {  	v39 =	vld.idx.msk [tilespmem:v30+s3+$0x0], $0xffff;
	vm7 =	vlt.s32 v15, $0x1868;
	v43 =	vnsel vm6, $0x1868, v14;
	v20 =	vadd.s32 $0x1, v41  }
0xf7: {  	v42 =	vld.idx.msk [tilespmem:v31+s3+$0x0], $0xffff;
	vm8 =	vlt.s32 v16, $0x1868;
	v44 =	vnsel vm7, $0x1868, v15;
	v22 =	vadd.s32 $0x1, v43  }
0xf8: {  	vm1 =	vlt.s32 v11, $0x1868;
	v24 =	vnsel vm8, $0x1868, v16;
	v23 =	vadd.s32 $0x1, v44  }
0xf9: {  	v25 =	vnsel vm1, $0x1868, v11;
	v45 =	vadd.s32 $0x1, v24  }
0xfa: {  	v48 =	vadd.s32 $0x1, v25;
	v47 =	vld.idx.msk [tilespmem:v19+s3+$0x0], $0xffff  }
0xfb: {  	vm9 =	vgt.s32 v39, v8;
	v49 =	vld.idx.msk [tilespmem:v20+s3+$0x0], $0xffff  }
0xfc: {  	vm10 =	vgt.s32 v42, v4;
	v46 =	vsel vm9, v28, v30;
	v51 =	vld.idx.msk [tilespmem:v22+s3+$0x0], $0xffff  }
0xfd: {  	v17 =	vsel vm10, v17, v31;
	vm11 =	vlt.s32 v46, $0x1868;
	v52 =	vld.idx.msk [tilespmem:v23+s3+$0x0], $0xffff  }
0xfe: {  	vm0 =	vlt.s32 v17, $0x1868;
	v50 =	vnsel vm11, $0x1868, v46;
	v54 =	vld.idx.msk [tilespmem:v45+s3+$0x0], $0xffff  }
0xff: {  	v53 =	vnsel vm0, $0x1868, v17;
	v55 =	vld.idx.msk [tilespmem:v48+s3+$0x0], $0xffff;
	v27 =	vadd.s32 $0x1, v50  }
0x100: {  	v30 =	vadd.s32 $0x1, v53;
	_ =	sdelay $0x1  }
0x101: {  	vm12 =	vgt.s32 v47, v9;
	vm13 =	vgt.s32 v49, v10  }
0x102: {  	vm14 =	vgt.s32 v51, v7;
	vm15 =	vgt.s32 v52, v5;
	vm4 =	vgt.s32 v54, v6  }
0x103: {  	vm6 =	vgt.s32 v55, v3;
	v56 =	vld.idx.msk [tilespmem:v27+s3+$0x0], $0xffff;
	v57 =	vsel vm12, v12, v19;
	v58 =	vsel vm13, v13, v20  }
0x104: {  	v59 =	vld.idx.msk [tilespmem:v30+s3+$0x0], $0xffff;
	v7 =	vsel vm14, v14, v22;
	v60 =	vsel vm15, v15, v23;
	vm5 =	vgt.s32 v57, $0x0  }
0x105: {  	v61 =	vsel vm4, v16, v45;
	vm7 =	vgt.s32 v58, $0x0;
	v3 =	vnsel vm5, $0x0, v57  }
0x106: {  	v62 =	vsel vm6, v11, v48;
	vm8 =	vgt.s32 v7, $0x0;
	[tilespmem:s18+$0x1A70] =	vst v3;
	v3 =	vnsel vm7, $0x0, v58  }
0x107: {  	vm10 =	vgt.s32 v60, $0x0;
	vm11 =	vgt.s32 v61, $0x0;
	[tilespmem:s18+$0x1A80] =	vst v3;
	v3 =	vnsel vm8, $0x0, v7  }
0x108: {  	vm13 =	vgt.s32 v62, $0x0;
	vm9 =	vgt.s32 v56, v8;
	[tilespmem:s18+$0x1A90] =	vst v3;
	v3 =	vnsel vm10, $0x0, v60  }
0x109: {  	vm12 =	vgt.s32 v59, v4;
	v63 =	vsel vm9, v46, v27;
	[tilespmem:s18+$0x1AA0] =	vst v3;
	v3 =	vnsel vm11, $0x0, v61  }
0x10a: {  	p0 =	sne.s32 s17, $0x600;
	v4 =	vsel vm12, v17, v30;
	[tilespmem:s18+$0x1AB0] =	vst v3;
	v3 =	vnsel vm13, $0x0, v62;
	vm14 =	vgt.s32 v63, $0x0  }
.Ltmp0:
0x10b: {  	vm15 =	vgt.s32 v4, $0x0;
	[tilespmem:s18+$0x1AC0] =	vst v3;
	v3 =	vnsel vm14, $0x0, v63;
	(pc) =	sbr.rel @p0 .LBB2_2-.Ltmp0, $4  }
0x10c: {  	[tilespmem:s18+$0x1AD0] =	vst v3;
	v3 =	vnsel vm15, $0x0, v4  }
0x10d: {  	s19 =	sadd.s32 $0x1A70, s18;
	[tilespmem:s18+$0x1AE0] =	vst v3  }
0x10e: {  	[tilespmem:s16], [sflag:$0x1] =	stream.indirect.gather [hbm4b:s1+s10], $0x10, s19, s10, $0xb8;
	[tilespmem:$0x3E70] =	vst v63  }
0x10f: {  	s17 =	sadd.s32 $0x200, s17;
	s16 =	sadd.s32 $0x800, s16  }
0x110: {  	_ =	swait.ge [sflag:s11], $0x800  }
0x111: {  	[sflag:s11] =	ssyncset.done $0x0  }
0x112: {  	[sflag:s11] =	ssyncadd.s32 $0xFFFFF800  }
0x113: {  	_ =	swait.ge [sflag:s11], $0x800  }
0x114: {  	[sflag:s11] =	ssyncset.done $0x0  }
0x115: {  	[sflag:s11] =	ssyncadd.s32 $0xFFFFF800  }
0x116: {  	_ =	swait.ge [sflag:s11], $0x800  }
0x117: {  	[sflag:s11] =	ssyncset.done $0x0  }
0x118: {  	[sflag:s11] =	ssyncadd.s32 $0xFFFFF800  }
0x119: {  	_ =	swait.ge [sflag:s11], $0x800  }
0x11a: {  	s16 =	simm.s32 $0x70;
	s17 =	simm.s32 $0x1AB0;
	[sflag:s11] =	ssyncset.done $0x0  }
0x11b: {  	s18 =	simm.s32 $0x3CB0;
	s19 =	simm.s32 $0x18B0;
	[sflag:s11] =	ssyncadd.s32 $0xFFFFF800  }
.LBB2_4:
0x11c: {  	s20 =	sadd.s32 $0xFFFFFF90, s16;
	s21 =	sadd.s32 $0xFFFFFFA0, s16  }
0x11d: {  	s22 =	sadd.s32 $0xFFFFFFB0, s16;
	s28 =	sadd.s32 $0xFFFFFFC0, s16;
	s29 =	sadd.s32 $0xFFFFFFD0, s16;
	v23 =	vmov s16;
	v3 =	vmov s20;
	v4 =	vmov s21  }
0x11e: {  	v5 =	vmov s22;
	v6 =	vmov s28;
	v7 =	vmov s29  }
0x11f: {  	v10 =	vld [tilespmem:s19+$0xFFFFFFC0];
	v59 =	vshll.u32 v23, $0x4;
	v3 =	vshll.u32 v3, $0x4;
	v4 =	vshll.u32 v4, $0x4  }
0x120: {  	v9 =	vld [tilespmem:s19+$0xFFFFFFD0];
	v5 =	vshll.u32 v5, $0x4;
	v13 =	vshll.u32 v6, $0x4;
	v11 =	vor.u32 v1, v3  }
0x121: {  	s30 =	sadd.s32 $0xFFFFFFE0, s16;
	v8 =	vld [tilespmem:s19+$0xFFFFFFE0];
	v16 =	vshll.u32 v7, $0x4;
	v12 =	vor.u32 v1, v4;
	v17 =	vor.u32 $0xF, v11  }
0x122: {  	v7 =	vld [tilespmem:s19+$0xFFFFFFF0];
	v3 =	vmov s30;
	v14 =	vor.u32 v1, v5;
	v19 =	vor.u32 $0xF, v12  }
0x123: {  	s31 =	sadd.s32 $0xFFFFFFF0, s16;
	v6 =	vld [tilespmem:s19+$0x0];
	v15 =	vor.u32 v1, v13;
	v16 =	vor.u32 v1, v16;
	v20 =	vor.u32 $0xF, v14  }
0x124: {  	v5 =	vld [tilespmem:s19+$0x10];
	v18 =	vshll.u32 v3, $0x4;
	v3 =	vmov s31;
	v22 =	vor.u32 $0xF, v15  }
0x125: {  	v24 =	vor.u32 $0xF, v16;
	v21 =	vshll.u32 v3, $0x4;
	v3 =	vld [tilespmem:s19+$0x30];
	v13 =	vor.u32 v1, v18  }
0x126: {  	v18 =	vor.u32 v1, v59;
	v25 =	vor.u32 $0xF, v13;
	v60 =	vld.idx.msk [tilespmem:v17+s12+$0x0], $0xffff  }
0x127: {  	v26 =	vor.u32 $0xF, v18;
	v19 =	vld.idx.msk [tilespmem:v19+s12+$0x0], $0xffff  }
0x128: {  	v20 =	vld.idx.msk [tilespmem:v20+s12+$0x0], $0xffff  }
0x129: {  	v22 =	vld.idx.msk [tilespmem:v22+s12+$0x0], $0xffff  }
0x12a: {  	v24 =	vld.idx.msk [tilespmem:v24+s12+$0x0], $0xffff  }
0x12b: {  	v25 =	vld.idx.msk [tilespmem:v25+s12+$0x0], $0xffff  }
0x12c: {  	v17 =	vor.u32 v1, v21;
	v26 =	vld.idx.msk [tilespmem:v26+s12+$0x0], $0xffff  }
0x12d: {  	v21 =	vor.u32 $0xF, v17  }
0x12e: {  	vm0 =	vlt.s32 v60, v10;
	vm1 =	vlt.s32 v19, v9;
	vm14 =	vlt.s32 v20, v8  }
0x12f: {  	vm15 =	vlt.s32 v22, v7;
	vm4 =	vlt.s32 v24, v6;
	v61 =	vsel vm0, $0xF, v2  }
0x130: {  	v62 =	vsel vm1, $0xF, v2;
	v20 =	vsel vm14, $0xF, v2;
	v22 =	vsel vm15, $0xF, v2  }
0x131: {  	v24 =	vsel vm4, $0xF, v2;
	vm5 =	vlt.s32 v25, v5;
	vm7 =	vlt.s32 v26, v3  }
0x132: {  	vm8 =	vlt.s32 v61, $0x7;
	vm9 =	vlt.s32 v62, $0x7;
	vm10 =	vlt.s32 v20, $0x7  }
0x133: {  	vm11 =	vlt.s32 v22, $0x7;
	vm12 =	vlt.s32 v24, $0x7;
	v25 =	vsel vm5, $0xF, v2  }
0x134: {  	v26 =	vsel vm7, $0xF, v2;
	v27 =	vnsel vm8, $0x7, v61;
	v28 =	vnsel vm9, $0x7, v62  }
0x135: {  	v29 =	vnsel vm10, $0x7, v20;
	v30 =	vnsel vm11, $0x7, v22;
	v27 =	vadd.s32 $0x8, v27  }
0x136: {  	v32 =	vnsel vm12, $0x7, v24;
	v28 =	vadd.s32 $0x8, v28;
	v31 =	vadd.s32 v11, v27  }
0x137: {  	v4 =	vld [tilespmem:s19+$0x20];
	v29 =	vadd.s32 $0x8, v29;
	v30 =	vadd.s32 $0x8, v30;
	v33 =	vadd.s32 v12, v28  }
0x138: {  	v21 =	vld.idx.msk [tilespmem:v21+s12+$0x0], $0xffff;
	v32 =	vadd.s32 $0x8, v32;
	vm13 =	vlt.s32 v25, $0x7;
	v34 =	vadd.s32 v14, v29  }
0x139: {  	vm15 =	vlt.s32 v26, $0x7;
	v35 =	vnsel vm13, $0x7, v25;
	v36 =	vadd.s32 v15, v30  }
0x13a: {  	v38 =	vadd.s32 v16, v32;
	v40 =	vnsel vm15, $0x7, v26;
	v35 =	vadd.s32 $0x8, v35  }
0x13b: {  	v40 =	vadd.s32 $0x8, v40;
	v39 =	vadd.s32 v13, v35;
	v31 =	vld.idx.msk [tilespmem:v31+s12+$0x0], $0xffff  }
0x13c: {  	v42 =	vadd.s32 v18, v40;
	v33 =	vld.idx.msk [tilespmem:v33+s12+$0x0], $0xffff  }
0x13d: {  	vm6 =	vlt.s32 v21, v4;
	v34 =	vld.idx.msk [tilespmem:v34+s12+$0x0], $0xffff  }
0x13e: {  	v21 =	vsel vm6, $0xF, v2;
	v36 =	vld.idx.msk [tilespmem:v36+s12+$0x0], $0xffff  }
0x13f: {  	vm14 =	vlt.s32 v21, $0x7;
	v38 =	vld.idx.msk [tilespmem:v38+s12+$0x0], $0xffff  }
0x140: {  	v37 =	vnsel vm14, $0x7, v21;
	v39 =	vld.idx.msk [tilespmem:v39+s12+$0x0], $0xffff  }
0x141: {  	v37 =	vadd.s32 $0x8, v37;
	v63 =	vld.idx.msk [tilespmem:v42+s12+$0x0], $0xffff  }
0x142: {  	v41 =	vadd.s32 v17, v37;
	vm4 =	vlt.s32 v31, v10  }
0x143: {  	vm5 =	vlt.s32 v33, v9;
	vm6 =	vlt.s32 v34, v8;
	vm2 =	vlt.s32 v36, v7  }
0x144: {  	vm7 =	vlt.s32 v38, v6;
	v19 =	vsel vm4, v27, v61;
	v23 =	vsel vm5, v28, v62  }
0x145: {  	v20 =	vsel vm6, v29, v20;
	v22 =	vsel vm2, v30, v22;
	v24 =	vsel vm7, v32, v24  }
0x146: {  	vm8 =	vlt.s32 v39, v5;
	vm10 =	vlt.s32 v63, v3;
	vm11 =	vlt.s32 v19, $0xB  }
0x147: {  	vm12 =	vlt.s32 v23, $0xB;
	vm13 =	vlt.s32 v20, $0xB;
	vm14 =	vlt.s32 v22, $0xB  }
0x148: {  	vm15 =	vlt.s32 v24, $0xB;
	v25 =	vsel vm8, v35, v25;
	v26 =	vsel vm10, v40, v26  }
0x149: {  	v27 =	vnsel vm11, $0xB, v19;
	v28 =	vnsel vm12, $0xB, v23;
	v29 =	vnsel vm13, $0xB, v20  }
0x14a: {  	v30 =	vnsel vm14, $0xB, v22;
	v42 =	vnsel vm15, $0xB, v24;
	v27 =	vadd.s32 $0x4, v27  }
0x14b: {  	v28 =	vadd.s32 $0x4, v28;
	v29 =	vadd.s32 $0x4, v29;
	v30 =	vadd.s32 $0x4, v30  }
0x14c: {  	v41 =	vld.idx.msk [tilespmem:v41+s12+$0x0], $0xffff;
	v31 =	vadd.s32 $0x4, v42;
	vm4 =	vlt.s32 v25, $0xB;
	vm6 =	vlt.s32 v26, $0xB  }
0x14d: {  	v43 =	vnsel vm4, $0xB, v25;
	v45 =	vnsel vm6, $0xB, v26;
	v46 =	vand.u32 $0xFFFFFFF8, v27  }
0x14e: {  	v47 =	vand.u32 $0x7, v27;
	v48 =	vand.u32 $0xFFFFFFF8, v28;
	v49 =	vand.u32 $0x7, v28  }
0x14f: {  	v50 =	vand.u32 $0xFFFFFFF8, v29;
	v51 =	vand.u32 $0x7, v29;
	v52 =	vand.u32 $0xFFFFFFF8, v30  }
0x150: {  	v53 =	vand.u32 $0x7, v30;
	v56 =	vand.u32 $0xFFFFFFF8, v31;
	v57 =	vand.u32 $0x7, v31  }
0x151: {  	vm9 =	vlt.s32 v41, v4;
	v32 =	vadd.s32 $0x4, v43;
	v35 =	vadd.s32 v11, v46  }
0x152: {  	v34 =	vadd.s32 $0x4, v45;
	v38 =	vadd.s32 v14, v50;
	v35 =	vor.u32 v47, v35  }
0x153: {  	v40 =	vadd.s32 v15, v52;
	v39 =	vadd.s32 v16, v56;
	v54 =	vor.u32 v51, v38  }
0x154: {  	v21 =	vsel vm9, v37, v21;
	v37 =	vadd.s32 v12, v48;
	v55 =	vor.u32 v53, v40  }
0x155: {  	v58 =	vand.u32 $0xFFFFFFF8, v32;
	v59 =	vand.u32 $0x7, v32;
	v39 =	vor.u32 v57, v39  }
0x156: {  	v43 =	vand.u32 $0xFFFFFFF8, v34;
	v36 =	vor.u32 v49, v37;
	v41 =	vadd.s32 v13, v58  }
0x157: {  	v63 =	vand.u32 $0x7, v34;
	v43 =	vadd.s32 v18, v43;
	v60 =	vor.u32 v59, v41;
	v35 =	vld.idx.msk [tilespmem:v35+s12+$0x0], $0xffff  }
0x158: {  	v42 =	vor.u32 v63, v43;
	v37 =	vld.idx.msk [tilespmem:v54+s12+$0x0], $0xffff  }
0x159: {  	vm5 =	vlt.s32 v21, $0xB;
	v38 =	vld.idx.msk [tilespmem:v55+s12+$0x0], $0xffff  }
0x15a: {  	v44 =	vnsel vm5, $0xB, v21;
	v39 =	vld.idx.msk [tilespmem:v39+s12+$0x0], $0xffff  }
0x15b: {  	v33 =	vadd.s32 $0x4, v44;
	v36 =	vld.idx.msk [tilespmem:v36+s12+$0x0], $0xffff  }
0x15c: {  	v61 =	vand.u32 $0xFFFFFFF8, v33;
	v40 =	vld.idx.msk [tilespmem:v60+s12+$0x0], $0xffff  }
0x15d: {  	v62 =	vand.u32 $0x7, v33;
	v41 =	vadd.s32 v17, v61;
	v42 =	vld.idx.msk [tilespmem:v42+s12+$0x0], $0xffff  }
0x15e: {  	v41 =	vor.u32 v62, v41;
	vm7 =	vlt.s32 v35, v10;
	vm9 =	vlt.s32 v37, v8  }
0x15f: {  	vm10 =	vlt.s32 v38, v7;
	vm11 =	vlt.s32 v39, v6;
	v19 =	vsel vm7, v27, v19  }
0x160: {  	vm8 =	vlt.s32 v36, v9;
	v20 =	vsel vm9, v29, v20;
	v22 =	vsel vm10, v30, v22  }
0x161: {  	v24 =	vsel vm11, v31, v24;
	v23 =	vsel vm8, v28, v23;
	vm12 =	vlt.s32 v40, v5  }
0x162: {  	vm14 =	vlt.s32 v42, v3;
	vm15 =	vlt.s32 v19, $0xD;
	vm5 =	vlt.s32 v20, $0xD  }
0x163: {  	vm6 =	vlt.s32 v22, $0xD;
	vm7 =	vlt.s32 v24, $0xD;
	v25 =	vsel vm12, v32, v25  }
0x164: {  	v27 =	vnsel vm15, $0xD, v19;
	vm4 =	vlt.s32 v23, $0xD;
	v29 =	vnsel vm5, $0xD, v20  }
0x165: {  	v30 =	vnsel vm6, $0xD, v22;
	v31 =	vnsel vm7, $0xD, v24;
	v27 =	vadd.s32 $0x2, v27  }
0x166: {  	v28 =	vnsel vm4, $0xD, v23;
	v29 =	vadd.s32 $0x2, v29;
	v30 =	vadd.s32 $0x2, v30  }
0x167: {  	vm8 =	vlt.s32 v25, $0xD;
	v31 =	vadd.s32 $0x2, v31;
	v28 =	vadd.s32 $0x2, v28  }
0x168: {  	v32 =	vnsel vm8, $0xD, v25;
	v44 =	vand.u32 $0xFFFFFFF8, v27;
	v45 =	vand.u32 $0x7, v27  }
0x169: {  	v48 =	vand.u32 $0xFFFFFFF8, v29;
	v49 =	vand.u32 $0x7, v29;
	v52 =	vand.u32 $0xFFFFFFF8, v30  }
0x16a: {  	v41 =	vld.idx.msk [tilespmem:v41+s12+$0x0], $0xffff;
	v53 =	vand.u32 $0x7, v30;
	v54 =	vand.u32 $0xFFFFFFF8, v31;
	v35 =	vadd.s32 v11, v44  }
0x16b: {  	v55 =	vand.u32 $0x7, v31;
	v39 =	vadd.s32 v14, v48;
	v35 =	vor.u32 v45, v35  }
0x16c: {  	v32 =	vadd.s32 $0x2, v32;
	v38 =	vadd.s32 v15, v52;
	v51 =	vor.u32 v49, v39  }
0x16d: {  	v46 =	vand.u32 $0xFFFFFFF8, v28;
	v40 =	vadd.s32 v16, v54;
	v38 =	vor.u32 v53, v38  }
0x16e: {  	v47 =	vand.u32 $0x7, v28;
	v37 =	vadd.s32 v12, v46;
	v56 =	vor.u32 v55, v40  }
0x16f: {  	vm13 =	vlt.s32 v41, v4;
	v57 =	vand.u32 $0xFFFFFFF8, v32;
	v50 =	vor.u32 v47, v37  }
0x170: {  	v21 =	vsel vm13, v33, v21;
	v58 =	vand.u32 $0x7, v32;
	v40 =	vadd.s32 v13, v57;
	v35 =	vld.idx.msk [tilespmem:v35+s12+$0x0], $0xffff  }
0x171: {  	v26 =	vsel vm14, v34, v26;
	vm9 =	vlt.s32 v21, $0xD;
	v40 =	vor.u32 v58, v40;
	v37 =	vld.idx.msk [tilespmem:v51+s12+$0x0], $0xffff  }
0x172: {  	vm10 =	vlt.s32 v26, $0xD;
	v33 =	vnsel vm9, $0xD, v21;
	v38 =	vld.idx.msk [tilespmem:v38+s12+$0x0], $0xffff  }
0x173: {  	v34 =	vnsel vm10, $0xD, v26;
	v33 =	vadd.s32 $0x2, v33;
	v39 =	vld.idx.msk [tilespmem:v56+s12+$0x0], $0xffff  }
0x174: {  	v34 =	vadd.s32 $0x2, v34;
	v59 =	vand.u32 $0xFFFFFFF8, v33;
	v36 =	vld.idx.msk [tilespmem:v50+s12+$0x0], $0xffff  }
0x175: {  	v61 =	vand.u32 $0xFFFFFFF8, v34;
	v60 =	vand.u32 $0x7, v33;
	v42 =	vadd.s32 v17, v59  }
0x176: {  	v62 =	vand.u32 $0x7, v34;
	v41 =	vor.u32 v60, v42;
	v42 =	vadd.s32 v18, v61;
	v40 =	vld.idx.msk [tilespmem:v40+s12+$0x0], $0xffff  }
0x177: {  	v42 =	vor.u32 v62, v42;
	vm11 =	vlt.s32 v35, v10  }
0x178: {  	vm13 =	vlt.s32 v37, v8;
	vm14 =	vlt.s32 v38, v7;
	vm15 =	vlt.s32 v39, v6  }
0x179: {  	v19 =	vsel vm11, v27, v19;
	vm12 =	vlt.s32 v36, v9;
	v20 =	vsel vm13, v29, v20  }
0x17a: {  	v22 =	vsel vm14, v30, v22;
	v24 =	vsel vm15, v31, v24;
	v23 =	vsel vm12, v28, v23  }
0x17b: {  	vm4 =	vlt.s32 v40, v5;
	vm7 =	vlt.s32 v19, $0xE;
	vm9 =	vlt.s32 v20, $0xE  }
0x17c: {  	vm10 =	vlt.s32 v22, $0xE;
	vm11 =	vlt.s32 v24, $0xE;
	v25 =	vsel vm4, v32, v25  }
0x17d: {  	vm8 =	vlt.s32 v23, $0xE;
	v27 =	vnsel vm7, $0xE, v19;
	v29 =	vnsel vm9, $0xE, v20  }
0x17e: {  	v30 =	vnsel vm10, $0xE, v22;
	v31 =	vnsel vm11, $0xE, v24;
	v28 =	vnsel vm8, $0xE, v23  }
0x17f: {  	v41 =	vld.idx.msk [tilespmem:v41+s12+$0x0], $0xffff;
	v27 =	vadd.s32 $0x1, v27;
	v29 =	vadd.s32 $0x1, v29;
	v30 =	vadd.s32 $0x1, v30  }
0x180: {  	v31 =	vadd.s32 $0x1, v31;
	vm12 =	vlt.s32 v25, $0xE;
	v28 =	vadd.s32 $0x1, v28  }
0x181: {  	v63 =	vld.idx.msk [tilespmem:v42+s12+$0x0], $0xffff;
	v32 =	vnsel vm12, $0xE, v25;
	v42 =	vand.u32 $0xFFFFFFF8, v27;
	v43 =	vand.u32 $0x7, v27  }
0x182: {  	v46 =	vand.u32 $0xFFFFFFF8, v29;
	v47 =	vand.u32 $0x7, v29;
	v48 =	vand.u32 $0xFFFFFFF8, v30  }
0x183: {  	v49 =	vand.u32 $0x7, v30;
	v52 =	vand.u32 $0xFFFFFFF8, v31;
	v53 =	vand.u32 $0x7, v31  }
0x184: {  	vm5 =	vlt.s32 v41, v4;
	v32 =	vadd.s32 $0x1, v32;
	v35 =	vadd.s32 v11, v42  }
0x185: {  	v61 =	vld [tilespmem:s17+$0xFFFFFFC0];
	v44 =	vand.u32 $0xFFFFFFF8, v28;
	v38 =	vadd.s32 v14, v46;
	v35 =	vor.u32 v43, v35  }
0x186: {  	v45 =	vand.u32 $0x7, v28;
	v40 =	vadd.s32 v15, v48;
	v50 =	vor.u32 v47, v38  }
0x187: {  	v39 =	vadd.s32 v16, v52;
	v21 =	vsel vm5, v33, v21;
	v51 =	vor.u32 v49, v40  }
0x188: {  	v46 =	vld [tilespmem:s17+$0xFFFFFFF0];
	vm6 =	vlt.s32 v63, v3;
	v37 =	vadd.s32 v12, v44;
	v39 =	vor.u32 v53, v39  }
0x189: {  	v54 =	vand.u32 $0xFFFFFFF8, v32;
	v55 =	vand.u32 $0x7, v32;
	v63 =	vld [tilespmem:s17+$0xFFFFFFD0];
	v36 =	vor.u32 v45, v37  }
0x18a: {  	v49 =	vadd.s32 $0x1, v61;
	v26 =	vsel vm6, v34, v26;
	vm13 =	vlt.s32 v21, $0xE;
	v35 =	vld.idx.msk [tilespmem:v35+s12+$0x0], $0xffff  }
0x18b: {  	v41 =	vadd.s32 v13, v54;
	vm14 =	vlt.s32 v26, $0xE;
	v33 =	vnsel vm13, $0xE, v21;
	v37 =	vld.idx.msk [tilespmem:v50+s12+$0x0], $0xffff  }
0x18c: {  	v56 =	vor.u32 v55, v41;
	v34 =	vnsel vm14, $0xE, v26;
	v33 =	vadd.s32 $0x1, v33;
	v38 =	vld.idx.msk [tilespmem:v51+s12+$0x0], $0xffff  }
0x18d: {  	vm11 =	vlt.s32 v49, $0x1869;
	v34 =	vadd.s32 $0x1, v34;
	v57 =	vand.u32 $0xFFFFFFF8, v33;
	v39 =	vld.idx.msk [tilespmem:v39+s12+$0x0], $0xffff  }
0x18e: {  	v58 =	vand.u32 $0x7, v33;
	v55 =	vadd.s32 $0x1, v46;
	v41 =	vadd.s32 v17, v57;
	v36 =	vld.idx.msk [tilespmem:v36+s12+$0x0], $0xffff  }
0x18f: {  	v59 =	vand.u32 $0xFFFFFFF8, v34;
	v60 =	vand.u32 $0x7, v34;
	v53 =	vadd.s32 $0x1, v63  }
0x190: {  	vm14 =	vlt.s32 v55, $0x1869;
	v41 =	vor.u32 v58, v41;
	v43 =	vadd.s32 v18, v59  }
0x191: {  	vm12 =	vlt.s32 v53, $0x1869;
	v59 =	vshll.u32 v61, $0x4;
	v42 =	vor.u32 v60, v43;
	v40 =	vld.idx.msk [tilespmem:v56+s12+$0x0], $0xffff  }
0x192: {  	vm15 =	vlt.s32 v35, v10;
	vm5 =	vlt.s32 v37, v8;
	vm6 =	vlt.s32 v38, v7  }
0x193: {  	vm7 =	vlt.s32 v39, v6;
	v37 =	vnsel vm14, $0x1869, v55;
	vm4 =	vlt.s32 v36, v9  }
0x194: {  	v19 =	vsel vm15, v27, v19;
	v20 =	vsel vm5, v29, v20;
	v22 =	vsel vm6, v30, v22  }
0x195: {  	v24 =	vsel vm7, v31, v24;
	vm7 =	vlt.s32 v61, $0x1869;
	v23 =	vsel vm4, v28, v23  }
0x196: {  	vm8 =	vlt.s32 v40, v5;
	v62 =	vadd.s32 $0x1, v19;
	v29 =	vadd.s32 $0x1, v20  }
0x197: {  	v22 =	vadd.s32 $0x1, v22;
	v24 =	vadd.s32 $0x1, v24;
	v25 =	vsel vm8, v32, v25  }
0x198: {  	v23 =	vadd.s32 $0x1, v23;
	v43 =	vmin.u32 v62, $0xF;
	v45 =	vmin.u32 v29, $0xF  }
0x199: {  	v35 =	vld [tilespmem:s17+$0x20];
	v47 =	vmin.u32 v22, $0xF;
	v48 =	vmin.u32 v24, $0xF;
	vm6 =	veq.s32 v62, $0x10  }
0x19a: {  	v38 =	vld [tilespmem:s17+$0x30];
	v28 =	vadd.s32 v59, v62;
	v62 =	vshll.u32 v63, $0x4;
	vm14 =	veq.s32 v29, $0x10  }
0x19b: {  	v41 =	vld.idx.msk [tilespmem:v41+s12+$0x0], $0xffff;
	v25 =	vadd.s32 $0x1, v25;
	v11 =	vor.u32 v11, v43;
	v44 =	vmin.u32 v23, $0xF  }
0x19c: {  	v31 =	vld [tilespmem:s17+$0x0];
	v14 =	vor.u32 v14, v45;
	v15 =	vor.u32 v15, v47;
	v16 =	vor.u32 v16, v48  }
0x19d: {  	v42 =	vld.idx.msk [tilespmem:v42+s12+$0x0], $0xffff;
	vm0 =	vmand vm7, vm6;
	v43 =	vshll.u32 v46, $0x4;
	vm6 =	veq.s32 v22, $0x10  }
0x19e: {  	vm7 =	vlt.s32 v46, $0x1869;
	v12 =	vor.u32 v12, v44;
	v50 =	vmin.u32 v25, $0xF  }
0x19f: {  	v58 =	vadd.s32 $0x1, v35;
	v60 =	vadd.s32 $0x1, v38;
	v45 =	vadd.s32 v43, v22  }
0x1a0: {  	v59 =	vshll.u32 v38, $0x4;
	vm9 =	vlt.s32 v41, v4;
	v13 =	vor.u32 v13, v50  }
0x1a1: {  	v56 =	vadd.s32 $0x1, v31;
	vm5 =	vlt.s32 v58, $0x1869;
	vm8 =	vlt.s32 v60, $0x1869  }
0x1a2: {  	v48 =	vshll.u32 v31, $0x4;
	vm10 =	vlt.s32 v42, v3;
	v21 =	vsel vm9, v33, v21  }
0x1a3: {  	v33 =	vnsel vm11, $0x1869, v49;
	vm15 =	vlt.s32 v56, $0x1869;
	v26 =	vsel vm10, v34, v26  }
0x1a4: {  	v41 =	vnsel vm5, $0x1869, v58;
	vm9 =	vlt.s32 v28, $0x1869F;
	v19 =	vadd.s32 $0x1, v26;
	v26 =	vld [tilespmem:s17+$0xFFFFFFE0]  }
0x1a5: {  	v27 =	vnsel vm8, $0x1869, v60;
	v20 =	vadd.s32 $0x1, v21;
	v21 =	vnsel vm12, $0x1869, v53  }
0x1a6: {  	vm11 =	vlt.s32 v63, $0x1869;
	v34 =	vld [tilespmem:s17+$0x10];
	v39 =	vnsel vm15, $0x1869, v56;
	v28 =	vnsel vm9, $0x1869F, v28  }
0x1a7: {  	vm10 =	veq.s32 v23, $0x10;
	vm9 =	vlt.s32 v45, $0x1869F;
	v51 =	vmin.u32 v20, $0xF;
	v11 =	vld.idx.msk [tilespmem:v11+s12+$0x0], $0xffff  }
0x1a8: {  	v28 =	vadd.s32 $0x1, v28;
	vm1 =	vmand vm11, vm10;
	vm10 =	veq.s32 v24, $0x10;
	v33 =	vld.idx.msk [tilespmem:v33+s3+$0x0], $0xffff  }
0x1a9: {  	vm11 =	vlt.s32 v31, $0x1869;
	v52 =	vmin.u32 v19, $0xF;
	v12 =	vld.idx.msk [tilespmem:v12+s12+$0x0], $0xffff;
	v54 =	vadd.s32 $0x1, v26  }
0x1aa: {  	v17 =	vor.u32 v17, v51;
	v60 =	vadd.s32 v59, v19;
	v21 =	vld.idx.msk [tilespmem:v21+s3+$0x0], $0xffff;
	vm13 =	vlt.s32 v54, $0x1869  }
0x1ab: {  	v18 =	vor.u32 v18, v52;
	v57 =	vadd.s32 $0x1, v34;
	v36 =	vnsel vm13, $0x1869, v54  }
0x1ac: {  	v51 =	vshll.u32 v34, $0x4;
	vm4 =	vlt.s32 v57, $0x1869;
	vm15 =	vlt.s32 v26, $0x1869  }
0x1ad: {  	v37 =	vld.idx.msk [tilespmem:v37+s3+$0x0], $0xffff;
	v40 =	vnsel vm4, $0x1869, v57;
	v54 =	vshll.u32 v35, $0x4;
	v11 =	vsel vm0, v33, v11  }
0x1ae: {  	v15 =	vld.idx.msk [tilespmem:v15+s12+$0x0], $0xffff;
	v57 =	vadd.s32 v54, v20;
	vm0 =	veq.s32 v11, v10;
	v11 =	vadd.s32 v62, v23  }
0x1af: {  	v61 =	vld.idx.msk [tilespmem:v14+s12+$0x0], $0xffff;
	v12 =	vsel vm1, v21, v12;
	vm1 =	vmand vm15, vm14;
	vm14 =	veq.s32 v25, $0x10  }
0x1b0: {  	vm15 =	vlt.s32 v34, $0x1869;
	v33 =	vnsel vm0, $0x0, v28;
	vm12 =	vlt.s32 v11, $0x1869F;
	v63 =	vld.idx.msk [tilespmem:v36+s3+$0x0], $0xffff  }
0x1b1: {  	v42 =	vld.idx.msk [tilespmem:v16+s12+$0x0], $0xffff;
	vm13 =	veq.s32 v12, v9;
	vm0 =	vmand vm7, vm6;
	v36 =	vshll.u32 v26, $0x4  }
0x1b2: {  	v44 =	vld.idx.msk [tilespmem:v39+s3+$0x0], $0xffff;
	vm7 =	vlt.s32 v57, $0x1869F;
	v11 =	vnsel vm12, $0x1869F, v11;
	v9 =	vadd.s32 v36, v29  }
0x1b3: {  	v47 =	vld.idx.msk [tilespmem:v13+s12+$0x0], $0xffff;
	v46 =	vsel vm0, v37, v15;
	v11 =	vadd.s32 $0x1, v11;
	vm3 =	vlt.s32 v9, $0x1869F  }
0x1b4: {  	v55 =	vld.idx.msk [tilespmem:v41+s3+$0x0], $0xffff;
	vm0 =	veq.s32 v46, v7;
	v11 =	vnsel vm13, $0x0, v11;
	v9 =	vnsel vm3, $0x1869F, v9  }
0x1b5: {  	v49 =	vld.idx.msk [tilespmem:v40+s3+$0x0], $0xffff;
	v9 =	vadd.s32 $0x1, v9;
	v10 =	vsel vm1, v63, v61;
	vm1 =	vmand vm11, vm10  }
0x1b6: {  	v58 =	vld.idx.msk [tilespmem:v27+s3+$0x0], $0xffff;
	vm11 =	vlt.s32 v60, $0x1869F;
	vm8 =	veq.s32 v10, v8;
	v8 =	vnsel vm9, $0x1869F, v45  }
0x1b7: {  	v52 =	vld.idx.msk [tilespmem:v17+s12+$0x0], $0xffff;
	v10 =	vadd.s32 v48, v24;
	v50 =	vsel vm1, v44, v42;
	vm1 =	vmand vm15, vm14  }
0x1b8: {  	v53 =	vld.idx.msk [tilespmem:v18+s12+$0x0], $0xffff;
	[tilespmem:s18+$0xFFFFFFD0] =	vst v11;
	vm9 =	vlt.s32 v35, $0x1869;
	v11 =	vnsel vm11, $0x1869F, v60;
	v9 =	vnsel vm8, $0x0, v9  }
0x1b9: {  	v8 =	vadd.s32 $0x1, v8;
	vm12 =	vlt.s32 v10, $0x1869F;
	vm13 =	veq.s32 v50, v6  }
0x1ba: {  	v6 =	vadd.s32 v51, v25;
	v7 =	vsel vm1, v49, v47;
	vm8 =	veq.s32 v20, $0x10  }
0x1bb: {  	v8 =	vnsel vm0, $0x0, v8;
	v10 =	vnsel vm12, $0x1869F, v10;
	vm6 =	vlt.s32 v6, $0x1869F  }
0x1bc: {  	vm1 =	veq.s32 v7, v5;
	vm10 =	vmand vm9, vm8;
	vm12 =	veq.s32 v19, $0x10  }
0x1bd: {  	[tilespmem:s18+$0xFFFFFFC0] =	vst v33;
	v10 =	vadd.s32 $0x1, v10;
	v6 =	vnsel vm6, $0x1869F, v6;
	v61 =	vsel vm10, v55, v52  }
0x1be: {  	p0 =	sne.s32 s16, $0x1F0;
	[tilespmem:s18+$0xFFFFFFE0] =	vst v9;
	v56 =	vadd.s32 $0x1, v6;
	v10 =	vnsel vm13, $0x0, v10;
	vm13 =	vlt.s32 v38, $0x1869  }
.Ltmp1:
0x1bf: {  	[tilespmem:s18+$0xFFFFFFF0] =	vst v8;
	v6 =	vnsel vm7, $0x1869F, v57;
	vm15 =	veq.s32 v61, v4;
	vm14 =	vmand vm13, vm12;
	(pc) =	sbr.rel @p0 .LBB2_4-.Ltmp1, $4  }
0x1c0: {  	v5 =	vnsel vm1, $0x0, v56;
	[tilespmem:s18+$0x0] =	vst v10;
	v62 =	vadd.s32 $0x1, v6;
	v63 =	vsel vm14, v58, v53  }
0x1c1: {  	[tilespmem:s18+$0x10] =	vst v5;
	v4 =	vnsel vm15, $0x0, v62;
	vm0 =	veq.s32 v63, v3;
	v3 =	vadd.s32 $0x1, v11  }
0x1c2: {  	s16 =	sadd.s32 $0x80, s16;
	[tilespmem:s18+$0x20] =	vst v4;
	v3 =	vnsel vm0, $0x0, v3  }
0x1c3: {  	s19 =	sadd.s32 $0x80, s19;
	s17 =	sadd.s32 $0x80, s17;
	[tilespmem:s18+$0x30] =	vst v3;
	s18 =	sadd.s32 $0x80, s18  }
0x1c4: {  	s15 =	sadd.s32 $0x1, s15  }
0x1c5: {  	p0 =	sne.s32 s15, s7  }
.Ltmp2:
0x1c6: {  	_ = 	snop;
	(pc) =	sbr.rel @p0 .LBB2_1-.Ltmp2, $4  }
0x1c7: {  	[hbm4b:s6+s3] =	stream.linear.scatter [tilespmem:s13], [sflag:$0x3], $0x200, $0x38;
	[tilespmem:$0x3E70] =	vst v63  }
0x1c8: {  	_ =	swait.ge [sflag:s14], $0x200  }
0x1c9: {  	[sflag:s14] =	ssyncset.done $0x0  }
0x1ca: {  	[sflag:s14] =	ssyncadd.s32 $0xFFFFFE00  }
0x1cb: {  	_ =	sfence.sel $0x180000  }
0x1cc: {  	[bflag:$0x0] =	sbarrier.arrive $0xFFFF  }
0x1cd: {  	p0 =	sne.s32 s2, $0x0;
	_ =	strace $0x90000047  }
0x1ce: {  	s0 =	sadd.s32 @!p0 $0x100000, s0;
	[bflag:$0x2] =	sbarrier.arrive $0xFFFF  }
0x1cf: {  	[sflag:s0] =	ssyncadd.tile.s32 @!p0 $0x1;
	_ =	shalt  }
.Lfunc_end2:
_tile_overlayer_lowered:
.L_overlay_start_2:
0x1d0: {  	(tag) =	ssettag $0x2  }
0x1d1: {  	s0 =	rddreg [dreg:$0x0];
	s2 =	stileid.u32  }
0x1d2: {  	s1 =	rddreg [dreg:$0x1];
	p0 =	sne.s32 s2, $0x0  }
0x1d3: {  	s3 =	rddreg [dreg:$0x2];
	[bflag:$0x3] =	sbarrier.arrive $0xFFFF;
	s2 =	simm.s32 @!p0 $0x1C03  }
0x1d4: {  	[timem:s3], [sflag:s2] =	dma.local @!p0 [hbm:s0], s1  }
0x1d5: {  	s0 =	simm.s32 @!p0 $0x3  }
0x1d6: {  	_ =	swait.ge @!p0 [sflag:s0], s1  }
0x1d7: {  	s1 =	ssub.s32 @!p0 $0x0, s1;
	[sflag:s0] =	ssyncset.done @!p0 $0x0  }
0x1d8: {  	[sflag:s0] =	ssyncadd.s32 @!p0 s1  }
0x1d9: {  	[bflag:$0x3] =	sbarrier.arrive $0xFFFF  }
0x1da: {  	_ =	shalt  }

</sc_bundles>
